<compile_context>
chip_gen: v7x
topology: tpu7x:2x2x1
jax: 0.10.2.dev20260603
libtpu: 0.0.44.dev20260713+nightly
codegen_flags: <defaults>
</compile_context>

<pallas_src>
import functools

import jax
import jax.numpy as jnp
from jax import lax
from jax.experimental import pallas as pl
from jax.experimental.pallas import tpu as pltpu
from jax.experimental.pallas import tpu_sc as plsc

N_ENT = 10000
N_ITEMS = 5000
E = 320000
DIM = 128
N_REL = 11
DECAY = 1e-05
BATCH = 1024

NRM1 = N_REL - 1
NC, NS, L = 2, 16, 16
NW = NC * NS
EPW = E // NW
CH = 40
NCHUNK = EPW // CH
ARB = CH
NACH = N_ENT // ARB
GPB = BATCH // NW

IB = 1000
RB = 1000


def _mesh():
    return plsc.VectorSubcoreMesh(core_axis_name="c", subcore_axis_name="s",
                                  num_cores=NC, num_subcores=NS)



def _attn_body(pic_ref, txt_ref, pfw_ref, pfb_ref, tfw_ref, tfb_ref, ww_ref,
               out_ref):
    ox = lax.dot_general(pic_ref[...], pfw_ref[...], (((1,), (1,)), ((), ())),
                         precision=lax.Precision.HIGHEST) + pfb_ref[...]
    oy = lax.dot_general(txt_ref[...], tfw_ref[...], (((1,), (1,)), ((), ())),
                         precision=lax.Precision.HIGHEST) + tfb_ref[...]
    a = jnp.maximum(jnp.sum(ox * ww_ref[...], axis=1, keepdims=True), 0.0)
    b = jnp.maximum(jnp.sum(oy * ww_ref[...], axis=1, keepdims=True), 0.0)
    ea = jnp.exp(a)
    eb = jnp.exp(b)
    out_ref[...] = (ea * ox + eb * oy) / (ea + eb)


def _attention(picture, text, PF_W, PF_b, TF_W, TF_b, w_W):
    return pl.pallas_call(
        _attn_body,
        grid=(N_ITEMS // IB,),
        in_specs=[
            pl.BlockSpec((IB, 2048), lambda i: (i, 0)),
            pl.BlockSpec((IB, 768), lambda i: (i, 0)),
            pl.BlockSpec((DIM, 2048), lambda i: (0, 0)),
            pl.BlockSpec((1, DIM), lambda i: (0, 0)),
            pl.BlockSpec((DIM, 768), lambda i: (0, 0)),
            pl.BlockSpec((1, DIM), lambda i: (0, 0)),
            pl.BlockSpec((1, DIM), lambda i: (0, 0)),
        ],
        out_specs=pl.BlockSpec((IB, DIM), lambda i: (i, 0)),
        out_shape=jax.ShapeDtypeStruct((N_ITEMS, DIM), jnp.float32),
    )(picture, text, PF_W, PF_b.reshape(1, DIM), TF_W, TF_b.reshape(1, DIM),
      w_W)



ER = E // DIM


def _idx_prep_body(ei_ref, et_ref, fidx_ref, head_ref):
    fidx_ref[...] = (et_ref[...] - 1) * N_ENT + ei_ref[1]
    head_ref[...] = ei_ref[0]


def _idx_prep(edge_index, edge_type):
    return pl.pallas_call(
        _idx_prep_body,
        in_specs=[
            pl.BlockSpec((2, E), lambda: (0, 0)),
            pl.BlockSpec((E,), lambda: (0,)),
        ],
        out_specs=[
            pl.BlockSpec((E,), lambda: (0,)),
            pl.BlockSpec((E,), lambda: (0,)),
        ],
        out_shape=[
            jax.ShapeDtypeStruct((E,), jnp.int32),
            jax.ShapeDtypeStruct((E,), jnp.int32),
        ],
    )(edge_index, edge_type)


def _premult_body(ent_ref, w_ref, out_ref):
    for r in range(NRM1):
        out_ref[r] = ent_ref[...] * w_ref[r:r + 1, :]


def _premult(ent, weight):
    out = pl.pallas_call(
        _premult_body,
        grid=(N_ENT // RB,),
        in_specs=[
            pl.BlockSpec((RB, DIM), lambda i: (i, 0)),
            pl.BlockSpec((NRM1, DIM), lambda i: (0, 0)),
        ],
        out_specs=pl.BlockSpec((NRM1, RB, DIM), lambda i: (0, i, 0)),
        out_shape=jax.ShapeDtypeStruct((NRM1, N_ENT, DIM), jnp.float32),
    )(ent, weight)
    return out.reshape(NRM1 * N_ENT, DIM)



def _sum_normalize(part_ref):
    s = part_ref[0] + part_ref[1]
    nrm = jnp.sqrt(jnp.sum(s * s, axis=1, keepdims=True))
    return s / jnp.maximum(nrm, 1e-12)


def _norm_premult_body(part_ref, w_ref, ent_ref, entr_ref):
    ent = _sum_normalize(part_ref)
    ent_ref[...] = ent
    for r in range(NRM1):
        entr_ref[r] = ent * w_ref[r:r + 1, :]


def _norm_premult(part, weight):
    ent, entr = pl.pallas_call(
        _norm_premult_body,
        grid=(N_ENT // RB,),
        in_specs=[
            pl.BlockSpec((NC, RB, DIM), lambda i: (0, i, 0)),
            pl.BlockSpec((NRM1, DIM), lambda i: (0, 0)),
        ],
        out_specs=[
            pl.BlockSpec((RB, DIM), lambda i: (i, 0)),
            pl.BlockSpec((NRM1, RB, DIM), lambda i: (0, i, 0)),
        ],
        out_shape=[
            jax.ShapeDtypeStruct((N_ENT, DIM), jnp.float32),
            jax.ShapeDtypeStruct((NRM1, N_ENT, DIM), jnp.float32),
        ],
    )(part, weight)
    return ent, entr.reshape(NRM1 * N_ENT, DIM)



NB = 6
NROUND = NCHUNK // NB
NEPI = NCHUNK - NROUND * NB


def _sc_hop(entr, fidx, head):
    @functools.partial(
        pl.kernel,
        out_type=jax.ShapeDtypeStruct((NC * N_ENT, DIM), jnp.float32),
        mesh=_mesh(),
        scratch_types=[
            pltpu.VMEM((EPW,), jnp.int32),
            pltpu.VMEM((EPW,), jnp.int32),
            pltpu.VMEM((NB, CH, DIM), jnp.float32),
            pltpu.VMEM_SHARED((N_ENT, DIM), jnp.float32),
            pltpu.SemaphoreType.DMA((NB,)),
            pltpu.SemaphoreType.DMA((NB,)),
        ],
    )
    def k(entr_hbm, fidx_hbm, head_hbm, out_hbm, fidx_t, head_t, rows_v,
          acc, gsem, ssem):
        c = lax.axis_index("c")
        s = lax.axis_index("s")
        wid = c * NS + s
        zbuf = rows_v.at[0]

        @pl.loop(0, ARB)
        def _(i):
            @pl.loop(0, DIM, step=L)
            def _(j):
                zbuf[i, pl.ds(j, L)] = jnp.zeros((L,), jnp.float32)

        pltpu.async_copy(fidx_hbm.at[pl.ds(wid * EPW, EPW)], fidx_t,
                         gsem.at[0])
        pltpu.async_copy(head_hbm.at[pl.ds(wid * EPW, EPW)], head_t,
                         gsem.at[1])

        @pl.loop(s, NACH, step=NS)
        def _(g):
            pltpu.async_copy(zbuf, acc.at[pl.ds(g * ARB, ARB)], ssem.at[0])

        @pl.loop(s, NACH, step=NS)
        def _(g):
            pltpu.make_async_copy(zbuf, acc.at[pl.ds(g * ARB, ARB)],
                                  ssem.at[0]).wait()

        pltpu.make_async_copy(fidx_hbm.at[pl.ds(wid * EPW, EPW)], fidx_t,
                              gsem.at[0]).wait()
        pltpu.make_async_copy(head_hbm.at[pl.ds(wid * EPW, EPW)], head_t,
                              gsem.at[1]).wait()
        plsc.subcore_barrier()

        for b in range(NB):
            pltpu.async_copy(entr_hbm.at[fidx_t.at[pl.ds(b * CH, CH)]],
                             rows_v.at[b], gsem.at[b])

        @pl.loop(0, NROUND)
        def _(m):
            for b in range(NB):
                q = m * NB + b
                pltpu.make_async_copy(
                    entr_hbm.at[fidx_t.at[pl.ds(q * CH, CH)]],
                    rows_v.at[b], gsem.at[b]).wait()
                pltpu.async_copy(rows_v.at[b],
                                 acc.at[head_t.at[pl.ds(q * CH, CH)]],
                                 ssem.at[b], add=True)

                @pl.when(q + NB < NCHUNK)
                def _():
                    pltpu.make_async_copy(
                        rows_v.at[b],
                        acc.at[head_t.at[pl.ds(q * CH, CH)]],
                        ssem.at[b]).wait()
                    pltpu.async_copy(
                        entr_hbm.at[fidx_t.at[pl.ds((q + NB) * CH, CH)]],
                        rows_v.at[b], gsem.at[b])

        for b in range(NEPI):
            q = NROUND * NB + b
            pltpu.make_async_copy(
                entr_hbm.at[fidx_t.at[pl.ds(q * CH, CH)]],
                rows_v.at[b], gsem.at[b]).wait()
            pltpu.async_copy(rows_v.at[b],
                             acc.at[head_t.at[pl.ds(q * CH, CH)]],
                             ssem.at[b], add=True)
        for b in range(NB):
            q = NROUND * NB + b if b < NEPI else (NROUND - 1) * NB + b
            pltpu.make_async_copy(rows_v.at[b],
                                  acc.at[head_t.at[pl.ds(q * CH, CH)]],
                                  ssem.at[b]).wait()

        plsc.subcore_barrier()

        @pl.loop(s, NACH, step=NS)
        def _(g):
            pltpu.async_copy(acc.at[pl.ds(g * ARB, ARB)],
                             out_hbm.at[pl.ds(c * N_ENT + g * ARB, ARB)],
                             ssem.at[0])

        @pl.loop(s, NACH, step=NS)
        def _(g):
            pltpu.make_async_copy(
                acc.at[pl.ds(g * ARB, ARB)],
                out_hbm.at[pl.ds(c * N_ENT + g * ARB, ARB)],
                ssem.at[0]).wait()

    return k(entr, fidx, head)



def _sc_gather(all_embed, ent1, part2, item_emb, users, pos_items, neg_items):
    @functools.partial(
        pl.kernel,
        out_type=jax.ShapeDtypeStruct((6 * BATCH, DIM), jnp.float32),
        mesh=_mesh(),
        scratch_types=[
            pltpu.VMEM((GPB,), jnp.int32),
            pltpu.VMEM((GPB,), jnp.int32),
            pltpu.VMEM((GPB,), jnp.int32),
            pltpu.VMEM((GPB,), jnp.int32),
            pltpu.VMEM((6, GPB, DIM), jnp.float32),
            pltpu.SemaphoreType.DMA((6,)),
            pltpu.SemaphoreType.DMA((6,)),
        ],
    )
    def k(emb_hbm, ent1_hbm, part_hbm, item_hbm, u_hbm, p_hbm, n_hbm,
          out_hbm, uidx_v, idx2_v, pidx_v, nidx_v, bufs, gsem, osem):
        c = lax.axis_index("c")
        s = lax.axis_index("s")
        base = (c * NS + s) * GPB
        pltpu.sync_copy(u_hbm.at[pl.ds(base, GPB)], uidx_v)
        pltpu.sync_copy(p_hbm.at[pl.ds(base, GPB)], pidx_v)
        pltpu.sync_copy(n_hbm.at[pl.ds(base, GPB)], nidx_v)

        @pl.loop(0, GPB, step=L)
        def _(j):
            idx2_v[pl.ds(j, L)] = uidx_v[pl.ds(j, L)] + N_ENT

        srcs = [emb_hbm.at[uidx_v], ent1_hbm.at[uidx_v],
                part_hbm.at[uidx_v], part_hbm.at[idx2_v],
                item_hbm.at[pidx_v], item_hbm.at[nidx_v]]
        for t, src in enumerate(srcs):
            pltpu.async_copy(src, bufs.at[t], gsem.at[t])
        for t, src in enumerate(srcs):
            pltpu.make_async_copy(src, bufs.at[t], gsem.at[t]).wait()
            pltpu.async_copy(bufs.at[t],
                             out_hbm.at[pl.ds(t * BATCH + base, GPB)],
                             osem.at[t])
        for t, src in enumerate(srcs):
            pltpu.make_async_copy(
                bufs.at[t], out_hbm.at[pl.ds(t * BATCH + base, GPB)],
                osem.at[t]).wait()

    return k(all_embed, ent1, part2, item_emb, users, pos_items, neg_items)



def _loss_body(g_ref, out_ref):
    g = g_ref[...]
    s2 = g[2 * BATCH:3 * BATCH] + g[3 * BATCH:4 * BATCH]
    nrm = jnp.sqrt(jnp.sum(s2 * s2, axis=1, keepdims=True))
    u = g[:BATCH] + g[BATCH:2 * BATCH] + s2 / jnp.maximum(nrm, 1e-12)
    p = g[4 * BATCH:5 * BATCH]
    n = g[5 * BATCH:]
    x = jnp.sum(u * p, axis=1, keepdims=True) - jnp.sum(
        u * n, axis=1, keepdims=True)
    ls = jnp.minimum(x, 0.0) - jnp.log1p(jnp.exp(-jnp.abs(x)))
    mf = -jnp.mean(ls)
    reg = 0.5 * (jnp.sum(u * u) + jnp.sum(p * p) + jnp.sum(n * n))
    emb = jnp.float32(DECAY / BATCH) * reg
    lane = lax.broadcasted_iota(jnp.int32, (1, DIM), 1)
    out_ref[...] = jnp.where(lane == 0, mf, jnp.where(lane == 1, emb, 0.0))


def _loss(gath):
    return pl.pallas_call(
        _loss_body,
        in_specs=[pl.BlockSpec((6 * BATCH, DIM), lambda: (0, 0))],
        out_specs=pl.BlockSpec((1, DIM), lambda: (0, 0)),
        out_shape=jax.ShapeDtypeStruct((1, DIM), jnp.float32),
    )(gath)


def kernel(picture, text, all_embed, weight, PF_W, PF_b, TF_W, TF_b, w_W,
           edge_index, edge_type, users, pos_items, neg_items):
    item_emb = _attention(picture, text, PF_W, PF_b, TF_W, TF_b, w_W)

    fidx, head = _idx_prep(edge_index.astype(jnp.int32),
                           edge_type.astype(jnp.int32))
    entr0 = _premult(all_embed, weight)
    part1 = _sc_hop(entr0, fidx, head)
    ent1, entr1 = _norm_premult(part1.reshape(NC, N_ENT, DIM), weight)
    part2 = _sc_hop(entr1, fidx, head)

    gath = _sc_gather(all_embed, ent1, part2, item_emb,
                      users.astype(jnp.int32),
                      pos_items.astype(jnp.int32), neg_items.astype(jnp.int32))
    lossvec = _loss(gath)
    mf_loss = lossvec[0, 0]
    emb_loss = lossvec[0, 1]
    return (mf_loss + emb_loss, mf_loss, emb_loss)

# --- scband reference (transcript-rebuilt; emitter-appended) ---
"""Pipeline reference for scband-recommender-75917841924564 (READ-ONLY COPY).

The authoritative reference and input builder live on the scoring server;
editing this copy changes nothing except your own understanding.
"""

import jax, jax.numpy as jnp
import numpy as np

N_ENT = 10000
N_ITEMS = 5000
E = 320000
DIM = 128
N_REL = 11
HOPS = 2
DECAY = 1e-05
BATCH = 1024


def setup_inputs(seed: int = 0) -> dict:
    key = jax.random.key(seed)
    ks = jax.random.split(key, 14)
    edge_index = jax.random.randint(ks[0], (2, E), 0, N_ENT)
    edge_type = jax.random.randint(ks[1], (E,), 1, N_REL)  # values in [1, N_REL-1], matching weight[edge_type-1]
    picture = jax.random.normal(ks[2], (N_ITEMS, 2048), dtype=jnp.float32) * 0.1
    text = jax.random.normal(ks[3], (N_ITEMS, 768), dtype=jnp.float32) * 0.1
    all_embed = jax.random.normal(ks[4], (N_ENT, DIM), dtype=jnp.float32) * 0.1
    weight = jax.random.normal(ks[5], (N_REL - 1, DIM), dtype=jnp.float32) * 0.1
    PF_W = jax.random.normal(ks[6], (DIM, 2048), dtype=jnp.float32) * 0.02
    PF_b = jnp.zeros((DIM,), dtype=jnp.float32)
    TF_W = jax.random.normal(ks[7], (DIM, 768), dtype=jnp.float32) * 0.02
    TF_b = jnp.zeros((DIM,), dtype=jnp.float32)
    w_W = jax.random.normal(ks[8], (1, DIM), dtype=jnp.float32) * 0.02
    users = jax.random.randint(ks[9], (BATCH,), 0, N_ENT)
    pos_items = jax.random.randint(ks[10], (BATCH,), 0, N_ITEMS)
    neg_items = jax.random.randint(ks[11], (BATCH,), 0, N_ITEMS)
    return {
        'picture': picture, 'text': text, 'all_embed': all_embed, 'weight': weight,
        'PF_W': PF_W, 'PF_b': PF_b, 'TF_W': TF_W, 'TF_b': TF_b, 'w_W': w_W,
        'edge_index': edge_index, 'edge_type': edge_type,
        'users': users, 'pos_items': pos_items, 'neg_items': neg_items,
    }


def _custom_softmax(x):
    x_exp = jnp.exp(x)
    return x_exp / x_exp.sum(1, keepdims=True)


def _attention_sum(picture, text, PF_W, PF_b, TF_W, TF_b, w_W):
    out_x = picture @ PF_W.T + PF_b
    out_y = text @ TF_W.T + TF_b
    a = jax.nn.relu(out_x @ w_W.T)
    b = jax.nn.relu(out_y @ w_W.T)
    c = jnp.concatenate((a, b), axis=1)
    c = _custom_softmax(c)
    return c[:, 0].reshape(-1, 1) * out_x + c[:, 1].reshape(-1, 1) * out_y


def _gcn(entity_emb, edge_index, edge_type, weight):
    head = edge_index[0]
    tail = edge_index[1]
    res = entity_emb
    ent = entity_emb
    for _ in range(HOPS):
        edge_relation_emb = weight[edge_type - 1]
        neigh = ent[tail] * edge_relation_emb  # gather-heavy, memory bound
        sums = jax.ops.segment_sum(neigh, head, num_segments=N_ENT)
        cnt = jax.ops.segment_sum(jnp.ones((neigh.shape[0],), neigh.dtype), head, num_segments=N_ENT)
        agg = sums / jnp.clip(cnt, 1.0, None)[:, None]  # scatter_mean
        norm = jnp.sqrt(jnp.sum(agg * agg, axis=1, keepdims=True))
        ent = agg / jnp.maximum(norm, 1e-12)  # F.normalize
        res = res + ent
    return res


def reference(picture, text, all_embed, weight, PF_W, PF_b, TF_W, TF_b, w_W,
              edge_index, edge_type, users, pos_items, neg_items):
    item_emb_last = _attention_sum(picture, text, PF_W, PF_b, TF_W, TF_b, w_W)
    entity_gcn_emb = _gcn(all_embed, edge_index, edge_type, weight)
    u_e = entity_gcn_emb[users]
    pos_e = item_emb_last[pos_items]
    neg_e = item_emb_last[neg_items]
    pos_scores = jnp.sum(u_e * pos_e, axis=1)
    neg_scores = jnp.sum(u_e * neg_e, axis=1)
    mf_loss = -1.0 * jnp.mean(jax.nn.log_sigmoid(pos_scores - neg_scores))
    regularizer = (jnp.sum(u_e ** 2) + jnp.sum(pos_e ** 2) + jnp.sum(neg_e ** 2)) / 2.0
    emb_loss = DECAY * regularizer / BATCH
    return (mf_loss + emb_loss, mf_loss, emb_loss)

if __name__ == "__main__":
    import jax
    _d = setup_inputs()
    print(jax.jit(kernel)(*tuple(_d.values())))

</pallas_src>

<mosaic_0001>
#map = affine_map<(d0, d1) -> (0, 0)>
#map1 = affine_map<(d0, d1) -> (0)>
module attributes {stable_mosaic.version = 14 : i64} {
  func.func @k(%arg0: i32, %arg1: i32, %arg2: memref<100000x128xf32, #tpu.memory_space<hbm>>, %arg3: memref<320000xi32, #tpu.memory_space<hbm>>, %arg4: memref<320000xi32, #tpu.memory_space<hbm>>, %arg5: memref<20000x128xf32, #tpu.memory_space<hbm>>, %arg6: memref<10000xi32, #tpu.memory_space<vmem>>, %arg7: memref<10000xi32, #tpu.memory_space<vmem>>, %arg8: memref<6x40x128xf32, #tpu.memory_space<vmem>>, %arg9: memref<10000x128xf32, #tpu.memory_space<vmem_shared>>, %arg10: memref<6x!tpu.dma_semaphore, #tpu.memory_space<semaphore_mem>>, %arg11: memref<6x!tpu.dma_semaphore, #tpu.memory_space<semaphore_mem>>) attributes {dimension_semantics = [#tpu.dimension_semantics<core_parallel>, #tpu.dimension_semantics<subcore_parallel>], iteration_bounds = array<i64: 2, 16>, scalar_prefetch = 0 : i64, scratch_operands = 6 : i64, tpu.core_type = #tpu.core_type<sc_vector_subcore>, window_params = [{transform_indices = #map}, {transform_indices = #map1}, {transform_indices = #map1}, {transform_indices = #map}]} {
    %mul3A = arith.constant 16 : i32
    %mul3A_0 = arith.muli %arg0, %mul3A : i32
    %add3A = arith.addi %mul3A_0, %arg1 : i32
    %scan3A = arith.constant 0 : i32
    %scan3A_1 = arith.constant 0 : i32
    %scan3A_2 = arith.constant 40 : i32
    %scan3A_3 = arith.addi %scan3A_1, %scan3A_2 : i32
    %scan3A_4 = arith.constant 1 : i32
    scf.for %scan3A_369 = %scan3A_1 to %scan3A_3 step %scan3A_4  : i32 {
      %mul3A_370 = arith.constant 1 : i32
      %mul3A_371 = arith.muli %scan3A_369, %mul3A_370 : i32
      %add3A_372 = arith.constant 0 : i32
      %add3A_373 = arith.addi %add3A_372, %mul3A_371 : i32
      %scan3A_374 = arith.constant 0 : i32
      %scan3A_375 = arith.constant 8 : i32
      %scan3A_376 = arith.addi %scan3A_374, %scan3A_375 : i32
      %scan3A_377 = arith.constant 1 : i32
      scf.for %scan3A_379 = %scan3A_374 to %scan3A_376 step %scan3A_377  : i32 {
        %mul3A_380 = arith.constant 16 : i32
        %mul3A_381 = arith.muli %scan3A_379, %mul3A_380 : i32
        %add3A_382 = arith.constant 0 : i32
        %add3A_383 = arith.addi %add3A_382, %mul3A_381 : i32
        %broadcast_in_dim3A = arith.constant 0.000000e+00 : f32
        %broadcast_in_dim3A_384 = vector.broadcast %broadcast_in_dim3A : f32 to vector<16xf32>
        %swap3A = arith.constant 0 : i32
        %swap3A_385 = arith.constant 0 : i32
        %swap3A_386 = tpu.memref_slice %arg8[%scan3A, %swap3A, %swap3A_385] : memref<6x40x128xf32, #tpu.memory_space<vmem>> -> memref<1x40x128xf32, #tpu.memory_space<vmem>>
        %swap3A_387 = tpu.memref_squeeze %swap3A_386 : memref<1x40x128xf32, #tpu.memory_space<vmem>> -> memref<40x128xf32, #tpu.memory_space<vmem>>
        %swap3A_388 = arith.index_cast %add3A_373 : i32 to index
        %swap3A_389 = arith.index_cast %add3A_383 : i32 to index
        %swap3A_390 = tpu.vector_load %swap3A_387[%swap3A_388, %swap3A_389] {strides = array<i32>} : memref<40x128xf32, #tpu.memory_space<vmem>>, vector<1x16xf32>,
        %swap3A_391 = vector.shape_cast %swap3A_390 : vector<1x16xf32> to vector<16xf32>
        %swap3A_392 = vector.shape_cast %broadcast_in_dim3A_384 : vector<16xf32> to vector<1x16xf32>
        tpu.vector_store %swap3A_387[%swap3A_388, %swap3A_389], %swap3A_392 {strides = array<i32>} : memref<40x128xf32, #tpu.memory_space<vmem>>, vector<1x16xf32>,
      }
      %scan3A_378 = arith.constant 8 : i32
    }
    %scan3A_5 = arith.constant 40 : i32
    %mul3A_6 = arith.constant 10000 : i32
    %mul3A_7 = arith.muli %add3A, %mul3A_6 : i32
    %dma_start3A = arith.constant 0 : i32
    %dma_start3A_8 = tpu.memref_slice %arg3[%mul3A_7] : memref<320000xi32, #tpu.memory_space<hbm>> -> memref<10000xi32, #tpu.memory_space<hbm>>
    %dma_start3A_9 = tpu.memref_slice %arg10[%dma_start3A] : memref<6x!tpu.dma_semaphore, #tpu.memory_space<semaphore_mem>> -> memref<1x!tpu.dma_semaphore, #tpu.memory_space<semaphore_mem>>
    %dma_start3A_10 = tpu.memref_squeeze %dma_start3A_9 : memref<1x!tpu.dma_semaphore, #tpu.memory_space<semaphore_mem>> -> memref<!tpu.dma_semaphore, #tpu.memory_space<semaphore_mem>>
    %dma_start3A_11 = tpu.memref_slice %arg3[%mul3A_7] : memref<320000xi32, #tpu.memory_space<hbm>> -> memref<10000xi32, #tpu.memory_space<hbm>>
    tpu.enqueue_dma source(%dma_start3A_11 : memref<10000xi32, #tpu.memory_space<hbm>>) target(%arg6 : memref<10000xi32, #tpu.memory_space<vmem>>) target_semaphore(%dma_start3A_10 : memref<!tpu.dma_semaphore, #tpu.memory_space<semaphore_mem>>)
    %mul3A_12 = arith.constant 10000 : i32
    %mul3A_13 = arith.muli %add3A, %mul3A_12 : i32
    %dma_start3A_14 = arith.constant 1 : i32
    %dma_start3A_15 = tpu.memref_slice %arg4[%mul3A_13] : memref<320000xi32, #tpu.memory_space<hbm>> -> memref<10000xi32, #tpu.memory_space<hbm>>
    %dma_start3A_16 = tpu.memref_slice %arg10[%dma_start3A_14] : memref<6x!tpu.dma_semaphore, #tpu.memory_space<semaphore_mem>> -> memref<1x!tpu.dma_semaphore, #tpu.memory_space<semaphore_mem>>
    %dma_start3A_17 = tpu.memref_squeeze %dma_start3A_16 : memref<1x!tpu.dma_semaphore, #tpu.memory_space<semaphore_mem>> -> memref<!tpu.dma_semaphore, #tpu.memory_space<semaphore_mem>>
    %dma_start3A_18 = tpu.memref_slice %arg4[%mul3A_13] : memref<320000xi32, #tpu.memory_space<hbm>> -> memref<10000xi32, #tpu.memory_space<hbm>>
    tpu.enqueue_dma source(%dma_start3A_18 : memref<10000xi32, #tpu.memory_space<hbm>>) target(%arg7 : memref<10000xi32, #tpu.memory_space<vmem>>) target_semaphore(%dma_start3A_17 : memref<!tpu.dma_semaphore, #tpu.memory_space<semaphore_mem>>)
    %sub3A = arith.constant 250 : i32
    %sub3A_19 = arith.subi %sub3A, %arg1 : i32
    %sub3A_20 = arith.constant 16 : i32
    %sub3A_21 = arith.constant 1 : i32
    %sub3A_22 = arith.subi %sub3A_20, %sub3A_21 : i32
    %add3A_23 = arith.addi %sub3A_19, %sub3A_22 : i32
    %div3A = arith.constant 16 : i32
    %div3A_24 = arith.divsi %add3A_23, %div3A : i32
    %while3A = arith.constant 16 : i32
    %while3A_25 = arith.constant 0 : i32
    %while3A_26 = arith.constant 0 : i32
    %while3A_27 = arith.subi %div3A_24, %while3A_26 : i32
    %while3A_28 = arith.addi %while3A_26, %while3A_27 : i32
    %while3A_29 = arith.constant 1 : i32
    %while3A_30 = arith.divsi %while3A_27, %while3A_29 : i32
    %while3A_31 = arith.muli %while3A_30, %while3A_29 : i32
    %while3A_32 = arith.addi %while3A_26, %while3A_31 : i32
    %while3A_33 = arith.constant 1 : i32
    scf.for %while3A_369 = %while3A_26 to %while3A_32 step %while3A_33  : i32 {
      %mul3A_370 = arith.muli %while3A_369, %while3A : i32
      %add3A_371 = arith.addi %arg1, %mul3A_370 : i32
      %mul3A_372 = arith.constant 40 : i32
      %mul3A_373 = arith.muli %add3A_371, %mul3A_372 : i32
      %dma_start3A_374 = arith.constant 0 : i32
      %dma_start3A_375 = arith.constant 0 : i32
      %dma_start3A_376 = arith.constant 0 : i32
      %dma_start3A_377 = tpu.memref_slice %arg8[%while3A_25, %dma_start3A_375, %dma_start3A_376] : memref<6x40x128xf32, #tpu.memory_space<vmem>> -> memref<1x40x128xf32, #tpu.memory_space<vmem>>
      %dma_start3A_378 = tpu.memref_squeeze %dma_start3A_377 : memref<1x40x128xf32, #tpu.memory_space<vmem>> -> memref<40x128xf32, #tpu.memory_space<vmem>>
      %dma_start3A_379 = arith.constant 0 : i32
      %dma_start3A_380 = tpu.memref_slice %arg9[%mul3A_373, %dma_start3A_379] : memref<10000x128xf32, #tpu.memory_space<vmem_shared>> -> memref<40x128xf32, #tpu.memory_space<vmem_shared>>
      %dma_start3A_381 = tpu.memref_slice %arg11[%dma_start3A_374] : memref<6x!tpu.dma_semaphore, #tpu.memory_space<semaphore_mem>> -> memref<1x!tpu.dma_semaphore, #tpu.memory_space<semaphore_mem>>
      %dma_start3A_382 = tpu.memref_squeeze %dma_start3A_381 : memref<1x!tpu.dma_semaphore, #tpu.memory_space<semaphore_mem>> -> memref<!tpu.dma_semaphore, #tpu.memory_space<semaphore_mem>>
      %dma_start3A_383 = arith.constant 0 : i32
      %dma_start3A_384 = tpu.memref_slice %arg9[%mul3A_373, %dma_start3A_383] : memref<10000x128xf32, #tpu.memory_space<vmem_shared>> -> memref<40x128xf32, #tpu.memory_space<vmem_shared>>
      %dma_start3A_385 = arith.constant 0 : i32
      %dma_start3A_386 = arith.constant 0 : i32
      %dma_start3A_387 = tpu.memref_slice %arg8[%while3A_25, %dma_start3A_385, %dma_start3A_386] : memref<6x40x128xf32, #tpu.memory_space<vmem>> -> memref<1x40x128xf32, #tpu.memory_space<vmem>>
      %dma_start3A_388 = tpu.memref_squeeze %dma_start3A_387 : memref<1x40x128xf32, #tpu.memory_space<vmem>> -> memref<40x128xf32, #tpu.memory_space<vmem>>
      tpu.enqueue_dma source(%dma_start3A_388 : memref<40x128xf32, #tpu.memory_space<vmem>>) target(%dma_start3A_384 : memref<40x128xf32, #tpu.memory_space<vmem_shared>>) target_semaphore(%dma_start3A_382 : memref<!tpu.dma_semaphore, #tpu.memory_space<semaphore_mem>>)
    }
    %while3A_34 = arith.constant 1 : i32
    scf.for %while3A_369 = %while3A_32 to %while3A_28 step %while3A_34  : i32 {
      %mul3A_370 = arith.muli %while3A_369, %while3A : i32
      %add3A_371 = arith.addi %arg1, %mul3A_370 : i32
      %mul3A_372 = arith.constant 40 : i32
      %mul3A_373 = arith.muli %add3A_371, %mul3A_372 : i32
      %dma_start3A_374 = arith.constant 0 : i32
      %dma_start3A_375 = arith.constant 0 : i32
      %dma_start3A_376 = arith.constant 0 : i32
      %dma_start3A_377 = tpu.memref_slice %arg8[%while3A_25, %dma_start3A_375, %dma_start3A_376] : memref<6x40x128xf32, #tpu.memory_space<vmem>> -> memref<1x40x128xf32, #tpu.memory_space<vmem>>
      %dma_start3A_378 = tpu.memref_squeeze %dma_start3A_377 : memref<1x40x128xf32, #tpu.memory_space<vmem>> -> memref<40x128xf32, #tpu.memory_space<vmem>>
      %dma_start3A_379 = arith.constant 0 : i32
      %dma_start3A_380 = tpu.memref_slice %arg9[%mul3A_373, %dma_start3A_379] : memref<10000x128xf32, #tpu.memory_space<vmem_shared>> -> memref<40x128xf32, #tpu.memory_space<vmem_shared>>
      %dma_start3A_381 = tpu.memref_slice %arg11[%dma_start3A_374] : memref<6x!tpu.dma_semaphore, #tpu.memory_space<semaphore_mem>> -> memref<1x!tpu.dma_semaphore, #tpu.memory_space<semaphore_mem>>
      %dma_start3A_382 = tpu.memref_squeeze %dma_start3A_381 : memref<1x!tpu.dma_semaphore, #tpu.memory_space<semaphore_mem>> -> memref<!tpu.dma_semaphore, #tpu.memory_space<semaphore_mem>>
      %dma_start3A_383 = arith.constant 0 : i32
      %dma_start3A_384 = tpu.memref_slice %arg9[%mul3A_373, %dma_start3A_383] : memref<10000x128xf32, #tpu.memory_space<vmem_shared>> -> memref<40x128xf32, #tpu.memory_space<vmem_shared>>
      %dma_start3A_385 = arith.constant 0 : i32
      %dma_start3A_386 = arith.constant 0 : i32
      %dma_start3A_387 = tpu.memref_slice %arg8[%while3A_25, %dma_start3A_385, %dma_start3A_386] : memref<6x40x128xf32, #tpu.memory_space<vmem>> -> memref<1x40x128xf32, #tpu.memory_space<vmem>>
      %dma_start3A_388 = tpu.memref_squeeze %dma_start3A_387 : memref<1x40x128xf32, #tpu.memory_space<vmem>> -> memref<40x128xf32, #tpu.memory_space<vmem>>
      tpu.enqueue_dma source(%dma_start3A_388 : memref<40x128xf32, #tpu.memory_space<vmem>>) target(%dma_start3A_384 : memref<40x128xf32, #tpu.memory_space<vmem_shared>>) target_semaphore(%dma_start3A_382 : memref<!tpu.dma_semaphore, #tpu.memory_space<semaphore_mem>>)
    }
    %sub3A_35 = arith.constant 250 : i32
    %sub3A_36 = arith.subi %sub3A_35, %arg1 : i32
    %sub3A_37 = arith.constant 16 : i32
    %sub3A_38 = arith.constant 1 : i32
    %sub3A_39 = arith.subi %sub3A_37, %sub3A_38 : i32
    %add3A_40 = arith.addi %sub3A_36, %sub3A_39 : i32
    %div3A_41 = arith.constant 16 : i32
    %div3A_42 = arith.divsi %add3A_40, %div3A_41 : i32
    %while3A_43 = arith.constant 16 : i32
    %while3A_44 = arith.constant 0 : i32
    %while3A_45 = arith.constant 0 : i32
    %while3A_46 = arith.subi %div3A_42, %while3A_45 : i32
    %while3A_47 = arith.addi %while3A_45, %while3A_46 : i32
    %while3A_48 = arith.constant 1 : i32
    %while3A_49 = arith.divsi %while3A_46, %while3A_48 : i32
    %while3A_50 = arith.muli %while3A_49, %while3A_48 : i32
    %while3A_51 = arith.addi %while3A_45, %while3A_50 : i32
    %while3A_52 = arith.constant 1 : i32
    scf.for %while3A_369 = %while3A_45 to %while3A_51 step %while3A_52  : i32 {
      %mul3A_370 = arith.muli %while3A_369, %while3A_43 : i32
      %add3A_371 = arith.addi %arg1, %mul3A_370 : i32
      %mul3A_372 = arith.constant 40 : i32
      %mul3A_373 = arith.muli %add3A_371, %mul3A_372 : i32
      %dma_wait3A_374 = arith.constant 0 : i32
      %dma_wait3A_375 = arith.constant 0 : i32
      %dma_wait3A_376 = arith.constant 0 : i32
      %dma_wait3A_377 = tpu.memref_slice %arg8[%while3A_44, %dma_wait3A_375, %dma_wait3A_376] : memref<6x40x128xf32, #tpu.memory_space<vmem>> -> memref<1x40x128xf32, #tpu.memory_space<vmem>>
      %dma_wait3A_378 = tpu.memref_squeeze %dma_wait3A_377 : memref<1x40x128xf32, #tpu.memory_space<vmem>> -> memref<40x128xf32, #tpu.memory_space<vmem>>
      %dma_wait3A_379 = arith.constant 0 : i32
      %dma_wait3A_380 = tpu.memref_slice %arg9[%mul3A_373, %dma_wait3A_379] : memref<10000x128xf32, #tpu.memory_space<vmem_shared>> -> memref<40x128xf32, #tpu.memory_space<vmem_shared>>
      %dma_wait3A_381 = tpu.memref_slice %arg11[%dma_wait3A_374] : memref<6x!tpu.dma_semaphore, #tpu.memory_space<semaphore_mem>> -> memref<1x!tpu.dma_semaphore, #tpu.memory_space<semaphore_mem>>
      %dma_wait3A_382 = tpu.memref_squeeze %dma_wait3A_381 : memref<1x!tpu.dma_semaphore, #tpu.memory_space<semaphore_mem>> -> memref<!tpu.dma_semaphore, #tpu.memory_space<semaphore_mem>>
      %dma_wait3A_383 = arith.constant 0 : i32
      %dma_wait3A_384 = tpu.memref_slice %arg9[%mul3A_373, %dma_wait3A_383] : memref<10000x128xf32, #tpu.memory_space<vmem_shared>> -> memref<40x128xf32, #tpu.memory_space<vmem_shared>>
      %dma_wait3A_385 = arith.constant 0 : i32
      %dma_wait3A_386 = arith.constant 0 : i32
      %dma_wait3A_387 = tpu.memref_slice %arg8[%while3A_44, %dma_wait3A_385, %dma_wait3A_386] : memref<6x40x128xf32, #tpu.memory_space<vmem>> -> memref<1x40x128xf32, #tpu.memory_space<vmem>>
      %dma_wait3A_388 = tpu.memref_squeeze %dma_wait3A_387 : memref<1x40x128xf32, #tpu.memory_space<vmem>> -> memref<40x128xf32, #tpu.memory_space<vmem>>
      tpu.wait_dma2 semaphore(%dma_wait3A_382 : memref<!tpu.dma_semaphore, #tpu.memory_space<semaphore_mem>>) src(%dma_wait3A_388 : memref<40x128xf32, #tpu.memory_space<vmem>>) dst(%dma_wait3A_384 : memref<40x128xf32, #tpu.memory_space<vmem_shared>>)
    }
    %while3A_53 = arith.constant 1 : i32
    scf.for %while3A_369 = %while3A_51 to %while3A_47 step %while3A_53  : i32 {
      %mul3A_370 = arith.muli %while3A_369, %while3A_43 : i32
      %add3A_371 = arith.addi %arg1, %mul3A_370 : i32
      %mul3A_372 = arith.constant 40 : i32
      %mul3A_373 = arith.muli %add3A_371, %mul3A_372 : i32
      %dma_wait3A_374 = arith.constant 0 : i32
      %dma_wait3A_375 = arith.constant 0 : i32
      %dma_wait3A_376 = arith.constant 0 : i32
      %dma_wait3A_377 = tpu.memref_slice %arg8[%while3A_44, %dma_wait3A_375, %dma_wait3A_376] : memref<6x40x128xf32, #tpu.memory_space<vmem>> -> memref<1x40x128xf32, #tpu.memory_space<vmem>>
      %dma_wait3A_378 = tpu.memref_squeeze %dma_wait3A_377 : memref<1x40x128xf32, #tpu.memory_space<vmem>> -> memref<40x128xf32, #tpu.memory_space<vmem>>
      %dma_wait3A_379 = arith.constant 0 : i32
      %dma_wait3A_380 = tpu.memref_slice %arg9[%mul3A_373, %dma_wait3A_379] : memref<10000x128xf32, #tpu.memory_space<vmem_shared>> -> memref<40x128xf32, #tpu.memory_space<vmem_shared>>
      %dma_wait3A_381 = tpu.memref_slice %arg11[%dma_wait3A_374] : memref<6x!tpu.dma_semaphore, #tpu.memory_space<semaphore_mem>> -> memref<1x!tpu.dma_semaphore, #tpu.memory_space<semaphore_mem>>
      %dma_wait3A_382 = tpu.memref_squeeze %dma_wait3A_381 : memref<1x!tpu.dma_semaphore, #tpu.memory_space<semaphore_mem>> -> memref<!tpu.dma_semaphore, #tpu.memory_space<semaphore_mem>>
      %dma_wait3A_383 = arith.constant 0 : i32
      %dma_wait3A_384 = tpu.memref_slice %arg9[%mul3A_373, %dma_wait3A_383] : memref<10000x128xf32, #tpu.memory_space<vmem_shared>> -> memref<40x128xf32, #tpu.memory_space<vmem_shared>>
      %dma_wait3A_385 = arith.constant 0 : i32
      %dma_wait3A_386 = arith.constant 0 : i32
      %dma_wait3A_387 = tpu.memref_slice %arg8[%while3A_44, %dma_wait3A_385, %dma_wait3A_386] : memref<6x40x128xf32, #tpu.memory_space<vmem>> -> memref<1x40x128xf32, #tpu.memory_space<vmem>>
      %dma_wait3A_388 = tpu.memref_squeeze %dma_wait3A_387 : memref<1x40x128xf32, #tpu.memory_space<vmem>> -> memref<40x128xf32, #tpu.memory_space<vmem>>
      tpu.wait_dma2 semaphore(%dma_wait3A_382 : memref<!tpu.dma_semaphore, #tpu.memory_space<semaphore_mem>>) src(%dma_wait3A_388 : memref<40x128xf32, #tpu.memory_space<vmem>>) dst(%dma_wait3A_384 : memref<40x128xf32, #tpu.memory_space<vmem_shared>>)
    }
    %mul3A_54 = arith.constant 10000 : i32
    %mul3A_55 = arith.muli %add3A, %mul3A_54 : i32
    %dma_wait3A = arith.constant 0 : i32
    %dma_wait3A_56 = tpu.memref_slice %arg3[%mul3A_55] : memref<320000xi32, #tpu.memory_space<hbm>> -> memref<10000xi32, #tpu.memory_space<hbm>>
    %dma_wait3A_57 = tpu.memref_slice %arg10[%dma_wait3A] : memref<6x!tpu.dma_semaphore, #tpu.memory_space<semaphore_mem>> -> memref<1x!tpu.dma_semaphore, #tpu.memory_space<semaphore_mem>>
    %dma_wait3A_58 = tpu.memref_squeeze %dma_wait3A_57 : memref<1x!tpu.dma_semaphore, #tpu.memory_space<semaphore_mem>> -> memref<!tpu.dma_semaphore, #tpu.memory_space<semaphore_mem>>
    %dma_wait3A_59 = tpu.memref_slice %arg3[%mul3A_55] : memref<320000xi32, #tpu.memory_space<hbm>> -> memref<10000xi32, #tpu.memory_space<hbm>>
    tpu.wait_dma2 semaphore(%dma_wait3A_58 : memref<!tpu.dma_semaphore, #tpu.memory_space<semaphore_mem>>) src(%dma_wait3A_59 : memref<10000xi32, #tpu.memory_space<hbm>>) dst(%arg6 : memref<10000xi32, #tpu.memory_space<vmem>>)
    %mul3A_60 = arith.constant 10000 : i32
    %mul3A_61 = arith.muli %add3A, %mul3A_60 : i32
    %dma_wait3A_62 = arith.constant 1 : i32
    %dma_wait3A_63 = tpu.memref_slice %arg4[%mul3A_61] : memref<320000xi32, #tpu.memory_space<hbm>> -> memref<10000xi32, #tpu.memory_space<hbm>>
    %dma_wait3A_64 = tpu.memref_slice %arg10[%dma_wait3A_62] : memref<6x!tpu.dma_semaphore, #tpu.memory_space<semaphore_mem>> -> memref<1x!tpu.dma_semaphore, #tpu.memory_space<semaphore_mem>>
    %dma_wait3A_65 = tpu.memref_squeeze %dma_wait3A_64 : memref<1x!tpu.dma_semaphore, #tpu.memory_space<semaphore_mem>> -> memref<!tpu.dma_semaphore, #tpu.memory_space<semaphore_mem>>
    %dma_wait3A_66 = tpu.memref_slice %arg4[%mul3A_61] : memref<320000xi32, #tpu.memory_space<hbm>> -> memref<10000xi32, #tpu.memory_space<hbm>>
    tpu.wait_dma2 semaphore(%dma_wait3A_65 : memref<!tpu.dma_semaphore, #tpu.memory_space<semaphore_mem>>) src(%dma_wait3A_66 : memref<10000xi32, #tpu.memory_space<hbm>>) dst(%arg7 : memref<10000xi32, #tpu.memory_space<vmem>>)
    %barrier3A = arith.constant 0 : index
    tpu.barrier barrier_id(%barrier3A)
    %dma_start3A_67 = arith.constant 0 : i32
    %dma_start3A_68 = arith.constant 0 : i32
    %dma_start3A_69 = arith.constant 0 : i32
    %dma_start3A_70 = arith.constant 0 : i32
    %dma_start3A_71 = tpu.memref_slice %arg8[%dma_start3A_67, %dma_start3A_69, %dma_start3A_70] : memref<6x40x128xf32, #tpu.memory_space<vmem>> -> memref<1x40x128xf32, #tpu.memory_space<vmem>>
    %dma_start3A_72 = tpu.memref_squeeze %dma_start3A_71 : memref<1x40x128xf32, #tpu.memory_space<vmem>> -> memref<40x128xf32, #tpu.memory_space<vmem>>
    %dma_start3A_73 = arith.constant 0 : i32
    %dma_start3A_74 = tpu.memref_slice %arg6[%dma_start3A_73] : memref<10000xi32, #tpu.memory_space<vmem>> -> memref<40xi32, #tpu.memory_space<vmem>>
    %dma_start3A_75 = arith.constant 0 : i32
    %dma_start3A_76 = arith.constant 0 : i32
    %dma_start3A_77 = tpu.memref_slice %arg2[%dma_start3A_75, %dma_start3A_76] : memref<100000x128xf32, #tpu.memory_space<hbm>> -> memref<100000x128xf32, #tpu.memory_space<hbm>>
    %dma_start3A_78 = tpu.memref_slice %arg10[%dma_start3A_68] : memref<6x!tpu.dma_semaphore, #tpu.memory_space<semaphore_mem>> -> memref<1x!tpu.dma_semaphore, #tpu.memory_space<semaphore_mem>>
    %dma_start3A_79 = tpu.memref_squeeze %dma_start3A_78 : memref<1x!tpu.dma_semaphore, #tpu.memory_space<semaphore_mem>> -> memref<!tpu.dma_semaphore, #tpu.memory_space<semaphore_mem>>
    tpu.enqueue_indirect_dma source(%dma_start3A_77 : memref<100000x128xf32, #tpu.memory_space<hbm>>) target(%dma_start3A_72 : memref<40x128xf32, #tpu.memory_space<vmem>>) offsets(%dma_start3A_74 : memref<40xi32, #tpu.memory_space<vmem>>) semaphore(%dma_start3A_79 : memref<!tpu.dma_semaphore, #tpu.memory_space<semaphore_mem>>)
    %dma_start3A_80 = arith.constant 1 : i32
    %dma_start3A_81 = arith.constant 1 : i32
    %dma_start3A_82 = arith.constant 0 : i32
    %dma_start3A_83 = arith.constant 0 : i32
    %dma_start3A_84 = tpu.memref_slice %arg8[%dma_start3A_80, %dma_start3A_82, %dma_start3A_83] : memref<6x40x128xf32, #tpu.memory_space<vmem>> -> memref<1x40x128xf32, #tpu.memory_space<vmem>>
    %dma_start3A_85 = tpu.memref_squeeze %dma_start3A_84 : memref<1x40x128xf32, #tpu.memory_space<vmem>> -> memref<40x128xf32, #tpu.memory_space<vmem>>
    %dma_start3A_86 = arith.constant 40 : i32
    %dma_start3A_87 = tpu.memref_slice %arg6[%dma_start3A_86] : memref<10000xi32, #tpu.memory_space<vmem>> -> memref<40xi32, #tpu.memory_space<vmem>>
    %dma_start3A_88 = arith.constant 0 : i32
    %dma_start3A_89 = arith.constant 0 : i32
    %dma_start3A_90 = tpu.memref_slice %arg2[%dma_start3A_88, %dma_start3A_89] : memref<100000x128xf32, #tpu.memory_space<hbm>> -> memref<100000x128xf32, #tpu.memory_space<hbm>>
    %dma_start3A_91 = tpu.memref_slice %arg10[%dma_start3A_81] : memref<6x!tpu.dma_semaphore, #tpu.memory_space<semaphore_mem>> -> memref<1x!tpu.dma_semaphore, #tpu.memory_space<semaphore_mem>>
    %dma_start3A_92 = tpu.memref_squeeze %dma_start3A_91 : memref<1x!tpu.dma_semaphore, #tpu.memory_space<semaphore_mem>> -> memref<!tpu.dma_semaphore, #tpu.memory_space<semaphore_mem>>
    tpu.enqueue_indirect_dma source(%dma_start3A_90 : memref<100000x128xf32, #tpu.memory_space<hbm>>) target(%dma_start3A_85 : memref<40x128xf32, #tpu.memory_space<vmem>>) offsets(%dma_start3A_87 : memref<40xi32, #tpu.memory_space<vmem>>) semaphore(%dma_start3A_92 : memref<!tpu.dma_semaphore, #tpu.memory_space<semaphore_mem>>)
    %dma_start3A_93 = arith.constant 2 : i32
    %dma_start3A_94 = arith.constant 2 : i32
    %dma_start3A_95 = arith.constant 0 : i32
    %dma_start3A_96 = arith.constant 0 : i32
    %dma_start3A_97 = tpu.memref_slice %arg8[%dma_start3A_93, %dma_start3A_95, %dma_start3A_96] : memref<6x40x128xf32, #tpu.memory_space<vmem>> -> memref<1x40x128xf32, #tpu.memory_space<vmem>>
    %dma_start3A_98 = tpu.memref_squeeze %dma_start3A_97 : memref<1x40x128xf32, #tpu.memory_space<vmem>> -> memref<40x128xf32, #tpu.memory_space<vmem>>
    %dma_start3A_99 = arith.constant 80 : i32
    %dma_start3A_100 = tpu.memref_slice %arg6[%dma_start3A_99] : memref<10000xi32, #tpu.memory_space<vmem>> -> memref<40xi32, #tpu.memory_space<vmem>>
    %dma_start3A_101 = arith.constant 0 : i32
    %dma_start3A_102 = arith.constant 0 : i32
    %dma_start3A_103 = tpu.memref_slice %arg2[%dma_start3A_101, %dma_start3A_102] : memref<100000x128xf32, #tpu.memory_space<hbm>> -> memref<100000x128xf32, #tpu.memory_space<hbm>>
    %dma_start3A_104 = tpu.memref_slice %arg10[%dma_start3A_94] : memref<6x!tpu.dma_semaphore, #tpu.memory_space<semaphore_mem>> -> memref<1x!tpu.dma_semaphore, #tpu.memory_space<semaphore_mem>>
    %dma_start3A_105 = tpu.memref_squeeze %dma_start3A_104 : memref<1x!tpu.dma_semaphore, #tpu.memory_space<semaphore_mem>> -> memref<!tpu.dma_semaphore, #tpu.memory_space<semaphore_mem>>
    tpu.enqueue_indirect_dma source(%dma_start3A_103 : memref<100000x128xf32, #tpu.memory_space<hbm>>) target(%dma_start3A_98 : memref<40x128xf32, #tpu.memory_space<vmem>>) offsets(%dma_start3A_100 : memref<40xi32, #tpu.memory_space<vmem>>) semaphore(%dma_start3A_105 : memref<!tpu.dma_semaphore, #tpu.memory_space<semaphore_mem>>)
    %dma_start3A_106 = arith.constant 3 : i32
    %dma_start3A_107 = arith.constant 3 : i32
    %dma_start3A_108 = arith.constant 0 : i32
    %dma_start3A_109 = arith.constant 0 : i32
    %dma_start3A_110 = tpu.memref_slice %arg8[%dma_start3A_106, %dma_start3A_108, %dma_start3A_109] : memref<6x40x128xf32, #tpu.memory_space<vmem>> -> memref<1x40x128xf32, #tpu.memory_space<vmem>>
    %dma_start3A_111 = tpu.memref_squeeze %dma_start3A_110 : memref<1x40x128xf32, #tpu.memory_space<vmem>> -> memref<40x128xf32, #tpu.memory_space<vmem>>
    %dma_start3A_112 = arith.constant 120 : i32
    %dma_start3A_113 = tpu.memref_slice %arg6[%dma_start3A_112] : memref<10000xi32, #tpu.memory_space<vmem>> -> memref<40xi32, #tpu.memory_space<vmem>>
    %dma_start3A_114 = arith.constant 0 : i32
    %dma_start3A_115 = arith.constant 0 : i32
    %dma_start3A_116 = tpu.memref_slice %arg2[%dma_start3A_114, %dma_start3A_115] : memref<100000x128xf32, #tpu.memory_space<hbm>> -> memref<100000x128xf32, #tpu.memory_space<hbm>>
    %dma_start3A_117 = tpu.memref_slice %arg10[%dma_start3A_107] : memref<6x!tpu.dma_semaphore, #tpu.memory_space<semaphore_mem>> -> memref<1x!tpu.dma_semaphore, #tpu.memory_space<semaphore_mem>>
    %dma_start3A_118 = tpu.memref_squeeze %dma_start3A_117 : memref<1x!tpu.dma_semaphore, #tpu.memory_space<semaphore_mem>> -> memref<!tpu.dma_semaphore, #tpu.memory_space<semaphore_mem>>
    tpu.enqueue_indirect_dma source(%dma_start3A_116 : memref<100000x128xf32, #tpu.memory_space<hbm>>) target(%dma_start3A_111 : memref<40x128xf32, #tpu.memory_space<vmem>>) offsets(%dma_start3A_113 : memref<40xi32, #tpu.memory_space<vmem>>) semaphore(%dma_start3A_118 : memref<!tpu.dma_semaphore, #tpu.memory_space<semaphore_mem>>)
    %dma_start3A_119 = arith.constant 4 : i32
    %dma_start3A_120 = arith.constant 4 : i32
    %dma_start3A_121 = arith.constant 0 : i32
    %dma_start3A_122 = arith.constant 0 : i32
    %dma_start3A_123 = tpu.memref_slice %arg8[%dma_start3A_119, %dma_start3A_121, %dma_start3A_122] : memref<6x40x128xf32, #tpu.memory_space<vmem>> -> memref<1x40x128xf32, #tpu.memory_space<vmem>>
    %dma_start3A_124 = tpu.memref_squeeze %dma_start3A_123 : memref<1x40x128xf32, #tpu.memory_space<vmem>> -> memref<40x128xf32, #tpu.memory_space<vmem>>
    %dma_start3A_125 = arith.constant 160 : i32
    %dma_start3A_126 = tpu.memref_slice %arg6[%dma_start3A_125] : memref<10000xi32, #tpu.memory_space<vmem>> -> memref<40xi32, #tpu.memory_space<vmem>>
    %dma_start3A_127 = arith.constant 0 : i32
    %dma_start3A_128 = arith.constant 0 : i32
    %dma_start3A_129 = tpu.memref_slice %arg2[%dma_start3A_127, %dma_start3A_128] : memref<100000x128xf32, #tpu.memory_space<hbm>> -> memref<100000x128xf32, #tpu.memory_space<hbm>>
    %dma_start3A_130 = tpu.memref_slice %arg10[%dma_start3A_120] : memref<6x!tpu.dma_semaphore, #tpu.memory_space<semaphore_mem>> -> memref<1x!tpu.dma_semaphore, #tpu.memory_space<semaphore_mem>>
    %dma_start3A_131 = tpu.memref_squeeze %dma_start3A_130 : memref<1x!tpu.dma_semaphore, #tpu.memory_space<semaphore_mem>> -> memref<!tpu.dma_semaphore, #tpu.memory_space<semaphore_mem>>
    tpu.enqueue_indirect_dma source(%dma_start3A_129 : memref<100000x128xf32, #tpu.memory_space<hbm>>) target(%dma_start3A_124 : memref<40x128xf32, #tpu.memory_space<vmem>>) offsets(%dma_start3A_126 : memref<40xi32, #tpu.memory_space<vmem>>) semaphore(%dma_start3A_131 : memref<!tpu.dma_semaphore, #tpu.memory_space<semaphore_mem>>)
    %dma_start3A_132 = arith.constant 5 : i32
    %dma_start3A_133 = arith.constant 5 : i32
    %dma_start3A_134 = arith.constant 0 : i32
    %dma_start3A_135 = arith.constant 0 : i32
    %dma_start3A_136 = tpu.memref_slice %arg8[%dma_start3A_132, %dma_start3A_134, %dma_start3A_135] : memref<6x40x128xf32, #tpu.memory_space<vmem>> -> memref<1x40x128xf32, #tpu.memory_space<vmem>>
    %dma_start3A_137 = tpu.memref_squeeze %dma_start3A_136 : memref<1x40x128xf32, #tpu.memory_space<vmem>> -> memref<40x128xf32, #tpu.memory_space<vmem>>
    %dma_start3A_138 = arith.constant 200 : i32
    %dma_start3A_139 = tpu.memref_slice %arg6[%dma_start3A_138] : memref<10000xi32, #tpu.memory_space<vmem>> -> memref<40xi32, #tpu.memory_space<vmem>>
    %dma_start3A_140 = arith.constant 0 : i32
    %dma_start3A_141 = arith.constant 0 : i32
    %dma_start3A_142 = tpu.memref_slice %arg2[%dma_start3A_140, %dma_start3A_141] : memref<100000x128xf32, #tpu.memory_space<hbm>> -> memref<100000x128xf32, #tpu.memory_space<hbm>>
    %dma_start3A_143 = tpu.memref_slice %arg10[%dma_start3A_133] : memref<6x!tpu.dma_semaphore, #tpu.memory_space<semaphore_mem>> -> memref<1x!tpu.dma_semaphore, #tpu.memory_space<semaphore_mem>>
    %dma_start3A_144 = tpu.memref_squeeze %dma_start3A_143 : memref<1x!tpu.dma_semaphore, #tpu.memory_space<semaphore_mem>> -> memref<!tpu.dma_semaphore, #tpu.memory_space<semaphore_mem>>
    tpu.enqueue_indirect_dma source(%dma_start3A_142 : memref<100000x128xf32, #tpu.memory_space<hbm>>) target(%dma_start3A_137 : memref<40x128xf32, #tpu.memory_space<vmem>>) offsets(%dma_start3A_139 : memref<40xi32, #tpu.memory_space<vmem>>) semaphore(%dma_start3A_144 : memref<!tpu.dma_semaphore, #tpu.memory_space<semaphore_mem>>)
    %scan3A_145 = arith.constant 0 : i32
    %scan3A_146 = arith.constant 41 : i32
    %scan3A_147 = arith.addi %scan3A_145, %scan3A_146 : i32
    %scan3A_148 = arith.constant 1 : i32
    scf.for %scan3A_369 = %scan3A_145 to %scan3A_147 step %scan3A_148  : i32 {
      %mul3A_370 = arith.constant 1 : i32
      %mul3A_371 = arith.muli %scan3A_369, %mul3A_370 : i32
      %add3A_372 = arith.constant 0 : i32
      %add3A_373 = arith.addi %add3A_372, %mul3A_371 : i32
      %mul3A_374 = arith.constant 6 : i32
      %mul3A_375 = arith.muli %add3A_373, %mul3A_374 : i32
      %add3A_376 = arith.constant 0 : i32
      %add3A_377 = arith.addi %mul3A_375, %add3A_376 : i32
      %mul3A_378 = arith.constant 40 : i32
      %mul3A_379 = arith.muli %add3A_377, %mul3A_378 : i32
      %dma_wait3A_380 = arith.constant 0 : i32
      %dma_wait3A_381 = arith.constant 0 : i32
      %dma_wait3A_382 = arith.constant 0 : i32
      %dma_wait3A_383 = arith.constant 0 : i32
      %dma_wait3A_384 = tpu.memref_slice %arg8[%dma_wait3A_380, %dma_wait3A_382, %dma_wait3A_383] : memref<6x40x128xf32, #tpu.memory_space<vmem>> -> memref<1x40x128xf32, #tpu.memory_space<vmem>>
      %dma_wait3A_385 = tpu.memref_squeeze %dma_wait3A_384 : memref<1x40x128xf32, #tpu.memory_space<vmem>> -> memref<40x128xf32, #tpu.memory_space<vmem>>
      %dma_wait3A_386 = tpu.memref_slice %arg6[%mul3A_379] : memref<10000xi32, #tpu.memory_space<vmem>> -> memref<40xi32, #tpu.memory_space<vmem>>
      %dma_wait3A_387 = arith.constant 0 : i32
      %dma_wait3A_388 = arith.constant 0 : i32
      %dma_wait3A_389 = tpu.memref_slice %arg2[%dma_wait3A_387, %dma_wait3A_388] : memref<100000x128xf32, #tpu.memory_space<hbm>> -> memref<100000x128xf32, #tpu.memory_space<hbm>>
      %dma_wait3A_390 = tpu.memref_slice %arg10[%dma_wait3A_381] : memref<6x!tpu.dma_semaphore, #tpu.memory_space<semaphore_mem>> -> memref<1x!tpu.dma_semaphore, #tpu.memory_space<semaphore_mem>>
      %dma_wait3A_391 = tpu.memref_squeeze %dma_wait3A_390 : memref<1x!tpu.dma_semaphore, #tpu.memory_space<semaphore_mem>> -> memref<!tpu.dma_semaphore, #tpu.memory_space<semaphore_mem>>
      tpu.wait_indirect_dma semaphore(%dma_wait3A_391 : memref<!tpu.dma_semaphore, #tpu.memory_space<semaphore_mem>>) src(%dma_wait3A_389 : memref<100000x128xf32, #tpu.memory_space<hbm>>) dst(%dma_wait3A_385 : memref<40x128xf32, #tpu.memory_space<vmem>>)
      %mul3A_392 = arith.constant 40 : i32
      %mul3A_393 = arith.muli %add3A_377, %mul3A_392 : i32
      %dma_start3A_394 = arith.constant 0 : i32
      %dma_start3A_395 = arith.constant 0 : i32
      %dma_start3A_396 = arith.constant 0 : i32
      %dma_start3A_397 = arith.constant 0 : i32
      %dma_start3A_398 = tpu.memref_slice %arg8[%dma_start3A_394, %dma_start3A_396, %dma_start3A_397] : memref<6x40x128xf32, #tpu.memory_space<vmem>> -> memref<1x40x128xf32, #tpu.memory_space<vmem>>
      %dma_start3A_399 = tpu.memref_squeeze %dma_start3A_398 : memref<1x40x128xf32, #tpu.memory_space<vmem>> -> memref<40x128xf32, #tpu.memory_space<vmem>>
      %dma_start3A_400 = tpu.memref_slice %arg7[%mul3A_393] : memref<10000xi32, #tpu.memory_space<vmem>> -> memref<40xi32, #tpu.memory_space<vmem>>
      %dma_start3A_401 = arith.constant 0 : i32
      %dma_start3A_402 = arith.constant 0 : i32
      %dma_start3A_403 = tpu.memref_slice %arg9[%dma_start3A_401, %dma_start3A_402] : memref<10000x128xf32, #tpu.memory_space<vmem_shared>> -> memref<10000x128xf32, #tpu.memory_space<vmem_shared>>
      %dma_start3A_404 = tpu.memref_slice %arg11[%dma_start3A_395] : memref<6x!tpu.dma_semaphore, #tpu.memory_space<semaphore_mem>> -> memref<1x!tpu.dma_semaphore, #tpu.memory_space<semaphore_mem>>
      %dma_start3A_405 = tpu.memref_squeeze %dma_start3A_404 : memref<1x!tpu.dma_semaphore, #tpu.memory_space<semaphore_mem>> -> memref<!tpu.dma_semaphore, #tpu.memory_space<semaphore_mem>>
      tpu.enqueue_indirect_dma source(%dma_start3A_399 : memref<40x128xf32, #tpu.memory_space<vmem>>) target(%dma_start3A_403 : memref<10000x128xf32, #tpu.memory_space<vmem_shared>>) offsets(%dma_start3A_400 : memref<40xi32, #tpu.memory_space<vmem>>) semaphore(%dma_start3A_405 : memref<!tpu.dma_semaphore, #tpu.memory_space<semaphore_mem>>) {add = true}
      %add3A_406 = arith.constant 6 : i32
      %add3A_407 = arith.addi %add3A_377, %add3A_406 : i32
      %lt3A = arith.constant 250 : i32
      %lt3A_408 = arith.cmpi slt, %add3A_407, %lt3A : i32
      %convert_element_type3A = arith.extui %lt3A_408 : i1 to i32
      %cond3A = arith.constant 0 : i32
      %cond3A_409 = arith.cmpi ne, %convert_element_type3A, %cond3A : i32
      scf.if %cond3A_409 {
        %mul3A_605 = arith.constant 40 : i32
        %mul3A_606 = arith.muli %add3A_377, %mul3A_605 : i32
        %dma_wait3A_607 = arith.constant 0 : i32
        %dma_wait3A_608 = arith.constant 0 : i32
        %dma_wait3A_609 = arith.constant 0 : i32
        %dma_wait3A_610 = arith.constant 0 : i32
        %dma_wait3A_611 = tpu.memref_slice %arg8[%dma_wait3A_607, %dma_wait3A_609, %dma_wait3A_610] : memref<6x40x128xf32, #tpu.memory_space<vmem>> -> memref<1x40x128xf32, #tpu.memory_space<vmem>>
        %dma_wait3A_612 = tpu.memref_squeeze %dma_wait3A_611 : memref<1x40x128xf32, #tpu.memory_space<vmem>> -> memref<40x128xf32, #tpu.memory_space<vmem>>
        %dma_wait3A_613 = tpu.memref_slice %arg7[%mul3A_606] : memref<10000xi32, #tpu.memory_space<vmem>> -> memref<40xi32, #tpu.memory_space<vmem>>
        %dma_wait3A_614 = arith.constant 0 : i32
        %dma_wait3A_615 = arith.constant 0 : i32
        %dma_wait3A_616 = tpu.memref_slice %arg9[%dma_wait3A_614, %dma_wait3A_615] : memref<10000x128xf32, #tpu.memory_space<vmem_shared>> -> memref<10000x128xf32, #tpu.memory_space<vmem_shared>>
        %dma_wait3A_617 = tpu.memref_slice %arg11[%dma_wait3A_608] : memref<6x!tpu.dma_semaphore, #tpu.memory_space<semaphore_mem>> -> memref<1x!tpu.dma_semaphore, #tpu.memory_space<semaphore_mem>>
        %dma_wait3A_618 = tpu.memref_squeeze %dma_wait3A_617 : memref<1x!tpu.dma_semaphore, #tpu.memory_space<semaphore_mem>> -> memref<!tpu.dma_semaphore, #tpu.memory_space<semaphore_mem>>
        tpu.wait_indirect_dma semaphore(%dma_wait3A_618 : memref<!tpu.dma_semaphore, #tpu.memory_space<semaphore_mem>>) src(%dma_wait3A_612 : memref<40x128xf32, #tpu.memory_space<vmem>>) dst(%dma_wait3A_616 : memref<10000x128xf32, #tpu.memory_space<vmem_shared>>)
        %add3A_619 = arith.constant 6 : i32
        %add3A_620 = arith.addi %add3A_377, %add3A_619 : i32
        %mul3A_621 = arith.constant 40 : i32
        %mul3A_622 = arith.muli %add3A_620, %mul3A_621 : i32
        %dma_start3A_623 = arith.constant 0 : i32
        %dma_start3A_624 = arith.constant 0 : i32
        %dma_start3A_625 = arith.constant 0 : i32
        %dma_start3A_626 = arith.constant 0 : i32
        %dma_start3A_627 = tpu.memref_slice %arg8[%dma_start3A_623, %dma_start3A_625, %dma_start3A_626] : memref<6x40x128xf32, #tpu.memory_space<vmem>> -> memref<1x40x128xf32, #tpu.memory_space<vmem>>
        %dma_start3A_628 = tpu.memref_squeeze %dma_start3A_627 : memref<1x40x128xf32, #tpu.memory_space<vmem>> -> memref<40x128xf32, #tpu.memory_space<vmem>>
        %dma_start3A_629 = tpu.memref_slice %arg6[%mul3A_622] : memref<10000xi32, #tpu.memory_space<vmem>> -> memref<40xi32, #tpu.memory_space<vmem>>
        %dma_start3A_630 = arith.constant 0 : i32
        %dma_start3A_631 = arith.constant 0 : i32
        %dma_start3A_632 = tpu.memref_slice %arg2[%dma_start3A_630, %dma_start3A_631] : memref<100000x128xf32, #tpu.memory_space<hbm>> -> memref<100000x128xf32, #tpu.memory_space<hbm>>
        %dma_start3A_633 = tpu.memref_slice %arg10[%dma_start3A_624] : memref<6x!tpu.dma_semaphore, #tpu.memory_space<semaphore_mem>> -> memref<1x!tpu.dma_semaphore, #tpu.memory_space<semaphore_mem>>
        %dma_start3A_634 = tpu.memref_squeeze %dma_start3A_633 : memref<1x!tpu.dma_semaphore, #tpu.memory_space<semaphore_mem>> -> memref<!tpu.dma_semaphore, #tpu.memory_space<semaphore_mem>>
        tpu.enqueue_indirect_dma source(%dma_start3A_632 : memref<100000x128xf32, #tpu.memory_space<hbm>>) target(%dma_start3A_628 : memref<40x128xf32, #tpu.memory_space<vmem>>) offsets(%dma_start3A_629 : memref<40xi32, #tpu.memory_space<vmem>>) semaphore(%dma_start3A_634 : memref<!tpu.dma_semaphore, #tpu.memory_space<semaphore_mem>>)
      } else {
      }
      %mul3A_410 = arith.constant 6 : i32
      %mul3A_411 = arith.muli %add3A_373, %mul3A_410 : i32
      %add3A_412 = arith.constant 1 : i32
      %add3A_413 = arith.addi %mul3A_411, %add3A_412 : i32
      %mul3A_414 = arith.constant 40 : i32
      %mul3A_415 = arith.muli %add3A_413, %mul3A_414 : i32
      %dma_wait3A_416 = arith.constant 1 : i32
      %dma_wait3A_417 = arith.constant 1 : i32
      %dma_wait3A_418 = arith.constant 0 : i32
      %dma_wait3A_419 = arith.constant 0 : i32
      %dma_wait3A_420 = tpu.memref_slice %arg8[%dma_wait3A_416, %dma_wait3A_418, %dma_wait3A_419] : memref<6x40x128xf32, #tpu.memory_space<vmem>> -> memref<1x40x128xf32, #tpu.memory_space<vmem>>
      %dma_wait3A_421 = tpu.memref_squeeze %dma_wait3A_420 : memref<1x40x128xf32, #tpu.memory_space<vmem>> -> memref<40x128xf32, #tpu.memory_space<vmem>>
      %dma_wait3A_422 = tpu.memref_slice %arg6[%mul3A_415] : memref<10000xi32, #tpu.memory_space<vmem>> -> memref<40xi32, #tpu.memory_space<vmem>>
      %dma_wait3A_423 = arith.constant 0 : i32
      %dma_wait3A_424 = arith.constant 0 : i32
      %dma_wait3A_425 = tpu.memref_slice %arg2[%dma_wait3A_423, %dma_wait3A_424] : memref<100000x128xf32, #tpu.memory_space<hbm>> -> memref<100000x128xf32, #tpu.memory_space<hbm>>
      %dma_wait3A_426 = tpu.memref_slice %arg10[%dma_wait3A_417] : memref<6x!tpu.dma_semaphore, #tpu.memory_space<semaphore_mem>> -> memref<1x!tpu.dma_semaphore, #tpu.memory_space<semaphore_mem>>
      %dma_wait3A_427 = tpu.memref_squeeze %dma_wait3A_426 : memref<1x!tpu.dma_semaphore, #tpu.memory_space<semaphore_mem>> -> memref<!tpu.dma_semaphore, #tpu.memory_space<semaphore_mem>>
      tpu.wait_indirect_dma semaphore(%dma_wait3A_427 : memref<!tpu.dma_semaphore, #tpu.memory_space<semaphore_mem>>) src(%dma_wait3A_425 : memref<100000x128xf32, #tpu.memory_space<hbm>>) dst(%dma_wait3A_421 : memref<40x128xf32, #tpu.memory_space<vmem>>)
      %mul3A_428 = arith.constant 40 : i32
      %mul3A_429 = arith.muli %add3A_413, %mul3A_428 : i32
      %dma_start3A_430 = arith.constant 1 : i32
      %dma_start3A_431 = arith.constant 1 : i32
      %dma_start3A_432 = arith.constant 0 : i32
      %dma_start3A_433 = arith.constant 0 : i32
      %dma_start3A_434 = tpu.memref_slice %arg8[%dma_start3A_430, %dma_start3A_432, %dma_start3A_433] : memref<6x40x128xf32, #tpu.memory_space<vmem>> -> memref<1x40x128xf32, #tpu.memory_space<vmem>>
      %dma_start3A_435 = tpu.memref_squeeze %dma_start3A_434 : memref<1x40x128xf32, #tpu.memory_space<vmem>> -> memref<40x128xf32, #tpu.memory_space<vmem>>
      %dma_start3A_436 = tpu.memref_slice %arg7[%mul3A_429] : memref<10000xi32, #tpu.memory_space<vmem>> -> memref<40xi32, #tpu.memory_space<vmem>>
      %dma_start3A_437 = arith.constant 0 : i32
      %dma_start3A_438 = arith.constant 0 : i32
      %dma_start3A_439 = tpu.memref_slice %arg9[%dma_start3A_437, %dma_start3A_438] : memref<10000x128xf32, #tpu.memory_space<vmem_shared>> -> memref<10000x128xf32, #tpu.memory_space<vmem_shared>>
      %dma_start3A_440 = tpu.memref_slice %arg11[%dma_start3A_431] : memref<6x!tpu.dma_semaphore, #tpu.memory_space<semaphore_mem>> -> memref<1x!tpu.dma_semaphore, #tpu.memory_space<semaphore_mem>>
      %dma_start3A_441 = tpu.memref_squeeze %dma_start3A_440 : memref<1x!tpu.dma_semaphore, #tpu.memory_space<semaphore_mem>> -> memref<!tpu.dma_semaphore, #tpu.memory_space<semaphore_mem>>
      tpu.enqueue_indirect_dma source(%dma_start3A_435 : memref<40x128xf32, #tpu.memory_space<vmem>>) target(%dma_start3A_439 : memref<10000x128xf32, #tpu.memory_space<vmem_shared>>) offsets(%dma_start3A_436 : memref<40xi32, #tpu.memory_space<vmem>>) semaphore(%dma_start3A_441 : memref<!tpu.dma_semaphore, #tpu.memory_space<semaphore_mem>>) {add = true}
      %add3A_442 = arith.constant 6 : i32
      %add3A_443 = arith.addi %add3A_413, %add3A_442 : i32
      %lt3A_444 = arith.constant 250 : i32
      %lt3A_445 = arith.cmpi slt, %add3A_443, %lt3A_444 : i32
      %convert_element_type3A_446 = arith.extui %lt3A_445 : i1 to i32
      %cond3A_447 = arith.constant 0 : i32
      %cond3A_448 = arith.cmpi ne, %convert_element_type3A_446, %cond3A_447 : i32
      scf.if %cond3A_448 {
        %mul3A_605 = arith.constant 40 : i32
        %mul3A_606 = arith.muli %add3A_413, %mul3A_605 : i32
        %dma_wait3A_607 = arith.constant 1 : i32
        %dma_wait3A_608 = arith.constant 1 : i32
        %dma_wait3A_609 = arith.constant 0 : i32
        %dma_wait3A_610 = arith.constant 0 : i32
        %dma_wait3A_611 = tpu.memref_slice %arg8[%dma_wait3A_607, %dma_wait3A_609, %dma_wait3A_610] : memref<6x40x128xf32, #tpu.memory_space<vmem>> -> memref<1x40x128xf32, #tpu.memory_space<vmem>>
        %dma_wait3A_612 = tpu.memref_squeeze %dma_wait3A_611 : memref<1x40x128xf32, #tpu.memory_space<vmem>> -> memref<40x128xf32, #tpu.memory_space<vmem>>
        %dma_wait3A_613 = tpu.memref_slice %arg7[%mul3A_606] : memref<10000xi32, #tpu.memory_space<vmem>> -> memref<40xi32, #tpu.memory_space<vmem>>
        %dma_wait3A_614 = arith.constant 0 : i32
        %dma_wait3A_615 = arith.constant 0 : i32
        %dma_wait3A_616 = tpu.memref_slice %arg9[%dma_wait3A_614, %dma_wait3A_615] : memref<10000x128xf32, #tpu.memory_space<vmem_shared>> -> memref<10000x128xf32, #tpu.memory_space<vmem_shared>>
        %dma_wait3A_617 = tpu.memref_slice %arg11[%dma_wait3A_608] : memref<6x!tpu.dma_semaphore, #tpu.memory_space<semaphore_mem>> -> memref<1x!tpu.dma_semaphore, #tpu.memory_space<semaphore_mem>>
        %dma_wait3A_618 = tpu.memref_squeeze %dma_wait3A_617 : memref<1x!tpu.dma_semaphore, #tpu.memory_space<semaphore_mem>> -> memref<!tpu.dma_semaphore, #tpu.memory_space<semaphore_mem>>
        tpu.wait_indirect_dma semaphore(%dma_wait3A_618 : memref<!tpu.dma_semaphore, #tpu.memory_space<semaphore_mem>>) src(%dma_wait3A_612 : memref<40x128xf32, #tpu.memory_space<vmem>>) dst(%dma_wait3A_616 : memref<10000x128xf32, #tpu.memory_space<vmem_shared>>)
        %add3A_619 = arith.constant 6 : i32
        %add3A_620 = arith.addi %add3A_413, %add3A_619 : i32
        %mul3A_621 = arith.constant 40 : i32
        %mul3A_622 = arith.muli %add3A_620, %mul3A_621 : i32
        %dma_start3A_623 = arith.constant 1 : i32
        %dma_start3A_624 = arith.constant 1 : i32
        %dma_start3A_625 = arith.constant 0 : i32
        %dma_start3A_626 = arith.constant 0 : i32
        %dma_start3A_627 = tpu.memref_slice %arg8[%dma_start3A_623, %dma_start3A_625, %dma_start3A_626] : memref<6x40x128xf32, #tpu.memory_space<vmem>> -> memref<1x40x128xf32, #tpu.memory_space<vmem>>
        %dma_start3A_628 = tpu.memref_squeeze %dma_start3A_627 : memref<1x40x128xf32, #tpu.memory_space<vmem>> -> memref<40x128xf32, #tpu.memory_space<vmem>>
        %dma_start3A_629 = tpu.memref_slice %arg6[%mul3A_622] : memref<10000xi32, #tpu.memory_space<vmem>> -> memref<40xi32, #tpu.memory_space<vmem>>
        %dma_start3A_630 = arith.constant 0 : i32
        %dma_start3A_631 = arith.constant 0 : i32
        %dma_start3A_632 = tpu.memref_slice %arg2[%dma_start3A_630, %dma_start3A_631] : memref<100000x128xf32, #tpu.memory_space<hbm>> -> memref<100000x128xf32, #tpu.memory_space<hbm>>
        %dma_start3A_633 = tpu.memref_slice %arg10[%dma_start3A_624] : memref<6x!tpu.dma_semaphore, #tpu.memory_space<semaphore_mem>> -> memref<1x!tpu.dma_semaphore, #tpu.memory_space<semaphore_mem>>
        %dma_start3A_634 = tpu.memref_squeeze %dma_start3A_633 : memref<1x!tpu.dma_semaphore, #tpu.memory_space<semaphore_mem>> -> memref<!tpu.dma_semaphore, #tpu.memory_space<semaphore_mem>>
        tpu.enqueue_indirect_dma source(%dma_start3A_632 : memref<100000x128xf32, #tpu.memory_space<hbm>>) target(%dma_start3A_628 : memref<40x128xf32, #tpu.memory_space<vmem>>) offsets(%dma_start3A_629 : memref<40xi32, #tpu.memory_space<vmem>>) semaphore(%dma_start3A_634 : memref<!tpu.dma_semaphore, #tpu.memory_space<semaphore_mem>>)
      } else {
      }
      %mul3A_449 = arith.constant 6 : i32
      %mul3A_450 = arith.muli %add3A_373, %mul3A_449 : i32
      %add3A_451 = arith.constant 2 : i32
      %add3A_452 = arith.addi %mul3A_450, %add3A_451 : i32
      %mul3A_453 = arith.constant 40 : i32
      %mul3A_454 = arith.muli %add3A_452, %mul3A_453 : i32
      %dma_wait3A_455 = arith.constant 2 : i32
      %dma_wait3A_456 = arith.constant 2 : i32
      %dma_wait3A_457 = arith.constant 0 : i32
      %dma_wait3A_458 = arith.constant 0 : i32
      %dma_wait3A_459 = tpu.memref_slice %arg8[%dma_wait3A_455, %dma_wait3A_457, %dma_wait3A_458] : memref<6x40x128xf32, #tpu.memory_space<vmem>> -> memref<1x40x128xf32, #tpu.memory_space<vmem>>
      %dma_wait3A_460 = tpu.memref_squeeze %dma_wait3A_459 : memref<1x40x128xf32, #tpu.memory_space<vmem>> -> memref<40x128xf32, #tpu.memory_space<vmem>>
      %dma_wait3A_461 = tpu.memref_slice %arg6[%mul3A_454] : memref<10000xi32, #tpu.memory_space<vmem>> -> memref<40xi32, #tpu.memory_space<vmem>>
      %dma_wait3A_462 = arith.constant 0 : i32
      %dma_wait3A_463 = arith.constant 0 : i32
      %dma_wait3A_464 = tpu.memref_slice %arg2[%dma_wait3A_462, %dma_wait3A_463] : memref<100000x128xf32, #tpu.memory_space<hbm>> -> memref<100000x128xf32, #tpu.memory_space<hbm>>
      %dma_wait3A_465 = tpu.memref_slice %arg10[%dma_wait3A_456] : memref<6x!tpu.dma_semaphore, #tpu.memory_space<semaphore_mem>> -> memref<1x!tpu.dma_semaphore, #tpu.memory_space<semaphore_mem>>
      %dma_wait3A_466 = tpu.memref_squeeze %dma_wait3A_465 : memref<1x!tpu.dma_semaphore, #tpu.memory_space<semaphore_mem>> -> memref<!tpu.dma_semaphore, #tpu.memory_space<semaphore_mem>>
      tpu.wait_indirect_dma semaphore(%dma_wait3A_466 : memref<!tpu.dma_semaphore, #tpu.memory_space<semaphore_mem>>) src(%dma_wait3A_464 : memref<100000x128xf32, #tpu.memory_space<hbm>>) dst(%dma_wait3A_460 : memref<40x128xf32, #tpu.memory_space<vmem>>)
      %mul3A_467 = arith.constant 40 : i32
      %mul3A_468 = arith.muli %add3A_452, %mul3A_467 : i32
      %dma_start3A_469 = arith.constant 2 : i32
      %dma_start3A_470 = arith.constant 2 : i32
      %dma_start3A_471 = arith.constant 0 : i32
      %dma_start3A_472 = arith.constant 0 : i32
      %dma_start3A_473 = tpu.memref_slice %arg8[%dma_start3A_469, %dma_start3A_471, %dma_start3A_472] : memref<6x40x128xf32, #tpu.memory_space<vmem>> -> memref<1x40x128xf32, #tpu.memory_space<vmem>>
      %dma_start3A_474 = tpu.memref_squeeze %dma_start3A_473 : memref<1x40x128xf32, #tpu.memory_space<vmem>> -> memref<40x128xf32, #tpu.memory_space<vmem>>
      %dma_start3A_475 = tpu.memref_slice %arg7[%mul3A_468] : memref<10000xi32, #tpu.memory_space<vmem>> -> memref<40xi32, #tpu.memory_space<vmem>>
      %dma_start3A_476 = arith.constant 0 : i32
      %dma_start3A_477 = arith.constant 0 : i32
      %dma_start3A_478 = tpu.memref_slice %arg9[%dma_start3A_476, %dma_start3A_477] : memref<10000x128xf32, #tpu.memory_space<vmem_shared>> -> memref<10000x128xf32, #tpu.memory_space<vmem_shared>>
      %dma_start3A_479 = tpu.memref_slice %arg11[%dma_start3A_470] : memref<6x!tpu.dma_semaphore, #tpu.memory_space<semaphore_mem>> -> memref<1x!tpu.dma_semaphore, #tpu.memory_space<semaphore_mem>>
      %dma_start3A_480 = tpu.memref_squeeze %dma_start3A_479 : memref<1x!tpu.dma_semaphore, #tpu.memory_space<semaphore_mem>> -> memref<!tpu.dma_semaphore, #tpu.memory_space<semaphore_mem>>
      tpu.enqueue_indirect_dma source(%dma_start3A_474 : memref<40x128xf32, #tpu.memory_space<vmem>>) target(%dma_start3A_478 : memref<10000x128xf32, #tpu.memory_space<vmem_shared>>) offsets(%dma_start3A_475 : memref<40xi32, #tpu.memory_space<vmem>>) semaphore(%dma_start3A_480 : memref<!tpu.dma_semaphore, #tpu.memory_space<semaphore_mem>>) {add = true}
      %add3A_481 = arith.constant 6 : i32
      %add3A_482 = arith.addi %add3A_452, %add3A_481 : i32
      %lt3A_483 = arith.constant 250 : i32
      %lt3A_484 = arith.cmpi slt, %add3A_482, %lt3A_483 : i32
      %convert_element_type3A_485 = arith.extui %lt3A_484 : i1 to i32
      %cond3A_486 = arith.constant 0 : i32
      %cond3A_487 = arith.cmpi ne, %convert_element_type3A_485, %cond3A_486 : i32
      scf.if %cond3A_487 {
        %mul3A_605 = arith.constant 40 : i32
        %mul3A_606 = arith.muli %add3A_452, %mul3A_605 : i32
        %dma_wait3A_607 = arith.constant 2 : i32
        %dma_wait3A_608 = arith.constant 2 : i32
        %dma_wait3A_609 = arith.constant 0 : i32
        %dma_wait3A_610 = arith.constant 0 : i32
        %dma_wait3A_611 = tpu.memref_slice %arg8[%dma_wait3A_607, %dma_wait3A_609, %dma_wait3A_610] : memref<6x40x128xf32, #tpu.memory_space<vmem>> -> memref<1x40x128xf32, #tpu.memory_space<vmem>>
        %dma_wait3A_612 = tpu.memref_squeeze %dma_wait3A_611 : memref<1x40x128xf32, #tpu.memory_space<vmem>> -> memref<40x128xf32, #tpu.memory_space<vmem>>
        %dma_wait3A_613 = tpu.memref_slice %arg7[%mul3A_606] : memref<10000xi32, #tpu.memory_space<vmem>> -> memref<40xi32, #tpu.memory_space<vmem>>
        %dma_wait3A_614 = arith.constant 0 : i32
        %dma_wait3A_615 = arith.constant 0 : i32
        %dma_wait3A_616 = tpu.memref_slice %arg9[%dma_wait3A_614, %dma_wait3A_615] : memref<10000x128xf32, #tpu.memory_space<vmem_shared>> -> memref<10000x128xf32, #tpu.memory_space<vmem_shared>>
        %dma_wait3A_617 = tpu.memref_slice %arg11[%dma_wait3A_608] : memref<6x!tpu.dma_semaphore, #tpu.memory_space<semaphore_mem>> -> memref<1x!tpu.dma_semaphore, #tpu.memory_space<semaphore_mem>>
        %dma_wait3A_618 = tpu.memref_squeeze %dma_wait3A_617 : memref<1x!tpu.dma_semaphore, #tpu.memory_space<semaphore_mem>> -> memref<!tpu.dma_semaphore, #tpu.memory_space<semaphore_mem>>
        tpu.wait_indirect_dma semaphore(%dma_wait3A_618 : memref<!tpu.dma_semaphore, #tpu.memory_space<semaphore_mem>>) src(%dma_wait3A_612 : memref<40x128xf32, #tpu.memory_space<vmem>>) dst(%dma_wait3A_616 : memref<10000x128xf32, #tpu.memory_space<vmem_shared>>)
        %add3A_619 = arith.constant 6 : i32
        %add3A_620 = arith.addi %add3A_452, %add3A_619 : i32
        %mul3A_621 = arith.constant 40 : i32
        %mul3A_622 = arith.muli %add3A_620, %mul3A_621 : i32
        %dma_start3A_623 = arith.constant 2 : i32
        %dma_start3A_624 = arith.constant 2 : i32
        %dma_start3A_625 = arith.constant 0 : i32
        %dma_start3A_626 = arith.constant 0 : i32
        %dma_start3A_627 = tpu.memref_slice %arg8[%dma_start3A_623, %dma_start3A_625, %dma_start3A_626] : memref<6x40x128xf32, #tpu.memory_space<vmem>> -> memref<1x40x128xf32, #tpu.memory_space<vmem>>
        %dma_start3A_628 = tpu.memref_squeeze %dma_start3A_627 : memref<1x40x128xf32, #tpu.memory_space<vmem>> -> memref<40x128xf32, #tpu.memory_space<vmem>>
        %dma_start3A_629 = tpu.memref_slice %arg6[%mul3A_622] : memref<10000xi32, #tpu.memory_space<vmem>> -> memref<40xi32, #tpu.memory_space<vmem>>
        %dma_start3A_630 = arith.constant 0 : i32
        %dma_start3A_631 = arith.constant 0 : i32
        %dma_start3A_632 = tpu.memref_slice %arg2[%dma_start3A_630, %dma_start3A_631] : memref<100000x128xf32, #tpu.memory_space<hbm>> -> memref<100000x128xf32, #tpu.memory_space<hbm>>
        %dma_start3A_633 = tpu.memref_slice %arg10[%dma_start3A_624] : memref<6x!tpu.dma_semaphore, #tpu.memory_space<semaphore_mem>> -> memref<1x!tpu.dma_semaphore, #tpu.memory_space<semaphore_mem>>
        %dma_start3A_634 = tpu.memref_squeeze %dma_start3A_633 : memref<1x!tpu.dma_semaphore, #tpu.memory_space<semaphore_mem>> -> memref<!tpu.dma_semaphore, #tpu.memory_space<semaphore_mem>>
        tpu.enqueue_indirect_dma source(%dma_start3A_632 : memref<100000x128xf32, #tpu.memory_space<hbm>>) target(%dma_start3A_628 : memref<40x128xf32, #tpu.memory_space<vmem>>) offsets(%dma_start3A_629 : memref<40xi32, #tpu.memory_space<vmem>>) semaphore(%dma_start3A_634 : memref<!tpu.dma_semaphore, #tpu.memory_space<semaphore_mem>>)
      } else {
      }
      %mul3A_488 = arith.constant 6 : i32
      %mul3A_489 = arith.muli %add3A_373, %mul3A_488 : i32
      %add3A_490 = arith.constant 3 : i32
      %add3A_491 = arith.addi %mul3A_489, %add3A_490 : i32
      %mul3A_492 = arith.constant 40 : i32
      %mul3A_493 = arith.muli %add3A_491, %mul3A_492 : i32
      %dma_wait3A_494 = arith.constant 3 : i32
      %dma_wait3A_495 = arith.constant 3 : i32
      %dma_wait3A_496 = arith.constant 0 : i32
      %dma_wait3A_497 = arith.constant 0 : i32
      %dma_wait3A_498 = tpu.memref_slice %arg8[%dma_wait3A_494, %dma_wait3A_496, %dma_wait3A_497] : memref<6x40x128xf32, #tpu.memory_space<vmem>> -> memref<1x40x128xf32, #tpu.memory_space<vmem>>
      %dma_wait3A_499 = tpu.memref_squeeze %dma_wait3A_498 : memref<1x40x128xf32, #tpu.memory_space<vmem>> -> memref<40x128xf32, #tpu.memory_space<vmem>>
      %dma_wait3A_500 = tpu.memref_slice %arg6[%mul3A_493] : memref<10000xi32, #tpu.memory_space<vmem>> -> memref<40xi32, #tpu.memory_space<vmem>>
      %dma_wait3A_501 = arith.constant 0 : i32
      %dma_wait3A_502 = arith.constant 0 : i32
      %dma_wait3A_503 = tpu.memref_slice %arg2[%dma_wait3A_501, %dma_wait3A_502] : memref<100000x128xf32, #tpu.memory_space<hbm>> -> memref<100000x128xf32, #tpu.memory_space<hbm>>
      %dma_wait3A_504 = tpu.memref_slice %arg10[%dma_wait3A_495] : memref<6x!tpu.dma_semaphore, #tpu.memory_space<semaphore_mem>> -> memref<1x!tpu.dma_semaphore, #tpu.memory_space<semaphore_mem>>
      %dma_wait3A_505 = tpu.memref_squeeze %dma_wait3A_504 : memref<1x!tpu.dma_semaphore, #tpu.memory_space<semaphore_mem>> -> memref<!tpu.dma_semaphore, #tpu.memory_space<semaphore_mem>>
      tpu.wait_indirect_dma semaphore(%dma_wait3A_505 : memref<!tpu.dma_semaphore, #tpu.memory_space<semaphore_mem>>) src(%dma_wait3A_503 : memref<100000x128xf32, #tpu.memory_space<hbm>>) dst(%dma_wait3A_499 : memref<40x128xf32, #tpu.memory_space<vmem>>)
      %mul3A_506 = arith.constant 40 : i32
      %mul3A_507 = arith.muli %add3A_491, %mul3A_506 : i32
      %dma_start3A_508 = arith.constant 3 : i32
      %dma_start3A_509 = arith.constant 3 : i32
      %dma_start3A_510 = arith.constant 0 : i32
      %dma_start3A_511 = arith.constant 0 : i32
      %dma_start3A_512 = tpu.memref_slice %arg8[%dma_start3A_508, %dma_start3A_510, %dma_start3A_511] : memref<6x40x128xf32, #tpu.memory_space<vmem>> -> memref<1x40x128xf32, #tpu.memory_space<vmem>>
      %dma_start3A_513 = tpu.memref_squeeze %dma_start3A_512 : memref<1x40x128xf32, #tpu.memory_space<vmem>> -> memref<40x128xf32, #tpu.memory_space<vmem>>
      %dma_start3A_514 = tpu.memref_slice %arg7[%mul3A_507] : memref<10000xi32, #tpu.memory_space<vmem>> -> memref<40xi32, #tpu.memory_space<vmem>>
      %dma_start3A_515 = arith.constant 0 : i32
      %dma_start3A_516 = arith.constant 0 : i32
      %dma_start3A_517 = tpu.memref_slice %arg9[%dma_start3A_515, %dma_start3A_516] : memref<10000x128xf32, #tpu.memory_space<vmem_shared>> -> memref<10000x128xf32, #tpu.memory_space<vmem_shared>>
      %dma_start3A_518 = tpu.memref_slice %arg11[%dma_start3A_509] : memref<6x!tpu.dma_semaphore, #tpu.memory_space<semaphore_mem>> -> memref<1x!tpu.dma_semaphore, #tpu.memory_space<semaphore_mem>>
      %dma_start3A_519 = tpu.memref_squeeze %dma_start3A_518 : memref<1x!tpu.dma_semaphore, #tpu.memory_space<semaphore_mem>> -> memref<!tpu.dma_semaphore, #tpu.memory_space<semaphore_mem>>
      tpu.enqueue_indirect_dma source(%dma_start3A_513 : memref<40x128xf32, #tpu.memory_space<vmem>>) target(%dma_start3A_517 : memref<10000x128xf32, #tpu.memory_space<vmem_shared>>) offsets(%dma_start3A_514 : memref<40xi32, #tpu.memory_space<vmem>>) semaphore(%dma_start3A_519 : memref<!tpu.dma_semaphore, #tpu.memory_space<semaphore_mem>>) {add = true}
      %add3A_520 = arith.constant 6 : i32
      %add3A_521 = arith.addi %add3A_491, %add3A_520 : i32
      %lt3A_522 = arith.constant 250 : i32
      %lt3A_523 = arith.cmpi slt, %add3A_521, %lt3A_522 : i32
      %convert_element_type3A_524 = arith.extui %lt3A_523 : i1 to i32
      %cond3A_525 = arith.constant 0 : i32
      %cond3A_526 = arith.cmpi ne, %convert_element_type3A_524, %cond3A_525 : i32
      scf.if %cond3A_526 {
        %mul3A_605 = arith.constant 40 : i32
        %mul3A_606 = arith.muli %add3A_491, %mul3A_605 : i32
        %dma_wait3A_607 = arith.constant 3 : i32
        %dma_wait3A_608 = arith.constant 3 : i32
        %dma_wait3A_609 = arith.constant 0 : i32
        %dma_wait3A_610 = arith.constant 0 : i32
        %dma_wait3A_611 = tpu.memref_slice %arg8[%dma_wait3A_607, %dma_wait3A_609, %dma_wait3A_610] : memref<6x40x128xf32, #tpu.memory_space<vmem>> -> memref<1x40x128xf32, #tpu.memory_space<vmem>>
        %dma_wait3A_612 = tpu.memref_squeeze %dma_wait3A_611 : memref<1x40x128xf32, #tpu.memory_space<vmem>> -> memref<40x128xf32, #tpu.memory_space<vmem>>
        %dma_wait3A_613 = tpu.memref_slice %arg7[%mul3A_606] : memref<10000xi32, #tpu.memory_space<vmem>> -> memref<40xi32, #tpu.memory_space<vmem>>
        %dma_wait3A_614 = arith.constant 0 : i32
        %dma_wait3A_615 = arith.constant 0 : i32
        %dma_wait3A_616 = tpu.memref_slice %arg9[%dma_wait3A_614, %dma_wait3A_615] : memref<10000x128xf32, #tpu.memory_space<vmem_shared>> -> memref<10000x128xf32, #tpu.memory_space<vmem_shared>>
        %dma_wait3A_617 = tpu.memref_slice %arg11[%dma_wait3A_608] : memref<6x!tpu.dma_semaphore, #tpu.memory_space<semaphore_mem>> -> memref<1x!tpu.dma_semaphore, #tpu.memory_space<semaphore_mem>>
        %dma_wait3A_618 = tpu.memref_squeeze %dma_wait3A_617 : memref<1x!tpu.dma_semaphore, #tpu.memory_space<semaphore_mem>> -> memref<!tpu.dma_semaphore, #tpu.memory_space<semaphore_mem>>
        tpu.wait_indirect_dma semaphore(%dma_wait3A_618 : memref<!tpu.dma_semaphore, #tpu.memory_space<semaphore_mem>>) src(%dma_wait3A_612 : memref<40x128xf32, #tpu.memory_space<vmem>>) dst(%dma_wait3A_616 : memref<10000x128xf32, #tpu.memory_space<vmem_shared>>)
        %add3A_619 = arith.constant 6 : i32
        %add3A_620 = arith.addi %add3A_491, %add3A_619 : i32
        %mul3A_621 = arith.constant 40 : i32
        %mul3A_622 = arith.muli %add3A_620, %mul3A_621 : i32
        %dma_start3A_623 = arith.constant 3 : i32
        %dma_start3A_624 = arith.constant 3 : i32
        %dma_start3A_625 = arith.constant 0 : i32
        %dma_start3A_626 = arith.constant 0 : i32
        %dma_start3A_627 = tpu.memref_slice %arg8[%dma_start3A_623, %dma_start3A_625, %dma_start3A_626] : memref<6x40x128xf32, #tpu.memory_space<vmem>> -> memref<1x40x128xf32, #tpu.memory_space<vmem>>
        %dma_start3A_628 = tpu.memref_squeeze %dma_start3A_627 : memref<1x40x128xf32, #tpu.memory_space<vmem>> -> memref<40x128xf32, #tpu.memory_space<vmem>>
        %dma_start3A_629 = tpu.memref_slice %arg6[%mul3A_622] : memref<10000xi32, #tpu.memory_space<vmem>> -> memref<40xi32, #tpu.memory_space<vmem>>
        %dma_start3A_630 = arith.constant 0 : i32
        %dma_start3A_631 = arith.constant 0 : i32
        %dma_start3A_632 = tpu.memref_slice %arg2[%dma_start3A_630, %dma_start3A_631] : memref<100000x128xf32, #tpu.memory_space<hbm>> -> memref<100000x128xf32, #tpu.memory_space<hbm>>
        %dma_start3A_633 = tpu.memref_slice %arg10[%dma_start3A_624] : memref<6x!tpu.dma_semaphore, #tpu.memory_space<semaphore_mem>> -> memref<1x!tpu.dma_semaphore, #tpu.memory_space<semaphore_mem>>
        %dma_start3A_634 = tpu.memref_squeeze %dma_start3A_633 : memref<1x!tpu.dma_semaphore, #tpu.memory_space<semaphore_mem>> -> memref<!tpu.dma_semaphore, #tpu.memory_space<semaphore_mem>>
        tpu.enqueue_indirect_dma source(%dma_start3A_632 : memref<100000x128xf32, #tpu.memory_space<hbm>>) target(%dma_start3A_628 : memref<40x128xf32, #tpu.memory_space<vmem>>) offsets(%dma_start3A_629 : memref<40xi32, #tpu.memory_space<vmem>>) semaphore(%dma_start3A_634 : memref<!tpu.dma_semaphore, #tpu.memory_space<semaphore_mem>>)
      } else {
      }
      %mul3A_527 = arith.constant 6 : i32
      %mul3A_528 = arith.muli %add3A_373, %mul3A_527 : i32
      %add3A_529 = arith.constant 4 : i32
      %add3A_530 = arith.addi %mul3A_528, %add3A_529 : i32
      %mul3A_531 = arith.constant 40 : i32
      %mul3A_532 = arith.muli %add3A_530, %mul3A_531 : i32
      %dma_wait3A_533 = arith.constant 4 : i32
      %dma_wait3A_534 = arith.constant 4 : i32
      %dma_wait3A_535 = arith.constant 0 : i32
      %dma_wait3A_536 = arith.constant 0 : i32
      %dma_wait3A_537 = tpu.memref_slice %arg8[%dma_wait3A_533, %dma_wait3A_535, %dma_wait3A_536] : memref<6x40x128xf32, #tpu.memory_space<vmem>> -> memref<1x40x128xf32, #tpu.memory_space<vmem>>
      %dma_wait3A_538 = tpu.memref_squeeze %dma_wait3A_537 : memref<1x40x128xf32, #tpu.memory_space<vmem>> -> memref<40x128xf32, #tpu.memory_space<vmem>>
      %dma_wait3A_539 = tpu.memref_slice %arg6[%mul3A_532] : memref<10000xi32, #tpu.memory_space<vmem>> -> memref<40xi32, #tpu.memory_space<vmem>>
      %dma_wait3A_540 = arith.constant 0 : i32
      %dma_wait3A_541 = arith.constant 0 : i32
      %dma_wait3A_542 = tpu.memref_slice %arg2[%dma_wait3A_540, %dma_wait3A_541] : memref<100000x128xf32, #tpu.memory_space<hbm>> -> memref<100000x128xf32, #tpu.memory_space<hbm>>
      %dma_wait3A_543 = tpu.memref_slice %arg10[%dma_wait3A_534] : memref<6x!tpu.dma_semaphore, #tpu.memory_space<semaphore_mem>> -> memref<1x!tpu.dma_semaphore, #tpu.memory_space<semaphore_mem>>
      %dma_wait3A_544 = tpu.memref_squeeze %dma_wait3A_543 : memref<1x!tpu.dma_semaphore, #tpu.memory_space<semaphore_mem>> -> memref<!tpu.dma_semaphore, #tpu.memory_space<semaphore_mem>>
      tpu.wait_indirect_dma semaphore(%dma_wait3A_544 : memref<!tpu.dma_semaphore, #tpu.memory_space<semaphore_mem>>) src(%dma_wait3A_542 : memref<100000x128xf32, #tpu.memory_space<hbm>>) dst(%dma_wait3A_538 : memref<40x128xf32, #tpu.memory_space<vmem>>)
      %mul3A_545 = arith.constant 40 : i32
      %mul3A_546 = arith.muli %add3A_530, %mul3A_545 : i32
      %dma_start3A_547 = arith.constant 4 : i32
      %dma_start3A_548 = arith.constant 4 : i32
      %dma_start3A_549 = arith.constant 0 : i32
      %dma_start3A_550 = arith.constant 0 : i32
      %dma_start3A_551 = tpu.memref_slice %arg8[%dma_start3A_547, %dma_start3A_549, %dma_start3A_550] : memref<6x40x128xf32, #tpu.memory_space<vmem>> -> memref<1x40x128xf32, #tpu.memory_space<vmem>>
      %dma_start3A_552 = tpu.memref_squeeze %dma_start3A_551 : memref<1x40x128xf32, #tpu.memory_space<vmem>> -> memref<40x128xf32, #tpu.memory_space<vmem>>
      %dma_start3A_553 = tpu.memref_slice %arg7[%mul3A_546] : memref<10000xi32, #tpu.memory_space<vmem>> -> memref<40xi32, #tpu.memory_space<vmem>>
      %dma_start3A_554 = arith.constant 0 : i32
      %dma_start3A_555 = arith.constant 0 : i32
      %dma_start3A_556 = tpu.memref_slice %arg9[%dma_start3A_554, %dma_start3A_555] : memref<10000x128xf32, #tpu.memory_space<vmem_shared>> -> memref<10000x128xf32, #tpu.memory_space<vmem_shared>>
      %dma_start3A_557 = tpu.memref_slice %arg11[%dma_start3A_548] : memref<6x!tpu.dma_semaphore, #tpu.memory_space<semaphore_mem>> -> memref<1x!tpu.dma_semaphore, #tpu.memory_space<semaphore_mem>>
      %dma_start3A_558 = tpu.memref_squeeze %dma_start3A_557 : memref<1x!tpu.dma_semaphore, #tpu.memory_space<semaphore_mem>> -> memref<!tpu.dma_semaphore, #tpu.memory_space<semaphore_mem>>
      tpu.enqueue_indirect_dma source(%dma_start3A_552 : memref<40x128xf32, #tpu.memory_space<vmem>>) target(%dma_start3A_556 : memref<10000x128xf32, #tpu.memory_space<vmem_shared>>) offsets(%dma_start3A_553 : memref<40xi32, #tpu.memory_space<vmem>>) semaphore(%dma_start3A_558 : memref<!tpu.dma_semaphore, #tpu.memory_space<semaphore_mem>>) {add = true}
      %add3A_559 = arith.constant 6 : i32
      %add3A_560 = arith.addi %add3A_530, %add3A_559 : i32
      %lt3A_561 = arith.constant 250 : i32
      %lt3A_562 = arith.cmpi slt, %add3A_560, %lt3A_561 : i32
      %convert_element_type3A_563 = arith.extui %lt3A_562 : i1 to i32
      %cond3A_564 = arith.constant 0 : i32
      %cond3A_565 = arith.cmpi ne, %convert_element_type3A_563, %cond3A_564 : i32
      scf.if %cond3A_565 {
        %mul3A_605 = arith.constant 40 : i32
        %mul3A_606 = arith.muli %add3A_530, %mul3A_605 : i32
        %dma_wait3A_607 = arith.constant 4 : i32
        %dma_wait3A_608 = arith.constant 4 : i32
        %dma_wait3A_609 = arith.constant 0 : i32
        %dma_wait3A_610 = arith.constant 0 : i32
        %dma_wait3A_611 = tpu.memref_slice %arg8[%dma_wait3A_607, %dma_wait3A_609, %dma_wait3A_610] : memref<6x40x128xf32, #tpu.memory_space<vmem>> -> memref<1x40x128xf32, #tpu.memory_space<vmem>>
        %dma_wait3A_612 = tpu.memref_squeeze %dma_wait3A_611 : memref<1x40x128xf32, #tpu.memory_space<vmem>> -> memref<40x128xf32, #tpu.memory_space<vmem>>
        %dma_wait3A_613 = tpu.memref_slice %arg7[%mul3A_606] : memref<10000xi32, #tpu.memory_space<vmem>> -> memref<40xi32, #tpu.memory_space<vmem>>
        %dma_wait3A_614 = arith.constant 0 : i32
        %dma_wait3A_615 = arith.constant 0 : i32
        %dma_wait3A_616 = tpu.memref_slice %arg9[%dma_wait3A_614, %dma_wait3A_615] : memref<10000x128xf32, #tpu.memory_space<vmem_shared>> -> memref<10000x128xf32, #tpu.memory_space<vmem_shared>>
        %dma_wait3A_617 = tpu.memref_slice %arg11[%dma_wait3A_608] : memref<6x!tpu.dma_semaphore, #tpu.memory_space<semaphore_mem>> -> memref<1x!tpu.dma_semaphore, #tpu.memory_space<semaphore_mem>>
        %dma_wait3A_618 = tpu.memref_squeeze %dma_wait3A_617 : memref<1x!tpu.dma_semaphore, #tpu.memory_space<semaphore_mem>> -> memref<!tpu.dma_semaphore, #tpu.memory_space<semaphore_mem>>
        tpu.wait_indirect_dma semaphore(%dma_wait3A_618 : memref<!tpu.dma_semaphore, #tpu.memory_space<semaphore_mem>>) src(%dma_wait3A_612 : memref<40x128xf32, #tpu.memory_space<vmem>>) dst(%dma_wait3A_616 : memref<10000x128xf32, #tpu.memory_space<vmem_shared>>)
        %add3A_619 = arith.constant 6 : i32
        %add3A_620 = arith.addi %add3A_530, %add3A_619 : i32
        %mul3A_621 = arith.constant 40 : i32
        %mul3A_622 = arith.muli %add3A_620, %mul3A_621 : i32
        %dma_start3A_623 = arith.constant 4 : i32
        %dma_start3A_624 = arith.constant 4 : i32
        %dma_start3A_625 = arith.constant 0 : i32
        %dma_start3A_626 = arith.constant 0 : i32
        %dma_start3A_627 = tpu.memref_slice %arg8[%dma_start3A_623, %dma_start3A_625, %dma_start3A_626] : memref<6x40x128xf32, #tpu.memory_space<vmem>> -> memref<1x40x128xf32, #tpu.memory_space<vmem>>
        %dma_start3A_628 = tpu.memref_squeeze %dma_start3A_627 : memref<1x40x128xf32, #tpu.memory_space<vmem>> -> memref<40x128xf32, #tpu.memory_space<vmem>>
        %dma_start3A_629 = tpu.memref_slice %arg6[%mul3A_622] : memref<10000xi32, #tpu.memory_space<vmem>> -> memref<40xi32, #tpu.memory_space<vmem>>
        %dma_start3A_630 = arith.constant 0 : i32
        %dma_start3A_631 = arith.constant 0 : i32
        %dma_start3A_632 = tpu.memref_slice %arg2[%dma_start3A_630, %dma_start3A_631] : memref<100000x128xf32, #tpu.memory_space<hbm>> -> memref<100000x128xf32, #tpu.memory_space<hbm>>
        %dma_start3A_633 = tpu.memref_slice %arg10[%dma_start3A_624] : memref<6x!tpu.dma_semaphore, #tpu.memory_space<semaphore_mem>> -> memref<1x!tpu.dma_semaphore, #tpu.memory_space<semaphore_mem>>
        %dma_start3A_634 = tpu.memref_squeeze %dma_start3A_633 : memref<1x!tpu.dma_semaphore, #tpu.memory_space<semaphore_mem>> -> memref<!tpu.dma_semaphore, #tpu.memory_space<semaphore_mem>>
        tpu.enqueue_indirect_dma source(%dma_start3A_632 : memref<100000x128xf32, #tpu.memory_space<hbm>>) target(%dma_start3A_628 : memref<40x128xf32, #tpu.memory_space<vmem>>) offsets(%dma_start3A_629 : memref<40xi32, #tpu.memory_space<vmem>>) semaphore(%dma_start3A_634 : memref<!tpu.dma_semaphore, #tpu.memory_space<semaphore_mem>>)
      } else {
      }
      %mul3A_566 = arith.constant 6 : i32
      %mul3A_567 = arith.muli %add3A_373, %mul3A_566 : i32
      %add3A_568 = arith.constant 5 : i32
      %add3A_569 = arith.addi %mul3A_567, %add3A_568 : i32
      %mul3A_570 = arith.constant 40 : i32
      %mul3A_571 = arith.muli %add3A_569, %mul3A_570 : i32
      %dma_wait3A_572 = arith.constant 5 : i32
      %dma_wait3A_573 = arith.constant 5 : i32
      %dma_wait3A_574 = arith.constant 0 : i32
      %dma_wait3A_575 = arith.constant 0 : i32
      %dma_wait3A_576 = tpu.memref_slice %arg8[%dma_wait3A_572, %dma_wait3A_574, %dma_wait3A_575] : memref<6x40x128xf32, #tpu.memory_space<vmem>> -> memref<1x40x128xf32, #tpu.memory_space<vmem>>
      %dma_wait3A_577 = tpu.memref_squeeze %dma_wait3A_576 : memref<1x40x128xf32, #tpu.memory_space<vmem>> -> memref<40x128xf32, #tpu.memory_space<vmem>>
      %dma_wait3A_578 = tpu.memref_slice %arg6[%mul3A_571] : memref<10000xi32, #tpu.memory_space<vmem>> -> memref<40xi32, #tpu.memory_space<vmem>>
      %dma_wait3A_579 = arith.constant 0 : i32
      %dma_wait3A_580 = arith.constant 0 : i32
      %dma_wait3A_581 = tpu.memref_slice %arg2[%dma_wait3A_579, %dma_wait3A_580] : memref<100000x128xf32, #tpu.memory_space<hbm>> -> memref<100000x128xf32, #tpu.memory_space<hbm>>
      %dma_wait3A_582 = tpu.memref_slice %arg10[%dma_wait3A_573] : memref<6x!tpu.dma_semaphore, #tpu.memory_space<semaphore_mem>> -> memref<1x!tpu.dma_semaphore, #tpu.memory_space<semaphore_mem>>
      %dma_wait3A_583 = tpu.memref_squeeze %dma_wait3A_582 : memref<1x!tpu.dma_semaphore, #tpu.memory_space<semaphore_mem>> -> memref<!tpu.dma_semaphore, #tpu.memory_space<semaphore_mem>>
      tpu.wait_indirect_dma semaphore(%dma_wait3A_583 : memref<!tpu.dma_semaphore, #tpu.memory_space<semaphore_mem>>) src(%dma_wait3A_581 : memref<100000x128xf32, #tpu.memory_space<hbm>>) dst(%dma_wait3A_577 : memref<40x128xf32, #tpu.memory_space<vmem>>)
      %mul3A_584 = arith.constant 40 : i32
      %mul3A_585 = arith.muli %add3A_569, %mul3A_584 : i32
      %dma_start3A_586 = arith.constant 5 : i32
      %dma_start3A_587 = arith.constant 5 : i32
      %dma_start3A_588 = arith.constant 0 : i32
      %dma_start3A_589 = arith.constant 0 : i32
      %dma_start3A_590 = tpu.memref_slice %arg8[%dma_start3A_586, %dma_start3A_588, %dma_start3A_589] : memref<6x40x128xf32, #tpu.memory_space<vmem>> -> memref<1x40x128xf32, #tpu.memory_space<vmem>>
      %dma_start3A_591 = tpu.memref_squeeze %dma_start3A_590 : memref<1x40x128xf32, #tpu.memory_space<vmem>> -> memref<40x128xf32, #tpu.memory_space<vmem>>
      %dma_start3A_592 = tpu.memref_slice %arg7[%mul3A_585] : memref<10000xi32, #tpu.memory_space<vmem>> -> memref<40xi32, #tpu.memory_space<vmem>>
      %dma_start3A_593 = arith.constant 0 : i32
      %dma_start3A_594 = arith.constant 0 : i32
      %dma_start3A_595 = tpu.memref_slice %arg9[%dma_start3A_593, %dma_start3A_594] : memref<10000x128xf32, #tpu.memory_space<vmem_shared>> -> memref<10000x128xf32, #tpu.memory_space<vmem_shared>>
      %dma_start3A_596 = tpu.memref_slice %arg11[%dma_start3A_587] : memref<6x!tpu.dma_semaphore, #tpu.memory_space<semaphore_mem>> -> memref<1x!tpu.dma_semaphore, #tpu.memory_space<semaphore_mem>>
      %dma_start3A_597 = tpu.memref_squeeze %dma_start3A_596 : memref<1x!tpu.dma_semaphore, #tpu.memory_space<semaphore_mem>> -> memref<!tpu.dma_semaphore, #tpu.memory_space<semaphore_mem>>
      tpu.enqueue_indirect_dma source(%dma_start3A_591 : memref<40x128xf32, #tpu.memory_space<vmem>>) target(%dma_start3A_595 : memref<10000x128xf32, #tpu.memory_space<vmem_shared>>) offsets(%dma_start3A_592 : memref<40xi32, #tpu.memory_space<vmem>>) semaphore(%dma_start3A_597 : memref<!tpu.dma_semaphore, #tpu.memory_space<semaphore_mem>>) {add = true}
      %add3A_598 = arith.constant 6 : i32
      %add3A_599 = arith.addi %add3A_569, %add3A_598 : i32
      %lt3A_600 = arith.constant 250 : i32
      %lt3A_601 = arith.cmpi slt, %add3A_599, %lt3A_600 : i32
      %convert_element_type3A_602 = arith.extui %lt3A_601 : i1 to i32
      %cond3A_603 = arith.constant 0 : i32
      %cond3A_604 = arith.cmpi ne, %convert_element_type3A_602, %cond3A_603 : i32
      scf.if %cond3A_604 {
        %mul3A_605 = arith.constant 40 : i32
        %mul3A_606 = arith.muli %add3A_569, %mul3A_605 : i32
        %dma_wait3A_607 = arith.constant 5 : i32
        %dma_wait3A_608 = arith.constant 5 : i32
        %dma_wait3A_609 = arith.constant 0 : i32
        %dma_wait3A_610 = arith.constant 0 : i32
        %dma_wait3A_611 = tpu.memref_slice %arg8[%dma_wait3A_607, %dma_wait3A_609, %dma_wait3A_610] : memref<6x40x128xf32, #tpu.memory_space<vmem>> -> memref<1x40x128xf32, #tpu.memory_space<vmem>>
        %dma_wait3A_612 = tpu.memref_squeeze %dma_wait3A_611 : memref<1x40x128xf32, #tpu.memory_space<vmem>> -> memref<40x128xf32, #tpu.memory_space<vmem>>
        %dma_wait3A_613 = tpu.memref_slice %arg7[%mul3A_606] : memref<10000xi32, #tpu.memory_space<vmem>> -> memref<40xi32, #tpu.memory_space<vmem>>
        %dma_wait3A_614 = arith.constant 0 : i32
        %dma_wait3A_615 = arith.constant 0 : i32
        %dma_wait3A_616 = tpu.memref_slice %arg9[%dma_wait3A_614, %dma_wait3A_615] : memref<10000x128xf32, #tpu.memory_space<vmem_shared>> -> memref<10000x128xf32, #tpu.memory_space<vmem_shared>>
        %dma_wait3A_617 = tpu.memref_slice %arg11[%dma_wait3A_608] : memref<6x!tpu.dma_semaphore, #tpu.memory_space<semaphore_mem>> -> memref<1x!tpu.dma_semaphore, #tpu.memory_space<semaphore_mem>>
        %dma_wait3A_618 = tpu.memref_squeeze %dma_wait3A_617 : memref<1x!tpu.dma_semaphore, #tpu.memory_space<semaphore_mem>> -> memref<!tpu.dma_semaphore, #tpu.memory_space<semaphore_mem>>
        tpu.wait_indirect_dma semaphore(%dma_wait3A_618 : memref<!tpu.dma_semaphore, #tpu.memory_space<semaphore_mem>>) src(%dma_wait3A_612 : memref<40x128xf32, #tpu.memory_space<vmem>>) dst(%dma_wait3A_616 : memref<10000x128xf32, #tpu.memory_space<vmem_shared>>)
        %add3A_619 = arith.constant 6 : i32
        %add3A_620 = arith.addi %add3A_569, %add3A_619 : i32
        %mul3A_621 = arith.constant 40 : i32
        %mul3A_622 = arith.muli %add3A_620, %mul3A_621 : i32
        %dma_start3A_623 = arith.constant 5 : i32
        %dma_start3A_624 = arith.constant 5 : i32
        %dma_start3A_625 = arith.constant 0 : i32
        %dma_start3A_626 = arith.constant 0 : i32
        %dma_start3A_627 = tpu.memref_slice %arg8[%dma_start3A_623, %dma_start3A_625, %dma_start3A_626] : memref<6x40x128xf32, #tpu.memory_space<vmem>> -> memref<1x40x128xf32, #tpu.memory_space<vmem>>
        %dma_start3A_628 = tpu.memref_squeeze %dma_start3A_627 : memref<1x40x128xf32, #tpu.memory_space<vmem>> -> memref<40x128xf32, #tpu.memory_space<vmem>>
        %dma_start3A_629 = tpu.memref_slice %arg6[%mul3A_622] : memref<10000xi32, #tpu.memory_space<vmem>> -> memref<40xi32, #tpu.memory_space<vmem>>
        %dma_start3A_630 = arith.constant 0 : i32
        %dma_start3A_631 = arith.constant 0 : i32
        %dma_start3A_632 = tpu.memref_slice %arg2[%dma_start3A_630, %dma_start3A_631] : memref<100000x128xf32, #tpu.memory_space<hbm>> -> memref<100000x128xf32, #tpu.memory_space<hbm>>
        %dma_start3A_633 = tpu.memref_slice %arg10[%dma_start3A_624] : memref<6x!tpu.dma_semaphore, #tpu.memory_space<semaphore_mem>> -> memref<1x!tpu.dma_semaphore, #tpu.memory_space<semaphore_mem>>
        %dma_start3A_634 = tpu.memref_squeeze %dma_start3A_633 : memref<1x!tpu.dma_semaphore, #tpu.memory_space<semaphore_mem>> -> memref<!tpu.dma_semaphore, #tpu.memory_space<semaphore_mem>>
        tpu.enqueue_indirect_dma source(%dma_start3A_632 : memref<100000x128xf32, #tpu.memory_space<hbm>>) target(%dma_start3A_628 : memref<40x128xf32, #tpu.memory_space<vmem>>) offsets(%dma_start3A_629 : memref<40xi32, #tpu.memory_space<vmem>>) semaphore(%dma_start3A_634 : memref<!tpu.dma_semaphore, #tpu.memory_space<semaphore_mem>>)
      } else {
      }
    }
    %scan3A_149 = arith.constant 41 : i32
    %dma_wait3A_150 = arith.constant 0 : i32
    %dma_wait3A_151 = arith.constant 0 : i32
    %dma_wait3A_152 = arith.constant 0 : i32
    %dma_wait3A_153 = arith.constant 0 : i32
    %dma_wait3A_154 = tpu.memref_slice %arg8[%dma_wait3A_150, %dma_wait3A_152, %dma_wait3A_153] : memref<6x40x128xf32, #tpu.memory_space<vmem>> -> memref<1x40x128xf32, #tpu.memory_space<vmem>>
    %dma_wait3A_155 = tpu.memref_squeeze %dma_wait3A_154 : memref<1x40x128xf32, #tpu.memory_space<vmem>> -> memref<40x128xf32, #tpu.memory_space<vmem>>
    %dma_wait3A_156 = arith.constant 9840 : i32
    %dma_wait3A_157 = tpu.memref_slice %arg6[%dma_wait3A_156] : memref<10000xi32, #tpu.memory_space<vmem>> -> memref<40xi32, #tpu.memory_space<vmem>>
    %dma_wait3A_158 = arith.constant 0 : i32
    %dma_wait3A_159 = arith.constant 0 : i32
    %dma_wait3A_160 = tpu.memref_slice %arg2[%dma_wait3A_158, %dma_wait3A_159] : memref<100000x128xf32, #tpu.memory_space<hbm>> -> memref<100000x128xf32, #tpu.memory_space<hbm>>
    %dma_wait3A_161 = tpu.memref_slice %arg10[%dma_wait3A_151] : memref<6x!tpu.dma_semaphore, #tpu.memory_space<semaphore_mem>> -> memref<1x!tpu.dma_semaphore, #tpu.memory_space<semaphore_mem>>
    %dma_wait3A_162 = tpu.memref_squeeze %dma_wait3A_161 : memref<1x!tpu.dma_semaphore, #tpu.memory_space<semaphore_mem>> -> memref<!tpu.dma_semaphore, #tpu.memory_space<semaphore_mem>>
    tpu.wait_indirect_dma semaphore(%dma_wait3A_162 : memref<!tpu.dma_semaphore, #tpu.memory_space<semaphore_mem>>) src(%dma_wait3A_160 : memref<100000x128xf32, #tpu.memory_space<hbm>>) dst(%dma_wait3A_155 : memref<40x128xf32, #tpu.memory_space<vmem>>)
    %dma_start3A_163 = arith.constant 0 : i32
    %dma_start3A_164 = arith.constant 0 : i32
    %dma_start3A_165 = arith.constant 0 : i32
    %dma_start3A_166 = arith.constant 0 : i32
    %dma_start3A_167 = tpu.memref_slice %arg8[%dma_start3A_163, %dma_start3A_165, %dma_start3A_166] : memref<6x40x128xf32, #tpu.memory_space<vmem>> -> memref<1x40x128xf32, #tpu.memory_space<vmem>>
    %dma_start3A_168 = tpu.memref_squeeze %dma_start3A_167 : memref<1x40x128xf32, #tpu.memory_space<vmem>> -> memref<40x128xf32, #tpu.memory_space<vmem>>
    %dma_start3A_169 = arith.constant 9840 : i32
    %dma_start3A_170 = tpu.memref_slice %arg7[%dma_start3A_169] : memref<10000xi32, #tpu.memory_space<vmem>> -> memref<40xi32, #tpu.memory_space<vmem>>
    %dma_start3A_171 = arith.constant 0 : i32
    %dma_start3A_172 = arith.constant 0 : i32
    %dma_start3A_173 = tpu.memref_slice %arg9[%dma_start3A_171, %dma_start3A_172] : memref<10000x128xf32, #tpu.memory_space<vmem_shared>> -> memref<10000x128xf32, #tpu.memory_space<vmem_shared>>
    %dma_start3A_174 = tpu.memref_slice %arg11[%dma_start3A_164] : memref<6x!tpu.dma_semaphore, #tpu.memory_space<semaphore_mem>> -> memref<1x!tpu.dma_semaphore, #tpu.memory_space<semaphore_mem>>
    %dma_start3A_175 = tpu.memref_squeeze %dma_start3A_174 : memref<1x!tpu.dma_semaphore, #tpu.memory_space<semaphore_mem>> -> memref<!tpu.dma_semaphore, #tpu.memory_space<semaphore_mem>>
    tpu.enqueue_indirect_dma source(%dma_start3A_168 : memref<40x128xf32, #tpu.memory_space<vmem>>) target(%dma_start3A_173 : memref<10000x128xf32, #tpu.memory_space<vmem_shared>>) offsets(%dma_start3A_170 : memref<40xi32, #tpu.memory_space<vmem>>) semaphore(%dma_start3A_175 : memref<!tpu.dma_semaphore, #tpu.memory_space<semaphore_mem>>) {add = true}
    %dma_wait3A_176 = arith.constant 1 : i32
    %dma_wait3A_177 = arith.constant 1 : i32
    %dma_wait3A_178 = arith.constant 0 : i32
    %dma_wait3A_179 = arith.constant 0 : i32
    %dma_wait3A_180 = tpu.memref_slice %arg8[%dma_wait3A_176, %dma_wait3A_178, %dma_wait3A_179] : memref<6x40x128xf32, #tpu.memory_space<vmem>> -> memref<1x40x128xf32, #tpu.memory_space<vmem>>
    %dma_wait3A_181 = tpu.memref_squeeze %dma_wait3A_180 : memref<1x40x128xf32, #tpu.memory_space<vmem>> -> memref<40x128xf32, #tpu.memory_space<vmem>>
    %dma_wait3A_182 = arith.constant 9880 : i32
    %dma_wait3A_183 = tpu.memref_slice %arg6[%dma_wait3A_182] : memref<10000xi32, #tpu.memory_space<vmem>> -> memref<40xi32, #tpu.memory_space<vmem>>
    %dma_wait3A_184 = arith.constant 0 : i32
    %dma_wait3A_185 = arith.constant 0 : i32
    %dma_wait3A_186 = tpu.memref_slice %arg2[%dma_wait3A_184, %dma_wait3A_185] : memref<100000x128xf32, #tpu.memory_space<hbm>> -> memref<100000x128xf32, #tpu.memory_space<hbm>>
    %dma_wait3A_187 = tpu.memref_slice %arg10[%dma_wait3A_177] : memref<6x!tpu.dma_semaphore, #tpu.memory_space<semaphore_mem>> -> memref<1x!tpu.dma_semaphore, #tpu.memory_space<semaphore_mem>>
    %dma_wait3A_188 = tpu.memref_squeeze %dma_wait3A_187 : memref<1x!tpu.dma_semaphore, #tpu.memory_space<semaphore_mem>> -> memref<!tpu.dma_semaphore, #tpu.memory_space<semaphore_mem>>
    tpu.wait_indirect_dma semaphore(%dma_wait3A_188 : memref<!tpu.dma_semaphore, #tpu.memory_space<semaphore_mem>>) src(%dma_wait3A_186 : memref<100000x128xf32, #tpu.memory_space<hbm>>) dst(%dma_wait3A_181 : memref<40x128xf32, #tpu.memory_space<vmem>>)
    %dma_start3A_189 = arith.constant 1 : i32
    %dma_start3A_190 = arith.constant 1 : i32
    %dma_start3A_191 = arith.constant 0 : i32
    %dma_start3A_192 = arith.constant 0 : i32
    %dma_start3A_193 = tpu.memref_slice %arg8[%dma_start3A_189, %dma_start3A_191, %dma_start3A_192] : memref<6x40x128xf32, #tpu.memory_space<vmem>> -> memref<1x40x128xf32, #tpu.memory_space<vmem>>
    %dma_start3A_194 = tpu.memref_squeeze %dma_start3A_193 : memref<1x40x128xf32, #tpu.memory_space<vmem>> -> memref<40x128xf32, #tpu.memory_space<vmem>>
    %dma_start3A_195 = arith.constant 9880 : i32
    %dma_start3A_196 = tpu.memref_slice %arg7[%dma_start3A_195] : memref<10000xi32, #tpu.memory_space<vmem>> -> memref<40xi32, #tpu.memory_space<vmem>>
    %dma_start3A_197 = arith.constant 0 : i32
    %dma_start3A_198 = arith.constant 0 : i32
    %dma_start3A_199 = tpu.memref_slice %arg9[%dma_start3A_197, %dma_start3A_198] : memref<10000x128xf32, #tpu.memory_space<vmem_shared>> -> memref<10000x128xf32, #tpu.memory_space<vmem_shared>>
    %dma_start3A_200 = tpu.memref_slice %arg11[%dma_start3A_190] : memref<6x!tpu.dma_semaphore, #tpu.memory_space<semaphore_mem>> -> memref<1x!tpu.dma_semaphore, #tpu.memory_space<semaphore_mem>>
    %dma_start3A_201 = tpu.memref_squeeze %dma_start3A_200 : memref<1x!tpu.dma_semaphore, #tpu.memory_space<semaphore_mem>> -> memref<!tpu.dma_semaphore, #tpu.memory_space<semaphore_mem>>
    tpu.enqueue_indirect_dma source(%dma_start3A_194 : memref<40x128xf32, #tpu.memory_space<vmem>>) target(%dma_start3A_199 : memref<10000x128xf32, #tpu.memory_space<vmem_shared>>) offsets(%dma_start3A_196 : memref<40xi32, #tpu.memory_space<vmem>>) semaphore(%dma_start3A_201 : memref<!tpu.dma_semaphore, #tpu.memory_space<semaphore_mem>>) {add = true}
    %dma_wait3A_202 = arith.constant 2 : i32
    %dma_wait3A_203 = arith.constant 2 : i32
    %dma_wait3A_204 = arith.constant 0 : i32
    %dma_wait3A_205 = arith.constant 0 : i32
    %dma_wait3A_206 = tpu.memref_slice %arg8[%dma_wait3A_202, %dma_wait3A_204, %dma_wait3A_205] : memref<6x40x128xf32, #tpu.memory_space<vmem>> -> memref<1x40x128xf32, #tpu.memory_space<vmem>>
    %dma_wait3A_207 = tpu.memref_squeeze %dma_wait3A_206 : memref<1x40x128xf32, #tpu.memory_space<vmem>> -> memref<40x128xf32, #tpu.memory_space<vmem>>
    %dma_wait3A_208 = arith.constant 9920 : i32
    %dma_wait3A_209 = tpu.memref_slice %arg6[%dma_wait3A_208] : memref<10000xi32, #tpu.memory_space<vmem>> -> memref<40xi32, #tpu.memory_space<vmem>>
    %dma_wait3A_210 = arith.constant 0 : i32
    %dma_wait3A_211 = arith.constant 0 : i32
    %dma_wait3A_212 = tpu.memref_slice %arg2[%dma_wait3A_210, %dma_wait3A_211] : memref<100000x128xf32, #tpu.memory_space<hbm>> -> memref<100000x128xf32, #tpu.memory_space<hbm>>
    %dma_wait3A_213 = tpu.memref_slice %arg10[%dma_wait3A_203] : memref<6x!tpu.dma_semaphore, #tpu.memory_space<semaphore_mem>> -> memref<1x!tpu.dma_semaphore, #tpu.memory_space<semaphore_mem>>
    %dma_wait3A_214 = tpu.memref_squeeze %dma_wait3A_213 : memref<1x!tpu.dma_semaphore, #tpu.memory_space<semaphore_mem>> -> memref<!tpu.dma_semaphore, #tpu.memory_space<semaphore_mem>>
    tpu.wait_indirect_dma semaphore(%dma_wait3A_214 : memref<!tpu.dma_semaphore, #tpu.memory_space<semaphore_mem>>) src(%dma_wait3A_212 : memref<100000x128xf32, #tpu.memory_space<hbm>>) dst(%dma_wait3A_207 : memref<40x128xf32, #tpu.memory_space<vmem>>)
    %dma_start3A_215 = arith.constant 2 : i32
    %dma_start3A_216 = arith.constant 2 : i32
    %dma_start3A_217 = arith.constant 0 : i32
    %dma_start3A_218 = arith.constant 0 : i32
    %dma_start3A_219 = tpu.memref_slice %arg8[%dma_start3A_215, %dma_start3A_217, %dma_start3A_218] : memref<6x40x128xf32, #tpu.memory_space<vmem>> -> memref<1x40x128xf32, #tpu.memory_space<vmem>>
    %dma_start3A_220 = tpu.memref_squeeze %dma_start3A_219 : memref<1x40x128xf32, #tpu.memory_space<vmem>> -> memref<40x128xf32, #tpu.memory_space<vmem>>
    %dma_start3A_221 = arith.constant 9920 : i32
    %dma_start3A_222 = tpu.memref_slice %arg7[%dma_start3A_221] : memref<10000xi32, #tpu.memory_space<vmem>> -> memref<40xi32, #tpu.memory_space<vmem>>
    %dma_start3A_223 = arith.constant 0 : i32
    %dma_start3A_224 = arith.constant 0 : i32
    %dma_start3A_225 = tpu.memref_slice %arg9[%dma_start3A_223, %dma_start3A_224] : memref<10000x128xf32, #tpu.memory_space<vmem_shared>> -> memref<10000x128xf32, #tpu.memory_space<vmem_shared>>
    %dma_start3A_226 = tpu.memref_slice %arg11[%dma_start3A_216] : memref<6x!tpu.dma_semaphore, #tpu.memory_space<semaphore_mem>> -> memref<1x!tpu.dma_semaphore, #tpu.memory_space<semaphore_mem>>
    %dma_start3A_227 = tpu.memref_squeeze %dma_start3A_226 : memref<1x!tpu.dma_semaphore, #tpu.memory_space<semaphore_mem>> -> memref<!tpu.dma_semaphore, #tpu.memory_space<semaphore_mem>>
    tpu.enqueue_indirect_dma source(%dma_start3A_220 : memref<40x128xf32, #tpu.memory_space<vmem>>) target(%dma_start3A_225 : memref<10000x128xf32, #tpu.memory_space<vmem_shared>>) offsets(%dma_start3A_222 : memref<40xi32, #tpu.memory_space<vmem>>) semaphore(%dma_start3A_227 : memref<!tpu.dma_semaphore, #tpu.memory_space<semaphore_mem>>) {add = true}
    %dma_wait3A_228 = arith.constant 3 : i32
    %dma_wait3A_229 = arith.constant 3 : i32
    %dma_wait3A_230 = arith.constant 0 : i32
    %dma_wait3A_231 = arith.constant 0 : i32
    %dma_wait3A_232 = tpu.memref_slice %arg8[%dma_wait3A_228, %dma_wait3A_230, %dma_wait3A_231] : memref<6x40x128xf32, #tpu.memory_space<vmem>> -> memref<1x40x128xf32, #tpu.memory_space<vmem>>
    %dma_wait3A_233 = tpu.memref_squeeze %dma_wait3A_232 : memref<1x40x128xf32, #tpu.memory_space<vmem>> -> memref<40x128xf32, #tpu.memory_space<vmem>>
    %dma_wait3A_234 = arith.constant 9960 : i32
    %dma_wait3A_235 = tpu.memref_slice %arg6[%dma_wait3A_234] : memref<10000xi32, #tpu.memory_space<vmem>> -> memref<40xi32, #tpu.memory_space<vmem>>
    %dma_wait3A_236 = arith.constant 0 : i32
    %dma_wait3A_237 = arith.constant 0 : i32
    %dma_wait3A_238 = tpu.memref_slice %arg2[%dma_wait3A_236, %dma_wait3A_237] : memref<100000x128xf32, #tpu.memory_space<hbm>> -> memref<100000x128xf32, #tpu.memory_space<hbm>>
    %dma_wait3A_239 = tpu.memref_slice %arg10[%dma_wait3A_229] : memref<6x!tpu.dma_semaphore, #tpu.memory_space<semaphore_mem>> -> memref<1x!tpu.dma_semaphore, #tpu.memory_space<semaphore_mem>>
    %dma_wait3A_240 = tpu.memref_squeeze %dma_wait3A_239 : memref<1x!tpu.dma_semaphore, #tpu.memory_space<semaphore_mem>> -> memref<!tpu.dma_semaphore, #tpu.memory_space<semaphore_mem>>
    tpu.wait_indirect_dma semaphore(%dma_wait3A_240 : memref<!tpu.dma_semaphore, #tpu.memory_space<semaphore_mem>>) src(%dma_wait3A_238 : memref<100000x128xf32, #tpu.memory_space<hbm>>) dst(%dma_wait3A_233 : memref<40x128xf32, #tpu.memory_space<vmem>>)
    %dma_start3A_241 = arith.constant 3 : i32
    %dma_start3A_242 = arith.constant 3 : i32
    %dma_start3A_243 = arith.constant 0 : i32
    %dma_start3A_244 = arith.constant 0 : i32
    %dma_start3A_245 = tpu.memref_slice %arg8[%dma_start3A_241, %dma_start3A_243, %dma_start3A_244] : memref<6x40x128xf32, #tpu.memory_space<vmem>> -> memref<1x40x128xf32, #tpu.memory_space<vmem>>
    %dma_start3A_246 = tpu.memref_squeeze %dma_start3A_245 : memref<1x40x128xf32, #tpu.memory_space<vmem>> -> memref<40x128xf32, #tpu.memory_space<vmem>>
    %dma_start3A_247 = arith.constant 9960 : i32
    %dma_start3A_248 = tpu.memref_slice %arg7[%dma_start3A_247] : memref<10000xi32, #tpu.memory_space<vmem>> -> memref<40xi32, #tpu.memory_space<vmem>>
    %dma_start3A_249 = arith.constant 0 : i32
    %dma_start3A_250 = arith.constant 0 : i32
    %dma_start3A_251 = tpu.memref_slice %arg9[%dma_start3A_249, %dma_start3A_250] : memref<10000x128xf32, #tpu.memory_space<vmem_shared>> -> memref<10000x128xf32, #tpu.memory_space<vmem_shared>>
    %dma_start3A_252 = tpu.memref_slice %arg11[%dma_start3A_242] : memref<6x!tpu.dma_semaphore, #tpu.memory_space<semaphore_mem>> -> memref<1x!tpu.dma_semaphore, #tpu.memory_space<semaphore_mem>>
    %dma_start3A_253 = tpu.memref_squeeze %dma_start3A_252 : memref<1x!tpu.dma_semaphore, #tpu.memory_space<semaphore_mem>> -> memref<!tpu.dma_semaphore, #tpu.memory_space<semaphore_mem>>
    tpu.enqueue_indirect_dma source(%dma_start3A_246 : memref<40x128xf32, #tpu.memory_space<vmem>>) target(%dma_start3A_251 : memref<10000x128xf32, #tpu.memory_space<vmem_shared>>) offsets(%dma_start3A_248 : memref<40xi32, #tpu.memory_space<vmem>>) semaphore(%dma_start3A_253 : memref<!tpu.dma_semaphore, #tpu.memory_space<semaphore_mem>>) {add = true}
    %dma_wait3A_254 = arith.constant 0 : i32
    %dma_wait3A_255 = arith.constant 0 : i32
    %dma_wait3A_256 = arith.constant 0 : i32
    %dma_wait3A_257 = arith.constant 0 : i32
    %dma_wait3A_258 = tpu.memref_slice %arg8[%dma_wait3A_254, %dma_wait3A_256, %dma_wait3A_257] : memref<6x40x128xf32, #tpu.memory_space<vmem>> -> memref<1x40x128xf32, #tpu.memory_space<vmem>>
    %dma_wait3A_259 = tpu.memref_squeeze %dma_wait3A_258 : memref<1x40x128xf32, #tpu.memory_space<vmem>> -> memref<40x128xf32, #tpu.memory_space<vmem>>
    %dma_wait3A_260 = arith.constant 9840 : i32
    %dma_wait3A_261 = tpu.memref_slice %arg7[%dma_wait3A_260] : memref<10000xi32, #tpu.memory_space<vmem>> -> memref<40xi32, #tpu.memory_space<vmem>>
    %dma_wait3A_262 = arith.constant 0 : i32
    %dma_wait3A_263 = arith.constant 0 : i32
    %dma_wait3A_264 = tpu.memref_slice %arg9[%dma_wait3A_262, %dma_wait3A_263] : memref<10000x128xf32, #tpu.memory_space<vmem_shared>> -> memref<10000x128xf32, #tpu.memory_space<vmem_shared>>
    %dma_wait3A_265 = tpu.memref_slice %arg11[%dma_wait3A_255] : memref<6x!tpu.dma_semaphore, #tpu.memory_space<semaphore_mem>> -> memref<1x!tpu.dma_semaphore, #tpu.memory_space<semaphore_mem>>
    %dma_wait3A_266 = tpu.memref_squeeze %dma_wait3A_265 : memref<1x!tpu.dma_semaphore, #tpu.memory_space<semaphore_mem>> -> memref<!tpu.dma_semaphore, #tpu.memory_space<semaphore_mem>>
    tpu.wait_indirect_dma semaphore(%dma_wait3A_266 : memref<!tpu.dma_semaphore, #tpu.memory_space<semaphore_mem>>) src(%dma_wait3A_259 : memref<40x128xf32, #tpu.memory_space<vmem>>) dst(%dma_wait3A_264 : memref<10000x128xf32, #tpu.memory_space<vmem_shared>>)
    %dma_wait3A_267 = arith.constant 1 : i32
    %dma_wait3A_268 = arith.constant 1 : i32
    %dma_wait3A_269 = arith.constant 0 : i32
    %dma_wait3A_270 = arith.constant 0 : i32
    %dma_wait3A_271 = tpu.memref_slice %arg8[%dma_wait3A_267, %dma_wait3A_269, %dma_wait3A_270] : memref<6x40x128xf32, #tpu.memory_space<vmem>> -> memref<1x40x128xf32, #tpu.memory_space<vmem>>
    %dma_wait3A_272 = tpu.memref_squeeze %dma_wait3A_271 : memref<1x40x128xf32, #tpu.memory_space<vmem>> -> memref<40x128xf32, #tpu.memory_space<vmem>>
    %dma_wait3A_273 = arith.constant 9880 : i32
    %dma_wait3A_274 = tpu.memref_slice %arg7[%dma_wait3A_273] : memref<10000xi32, #tpu.memory_space<vmem>> -> memref<40xi32, #tpu.memory_space<vmem>>
    %dma_wait3A_275 = arith.constant 0 : i32
    %dma_wait3A_276 = arith.constant 0 : i32
    %dma_wait3A_277 = tpu.memref_slice %arg9[%dma_wait3A_275, %dma_wait3A_276] : memref<10000x128xf32, #tpu.memory_space<vmem_shared>> -> memref<10000x128xf32, #tpu.memory_space<vmem_shared>>
    %dma_wait3A_278 = tpu.memref_slice %arg11[%dma_wait3A_268] : memref<6x!tpu.dma_semaphore, #tpu.memory_space<semaphore_mem>> -> memref<1x!tpu.dma_semaphore, #tpu.memory_space<semaphore_mem>>
    %dma_wait3A_279 = tpu.memref_squeeze %dma_wait3A_278 : memref<1x!tpu.dma_semaphore, #tpu.memory_space<semaphore_mem>> -> memref<!tpu.dma_semaphore, #tpu.memory_space<semaphore_mem>>
    tpu.wait_indirect_dma semaphore(%dma_wait3A_279 : memref<!tpu.dma_semaphore, #tpu.memory_space<semaphore_mem>>) src(%dma_wait3A_272 : memref<40x128xf32, #tpu.memory_space<vmem>>) dst(%dma_wait3A_277 : memref<10000x128xf32, #tpu.memory_space<vmem_shared>>)
    %dma_wait3A_280 = arith.constant 2 : i32
    %dma_wait3A_281 = arith.constant 2 : i32
    %dma_wait3A_282 = arith.constant 0 : i32
    %dma_wait3A_283 = arith.constant 0 : i32
    %dma_wait3A_284 = tpu.memref_slice %arg8[%dma_wait3A_280, %dma_wait3A_282, %dma_wait3A_283] : memref<6x40x128xf32, #tpu.memory_space<vmem>> -> memref<1x40x128xf32, #tpu.memory_space<vmem>>
    %dma_wait3A_285 = tpu.memref_squeeze %dma_wait3A_284 : memref<1x40x128xf32, #tpu.memory_space<vmem>> -> memref<40x128xf32, #tpu.memory_space<vmem>>
    %dma_wait3A_286 = arith.constant 9920 : i32
    %dma_wait3A_287 = tpu.memref_slice %arg7[%dma_wait3A_286] : memref<10000xi32, #tpu.memory_space<vmem>> -> memref<40xi32, #tpu.memory_space<vmem>>
    %dma_wait3A_288 = arith.constant 0 : i32
    %dma_wait3A_289 = arith.constant 0 : i32
    %dma_wait3A_290 = tpu.memref_slice %arg9[%dma_wait3A_288, %dma_wait3A_289] : memref<10000x128xf32, #tpu.memory_space<vmem_shared>> -> memref<10000x128xf32, #tpu.memory_space<vmem_shared>>
    %dma_wait3A_291 = tpu.memref_slice %arg11[%dma_wait3A_281] : memref<6x!tpu.dma_semaphore, #tpu.memory_space<semaphore_mem>> -> memref<1x!tpu.dma_semaphore, #tpu.memory_space<semaphore_mem>>
    %dma_wait3A_292 = tpu.memref_squeeze %dma_wait3A_291 : memref<1x!tpu.dma_semaphore, #tpu.memory_space<semaphore_mem>> -> memref<!tpu.dma_semaphore, #tpu.memory_space<semaphore_mem>>
    tpu.wait_indirect_dma semaphore(%dma_wait3A_292 : memref<!tpu.dma_semaphore, #tpu.memory_space<semaphore_mem>>) src(%dma_wait3A_285 : memref<40x128xf32, #tpu.memory_space<vmem>>) dst(%dma_wait3A_290 : memref<10000x128xf32, #tpu.memory_space<vmem_shared>>)
    %dma_wait3A_293 = arith.constant 3 : i32
    %dma_wait3A_294 = arith.constant 3 : i32
    %dma_wait3A_295 = arith.constant 0 : i32
    %dma_wait3A_296 = arith.constant 0 : i32
    %dma_wait3A_297 = tpu.memref_slice %arg8[%dma_wait3A_293, %dma_wait3A_295, %dma_wait3A_296] : memref<6x40x128xf32, #tpu.memory_space<vmem>> -> memref<1x40x128xf32, #tpu.memory_space<vmem>>
    %dma_wait3A_298 = tpu.memref_squeeze %dma_wait3A_297 : memref<1x40x128xf32, #tpu.memory_space<vmem>> -> memref<40x128xf32, #tpu.memory_space<vmem>>
    %dma_wait3A_299 = arith.constant 9960 : i32
    %dma_wait3A_300 = tpu.memref_slice %arg7[%dma_wait3A_299] : memref<10000xi32, #tpu.memory_space<vmem>> -> memref<40xi32, #tpu.memory_space<vmem>>
    %dma_wait3A_301 = arith.constant 0 : i32
    %dma_wait3A_302 = arith.constant 0 : i32
    %dma_wait3A_303 = tpu.memref_slice %arg9[%dma_wait3A_301, %dma_wait3A_302] : memref<10000x128xf32, #tpu.memory_space<vmem_shared>> -> memref<10000x128xf32, #tpu.memory_space<vmem_shared>>
    %dma_wait3A_304 = tpu.memref_slice %arg11[%dma_wait3A_294] : memref<6x!tpu.dma_semaphore, #tpu.memory_space<semaphore_mem>> -> memref<1x!tpu.dma_semaphore, #tpu.memory_space<semaphore_mem>>
    %dma_wait3A_305 = tpu.memref_squeeze %dma_wait3A_304 : memref<1x!tpu.dma_semaphore, #tpu.memory_space<semaphore_mem>> -> memref<!tpu.dma_semaphore, #tpu.memory_space<semaphore_mem>>
    tpu.wait_indirect_dma semaphore(%dma_wait3A_305 : memref<!tpu.dma_semaphore, #tpu.memory_space<semaphore_mem>>) src(%dma_wait3A_298 : memref<40x128xf32, #tpu.memory_space<vmem>>) dst(%dma_wait3A_303 : memref<10000x128xf32, #tpu.memory_space<vmem_shared>>)
    %dma_wait3A_306 = arith.constant 4 : i32
    %dma_wait3A_307 = arith.constant 4 : i32
    %dma_wait3A_308 = arith.constant 0 : i32
    %dma_wait3A_309 = arith.constant 0 : i32
    %dma_wait3A_310 = tpu.memref_slice %arg8[%dma_wait3A_306, %dma_wait3A_308, %dma_wait3A_309] : memref<6x40x128xf32, #tpu.memory_space<vmem>> -> memref<1x40x128xf32, #tpu.memory_space<vmem>>
    %dma_wait3A_311 = tpu.memref_squeeze %dma_wait3A_310 : memref<1x40x128xf32, #tpu.memory_space<vmem>> -> memref<40x128xf32, #tpu.memory_space<vmem>>
    %dma_wait3A_312 = arith.constant 9760 : i32
    %dma_wait3A_313 = tpu.memref_slice %arg7[%dma_wait3A_312] : memref<10000xi32, #tpu.memory_space<vmem>> -> memref<40xi32, #tpu.memory_space<vmem>>
    %dma_wait3A_314 = arith.constant 0 : i32
    %dma_wait3A_315 = arith.constant 0 : i32
    %dma_wait3A_316 = tpu.memref_slice %arg9[%dma_wait3A_314, %dma_wait3A_315] : memref<10000x128xf32, #tpu.memory_space<vmem_shared>> -> memref<10000x128xf32, #tpu.memory_space<vmem_shared>>
    %dma_wait3A_317 = tpu.memref_slice %arg11[%dma_wait3A_307] : memref<6x!tpu.dma_semaphore, #tpu.memory_space<semaphore_mem>> -> memref<1x!tpu.dma_semaphore, #tpu.memory_space<semaphore_mem>>
    %dma_wait3A_318 = tpu.memref_squeeze %dma_wait3A_317 : memref<1x!tpu.dma_semaphore, #tpu.memory_space<semaphore_mem>> -> memref<!tpu.dma_semaphore, #tpu.memory_space<semaphore_mem>>
    tpu.wait_indirect_dma semaphore(%dma_wait3A_318 : memref<!tpu.dma_semaphore, #tpu.memory_space<semaphore_mem>>) src(%dma_wait3A_311 : memref<40x128xf32, #tpu.memory_space<vmem>>) dst(%dma_wait3A_316 : memref<10000x128xf32, #tpu.memory_space<vmem_shared>>)
    %dma_wait3A_319 = arith.constant 5 : i32
    %dma_wait3A_320 = arith.constant 5 : i32
    %dma_wait3A_321 = arith.constant 0 : i32
    %dma_wait3A_322 = arith.constant 0 : i32
    %dma_wait3A_323 = tpu.memref_slice %arg8[%dma_wait3A_319, %dma_wait3A_321, %dma_wait3A_322] : memref<6x40x128xf32, #tpu.memory_space<vmem>> -> memref<1x40x128xf32, #tpu.memory_space<vmem>>
    %dma_wait3A_324 = tpu.memref_squeeze %dma_wait3A_323 : memref<1x40x128xf32, #tpu.memory_space<vmem>> -> memref<40x128xf32, #tpu.memory_space<vmem>>
    %dma_wait3A_325 = arith.constant 9800 : i32
    %dma_wait3A_326 = tpu.memref_slice %arg7[%dma_wait3A_325] : memref<10000xi32, #tpu.memory_space<vmem>> -> memref<40xi32, #tpu.memory_space<vmem>>
    %dma_wait3A_327 = arith.constant 0 : i32
    %dma_wait3A_328 = arith.constant 0 : i32
    %dma_wait3A_329 = tpu.memref_slice %arg9[%dma_wait3A_327, %dma_wait3A_328] : memref<10000x128xf32, #tpu.memory_space<vmem_shared>> -> memref<10000x128xf32, #tpu.memory_space<vmem_shared>>
    %dma_wait3A_330 = tpu.memref_slice %arg11[%dma_wait3A_320] : memref<6x!tpu.dma_semaphore, #tpu.memory_space<semaphore_mem>> -> memref<1x!tpu.dma_semaphore, #tpu.memory_space<semaphore_mem>>
    %dma_wait3A_331 = tpu.memref_squeeze %dma_wait3A_330 : memref<1x!tpu.dma_semaphore, #tpu.memory_space<semaphore_mem>> -> memref<!tpu.dma_semaphore, #tpu.memory_space<semaphore_mem>>
    tpu.wait_indirect_dma semaphore(%dma_wait3A_331 : memref<!tpu.dma_semaphore, #tpu.memory_space<semaphore_mem>>) src(%dma_wait3A_324 : memref<40x128xf32, #tpu.memory_space<vmem>>) dst(%dma_wait3A_329 : memref<10000x128xf32, #tpu.memory_space<vmem_shared>>)
    %barrier3A_332 = arith.constant 0 : index
    tpu.barrier barrier_id(%barrier3A_332)
    %sub3A_333 = arith.constant 250 : i32
    %sub3A_334 = arith.subi %sub3A_333, %arg1 : i32
    %sub3A_335 = arith.constant 16 : i32
    %sub3A_336 = arith.constant 1 : i32
    %sub3A_337 = arith.subi %sub3A_335, %sub3A_336 : i32
    %add3A_338 = arith.addi %sub3A_334, %sub3A_337 : i32
    %div3A_339 = arith.constant 16 : i32
    %div3A_340 = arith.divsi %add3A_338, %div3A_339 : i32
    %while3A_341 = arith.constant 16 : i32
    %while3A_342 = arith.constant 0 : i32
    %while3A_343 = arith.subi %div3A_340, %while3A_342 : i32
    %while3A_344 = arith.addi %while3A_342, %while3A_343 : i32
    %while3A_345 = arith.constant 1 : i32
    %while3A_346 = arith.divsi %while3A_343, %while3A_345 : i32
    %while3A_347 = arith.muli %while3A_346, %while3A_345 : i32
    %while3A_348 = arith.addi %while3A_342, %while3A_347 : i32
    %while3A_349 = arith.constant 1 : i32
    scf.for %while3A_369 = %while3A_342 to %while3A_348 step %while3A_349  : i32 {
      %mul3A_370 = arith.muli %while3A_369, %while3A_341 : i32
      %add3A_371 = arith.addi %arg1, %mul3A_370 : i32
      %mul3A_372 = arith.constant 40 : i32
      %mul3A_373 = arith.muli %add3A_371, %mul3A_372 : i32
      %mul3A_374 = arith.constant 10000 : i32
      %mul3A_375 = arith.muli %arg0, %mul3A_374 : i32
      %mul3A_376 = arith.constant 40 : i32
      %mul3A_377 = arith.muli %add3A_371, %mul3A_376 : i32
      %add3A_378 = arith.addi %mul3A_375, %mul3A_377 : i32
      %dma_start3A_379 = arith.constant 0 : i32
      %dma_start3A_380 = tpu.memref_slice %arg11[%dma_start3A_379] : memref<6x!tpu.dma_semaphore, #tpu.memory_space<semaphore_mem>> -> memref<1x!tpu.dma_semaphore, #tpu.memory_space<semaphore_mem>>
      %dma_start3A_381 = tpu.memref_squeeze %dma_start3A_380 : memref<1x!tpu.dma_semaphore, #tpu.memory_space<semaphore_mem>> -> memref<!tpu.dma_semaphore, #tpu.memory_space<semaphore_mem>>
      %dma_start3A_382 = arith.constant 0 : i32
      %dma_start3A_383 = tpu.memref_slice %arg5[%add3A_378, %dma_start3A_382] : memref<20000x128xf32, #tpu.memory_space<hbm>> -> memref<40x128xf32, #tpu.memory_space<hbm>>
      %dma_start3A_384 = arith.constant 0 : i32
      %dma_start3A_385 = tpu.memref_slice %arg9[%mul3A_373, %dma_start3A_384] : memref<10000x128xf32, #tpu.memory_space<vmem_shared>> -> memref<40x128xf32, #tpu.memory_space<vmem_shared>>
      tpu.enqueue_dma source(%dma_start3A_385 : memref<40x128xf32, #tpu.memory_space<vmem_shared>>) target(%dma_start3A_383 : memref<40x128xf32, #tpu.memory_space<hbm>>) target_semaphore(%dma_start3A_381 : memref<!tpu.dma_semaphore, #tpu.memory_space<semaphore_mem>>)
    }
    %while3A_350 = arith.constant 1 : i32
    scf.for %while3A_369 = %while3A_348 to %while3A_344 step %while3A_350  : i32 {
      %mul3A_370 = arith.muli %while3A_369, %while3A_341 : i32
      %add3A_371 = arith.addi %arg1, %mul3A_370 : i32
      %mul3A_372 = arith.constant 40 : i32
      %mul3A_373 = arith.muli %add3A_371, %mul3A_372 : i32
      %mul3A_374 = arith.constant 10000 : i32
      %mul3A_375 = arith.muli %arg0, %mul3A_374 : i32
      %mul3A_376 = arith.constant 40 : i32
      %mul3A_377 = arith.muli %add3A_371, %mul3A_376 : i32
      %add3A_378 = arith.addi %mul3A_375, %mul3A_377 : i32
      %dma_start3A_379 = arith.constant 0 : i32
      %dma_start3A_380 = tpu.memref_slice %arg11[%dma_start3A_379] : memref<6x!tpu.dma_semaphore, #tpu.memory_space<semaphore_mem>> -> memref<1x!tpu.dma_semaphore, #tpu.memory_space<semaphore_mem>>
      %dma_start3A_381 = tpu.memref_squeeze %dma_start3A_380 : memref<1x!tpu.dma_semaphore, #tpu.memory_space<semaphore_mem>> -> memref<!tpu.dma_semaphore, #tpu.memory_space<semaphore_mem>>
      %dma_start3A_382 = arith.constant 0 : i32
      %dma_start3A_383 = tpu.memref_slice %arg5[%add3A_378, %dma_start3A_382] : memref<20000x128xf32, #tpu.memory_space<hbm>> -> memref<40x128xf32, #tpu.memory_space<hbm>>
      %dma_start3A_384 = arith.constant 0 : i32
      %dma_start3A_385 = tpu.memref_slice %arg9[%mul3A_373, %dma_start3A_384] : memref<10000x128xf32, #tpu.memory_space<vmem_shared>> -> memref<40x128xf32, #tpu.memory_space<vmem_shared>>
      tpu.enqueue_dma source(%dma_start3A_385 : memref<40x128xf32, #tpu.memory_space<vmem_shared>>) target(%dma_start3A_383 : memref<40x128xf32, #tpu.memory_space<hbm>>) target_semaphore(%dma_start3A_381 : memref<!tpu.dma_semaphore, #tpu.memory_space<semaphore_mem>>)
    }
    %sub3A_351 = arith.constant 250 : i32
    %sub3A_352 = arith.subi %sub3A_351, %arg1 : i32
    %sub3A_353 = arith.constant 16 : i32
    %sub3A_354 = arith.constant 1 : i32
    %sub3A_355 = arith.subi %sub3A_353, %sub3A_354 : i32
    %add3A_356 = arith.addi %sub3A_352, %sub3A_355 : i32
    %div3A_357 = arith.constant 16 : i32
    %div3A_358 = arith.divsi %add3A_356, %div3A_357 : i32
    %while3A_359 = arith.constant 16 : i32
    %while3A_360 = arith.constant 0 : i32
    %while3A_361 = arith.subi %div3A_358, %while3A_360 : i32
    %while3A_362 = arith.addi %while3A_360, %while3A_361 : i32
    %while3A_363 = arith.constant 1 : i32
    %while3A_364 = arith.divsi %while3A_361, %while3A_363 : i32
    %while3A_365 = arith.muli %while3A_364, %while3A_363 : i32
    %while3A_366 = arith.addi %while3A_360, %while3A_365 : i32
    %while3A_367 = arith.constant 1 : i32
    scf.for %while3A_369 = %while3A_360 to %while3A_366 step %while3A_367  : i32 {
      %mul3A_370 = arith.muli %while3A_369, %while3A_359 : i32
      %add3A_371 = arith.addi %arg1, %mul3A_370 : i32
      %mul3A_372 = arith.constant 40 : i32
      %mul3A_373 = arith.muli %add3A_371, %mul3A_372 : i32
      %mul3A_374 = arith.constant 10000 : i32
      %mul3A_375 = arith.muli %arg0, %mul3A_374 : i32
      %mul3A_376 = arith.constant 40 : i32
      %mul3A_377 = arith.muli %add3A_371, %mul3A_376 : i32
      %add3A_378 = arith.addi %mul3A_375, %mul3A_377 : i32
      %dma_wait3A_379 = arith.constant 0 : i32
      %dma_wait3A_380 = tpu.memref_slice %arg11[%dma_wait3A_379] : memref<6x!tpu.dma_semaphore, #tpu.memory_space<semaphore_mem>> -> memref<1x!tpu.dma_semaphore, #tpu.memory_space<semaphore_mem>>
      %dma_wait3A_381 = tpu.memref_squeeze %dma_wait3A_380 : memref<1x!tpu.dma_semaphore, #tpu.memory_space<semaphore_mem>> -> memref<!tpu.dma_semaphore, #tpu.memory_space<semaphore_mem>>
      %dma_wait3A_382 = arith.constant 0 : i32
      %dma_wait3A_383 = tpu.memref_slice %arg5[%add3A_378, %dma_wait3A_382] : memref<20000x128xf32, #tpu.memory_space<hbm>> -> memref<40x128xf32, #tpu.memory_space<hbm>>
      %dma_wait3A_384 = arith.constant 0 : i32
      %dma_wait3A_385 = tpu.memref_slice %arg9[%mul3A_373, %dma_wait3A_384] : memref<10000x128xf32, #tpu.memory_space<vmem_shared>> -> memref<40x128xf32, #tpu.memory_space<vmem_shared>>
      tpu.wait_dma2 semaphore(%dma_wait3A_381 : memref<!tpu.dma_semaphore, #tpu.memory_space<semaphore_mem>>) src(%dma_wait3A_385 : memref<40x128xf32, #tpu.memory_space<vmem_shared>>) dst(%dma_wait3A_383 : memref<40x128xf32, #tpu.memory_space<hbm>>)
    }
    %while3A_368 = arith.constant 1 : i32
    scf.for %while3A_369 = %while3A_366 to %while3A_362 step %while3A_368  : i32 {
      %mul3A_370 = arith.muli %while3A_369, %while3A_359 : i32
      %add3A_371 = arith.addi %arg1, %mul3A_370 : i32
      %mul3A_372 = arith.constant 40 : i32
      %mul3A_373 = arith.muli %add3A_371, %mul3A_372 : i32
      %mul3A_374 = arith.constant 10000 : i32
      %mul3A_375 = arith.muli %arg0, %mul3A_374 : i32
      %mul3A_376 = arith.constant 40 : i32
      %mul3A_377 = arith.muli %add3A_371, %mul3A_376 : i32
      %add3A_378 = arith.addi %mul3A_375, %mul3A_377 : i32
      %dma_wait3A_379 = arith.constant 0 : i32
      %dma_wait3A_380 = tpu.memref_slice %arg11[%dma_wait3A_379] : memref<6x!tpu.dma_semaphore, #tpu.memory_space<semaphore_mem>> -> memref<1x!tpu.dma_semaphore, #tpu.memory_space<semaphore_mem>>
      %dma_wait3A_381 = tpu.memref_squeeze %dma_wait3A_380 : memref<1x!tpu.dma_semaphore, #tpu.memory_space<semaphore_mem>> -> memref<!tpu.dma_semaphore, #tpu.memory_space<semaphore_mem>>
      %dma_wait3A_382 = arith.constant 0 : i32
      %dma_wait3A_383 = tpu.memref_slice %arg5[%add3A_378, %dma_wait3A_382] : memref<20000x128xf32, #tpu.memory_space<hbm>> -> memref<40x128xf32, #tpu.memory_space<hbm>>
      %dma_wait3A_384 = arith.constant 0 : i32
      %dma_wait3A_385 = tpu.memref_slice %arg9[%mul3A_373, %dma_wait3A_384] : memref<10000x128xf32, #tpu.memory_space<vmem_shared>> -> memref<40x128xf32, #tpu.memory_space<vmem_shared>>
      tpu.wait_dma2 semaphore(%dma_wait3A_381 : memref<!tpu.dma_semaphore, #tpu.memory_space<semaphore_mem>>) src(%dma_wait3A_385 : memref<40x128xf32, #tpu.memory_space<vmem_shared>>) dst(%dma_wait3A_383 : memref<40x128xf32, #tpu.memory_space<hbm>>)
    }
    return
  }
}

#map = affine_map<(d0, d1) -> (0, 0)>
#map1 = affine_map<(d0, d1) -> (0)>
module attributes {stable_mosaic.version = 14 : i64} {
  func.func @k(%arg0: i32, %arg1: i32, %arg2: memref<10000x128xf32, #tpu.memory_space<hbm>>, %arg3: memref<10000x128xf32, #tpu.memory_space<hbm>>, %arg4: memref<20000x128xf32, #tpu.memory_space<hbm>>, %arg5: memref<5000x128xf32, #tpu.memory_space<hbm>>, %arg6: memref<1024xi32, #tpu.memory_space<hbm>>, %arg7: memref<1024xi32, #tpu.memory_space<hbm>>, %arg8: memref<1024xi32, #tpu.memory_space<hbm>>, %arg9: memref<6144x128xf32, #tpu.memory_space<hbm>>, %arg10: memref<32xi32, #tpu.memory_space<vmem>>, %arg11: memref<32xi32, #tpu.memory_space<vmem>>, %arg12: memref<32xi32, #tpu.memory_space<vmem>>, %arg13: memref<32xi32, #tpu.memory_space<vmem>>, %arg14: memref<6x32x128xf32, #tpu.memory_space<vmem>>, %arg15: memref<6x!tpu.dma_semaphore, #tpu.memory_space<semaphore_mem>>, %arg16: memref<6x!tpu.dma_semaphore, #tpu.memory_space<semaphore_mem>>) attributes {dimension_semantics = [#tpu.dimension_semantics<core_parallel>, #tpu.dimension_semantics<subcore_parallel>], iteration_bounds = array<i64: 2, 16>, scalar_prefetch = 0 : i64, scratch_operands = 7 : i64, tpu.core_type = #tpu.core_type<sc_vector_subcore>, window_params = [{transform_indices = #map}, {transform_indices = #map}, {transform_indices = #map}, {transform_indices = #map}, {transform_indices = #map1}, {transform_indices = #map1}, {transform_indices = #map1}, {transform_indices = #map}]} {
    %mul3A = arith.constant 16 : i32
    %mul3A_0 = arith.muli %arg0, %mul3A : i32
    %add3A = arith.addi %mul3A_0, %arg1 : i32
    %mul3A_1 = arith.constant 32 : i32
    %mul3A_2 = arith.muli %add3A, %mul3A_1 : i32
    "tpu.region"() ({
      %run_scoped3A = tpu.sem_alloc : memref<!tpu.dma_semaphore, #tpu.memory_space<semaphore_mem>>
      %dma_start3A_353 = tpu.memref_slice %arg6[%mul3A_2] : memref<1024xi32, #tpu.memory_space<hbm>> -> memref<32xi32, #tpu.memory_space<hbm>>
      %dma_start3A_354 = tpu.memref_slice %arg6[%mul3A_2] : memref<1024xi32, #tpu.memory_space<hbm>> -> memref<32xi32, #tpu.memory_space<hbm>>
      tpu.enqueue_dma source(%dma_start3A_354 : memref<32xi32, #tpu.memory_space<hbm>>) target(%arg10 : memref<32xi32, #tpu.memory_space<vmem>>) target_semaphore(%run_scoped3A : memref<!tpu.dma_semaphore, #tpu.memory_space<semaphore_mem>>)
      %dma_wait3A_355 = tpu.memref_slice %arg6[%mul3A_2] : memref<1024xi32, #tpu.memory_space<hbm>> -> memref<32xi32, #tpu.memory_space<hbm>>
      %dma_wait3A_356 = tpu.memref_slice %arg6[%mul3A_2] : memref<1024xi32, #tpu.memory_space<hbm>> -> memref<32xi32, #tpu.memory_space<hbm>>
      tpu.wait_dma2 semaphore(%run_scoped3A : memref<!tpu.dma_semaphore, #tpu.memory_space<semaphore_mem>>) src(%dma_wait3A_356 : memref<32xi32, #tpu.memory_space<hbm>>) dst(%arg10 : memref<32xi32, #tpu.memory_space<vmem>>)
      tpu.yield
    }) : () -> ()
    "tpu.region"() ({
      %run_scoped3A = tpu.sem_alloc : memref<!tpu.dma_semaphore, #tpu.memory_space<semaphore_mem>>
      %dma_start3A_353 = tpu.memref_slice %arg7[%mul3A_2] : memref<1024xi32, #tpu.memory_space<hbm>> -> memref<32xi32, #tpu.memory_space<hbm>>
      %dma_start3A_354 = tpu.memref_slice %arg7[%mul3A_2] : memref<1024xi32, #tpu.memory_space<hbm>> -> memref<32xi32, #tpu.memory_space<hbm>>
      tpu.enqueue_dma source(%dma_start3A_354 : memref<32xi32, #tpu.memory_space<hbm>>) target(%arg12 : memref<32xi32, #tpu.memory_space<vmem>>) target_semaphore(%run_scoped3A : memref<!tpu.dma_semaphore, #tpu.memory_space<semaphore_mem>>)
      %dma_wait3A_355 = tpu.memref_slice %arg7[%mul3A_2] : memref<1024xi32, #tpu.memory_space<hbm>> -> memref<32xi32, #tpu.memory_space<hbm>>
      %dma_wait3A_356 = tpu.memref_slice %arg7[%mul3A_2] : memref<1024xi32, #tpu.memory_space<hbm>> -> memref<32xi32, #tpu.memory_space<hbm>>
      tpu.wait_dma2 semaphore(%run_scoped3A : memref<!tpu.dma_semaphore, #tpu.memory_space<semaphore_mem>>) src(%dma_wait3A_356 : memref<32xi32, #tpu.memory_space<hbm>>) dst(%arg12 : memref<32xi32, #tpu.memory_space<vmem>>)
      tpu.yield
    }) : () -> ()
    "tpu.region"() ({
      %run_scoped3A = tpu.sem_alloc : memref<!tpu.dma_semaphore, #tpu.memory_space<semaphore_mem>>
      %dma_start3A_353 = tpu.memref_slice %arg8[%mul3A_2] : memref<1024xi32, #tpu.memory_space<hbm>> -> memref<32xi32, #tpu.memory_space<hbm>>
      %dma_start3A_354 = tpu.memref_slice %arg8[%mul3A_2] : memref<1024xi32, #tpu.memory_space<hbm>> -> memref<32xi32, #tpu.memory_space<hbm>>
      tpu.enqueue_dma source(%dma_start3A_354 : memref<32xi32, #tpu.memory_space<hbm>>) target(%arg13 : memref<32xi32, #tpu.memory_space<vmem>>) target_semaphore(%run_scoped3A : memref<!tpu.dma_semaphore, #tpu.memory_space<semaphore_mem>>)
      %dma_wait3A_355 = tpu.memref_slice %arg8[%mul3A_2] : memref<1024xi32, #tpu.memory_space<hbm>> -> memref<32xi32, #tpu.memory_space<hbm>>
      %dma_wait3A_356 = tpu.memref_slice %arg8[%mul3A_2] : memref<1024xi32, #tpu.memory_space<hbm>> -> memref<32xi32, #tpu.memory_space<hbm>>
      tpu.wait_dma2 semaphore(%run_scoped3A : memref<!tpu.dma_semaphore, #tpu.memory_space<semaphore_mem>>) src(%dma_wait3A_356 : memref<32xi32, #tpu.memory_space<hbm>>) dst(%arg13 : memref<32xi32, #tpu.memory_space<vmem>>)
      tpu.yield
    }) : () -> ()
    %scan3A = arith.constant 0 : i32
    %scan3A_3 = arith.constant 2 : i32
    %scan3A_4 = arith.addi %scan3A, %scan3A_3 : i32
    %scan3A_5 = arith.constant 1 : i32
    scf.for %scan3A_353 = %scan3A to %scan3A_4 step %scan3A_5  : i32 {
      %mul3A_354 = arith.constant 16 : i32
      %mul3A_355 = arith.muli %scan3A_353, %mul3A_354 : i32
      %add3A_356 = arith.constant 0 : i32
      %add3A_357 = arith.addi %add3A_356, %mul3A_355 : i32
      %get3A = arith.index_cast %add3A_357 : i32 to index
      %get3A_358 = tpu.vector_load %arg10[%get3A] {strides = array<i32>} : memref<32xi32, #tpu.memory_space<vmem>>, vector<16xi32>,
      %get3A_359 = vector.shape_cast %get3A_358 : vector<16xi32> to vector<16xi32>
      %add3A_360 = arith.constant 10000 : i32
      %add3A_361 = vector.broadcast %add3A_360 : i32 to vector<16xi32>
      %add3A_362 = arith.addi %get3A_359, %add3A_361 : vector<16xi32>
      %swap3A = arith.index_cast %add3A_357 : i32 to index
      %swap3A_363 = tpu.vector_load %arg11[%swap3A] {strides = array<i32>} : memref<32xi32, #tpu.memory_space<vmem>>, vector<16xi32>,
      %swap3A_364 = vector.shape_cast %swap3A_363 : vector<16xi32> to vector<16xi32>
      %swap3A_365 = vector.shape_cast %add3A_362 : vector<16xi32> to vector<16xi32>
      tpu.vector_store %arg11[%swap3A], %swap3A_365 {strides = array<i32>} : memref<32xi32, #tpu.memory_space<vmem>>, vector<16xi32>,
    }
    %scan3A_6 = arith.constant 2 : i32
    %dma_start3A = arith.constant 0 : i32
    %dma_start3A_7 = arith.constant 0 : i32
    %dma_start3A_8 = arith.constant 0 : i32
    %dma_start3A_9 = arith.constant 0 : i32
    %dma_start3A_10 = tpu.memref_slice %arg14[%dma_start3A, %dma_start3A_8, %dma_start3A_9] : memref<6x32x128xf32, #tpu.memory_space<vmem>> -> memref<1x32x128xf32, #tpu.memory_space<vmem>>
    %dma_start3A_11 = tpu.memref_squeeze %dma_start3A_10 : memref<1x32x128xf32, #tpu.memory_space<vmem>> -> memref<32x128xf32, #tpu.memory_space<vmem>>
    %dma_start3A_12 = arith.constant 0 : i32
    %dma_start3A_13 = arith.constant 0 : i32
    %dma_start3A_14 = tpu.memref_slice %arg2[%dma_start3A_12, %dma_start3A_13] : memref<10000x128xf32, #tpu.memory_space<hbm>> -> memref<10000x128xf32, #tpu.memory_space<hbm>>
    %dma_start3A_15 = tpu.memref_slice %arg15[%dma_start3A_7] : memref<6x!tpu.dma_semaphore, #tpu.memory_space<semaphore_mem>> -> memref<1x!tpu.dma_semaphore, #tpu.memory_space<semaphore_mem>>
    %dma_start3A_16 = tpu.memref_squeeze %dma_start3A_15 : memref<1x!tpu.dma_semaphore, #tpu.memory_space<semaphore_mem>> -> memref<!tpu.dma_semaphore, #tpu.memory_space<semaphore_mem>>
    tpu.enqueue_indirect_dma source(%dma_start3A_14 : memref<10000x128xf32, #tpu.memory_space<hbm>>) target(%dma_start3A_11 : memref<32x128xf32, #tpu.memory_space<vmem>>) offsets(%arg10 : memref<32xi32, #tpu.memory_space<vmem>>) semaphore(%dma_start3A_16 : memref<!tpu.dma_semaphore, #tpu.memory_space<semaphore_mem>>)
    %dma_start3A_17 = arith.constant 1 : i32
    %dma_start3A_18 = arith.constant 1 : i32
    %dma_start3A_19 = arith.constant 0 : i32
    %dma_start3A_20 = arith.constant 0 : i32
    %dma_start3A_21 = tpu.memref_slice %arg14[%dma_start3A_17, %dma_start3A_19, %dma_start3A_20] : memref<6x32x128xf32, #tpu.memory_space<vmem>> -> memref<1x32x128xf32, #tpu.memory_space<vmem>>
    %dma_start3A_22 = tpu.memref_squeeze %dma_start3A_21 : memref<1x32x128xf32, #tpu.memory_space<vmem>> -> memref<32x128xf32, #tpu.memory_space<vmem>>
    %dma_start3A_23 = arith.constant 0 : i32
    %dma_start3A_24 = arith.constant 0 : i32
    %dma_start3A_25 = tpu.memref_slice %arg3[%dma_start3A_23, %dma_start3A_24] : memref<10000x128xf32, #tpu.memory_space<hbm>> -> memref<10000x128xf32, #tpu.memory_space<hbm>>
    %dma_start3A_26 = tpu.memref_slice %arg15[%dma_start3A_18] : memref<6x!tpu.dma_semaphore, #tpu.memory_space<semaphore_mem>> -> memref<1x!tpu.dma_semaphore, #tpu.memory_space<semaphore_mem>>
    %dma_start3A_27 = tpu.memref_squeeze %dma_start3A_26 : memref<1x!tpu.dma_semaphore, #tpu.memory_space<semaphore_mem>> -> memref<!tpu.dma_semaphore, #tpu.memory_space<semaphore_mem>>
    tpu.enqueue_indirect_dma source(%dma_start3A_25 : memref<10000x128xf32, #tpu.memory_space<hbm>>) target(%dma_start3A_22 : memref<32x128xf32, #tpu.memory_space<vmem>>) offsets(%arg10 : memref<32xi32, #tpu.memory_space<vmem>>) semaphore(%dma_start3A_27 : memref<!tpu.dma_semaphore, #tpu.memory_space<semaphore_mem>>)
    %dma_start3A_28 = arith.constant 2 : i32
    %dma_start3A_29 = arith.constant 2 : i32
    %dma_start3A_30 = arith.constant 0 : i32
    %dma_start3A_31 = arith.constant 0 : i32
    %dma_start3A_32 = tpu.memref_slice %arg14[%dma_start3A_28, %dma_start3A_30, %dma_start3A_31] : memref<6x32x128xf32, #tpu.memory_space<vmem>> -> memref<1x32x128xf32, #tpu.memory_space<vmem>>
    %dma_start3A_33 = tpu.memref_squeeze %dma_start3A_32 : memref<1x32x128xf32, #tpu.memory_space<vmem>> -> memref<32x128xf32, #tpu.memory_space<vmem>>
    %dma_start3A_34 = arith.constant 0 : i32
    %dma_start3A_35 = arith.constant 0 : i32
    %dma_start3A_36 = tpu.memref_slice %arg4[%dma_start3A_34, %dma_start3A_35] : memref<20000x128xf32, #tpu.memory_space<hbm>> -> memref<20000x128xf32, #tpu.memory_space<hbm>>
    %dma_start3A_37 = tpu.memref_slice %arg15[%dma_start3A_29] : memref<6x!tpu.dma_semaphore, #tpu.memory_space<semaphore_mem>> -> memref<1x!tpu.dma_semaphore, #tpu.memory_space<semaphore_mem>>
    %dma_start3A_38 = tpu.memref_squeeze %dma_start3A_37 : memref<1x!tpu.dma_semaphore, #tpu.memory_space<semaphore_mem>> -> memref<!tpu.dma_semaphore, #tpu.memory_space<semaphore_mem>>
    tpu.enqueue_indirect_dma source(%dma_start3A_36 : memref<20000x128xf32, #tpu.memory_space<hbm>>) target(%dma_start3A_33 : memref<32x128xf32, #tpu.memory_space<vmem>>) offsets(%arg10 : memref<32xi32, #tpu.memory_space<vmem>>) semaphore(%dma_start3A_38 : memref<!tpu.dma_semaphore, #tpu.memory_space<semaphore_mem>>)
    %dma_start3A_39 = arith.constant 3 : i32
    %dma_start3A_40 = arith.constant 3 : i32
    %dma_start3A_41 = arith.constant 0 : i32
    %dma_start3A_42 = arith.constant 0 : i32
    %dma_start3A_43 = tpu.memref_slice %arg14[%dma_start3A_39, %dma_start3A_41, %dma_start3A_42] : memref<6x32x128xf32, #tpu.memory_space<vmem>> -> memref<1x32x128xf32, #tpu.memory_space<vmem>>
    %dma_start3A_44 = tpu.memref_squeeze %dma_start3A_43 : memref<1x32x128xf32, #tpu.memory_space<vmem>> -> memref<32x128xf32, #tpu.memory_space<vmem>>
    %dma_start3A_45 = arith.constant 0 : i32
    %dma_start3A_46 = arith.constant 0 : i32
    %dma_start3A_47 = tpu.memref_slice %arg4[%dma_start3A_45, %dma_start3A_46] : memref<20000x128xf32, #tpu.memory_space<hbm>> -> memref<20000x128xf32, #tpu.memory_space<hbm>>
    %dma_start3A_48 = tpu.memref_slice %arg15[%dma_start3A_40] : memref<6x!tpu.dma_semaphore, #tpu.memory_space<semaphore_mem>> -> memref<1x!tpu.dma_semaphore, #tpu.memory_space<semaphore_mem>>
    %dma_start3A_49 = tpu.memref_squeeze %dma_start3A_48 : memref<1x!tpu.dma_semaphore, #tpu.memory_space<semaphore_mem>> -> memref<!tpu.dma_semaphore, #tpu.memory_space<semaphore_mem>>
    tpu.enqueue_indirect_dma source(%dma_start3A_47 : memref<20000x128xf32, #tpu.memory_space<hbm>>) target(%dma_start3A_44 : memref<32x128xf32, #tpu.memory_space<vmem>>) offsets(%arg11 : memref<32xi32, #tpu.memory_space<vmem>>) semaphore(%dma_start3A_49 : memref<!tpu.dma_semaphore, #tpu.memory_space<semaphore_mem>>)
    %dma_start3A_50 = arith.constant 4 : i32
    %dma_start3A_51 = arith.constant 4 : i32
    %dma_start3A_52 = arith.constant 0 : i32
    %dma_start3A_53 = arith.constant 0 : i32
    %dma_start3A_54 = tpu.memref_slice %arg14[%dma_start3A_50, %dma_start3A_52, %dma_start3A_53] : memref<6x32x128xf32, #tpu.memory_space<vmem>> -> memref<1x32x128xf32, #tpu.memory_space<vmem>>
    %dma_start3A_55 = tpu.memref_squeeze %dma_start3A_54 : memref<1x32x128xf32, #tpu.memory_space<vmem>> -> memref<32x128xf32, #tpu.memory_space<vmem>>
    %dma_start3A_56 = arith.constant 0 : i32
    %dma_start3A_57 = arith.constant 0 : i32
    %dma_start3A_58 = tpu.memref_slice %arg5[%dma_start3A_56, %dma_start3A_57] : memref<5000x128xf32, #tpu.memory_space<hbm>> -> memref<5000x128xf32, #tpu.memory_space<hbm>>
    %dma_start3A_59 = tpu.memref_slice %arg15[%dma_start3A_51] : memref<6x!tpu.dma_semaphore, #tpu.memory_space<semaphore_mem>> -> memref<1x!tpu.dma_semaphore, #tpu.memory_space<semaphore_mem>>
    %dma_start3A_60 = tpu.memref_squeeze %dma_start3A_59 : memref<1x!tpu.dma_semaphore, #tpu.memory_space<semaphore_mem>> -> memref<!tpu.dma_semaphore, #tpu.memory_space<semaphore_mem>>
    tpu.enqueue_indirect_dma source(%dma_start3A_58 : memref<5000x128xf32, #tpu.memory_space<hbm>>) target(%dma_start3A_55 : memref<32x128xf32, #tpu.memory_space<vmem>>) offsets(%arg12 : memref<32xi32, #tpu.memory_space<vmem>>) semaphore(%dma_start3A_60 : memref<!tpu.dma_semaphore, #tpu.memory_space<semaphore_mem>>)
    %dma_start3A_61 = arith.constant 5 : i32
    %dma_start3A_62 = arith.constant 5 : i32
    %dma_start3A_63 = arith.constant 0 : i32
    %dma_start3A_64 = arith.constant 0 : i32
    %dma_start3A_65 = tpu.memref_slice %arg14[%dma_start3A_61, %dma_start3A_63, %dma_start3A_64] : memref<6x32x128xf32, #tpu.memory_space<vmem>> -> memref<1x32x128xf32, #tpu.memory_space<vmem>>
    %dma_start3A_66 = tpu.memref_squeeze %dma_start3A_65 : memref<1x32x128xf32, #tpu.memory_space<vmem>> -> memref<32x128xf32, #tpu.memory_space<vmem>>
    %dma_start3A_67 = arith.constant 0 : i32
    %dma_start3A_68 = arith.constant 0 : i32
    %dma_start3A_69 = tpu.memref_slice %arg5[%dma_start3A_67, %dma_start3A_68] : memref<5000x128xf32, #tpu.memory_space<hbm>> -> memref<5000x128xf32, #tpu.memory_space<hbm>>
    %dma_start3A_70 = tpu.memref_slice %arg15[%dma_start3A_62] : memref<6x!tpu.dma_semaphore, #tpu.memory_space<semaphore_mem>> -> memref<1x!tpu.dma_semaphore, #tpu.memory_space<semaphore_mem>>
    %dma_start3A_71 = tpu.memref_squeeze %dma_start3A_70 : memref<1x!tpu.dma_semaphore, #tpu.memory_space<semaphore_mem>> -> memref<!tpu.dma_semaphore, #tpu.memory_space<semaphore_mem>>
    tpu.enqueue_indirect_dma source(%dma_start3A_69 : memref<5000x128xf32, #tpu.memory_space<hbm>>) target(%dma_start3A_66 : memref<32x128xf32, #tpu.memory_space<vmem>>) offsets(%arg13 : memref<32xi32, #tpu.memory_space<vmem>>) semaphore(%dma_start3A_71 : memref<!tpu.dma_semaphore, #tpu.memory_space<semaphore_mem>>)
    %dma_wait3A = arith.constant 0 : i32
    %dma_wait3A_72 = arith.constant 0 : i32
    %dma_wait3A_73 = arith.constant 0 : i32
    %dma_wait3A_74 = arith.constant 0 : i32
    %dma_wait3A_75 = tpu.memref_slice %arg14[%dma_wait3A, %dma_wait3A_73, %dma_wait3A_74] : memref<6x32x128xf32, #tpu.memory_space<vmem>> -> memref<1x32x128xf32, #tpu.memory_space<vmem>>
    %dma_wait3A_76 = tpu.memref_squeeze %dma_wait3A_75 : memref<1x32x128xf32, #tpu.memory_space<vmem>> -> memref<32x128xf32, #tpu.memory_space<vmem>>
    %dma_wait3A_77 = arith.constant 0 : i32
    %dma_wait3A_78 = arith.constant 0 : i32
    %dma_wait3A_79 = tpu.memref_slice %arg2[%dma_wait3A_77, %dma_wait3A_78] : memref<10000x128xf32, #tpu.memory_space<hbm>> -> memref<10000x128xf32, #tpu.memory_space<hbm>>
    %dma_wait3A_80 = tpu.memref_slice %arg15[%dma_wait3A_72] : memref<6x!tpu.dma_semaphore, #tpu.memory_space<semaphore_mem>> -> memref<1x!tpu.dma_semaphore, #tpu.memory_space<semaphore_mem>>
    %dma_wait3A_81 = tpu.memref_squeeze %dma_wait3A_80 : memref<1x!tpu.dma_semaphore, #tpu.memory_space<semaphore_mem>> -> memref<!tpu.dma_semaphore, #tpu.memory_space<semaphore_mem>>
    tpu.wait_indirect_dma semaphore(%dma_wait3A_81 : memref<!tpu.dma_semaphore, #tpu.memory_space<semaphore_mem>>) src(%dma_wait3A_79 : memref<10000x128xf32, #tpu.memory_space<hbm>>) dst(%dma_wait3A_76 : memref<32x128xf32, #tpu.memory_space<vmem>>)
    %add3A_82 = arith.constant 0 : i32
    %add3A_83 = arith.addi %add3A_82, %mul3A_2 : i32
    %dma_start3A_84 = arith.constant 0 : i32
    %dma_start3A_85 = arith.constant 0 : i32
    %dma_start3A_86 = arith.constant 0 : i32
    %dma_start3A_87 = arith.constant 0 : i32
    %dma_start3A_88 = tpu.memref_slice %arg14[%dma_start3A_84, %dma_start3A_86, %dma_start3A_87] : memref<6x32x128xf32, #tpu.memory_space<vmem>> -> memref<1x32x128xf32, #tpu.memory_space<vmem>>
    %dma_start3A_89 = tpu.memref_squeeze %dma_start3A_88 : memref<1x32x128xf32, #tpu.memory_space<vmem>> -> memref<32x128xf32, #tpu.memory_space<vmem>>
    %dma_start3A_90 = arith.constant 0 : i32
    %dma_start3A_91 = tpu.memref_slice %arg9[%add3A_83, %dma_start3A_90] : memref<6144x128xf32, #tpu.memory_space<hbm>> -> memref<32x128xf32, #tpu.memory_space<hbm>>
    %dma_start3A_92 = tpu.memref_slice %arg16[%dma_start3A_85] : memref<6x!tpu.dma_semaphore, #tpu.memory_space<semaphore_mem>> -> memref<1x!tpu.dma_semaphore, #tpu.memory_space<semaphore_mem>>
    %dma_start3A_93 = tpu.memref_squeeze %dma_start3A_92 : memref<1x!tpu.dma_semaphore, #tpu.memory_space<semaphore_mem>> -> memref<!tpu.dma_semaphore, #tpu.memory_space<semaphore_mem>>
    %dma_start3A_94 = arith.constant 0 : i32
    %dma_start3A_95 = tpu.memref_slice %arg9[%add3A_83, %dma_start3A_94] : memref<6144x128xf32, #tpu.memory_space<hbm>> -> memref<32x128xf32, #tpu.memory_space<hbm>>
    %dma_start3A_96 = arith.constant 0 : i32
    %dma_start3A_97 = arith.constant 0 : i32
    %dma_start3A_98 = tpu.memref_slice %arg14[%dma_start3A_84, %dma_start3A_96, %dma_start3A_97] : memref<6x32x128xf32, #tpu.memory_space<vmem>> -> memref<1x32x128xf32, #tpu.memory_space<vmem>>
    %dma_start3A_99 = tpu.memref_squeeze %dma_start3A_98 : memref<1x32x128xf32, #tpu.memory_space<vmem>> -> memref<32x128xf32, #tpu.memory_space<vmem>>
    tpu.enqueue_dma source(%dma_start3A_99 : memref<32x128xf32, #tpu.memory_space<vmem>>) target(%dma_start3A_95 : memref<32x128xf32, #tpu.memory_space<hbm>>) target_semaphore(%dma_start3A_93 : memref<!tpu.dma_semaphore, #tpu.memory_space<semaphore_mem>>)
    %dma_wait3A_100 = arith.constant 1 : i32
    %dma_wait3A_101 = arith.constant 1 : i32
    %dma_wait3A_102 = arith.constant 0 : i32
    %dma_wait3A_103 = arith.constant 0 : i32
    %dma_wait3A_104 = tpu.memref_slice %arg14[%dma_wait3A_100, %dma_wait3A_102, %dma_wait3A_103] : memref<6x32x128xf32, #tpu.memory_space<vmem>> -> memref<1x32x128xf32, #tpu.memory_space<vmem>>
    %dma_wait3A_105 = tpu.memref_squeeze %dma_wait3A_104 : memref<1x32x128xf32, #tpu.memory_space<vmem>> -> memref<32x128xf32, #tpu.memory_space<vmem>>
    %dma_wait3A_106 = arith.constant 0 : i32
    %dma_wait3A_107 = arith.constant 0 : i32
    %dma_wait3A_108 = tpu.memref_slice %arg3[%dma_wait3A_106, %dma_wait3A_107] : memref<10000x128xf32, #tpu.memory_space<hbm>> -> memref<10000x128xf32, #tpu.memory_space<hbm>>
    %dma_wait3A_109 = tpu.memref_slice %arg15[%dma_wait3A_101] : memref<6x!tpu.dma_semaphore, #tpu.memory_space<semaphore_mem>> -> memref<1x!tpu.dma_semaphore, #tpu.memory_space<semaphore_mem>>
    %dma_wait3A_110 = tpu.memref_squeeze %dma_wait3A_109 : memref<1x!tpu.dma_semaphore, #tpu.memory_space<semaphore_mem>> -> memref<!tpu.dma_semaphore, #tpu.memory_space<semaphore_mem>>
    tpu.wait_indirect_dma semaphore(%dma_wait3A_110 : memref<!tpu.dma_semaphore, #tpu.memory_space<semaphore_mem>>) src(%dma_wait3A_108 : memref<10000x128xf32, #tpu.memory_space<hbm>>) dst(%dma_wait3A_105 : memref<32x128xf32, #tpu.memory_space<vmem>>)
    %add3A_111 = arith.constant 1024 : i32
    %add3A_112 = arith.addi %add3A_111, %mul3A_2 : i32
    %dma_start3A_113 = arith.constant 1 : i32
    %dma_start3A_114 = arith.constant 1 : i32
    %dma_start3A_115 = arith.constant 0 : i32
    %dma_start3A_116 = arith.constant 0 : i32
    %dma_start3A_117 = tpu.memref_slice %arg14[%dma_start3A_113, %dma_start3A_115, %dma_start3A_116] : memref<6x32x128xf32, #tpu.memory_space<vmem>> -> memref<1x32x128xf32, #tpu.memory_space<vmem>>
    %dma_start3A_118 = tpu.memref_squeeze %dma_start3A_117 : memref<1x32x128xf32, #tpu.memory_space<vmem>> -> memref<32x128xf32, #tpu.memory_space<vmem>>
    %dma_start3A_119 = arith.constant 0 : i32
    %dma_start3A_120 = tpu.memref_slice %arg9[%add3A_112, %dma_start3A_119] : memref<6144x128xf32, #tpu.memory_space<hbm>> -> memref<32x128xf32, #tpu.memory_space<hbm>>
    %dma_start3A_121 = tpu.memref_slice %arg16[%dma_start3A_114] : memref<6x!tpu.dma_semaphore, #tpu.memory_space<semaphore_mem>> -> memref<1x!tpu.dma_semaphore, #tpu.memory_space<semaphore_mem>>
    %dma_start3A_122 = tpu.memref_squeeze %dma_start3A_121 : memref<1x!tpu.dma_semaphore, #tpu.memory_space<semaphore_mem>> -> memref<!tpu.dma_semaphore, #tpu.memory_space<semaphore_mem>>
    %dma_start3A_123 = arith.constant 0 : i32
    %dma_start3A_124 = tpu.memref_slice %arg9[%add3A_112, %dma_start3A_123] : memref<6144x128xf32, #tpu.memory_space<hbm>> -> memref<32x128xf32, #tpu.memory_space<hbm>>
    %dma_start3A_125 = arith.constant 0 : i32
    %dma_start3A_126 = arith.constant 0 : i32
    %dma_start3A_127 = tpu.memref_slice %arg14[%dma_start3A_113, %dma_start3A_125, %dma_start3A_126] : memref<6x32x128xf32, #tpu.memory_space<vmem>> -> memref<1x32x128xf32, #tpu.memory_space<vmem>>
    %dma_start3A_128 = tpu.memref_squeeze %dma_start3A_127 : memref<1x32x128xf32, #tpu.memory_space<vmem>> -> memref<32x128xf32, #tpu.memory_space<vmem>>
    tpu.enqueue_dma source(%dma_start3A_128 : memref<32x128xf32, #tpu.memory_space<vmem>>) target(%dma_start3A_124 : memref<32x128xf32, #tpu.memory_space<hbm>>) target_semaphore(%dma_start3A_122 : memref<!tpu.dma_semaphore, #tpu.memory_space<semaphore_mem>>)
    %dma_wait3A_129 = arith.constant 2 : i32
    %dma_wait3A_130 = arith.constant 2 : i32
    %dma_wait3A_131 = arith.constant 0 : i32
    %dma_wait3A_132 = arith.constant 0 : i32
    %dma_wait3A_133 = tpu.memref_slice %arg14[%dma_wait3A_129, %dma_wait3A_131, %dma_wait3A_132] : memref<6x32x128xf32, #tpu.memory_space<vmem>> -> memref<1x32x128xf32, #tpu.memory_space<vmem>>
    %dma_wait3A_134 = tpu.memref_squeeze %dma_wait3A_133 : memref<1x32x128xf32, #tpu.memory_space<vmem>> -> memref<32x128xf32, #tpu.memory_space<vmem>>
    %dma_wait3A_135 = arith.constant 0 : i32
    %dma_wait3A_136 = arith.constant 0 : i32
    %dma_wait3A_137 = tpu.memref_slice %arg4[%dma_wait3A_135, %dma_wait3A_136] : memref<20000x128xf32, #tpu.memory_space<hbm>> -> memref<20000x128xf32, #tpu.memory_space<hbm>>
    %dma_wait3A_138 = tpu.memref_slice %arg15[%dma_wait3A_130] : memref<6x!tpu.dma_semaphore, #tpu.memory_space<semaphore_mem>> -> memref<1x!tpu.dma_semaphore, #tpu.memory_space<semaphore_mem>>
    %dma_wait3A_139 = tpu.memref_squeeze %dma_wait3A_138 : memref<1x!tpu.dma_semaphore, #tpu.memory_space<semaphore_mem>> -> memref<!tpu.dma_semaphore, #tpu.memory_space<semaphore_mem>>
    tpu.wait_indirect_dma semaphore(%dma_wait3A_139 : memref<!tpu.dma_semaphore, #tpu.memory_space<semaphore_mem>>) src(%dma_wait3A_137 : memref<20000x128xf32, #tpu.memory_space<hbm>>) dst(%dma_wait3A_134 : memref<32x128xf32, #tpu.memory_space<vmem>>)
    %add3A_140 = arith.constant 2048 : i32
    %add3A_141 = arith.addi %add3A_140, %mul3A_2 : i32
    %dma_start3A_142 = arith.constant 2 : i32
    %dma_start3A_143 = arith.constant 2 : i32
    %dma_start3A_144 = arith.constant 0 : i32
    %dma_start3A_145 = arith.constant 0 : i32
    %dma_start3A_146 = tpu.memref_slice %arg14[%dma_start3A_142, %dma_start3A_144, %dma_start3A_145] : memref<6x32x128xf32, #tpu.memory_space<vmem>> -> memref<1x32x128xf32, #tpu.memory_space<vmem>>
    %dma_start3A_147 = tpu.memref_squeeze %dma_start3A_146 : memref<1x32x128xf32, #tpu.memory_space<vmem>> -> memref<32x128xf32, #tpu.memory_space<vmem>>
    %dma_start3A_148 = arith.constant 0 : i32
    %dma_start3A_149 = tpu.memref_slice %arg9[%add3A_141, %dma_start3A_148] : memref<6144x128xf32, #tpu.memory_space<hbm>> -> memref<32x128xf32, #tpu.memory_space<hbm>>
    %dma_start3A_150 = tpu.memref_slice %arg16[%dma_start3A_143] : memref<6x!tpu.dma_semaphore, #tpu.memory_space<semaphore_mem>> -> memref<1x!tpu.dma_semaphore, #tpu.memory_space<semaphore_mem>>
    %dma_start3A_151 = tpu.memref_squeeze %dma_start3A_150 : memref<1x!tpu.dma_semaphore, #tpu.memory_space<semaphore_mem>> -> memref<!tpu.dma_semaphore, #tpu.memory_space<semaphore_mem>>
    %dma_start3A_152 = arith.constant 0 : i32
    %dma_start3A_153 = tpu.memref_slice %arg9[%add3A_141, %dma_start3A_152] : memref<6144x128xf32, #tpu.memory_space<hbm>> -> memref<32x128xf32, #tpu.memory_space<hbm>>
    %dma_start3A_154 = arith.constant 0 : i32
    %dma_start3A_155 = arith.constant 0 : i32
    %dma_start3A_156 = tpu.memref_slice %arg14[%dma_start3A_142, %dma_start3A_154, %dma_start3A_155] : memref<6x32x128xf32, #tpu.memory_space<vmem>> -> memref<1x32x128xf32, #tpu.memory_space<vmem>>
    %dma_start3A_157 = tpu.memref_squeeze %dma_start3A_156 : memref<1x32x128xf32, #tpu.memory_space<vmem>> -> memref<32x128xf32, #tpu.memory_space<vmem>>
    tpu.enqueue_dma source(%dma_start3A_157 : memref<32x128xf32, #tpu.memory_space<vmem>>) target(%dma_start3A_153 : memref<32x128xf32, #tpu.memory_space<hbm>>) target_semaphore(%dma_start3A_151 : memref<!tpu.dma_semaphore, #tpu.memory_space<semaphore_mem>>)
    %dma_wait3A_158 = arith.constant 3 : i32
    %dma_wait3A_159 = arith.constant 3 : i32
    %dma_wait3A_160 = arith.constant 0 : i32
    %dma_wait3A_161 = arith.constant 0 : i32
    %dma_wait3A_162 = tpu.memref_slice %arg14[%dma_wait3A_158, %dma_wait3A_160, %dma_wait3A_161] : memref<6x32x128xf32, #tpu.memory_space<vmem>> -> memref<1x32x128xf32, #tpu.memory_space<vmem>>
    %dma_wait3A_163 = tpu.memref_squeeze %dma_wait3A_162 : memref<1x32x128xf32, #tpu.memory_space<vmem>> -> memref<32x128xf32, #tpu.memory_space<vmem>>
    %dma_wait3A_164 = arith.constant 0 : i32
    %dma_wait3A_165 = arith.constant 0 : i32
    %dma_wait3A_166 = tpu.memref_slice %arg4[%dma_wait3A_164, %dma_wait3A_165] : memref<20000x128xf32, #tpu.memory_space<hbm>> -> memref<20000x128xf32, #tpu.memory_space<hbm>>
    %dma_wait3A_167 = tpu.memref_slice %arg15[%dma_wait3A_159] : memref<6x!tpu.dma_semaphore, #tpu.memory_space<semaphore_mem>> -> memref<1x!tpu.dma_semaphore, #tpu.memory_space<semaphore_mem>>
    %dma_wait3A_168 = tpu.memref_squeeze %dma_wait3A_167 : memref<1x!tpu.dma_semaphore, #tpu.memory_space<semaphore_mem>> -> memref<!tpu.dma_semaphore, #tpu.memory_space<semaphore_mem>>
    tpu.wait_indirect_dma semaphore(%dma_wait3A_168 : memref<!tpu.dma_semaphore, #tpu.memory_space<semaphore_mem>>) src(%dma_wait3A_166 : memref<20000x128xf32, #tpu.memory_space<hbm>>) dst(%dma_wait3A_163 : memref<32x128xf32, #tpu.memory_space<vmem>>)
    %add3A_169 = arith.constant 3072 : i32
    %add3A_170 = arith.addi %add3A_169, %mul3A_2 : i32
    %dma_start3A_171 = arith.constant 3 : i32
    %dma_start3A_172 = arith.constant 3 : i32
    %dma_start3A_173 = arith.constant 0 : i32
    %dma_start3A_174 = arith.constant 0 : i32
    %dma_start3A_175 = tpu.memref_slice %arg14[%dma_start3A_171, %dma_start3A_173, %dma_start3A_174] : memref<6x32x128xf32, #tpu.memory_space<vmem>> -> memref<1x32x128xf32, #tpu.memory_space<vmem>>
    %dma_start3A_176 = tpu.memref_squeeze %dma_start3A_175 : memref<1x32x128xf32, #tpu.memory_space<vmem>> -> memref<32x128xf32, #tpu.memory_space<vmem>>
    %dma_start3A_177 = arith.constant 0 : i32
    %dma_start3A_178 = tpu.memref_slice %arg9[%add3A_170, %dma_start3A_177] : memref<6144x128xf32, #tpu.memory_space<hbm>> -> memref<32x128xf32, #tpu.memory_space<hbm>>
    %dma_start3A_179 = tpu.memref_slice %arg16[%dma_start3A_172] : memref<6x!tpu.dma_semaphore, #tpu.memory_space<semaphore_mem>> -> memref<1x!tpu.dma_semaphore, #tpu.memory_space<semaphore_mem>>
    %dma_start3A_180 = tpu.memref_squeeze %dma_start3A_179 : memref<1x!tpu.dma_semaphore, #tpu.memory_space<semaphore_mem>> -> memref<!tpu.dma_semaphore, #tpu.memory_space<semaphore_mem>>
    %dma_start3A_181 = arith.constant 0 : i32
    %dma_start3A_182 = tpu.memref_slice %arg9[%add3A_170, %dma_start3A_181] : memref<6144x128xf32, #tpu.memory_space<hbm>> -> memref<32x128xf32, #tpu.memory_space<hbm>>
    %dma_start3A_183 = arith.constant 0 : i32
    %dma_start3A_184 = arith.constant 0 : i32
    %dma_start3A_185 = tpu.memref_slice %arg14[%dma_start3A_171, %dma_start3A_183, %dma_start3A_184] : memref<6x32x128xf32, #tpu.memory_space<vmem>> -> memref<1x32x128xf32, #tpu.memory_space<vmem>>
    %dma_start3A_186 = tpu.memref_squeeze %dma_start3A_185 : memref<1x32x128xf32, #tpu.memory_space<vmem>> -> memref<32x128xf32, #tpu.memory_space<vmem>>
    tpu.enqueue_dma source(%dma_start3A_186 : memref<32x128xf32, #tpu.memory_space<vmem>>) target(%dma_start3A_182 : memref<32x128xf32, #tpu.memory_space<hbm>>) target_semaphore(%dma_start3A_180 : memref<!tpu.dma_semaphore, #tpu.memory_space<semaphore_mem>>)
    %dma_wait3A_187 = arith.constant 4 : i32
    %dma_wait3A_188 = arith.constant 4 : i32
    %dma_wait3A_189 = arith.constant 0 : i32
    %dma_wait3A_190 = arith.constant 0 : i32
    %dma_wait3A_191 = tpu.memref_slice %arg14[%dma_wait3A_187, %dma_wait3A_189, %dma_wait3A_190] : memref<6x32x128xf32, #tpu.memory_space<vmem>> -> memref<1x32x128xf32, #tpu.memory_space<vmem>>
    %dma_wait3A_192 = tpu.memref_squeeze %dma_wait3A_191 : memref<1x32x128xf32, #tpu.memory_space<vmem>> -> memref<32x128xf32, #tpu.memory_space<vmem>>
    %dma_wait3A_193 = arith.constant 0 : i32
    %dma_wait3A_194 = arith.constant 0 : i32
    %dma_wait3A_195 = tpu.memref_slice %arg5[%dma_wait3A_193, %dma_wait3A_194] : memref<5000x128xf32, #tpu.memory_space<hbm>> -> memref<5000x128xf32, #tpu.memory_space<hbm>>
    %dma_wait3A_196 = tpu.memref_slice %arg15[%dma_wait3A_188] : memref<6x!tpu.dma_semaphore, #tpu.memory_space<semaphore_mem>> -> memref<1x!tpu.dma_semaphore, #tpu.memory_space<semaphore_mem>>
    %dma_wait3A_197 = tpu.memref_squeeze %dma_wait3A_196 : memref<1x!tpu.dma_semaphore, #tpu.memory_space<semaphore_mem>> -> memref<!tpu.dma_semaphore, #tpu.memory_space<semaphore_mem>>
    tpu.wait_indirect_dma semaphore(%dma_wait3A_197 : memref<!tpu.dma_semaphore, #tpu.memory_space<semaphore_mem>>) src(%dma_wait3A_195 : memref<5000x128xf32, #tpu.memory_space<hbm>>) dst(%dma_wait3A_192 : memref<32x128xf32, #tpu.memory_space<vmem>>)
    %add3A_198 = arith.constant 4096 : i32
    %add3A_199 = arith.addi %add3A_198, %mul3A_2 : i32
    %dma_start3A_200 = arith.constant 4 : i32
    %dma_start3A_201 = arith.constant 4 : i32
    %dma_start3A_202 = arith.constant 0 : i32
    %dma_start3A_203 = arith.constant 0 : i32
    %dma_start3A_204 = tpu.memref_slice %arg14[%dma_start3A_200, %dma_start3A_202, %dma_start3A_203] : memref<6x32x128xf32, #tpu.memory_space<vmem>> -> memref<1x32x128xf32, #tpu.memory_space<vmem>>
    %dma_start3A_205 = tpu.memref_squeeze %dma_start3A_204 : memref<1x32x128xf32, #tpu.memory_space<vmem>> -> memref<32x128xf32, #tpu.memory_space<vmem>>
    %dma_start3A_206 = arith.constant 0 : i32
    %dma_start3A_207 = tpu.memref_slice %arg9[%add3A_199, %dma_start3A_206] : memref<6144x128xf32, #tpu.memory_space<hbm>> -> memref<32x128xf32, #tpu.memory_space<hbm>>
    %dma_start3A_208 = tpu.memref_slice %arg16[%dma_start3A_201] : memref<6x!tpu.dma_semaphore, #tpu.memory_space<semaphore_mem>> -> memref<1x!tpu.dma_semaphore, #tpu.memory_space<semaphore_mem>>
    %dma_start3A_209 = tpu.memref_squeeze %dma_start3A_208 : memref<1x!tpu.dma_semaphore, #tpu.memory_space<semaphore_mem>> -> memref<!tpu.dma_semaphore, #tpu.memory_space<semaphore_mem>>
    %dma_start3A_210 = arith.constant 0 : i32
    %dma_start3A_211 = tpu.memref_slice %arg9[%add3A_199, %dma_start3A_210] : memref<6144x128xf32, #tpu.memory_space<hbm>> -> memref<32x128xf32, #tpu.memory_space<hbm>>
    %dma_start3A_212 = arith.constant 0 : i32
    %dma_start3A_213 = arith.constant 0 : i32
    %dma_start3A_214 = tpu.memref_slice %arg14[%dma_start3A_200, %dma_start3A_212, %dma_start3A_213] : memref<6x32x128xf32, #tpu.memory_space<vmem>> -> memref<1x32x128xf32, #tpu.memory_space<vmem>>
    %dma_start3A_215 = tpu.memref_squeeze %dma_start3A_214 : memref<1x32x128xf32, #tpu.memory_space<vmem>> -> memref<32x128xf32, #tpu.memory_space<vmem>>
    tpu.enqueue_dma source(%dma_start3A_215 : memref<32x128xf32, #tpu.memory_space<vmem>>) target(%dma_start3A_211 : memref<32x128xf32, #tpu.memory_space<hbm>>) target_semaphore(%dma_start3A_209 : memref<!tpu.dma_semaphore, #tpu.memory_space<semaphore_mem>>)
    %dma_wait3A_216 = arith.constant 5 : i32
    %dma_wait3A_217 = arith.constant 5 : i32
    %dma_wait3A_218 = arith.constant 0 : i32
    %dma_wait3A_219 = arith.constant 0 : i32
    %dma_wait3A_220 = tpu.memref_slice %arg14[%dma_wait3A_216, %dma_wait3A_218, %dma_wait3A_219] : memref<6x32x128xf32, #tpu.memory_space<vmem>> -> memref<1x32x128xf32, #tpu.memory_space<vmem>>
    %dma_wait3A_221 = tpu.memref_squeeze %dma_wait3A_220 : memref<1x32x128xf32, #tpu.memory_space<vmem>> -> memref<32x128xf32, #tpu.memory_space<vmem>>
    %dma_wait3A_222 = arith.constant 0 : i32
    %dma_wait3A_223 = arith.constant 0 : i32
    %dma_wait3A_224 = tpu.memref_slice %arg5[%dma_wait3A_222, %dma_wait3A_223] : memref<5000x128xf32, #tpu.memory_space<hbm>> -> memref<5000x128xf32, #tpu.memory_space<hbm>>
    %dma_wait3A_225 = tpu.memref_slice %arg15[%dma_wait3A_217] : memref<6x!tpu.dma_semaphore, #tpu.memory_space<semaphore_mem>> -> memref<1x!tpu.dma_semaphore, #tpu.memory_space<semaphore_mem>>
    %dma_wait3A_226 = tpu.memref_squeeze %dma_wait3A_225 : memref<1x!tpu.dma_semaphore, #tpu.memory_space<semaphore_mem>> -> memref<!tpu.dma_semaphore, #tpu.memory_space<semaphore_mem>>
    tpu.wait_indirect_dma semaphore(%dma_wait3A_226 : memref<!tpu.dma_semaphore, #tpu.memory_space<semaphore_mem>>) src(%dma_wait3A_224 : memref<5000x128xf32, #tpu.memory_space<hbm>>) dst(%dma_wait3A_221 : memref<32x128xf32, #tpu.memory_space<vmem>>)
    %add3A_227 = arith.constant 5120 : i32
    %add3A_228 = arith.addi %add3A_227, %mul3A_2 : i32
    %dma_start3A_229 = arith.constant 5 : i32
    %dma_start3A_230 = arith.constant 5 : i32
    %dma_start3A_231 = arith.constant 0 : i32
    %dma_start3A_232 = arith.constant 0 : i32
    %dma_start3A_233 = tpu.memref_slice %arg14[%dma_start3A_229, %dma_start3A_231, %dma_start3A_232] : memref<6x32x128xf32, #tpu.memory_space<vmem>> -> memref<1x32x128xf32, #tpu.memory_space<vmem>>
    %dma_start3A_234 = tpu.memref_squeeze %dma_start3A_233 : memref<1x32x128xf32, #tpu.memory_space<vmem>> -> memref<32x128xf32, #tpu.memory_space<vmem>>
    %dma_start3A_235 = arith.constant 0 : i32
    %dma_start3A_236 = tpu.memref_slice %arg9[%add3A_228, %dma_start3A_235] : memref<6144x128xf32, #tpu.memory_space<hbm>> -> memref<32x128xf32, #tpu.memory_space<hbm>>
    %dma_start3A_237 = tpu.memref_slice %arg16[%dma_start3A_230] : memref<6x!tpu.dma_semaphore, #tpu.memory_space<semaphore_mem>> -> memref<1x!tpu.dma_semaphore, #tpu.memory_space<semaphore_mem>>
    %dma_start3A_238 = tpu.memref_squeeze %dma_start3A_237 : memref<1x!tpu.dma_semaphore, #tpu.memory_space<semaphore_mem>> -> memref<!tpu.dma_semaphore, #tpu.memory_space<semaphore_mem>>
    %dma_start3A_239 = arith.constant 0 : i32
    %dma_start3A_240 = tpu.memref_slice %arg9[%add3A_228, %dma_start3A_239] : memref<6144x128xf32, #tpu.memory_space<hbm>> -> memref<32x128xf32, #tpu.memory_space<hbm>>
    %dma_start3A_241 = arith.constant 0 : i32
    %dma_start3A_242 = arith.constant 0 : i32
    %dma_start3A_243 = tpu.memref_slice %arg14[%dma_start3A_229, %dma_start3A_241, %dma_start3A_242] : memref<6x32x128xf32, #tpu.memory_space<vmem>> -> memref<1x32x128xf32, #tpu.memory_space<vmem>>
    %dma_start3A_244 = tpu.memref_squeeze %dma_start3A_243 : memref<1x32x128xf32, #tpu.memory_space<vmem>> -> memref<32x128xf32, #tpu.memory_space<vmem>>
    tpu.enqueue_dma source(%dma_start3A_244 : memref<32x128xf32, #tpu.memory_space<vmem>>) target(%dma_start3A_240 : memref<32x128xf32, #tpu.memory_space<hbm>>) target_semaphore(%dma_start3A_238 : memref<!tpu.dma_semaphore, #tpu.memory_space<semaphore_mem>>)
    %add3A_245 = arith.constant 0 : i32
    %add3A_246 = arith.addi %add3A_245, %mul3A_2 : i32
    %dma_wait3A_247 = arith.constant 0 : i32
    %dma_wait3A_248 = arith.constant 0 : i32
    %dma_wait3A_249 = arith.constant 0 : i32
    %dma_wait3A_250 = arith.constant 0 : i32
    %dma_wait3A_251 = tpu.memref_slice %arg14[%dma_wait3A_247, %dma_wait3A_249, %dma_wait3A_250] : memref<6x32x128xf32, #tpu.memory_space<vmem>> -> memref<1x32x128xf32, #tpu.memory_space<vmem>>
    %dma_wait3A_252 = tpu.memref_squeeze %dma_wait3A_251 : memref<1x32x128xf32, #tpu.memory_space<vmem>> -> memref<32x128xf32, #tpu.memory_space<vmem>>
    %dma_wait3A_253 = arith.constant 0 : i32
    %dma_wait3A_254 = tpu.memref_slice %arg9[%add3A_246, %dma_wait3A_253] : memref<6144x128xf32, #tpu.memory_space<hbm>> -> memref<32x128xf32, #tpu.memory_space<hbm>>
    %dma_wait3A_255 = tpu.memref_slice %arg16[%dma_wait3A_248] : memref<6x!tpu.dma_semaphore, #tpu.memory_space<semaphore_mem>> -> memref<1x!tpu.dma_semaphore, #tpu.memory_space<semaphore_mem>>
    %dma_wait3A_256 = tpu.memref_squeeze %dma_wait3A_255 : memref<1x!tpu.dma_semaphore, #tpu.memory_space<semaphore_mem>> -> memref<!tpu.dma_semaphore, #tpu.memory_space<semaphore_mem>>
    %dma_wait3A_257 = arith.constant 0 : i32
    %dma_wait3A_258 = tpu.memref_slice %arg9[%add3A_246, %dma_wait3A_257] : memref<6144x128xf32, #tpu.memory_space<hbm>> -> memref<32x128xf32, #tpu.memory_space<hbm>>
    %dma_wait3A_259 = arith.constant 0 : i32
    %dma_wait3A_260 = arith.constant 0 : i32
    %dma_wait3A_261 = tpu.memref_slice %arg14[%dma_wait3A_247, %dma_wait3A_259, %dma_wait3A_260] : memref<6x32x128xf32, #tpu.memory_space<vmem>> -> memref<1x32x128xf32, #tpu.memory_space<vmem>>
    %dma_wait3A_262 = tpu.memref_squeeze %dma_wait3A_261 : memref<1x32x128xf32, #tpu.memory_space<vmem>> -> memref<32x128xf32, #tpu.memory_space<vmem>>
    tpu.wait_dma2 semaphore(%dma_wait3A_256 : memref<!tpu.dma_semaphore, #tpu.memory_space<semaphore_mem>>) src(%dma_wait3A_262 : memref<32x128xf32, #tpu.memory_space<vmem>>) dst(%dma_wait3A_258 : memref<32x128xf32, #tpu.memory_space<hbm>>)
    %add3A_263 = arith.constant 1024 : i32
    %add3A_264 = arith.addi %add3A_263, %mul3A_2 : i32
    %dma_wait3A_265 = arith.constant 1 : i32
    %dma_wait3A_266 = arith.constant 1 : i32
    %dma_wait3A_267 = arith.constant 0 : i32
    %dma_wait3A_268 = arith.constant 0 : i32
    %dma_wait3A_269 = tpu.memref_slice %arg14[%dma_wait3A_265, %dma_wait3A_267, %dma_wait3A_268] : memref<6x32x128xf32, #tpu.memory_space<vmem>> -> memref<1x32x128xf32, #tpu.memory_space<vmem>>
    %dma_wait3A_270 = tpu.memref_squeeze %dma_wait3A_269 : memref<1x32x128xf32, #tpu.memory_space<vmem>> -> memref<32x128xf32, #tpu.memory_space<vmem>>
    %dma_wait3A_271 = arith.constant 0 : i32
    %dma_wait3A_272 = tpu.memref_slice %arg9[%add3A_264, %dma_wait3A_271] : memref<6144x128xf32, #tpu.memory_space<hbm>> -> memref<32x128xf32, #tpu.memory_space<hbm>>
    %dma_wait3A_273 = tpu.memref_slice %arg16[%dma_wait3A_266] : memref<6x!tpu.dma_semaphore, #tpu.memory_space<semaphore_mem>> -> memref<1x!tpu.dma_semaphore, #tpu.memory_space<semaphore_mem>>
    %dma_wait3A_274 = tpu.memref_squeeze %dma_wait3A_273 : memref<1x!tpu.dma_semaphore, #tpu.memory_space<semaphore_mem>> -> memref<!tpu.dma_semaphore, #tpu.memory_space<semaphore_mem>>
    %dma_wait3A_275 = arith.constant 0 : i32
    %dma_wait3A_276 = tpu.memref_slice %arg9[%add3A_264, %dma_wait3A_275] : memref<6144x128xf32, #tpu.memory_space<hbm>> -> memref<32x128xf32, #tpu.memory_space<hbm>>
    %dma_wait3A_277 = arith.constant 0 : i32
    %dma_wait3A_278 = arith.constant 0 : i32
    %dma_wait3A_279 = tpu.memref_slice %arg14[%dma_wait3A_265, %dma_wait3A_277, %dma_wait3A_278] : memref<6x32x128xf32, #tpu.memory_space<vmem>> -> memref<1x32x128xf32, #tpu.memory_space<vmem>>
    %dma_wait3A_280 = tpu.memref_squeeze %dma_wait3A_279 : memref<1x32x128xf32, #tpu.memory_space<vmem>> -> memref<32x128xf32, #tpu.memory_space<vmem>>
    tpu.wait_dma2 semaphore(%dma_wait3A_274 : memref<!tpu.dma_semaphore, #tpu.memory_space<semaphore_mem>>) src(%dma_wait3A_280 : memref<32x128xf32, #tpu.memory_space<vmem>>) dst(%dma_wait3A_276 : memref<32x128xf32, #tpu.memory_space<hbm>>)
    %add3A_281 = arith.constant 2048 : i32
    %add3A_282 = arith.addi %add3A_281, %mul3A_2 : i32
    %dma_wait3A_283 = arith.constant 2 : i32
    %dma_wait3A_284 = arith.constant 2 : i32
    %dma_wait3A_285 = arith.constant 0 : i32
    %dma_wait3A_286 = arith.constant 0 : i32
    %dma_wait3A_287 = tpu.memref_slice %arg14[%dma_wait3A_283, %dma_wait3A_285, %dma_wait3A_286] : memref<6x32x128xf32, #tpu.memory_space<vmem>> -> memref<1x32x128xf32, #tpu.memory_space<vmem>>
    %dma_wait3A_288 = tpu.memref_squeeze %dma_wait3A_287 : memref<1x32x128xf32, #tpu.memory_space<vmem>> -> memref<32x128xf32, #tpu.memory_space<vmem>>
    %dma_wait3A_289 = arith.constant 0 : i32
    %dma_wait3A_290 = tpu.memref_slice %arg9[%add3A_282, %dma_wait3A_289] : memref<6144x128xf32, #tpu.memory_space<hbm>> -> memref<32x128xf32, #tpu.memory_space<hbm>>
    %dma_wait3A_291 = tpu.memref_slice %arg16[%dma_wait3A_284] : memref<6x!tpu.dma_semaphore, #tpu.memory_space<semaphore_mem>> -> memref<1x!tpu.dma_semaphore, #tpu.memory_space<semaphore_mem>>
    %dma_wait3A_292 = tpu.memref_squeeze %dma_wait3A_291 : memref<1x!tpu.dma_semaphore, #tpu.memory_space<semaphore_mem>> -> memref<!tpu.dma_semaphore, #tpu.memory_space<semaphore_mem>>
    %dma_wait3A_293 = arith.constant 0 : i32
    %dma_wait3A_294 = tpu.memref_slice %arg9[%add3A_282, %dma_wait3A_293] : memref<6144x128xf32, #tpu.memory_space<hbm>> -> memref<32x128xf32, #tpu.memory_space<hbm>>
    %dma_wait3A_295 = arith.constant 0 : i32
    %dma_wait3A_296 = arith.constant 0 : i32
    %dma_wait3A_297 = tpu.memref_slice %arg14[%dma_wait3A_283, %dma_wait3A_295, %dma_wait3A_296] : memref<6x32x128xf32, #tpu.memory_space<vmem>> -> memref<1x32x128xf32, #tpu.memory_space<vmem>>
    %dma_wait3A_298 = tpu.memref_squeeze %dma_wait3A_297 : memref<1x32x128xf32, #tpu.memory_space<vmem>> -> memref<32x128xf32, #tpu.memory_space<vmem>>
    tpu.wait_dma2 semaphore(%dma_wait3A_292 : memref<!tpu.dma_semaphore, #tpu.memory_space<semaphore_mem>>) src(%dma_wait3A_298 : memref<32x128xf32, #tpu.memory_space<vmem>>) dst(%dma_wait3A_294 : memref<32x128xf32, #tpu.memory_space<hbm>>)
    %add3A_299 = arith.constant 3072 : i32
    %add3A_300 = arith.addi %add3A_299, %mul3A_2 : i32
    %dma_wait3A_301 = arith.constant 3 : i32
    %dma_wait3A_302 = arith.constant 3 : i32
    %dma_wait3A_303 = arith.constant 0 : i32
    %dma_wait3A_304 = arith.constant 0 : i32
    %dma_wait3A_305 = tpu.memref_slice %arg14[%dma_wait3A_301, %dma_wait3A_303, %dma_wait3A_304] : memref<6x32x128xf32, #tpu.memory_space<vmem>> -> memref<1x32x128xf32, #tpu.memory_space<vmem>>
    %dma_wait3A_306 = tpu.memref_squeeze %dma_wait3A_305 : memref<1x32x128xf32, #tpu.memory_space<vmem>> -> memref<32x128xf32, #tpu.memory_space<vmem>>
    %dma_wait3A_307 = arith.constant 0 : i32
    %dma_wait3A_308 = tpu.memref_slice %arg9[%add3A_300, %dma_wait3A_307] : memref<6144x128xf32, #tpu.memory_space<hbm>> -> memref<32x128xf32, #tpu.memory_space<hbm>>
    %dma_wait3A_309 = tpu.memref_slice %arg16[%dma_wait3A_302] : memref<6x!tpu.dma_semaphore, #tpu.memory_space<semaphore_mem>> -> memref<1x!tpu.dma_semaphore, #tpu.memory_space<semaphore_mem>>
    %dma_wait3A_310 = tpu.memref_squeeze %dma_wait3A_309 : memref<1x!tpu.dma_semaphore, #tpu.memory_space<semaphore_mem>> -> memref<!tpu.dma_semaphore, #tpu.memory_space<semaphore_mem>>
    %dma_wait3A_311 = arith.constant 0 : i32
    %dma_wait3A_312 = tpu.memref_slice %arg9[%add3A_300, %dma_wait3A_311] : memref<6144x128xf32, #tpu.memory_space<hbm>> -> memref<32x128xf32, #tpu.memory_space<hbm>>
    %dma_wait3A_313 = arith.constant 0 : i32
    %dma_wait3A_314 = arith.constant 0 : i32
    %dma_wait3A_315 = tpu.memref_slice %arg14[%dma_wait3A_301, %dma_wait3A_313, %dma_wait3A_314] : memref<6x32x128xf32, #tpu.memory_space<vmem>> -> memref<1x32x128xf32, #tpu.memory_space<vmem>>
    %dma_wait3A_316 = tpu.memref_squeeze %dma_wait3A_315 : memref<1x32x128xf32, #tpu.memory_space<vmem>> -> memref<32x128xf32, #tpu.memory_space<vmem>>
    tpu.wait_dma2 semaphore(%dma_wait3A_310 : memref<!tpu.dma_semaphore, #tpu.memory_space<semaphore_mem>>) src(%dma_wait3A_316 : memref<32x128xf32, #tpu.memory_space<vmem>>) dst(%dma_wait3A_312 : memref<32x128xf32, #tpu.memory_space<hbm>>)
    %add3A_317 = arith.constant 4096 : i32
    %add3A_318 = arith.addi %add3A_317, %mul3A_2 : i32
    %dma_wait3A_319 = arith.constant 4 : i32
    %dma_wait3A_320 = arith.constant 4 : i32
    %dma_wait3A_321 = arith.constant 0 : i32
    %dma_wait3A_322 = arith.constant 0 : i32
    %dma_wait3A_323 = tpu.memref_slice %arg14[%dma_wait3A_319, %dma_wait3A_321, %dma_wait3A_322] : memref<6x32x128xf32, #tpu.memory_space<vmem>> -> memref<1x32x128xf32, #tpu.memory_space<vmem>>
    %dma_wait3A_324 = tpu.memref_squeeze %dma_wait3A_323 : memref<1x32x128xf32, #tpu.memory_space<vmem>> -> memref<32x128xf32, #tpu.memory_space<vmem>>
    %dma_wait3A_325 = arith.constant 0 : i32
    %dma_wait3A_326 = tpu.memref_slice %arg9[%add3A_318, %dma_wait3A_325] : memref<6144x128xf32, #tpu.memory_space<hbm>> -> memref<32x128xf32, #tpu.memory_space<hbm>>
    %dma_wait3A_327 = tpu.memref_slice %arg16[%dma_wait3A_320] : memref<6x!tpu.dma_semaphore, #tpu.memory_space<semaphore_mem>> -> memref<1x!tpu.dma_semaphore, #tpu.memory_space<semaphore_mem>>
    %dma_wait3A_328 = tpu.memref_squeeze %dma_wait3A_327 : memref<1x!tpu.dma_semaphore, #tpu.memory_space<semaphore_mem>> -> memref<!tpu.dma_semaphore, #tpu.memory_space<semaphore_mem>>
    %dma_wait3A_329 = arith.constant 0 : i32
    %dma_wait3A_330 = tpu.memref_slice %arg9[%add3A_318, %dma_wait3A_329] : memref<6144x128xf32, #tpu.memory_space<hbm>> -> memref<32x128xf32, #tpu.memory_space<hbm>>
    %dma_wait3A_331 = arith.constant 0 : i32
    %dma_wait3A_332 = arith.constant 0 : i32
    %dma_wait3A_333 = tpu.memref_slice %arg14[%dma_wait3A_319, %dma_wait3A_331, %dma_wait3A_332] : memref<6x32x128xf32, #tpu.memory_space<vmem>> -> memref<1x32x128xf32, #tpu.memory_space<vmem>>
    %dma_wait3A_334 = tpu.memref_squeeze %dma_wait3A_333 : memref<1x32x128xf32, #tpu.memory_space<vmem>> -> memref<32x128xf32, #tpu.memory_space<vmem>>
    tpu.wait_dma2 semaphore(%dma_wait3A_328 : memref<!tpu.dma_semaphore, #tpu.memory_space<semaphore_mem>>) src(%dma_wait3A_334 : memref<32x128xf32, #tpu.memory_space<vmem>>) dst(%dma_wait3A_330 : memref<32x128xf32, #tpu.memory_space<hbm>>)
    %add3A_335 = arith.constant 5120 : i32
    %add3A_336 = arith.addi %add3A_335, %mul3A_2 : i32
    %dma_wait3A_337 = arith.constant 5 : i32
    %dma_wait3A_338 = arith.constant 5 : i32
    %dma_wait3A_339 = arith.constant 0 : i32
    %dma_wait3A_340 = arith.constant 0 : i32
    %dma_wait3A_341 = tpu.memref_slice %arg14[%dma_wait3A_337, %dma_wait3A_339, %dma_wait3A_340] : memref<6x32x128xf32, #tpu.memory_space<vmem>> -> memref<1x32x128xf32, #tpu.memory_space<vmem>>
    %dma_wait3A_342 = tpu.memref_squeeze %dma_wait3A_341 : memref<1x32x128xf32, #tpu.memory_space<vmem>> -> memref<32x128xf32, #tpu.memory_space<vmem>>
    %dma_wait3A_343 = arith.constant 0 : i32
    %dma_wait3A_344 = tpu.memref_slice %arg9[%add3A_336, %dma_wait3A_343] : memref<6144x128xf32, #tpu.memory_space<hbm>> -> memref<32x128xf32, #tpu.memory_space<hbm>>
    %dma_wait3A_345 = tpu.memref_slice %arg16[%dma_wait3A_338] : memref<6x!tpu.dma_semaphore, #tpu.memory_space<semaphore_mem>> -> memref<1x!tpu.dma_semaphore, #tpu.memory_space<semaphore_mem>>
    %dma_wait3A_346 = tpu.memref_squeeze %dma_wait3A_345 : memref<1x!tpu.dma_semaphore, #tpu.memory_space<semaphore_mem>> -> memref<!tpu.dma_semaphore, #tpu.memory_space<semaphore_mem>>
    %dma_wait3A_347 = arith.constant 0 : i32
    %dma_wait3A_348 = tpu.memref_slice %arg9[%add3A_336, %dma_wait3A_347] : memref<6144x128xf32, #tpu.memory_space<hbm>> -> memref<32x128xf32, #tpu.memory_space<hbm>>
    %dma_wait3A_349 = arith.constant 0 : i32
    %dma_wait3A_350 = arith.constant 0 : i32
    %dma_wait3A_351 = tpu.memref_slice %arg14[%dma_wait3A_337, %dma_wait3A_349, %dma_wait3A_350] : memref<6x32x128xf32, #tpu.memory_space<vmem>> -> memref<1x32x128xf32, #tpu.memory_space<vmem>>
    %dma_wait3A_352 = tpu.memref_squeeze %dma_wait3A_351 : memref<1x32x128xf32, #tpu.memory_space<vmem>> -> memref<32x128xf32, #tpu.memory_space<vmem>>
    tpu.wait_dma2 semaphore(%dma_wait3A_346 : memref<!tpu.dma_semaphore, #tpu.memory_space<semaphore_mem>>) src(%dma_wait3A_352 : memref<32x128xf32, #tpu.memory_space<vmem>>) dst(%dma_wait3A_348 : memref<32x128xf32, #tpu.memory_space<hbm>>)
    return
  }
}

#map = affine_map<(d0, d1) -> (0, 0)>
#map1 = affine_map<(d0, d1) -> (0)>
module attributes {stable_mosaic.version = 14 : i64} {
  func.func @k(%arg0: i32, %arg1: i32, %arg2: memref<100000x128xf32, #tpu.memory_space<hbm>>, %arg3: memref<320000xi32, #tpu.memory_space<hbm>>, %arg4: memref<320000xi32, #tpu.memory_space<hbm>>, %arg5: memref<20000x128xf32, #tpu.memory_space<hbm>>, %arg6: memref<10000xi32, #tpu.memory_space<vmem>>, %arg7: memref<10000xi32, #tpu.memory_space<vmem>>, %arg8: memref<6x40x128xf32, #tpu.memory_space<vmem>>, %arg9: memref<10000x128xf32, #tpu.memory_space<vmem_shared>>, %arg10: memref<6x!tpu.dma_semaphore, #tpu.memory_space<semaphore_mem>>, %arg11: memref<6x!tpu.dma_semaphore, #tpu.memory_space<semaphore_mem>>) attributes {dimension_semantics = [#tpu.dimension_semantics<core_parallel>, #tpu.dimension_semantics<subcore_parallel>], iteration_bounds = array<i64: 2, 16>, scalar_prefetch = 0 : i64, scratch_operands = 6 : i64, tpu.core_type = #tpu.core_type<sc_vector_subcore>, window_params = [{transform_indices = #map}, {transform_indices = #map1}, {transform_indices = #map1}, {transform_indices = #map}]} {
    %mul3A = arith.constant 16 : i32
    %mul3A_0 = arith.muli %arg0, %mul3A : i32
    %add3A = arith.addi %mul3A_0, %arg1 : i32
    %scan3A = arith.constant 0 : i32
    %scan3A_1 = arith.constant 0 : i32
    %scan3A_2 = arith.constant 40 : i32
    %scan3A_3 = arith.addi %scan3A_1, %scan3A_2 : i32
    %scan3A_4 = arith.constant 1 : i32
    scf.for %scan3A_369 = %scan3A_1 to %scan3A_3 step %scan3A_4  : i32 {
      %mul3A_370 = arith.constant 1 : i32
      %mul3A_371 = arith.muli %scan3A_369, %mul3A_370 : i32
      %add3A_372 = arith.constant 0 : i32
      %add3A_373 = arith.addi %add3A_372, %mul3A_371 : i32
      %scan3A_374 = arith.constant 0 : i32
      %scan3A_375 = arith.constant 8 : i32
      %scan3A_376 = arith.addi %scan3A_374, %scan3A_375 : i32
      %scan3A_377 = arith.constant 1 : i32
      scf.for %scan3A_379 = %scan3A_374 to %scan3A_376 step %scan3A_377  : i32 {
        %mul3A_380 = arith.constant 16 : i32
        %mul3A_381 = arith.muli %scan3A_379, %mul3A_380 : i32
        %add3A_382 = arith.constant 0 : i32
        %add3A_383 = arith.addi %add3A_382, %mul3A_381 : i32
        %broadcast_in_dim3A = arith.constant 0.000000e+00 : f32
        %broadcast_in_dim3A_384 = vector.broadcast %broadcast_in_dim3A : f32 to vector<16xf32>
        %swap3A = arith.constant 0 : i32
        %swap3A_385 = arith.constant 0 : i32
        %swap3A_386 = tpu.memref_slice %arg8[%scan3A, %swap3A, %swap3A_385] : memref<6x40x128xf32, #tpu.memory_space<vmem>> -> memref<1x40x128xf32, #tpu.memory_space<vmem>>
        %swap3A_387 = tpu.memref_squeeze %swap3A_386 : memref<1x40x128xf32, #tpu.memory_space<vmem>> -> memref<40x128xf32, #tpu.memory_space<vmem>>
        %swap3A_388 = arith.index_cast %add3A_373 : i32 to index
        %swap3A_389 = arith.index_cast %add3A_383 : i32 to index
        %swap3A_390 = tpu.vector_load %swap3A_387[%swap3A_388, %swap3A_389] {strides = array<i32>} : memref<40x128xf32, #tpu.memory_space<vmem>>, vector<1x16xf32>,
        %swap3A_391 = vector.shape_cast %swap3A_390 : vector<1x16xf32> to vector<16xf32>
        %swap3A_392 = vector.shape_cast %broadcast_in_dim3A_384 : vector<16xf32> to vector<1x16xf32>
        tpu.vector_store %swap3A_387[%swap3A_388, %swap3A_389], %swap3A_392 {strides = array<i32>} : memref<40x128xf32, #tpu.memory_space<vmem>>, vector<1x16xf32>,
      }
      %scan3A_378 = arith.constant 8 : i32
    }
    %scan3A_5 = arith.constant 40 : i32
    %mul3A_6 = arith.constant 10000 : i32
    %mul3A_7 = arith.muli %add3A, %mul3A_6 : i32
    %dma_start3A = arith.constant 0 : i32
    %dma_start3A_8 = tpu.memref_slice %arg3[%mul3A_7] : memref<320000xi32, #tpu.memory_space<hbm>> -> memref<10000xi32, #tpu.memory_space<hbm>>
    %dma_start3A_9 = tpu.memref_slice %arg10[%dma_start3A] : memref<6x!tpu.dma_semaphore, #tpu.memory_space<semaphore_mem>> -> memref<1x!tpu.dma_semaphore, #tpu.memory_space<semaphore_mem>>
    %dma_start3A_10 = tpu.memref_squeeze %dma_start3A_9 : memref<1x!tpu.dma_semaphore, #tpu.memory_space<semaphore_mem>> -> memref<!tpu.dma_semaphore, #tpu.memory_space<semaphore_mem>>
    %dma_start3A_11 = tpu.memref_slice %arg3[%mul3A_7] : memref<320000xi32, #tpu.memory_space<hbm>> -> memref<10000xi32, #tpu.memory_space<hbm>>
    tpu.enqueue_dma source(%dma_start3A_11 : memref<10000xi32, #tpu.memory_space<hbm>>) target(%arg6 : memref<10000xi32, #tpu.memory_space<vmem>>) target_semaphore(%dma_start3A_10 : memref<!tpu.dma_semaphore, #tpu.memory_space<semaphore_mem>>)
    %mul3A_12 = arith.constant 10000 : i32
    %mul3A_13 = arith.muli %add3A, %mul3A_12 : i32
    %dma_start3A_14 = arith.constant 1 : i32
    %dma_start3A_15 = tpu.memref_slice %arg4[%mul3A_13] : memref<320000xi32, #tpu.memory_space<hbm>> -> memref<10000xi32, #tpu.memory_space<hbm>>
    %dma_start3A_16 = tpu.memref_slice %arg10[%dma_start3A_14] : memref<6x!tpu.dma_semaphore, #tpu.memory_space<semaphore_mem>> -> memref<1x!tpu.dma_semaphore, #tpu.memory_space<semaphore_mem>>
    %dma_start3A_17 = tpu.memref_squeeze %dma_start3A_16 : memref<1x!tpu.dma_semaphore, #tpu.memory_space<semaphore_mem>> -> memref<!tpu.dma_semaphore, #tpu.memory_space<semaphore_mem>>
    %dma_start3A_18 = tpu.memref_slice %arg4[%mul3A_13] : memref<320000xi32, #tpu.memory_space<hbm>> -> memref<10000xi32, #tpu.memory_space<hbm>>
    tpu.enqueue_dma source(%dma_start3A_18 : memref<10000xi32, #tpu.memory_space<hbm>>) target(%arg7 : memref<10000xi32, #tpu.memory_space<vmem>>) target_semaphore(%dma_start3A_17 : memref<!tpu.dma_semaphore, #tpu.memory_space<semaphore_mem>>)
    %sub3A = arith.constant 250 : i32
    %sub3A_19 = arith.subi %sub3A, %arg1 : i32
    %sub3A_20 = arith.constant 16 : i32
    %sub3A_21 = arith.constant 1 : i32
    %sub3A_22 = arith.subi %sub3A_20, %sub3A_21 : i32
    %add3A_23 = arith.addi %sub3A_19, %sub3A_22 : i32
    %div3A = arith.constant 16 : i32
    %div3A_24 = arith.divsi %add3A_23, %div3A : i32
    %while3A = arith.constant 16 : i32
    %while3A_25 = arith.constant 0 : i32
    %while3A_26 = arith.constant 0 : i32
    %while3A_27 = arith.subi %div3A_24, %while3A_26 : i32
    %while3A_28 = arith.addi %while3A_26, %while3A_27 : i32
    %while3A_29 = arith.constant 1 : i32
    %while3A_30 = arith.divsi %while3A_27, %while3A_29 : i32
    %while3A_31 = arith.muli %while3A_30, %while3A_29 : i32
    %while3A_32 = arith.addi %while3A_26, %while3A_31 : i32
    %while3A_33 = arith.constant 1 : i32
    scf.for %while3A_369 = %while3A_26 to %while3A_32 step %while3A_33  : i32 {
      %mul3A_370 = arith.muli %while3A_369, %while3A : i32
      %add3A_371 = arith.addi %arg1, %mul3A_370 : i32
      %mul3A_372 = arith.constant 40 : i32
      %mul3A_373 = arith.muli %add3A_371, %mul3A_372 : i32
      %dma_start3A_374 = arith.constant 0 : i32
      %dma_start3A_375 = arith.constant 0 : i32
      %dma_start3A_376 = arith.constant 0 : i32
      %dma_start3A_377 = tpu.memref_slice %arg8[%while3A_25, %dma_start3A_375, %dma_start3A_376] : memref<6x40x128xf32, #tpu.memory_space<vmem>> -> memref<1x40x128xf32, #tpu.memory_space<vmem>>
      %dma_start3A_378 = tpu.memref_squeeze %dma_start3A_377 : memref<1x40x128xf32, #tpu.memory_space<vmem>> -> memref<40x128xf32, #tpu.memory_space<vmem>>
      %dma_start3A_379 = arith.constant 0 : i32
      %dma_start3A_380 = tpu.memref_slice %arg9[%mul3A_373, %dma_start3A_379] : memref<10000x128xf32, #tpu.memory_space<vmem_shared>> -> memref<40x128xf32, #tpu.memory_space<vmem_shared>>
      %dma_start3A_381 = tpu.memref_slice %arg11[%dma_start3A_374] : memref<6x!tpu.dma_semaphore, #tpu.memory_space<semaphore_mem>> -> memref<1x!tpu.dma_semaphore, #tpu.memory_space<semaphore_mem>>
      %dma_start3A_382 = tpu.memref_squeeze %dma_start3A_381 : memref<1x!tpu.dma_semaphore, #tpu.memory_space<semaphore_mem>> -> memref<!tpu.dma_semaphore, #tpu.memory_space<semaphore_mem>>
      %dma_start3A_383 = arith.constant 0 : i32
      %dma_start3A_384 = tpu.memref_slice %arg9[%mul3A_373, %dma_start3A_383] : memref<10000x128xf32, #tpu.memory_space<vmem_shared>> -> memref<40x128xf32, #tpu.memory_space<vmem_shared>>
      %dma_start3A_385 = arith.constant 0 : i32
      %dma_start3A_386 = arith.constant 0 : i32
      %dma_start3A_387 = tpu.memref_slice %arg8[%while3A_25, %dma_start3A_385, %dma_start3A_386] : memref<6x40x128xf32, #tpu.memory_space<vmem>> -> memref<1x40x128xf32, #tpu.memory_space<vmem>>
      %dma_start3A_388 = tpu.memref_squeeze %dma_start3A_387 : memref<1x40x128xf32, #tpu.memory_space<vmem>> -> memref<40x128xf32, #tpu.memory_space<vmem>>
      tpu.enqueue_dma source(%dma_start3A_388 : memref<40x128xf32, #tpu.memory_space<vmem>>) target(%dma_start3A_384 : memref<40x128xf32, #tpu.memory_space<vmem_shared>>) target_semaphore(%dma_start3A_382 : memref<!tpu.dma_semaphore, #tpu.memory_space<semaphore_mem>>)
    }
    %while3A_34 = arith.constant 1 : i32
    scf.for %while3A_369 = %while3A_32 to %while3A_28 step %while3A_34  : i32 {
      %mul3A_370 = arith.muli %while3A_369, %while3A : i32
      %add3A_371 = arith.addi %arg1, %mul3A_370 : i32
      %mul3A_372 = arith.constant 40 : i32
      %mul3A_373 = arith.muli %add3A_371, %mul3A_372 : i32
      %dma_start3A_374 = arith.constant 0 : i32
      %dma_start3A_375 = arith.constant 0 : i32
      %dma_start3A_376 = arith.constant 0 : i32
      %dma_start3A_377 = tpu.memref_slice %arg8[%while3A_25, %dma_start3A_375, %dma_start3A_376] : memref<6x40x128xf32, #tpu.memory_space<vmem>> -> memref<1x40x128xf32, #tpu.memory_space<vmem>>
      %dma_start3A_378 = tpu.memref_squeeze %dma_start3A_377 : memref<1x40x128xf32, #tpu.memory_space<vmem>> -> memref<40x128xf32, #tpu.memory_space<vmem>>
      %dma_start3A_379 = arith.constant 0 : i32
      %dma_start3A_380 = tpu.memref_slice %arg9[%mul3A_373, %dma_start3A_379] : memref<10000x128xf32, #tpu.memory_space<vmem_shared>> -> memref<40x128xf32, #tpu.memory_space<vmem_shared>>
      %dma_start3A_381 = tpu.memref_slice %arg11[%dma_start3A_374] : memref<6x!tpu.dma_semaphore, #tpu.memory_space<semaphore_mem>> -> memref<1x!tpu.dma_semaphore, #tpu.memory_space<semaphore_mem>>
      %dma_start3A_382 = tpu.memref_squeeze %dma_start3A_381 : memref<1x!tpu.dma_semaphore, #tpu.memory_space<semaphore_mem>> -> memref<!tpu.dma_semaphore, #tpu.memory_space<semaphore_mem>>
      %dma_start3A_383 = arith.constant 0 : i32
      %dma_start3A_384 = tpu.memref_slice %arg9[%mul3A_373, %dma_start3A_383] : memref<10000x128xf32, #tpu.memory_space<vmem_shared>> -> memref<40x128xf32, #tpu.memory_space<vmem_shared>>
      %dma_start3A_385 = arith.constant 0 : i32
      %dma_start3A_386 = arith.constant 0 : i32
      %dma_start3A_387 = tpu.memref_slice %arg8[%while3A_25, %dma_start3A_385, %dma_start3A_386] : memref<6x40x128xf32, #tpu.memory_space<vmem>> -> memref<1x40x128xf32, #tpu.memory_space<vmem>>
      %dma_start3A_388 = tpu.memref_squeeze %dma_start3A_387 : memref<1x40x128xf32, #tpu.memory_space<vmem>> -> memref<40x128xf32, #tpu.memory_space<vmem>>
      tpu.enqueue_dma source(%dma_start3A_388 : memref<40x128xf32, #tpu.memory_space<vmem>>) target(%dma_start3A_384 : memref<40x128xf32, #tpu.memory_space<vmem_shared>>) target_semaphore(%dma_start3A_382 : memref<!tpu.dma_semaphore, #tpu.memory_space<semaphore_mem>>)
    }
    %sub3A_35 = arith.constant 250 : i32
    %sub3A_36 = arith.subi %sub3A_35, %arg1 : i32
    %sub3A_37 = arith.constant 16 : i32
    %sub3A_38 = arith.constant 1 : i32
    %sub3A_39 = arith.subi %sub3A_37, %sub3A_38 : i32
    %add3A_40 = arith.addi %sub3A_36, %sub3A_39 : i32
    %div3A_41 = arith.constant 16 : i32
    %div3A_42 = arith.divsi %add3A_40, %div3A_41 : i32
    %while3A_43 = arith.constant 16 : i32
    %while3A_44 = arith.constant 0 : i32
    %while3A_45 = arith.constant 0 : i32
    %while3A_46 = arith.subi %div3A_42, %while3A_45 : i32
    %while3A_47 = arith.addi %while3A_45, %while3A_46 : i32
    %while3A_48 = arith.constant 1 : i32
    %while3A_49 = arith.divsi %while3A_46, %while3A_48 : i32
    %while3A_50 = arith.muli %while3A_49, %while3A_48 : i32
    %while3A_51 = arith.addi %while3A_45, %while3A_50 : i32
    %while3A_52 = arith.constant 1 : i32
    scf.for %while3A_369 = %while3A_45 to %while3A_51 step %while3A_52  : i32 {
      %mul3A_370 = arith.muli %while3A_369, %while3A_43 : i32
      %add3A_371 = arith.addi %arg1, %mul3A_370 : i32
      %mul3A_372 = arith.constant 40 : i32
      %mul3A_373 = arith.muli %add3A_371, %mul3A_372 : i32
      %dma_wait3A_374 = arith.constant 0 : i32
      %dma_wait3A_375 = arith.constant 0 : i32
      %dma_wait3A_376 = arith.constant 0 : i32
      %dma_wait3A_377 = tpu.memref_slice %arg8[%while3A_44, %dma_wait3A_375, %dma_wait3A_376] : memref<6x40x128xf32, #tpu.memory_space<vmem>> -> memref<1x40x128xf32, #tpu.memory_space<vmem>>
      %dma_wait3A_378 = tpu.memref_squeeze %dma_wait3A_377 : memref<1x40x128xf32, #tpu.memory_space<vmem>> -> memref<40x128xf32, #tpu.memory_space<vmem>>
      %dma_wait3A_379 = arith.constant 0 : i32
      %dma_wait3A_380 = tpu.memref_slice %arg9[%mul3A_373, %dma_wait3A_379] : memref<10000x128xf32, #tpu.memory_space<vmem_shared>> -> memref<40x128xf32, #tpu.memory_space<vmem_shared>>
      %dma_wait3A_381 = tpu.memref_slice %arg11[%dma_wait3A_374] : memref<6x!tpu.dma_semaphore, #tpu.memory_space<semaphore_mem>> -> memref<1x!tpu.dma_semaphore, #tpu.memory_space<semaphore_mem>>
      %dma_wait3A_382 = tpu.memref_squeeze %dma_wait3A_381 : memref<1x!tpu.dma_semaphore, #tpu.memory_space<semaphore_mem>> -> memref<!tpu.dma_semaphore, #tpu.memory_space<semaphore_mem>>
      %dma_wait3A_383 = arith.constant 0 : i32
      %dma_wait3A_384 = tpu.memref_slice %arg9[%mul3A_373, %dma_wait3A_383] : memref<10000x128xf32, #tpu.memory_space<vmem_shared>> -> memref<40x128xf32, #tpu.memory_space<vmem_shared>>
      %dma_wait3A_385 = arith.constant 0 : i32
      %dma_wait3A_386 = arith.constant 0 : i32
      %dma_wait3A_387 = tpu.memref_slice %arg8[%while3A_44, %dma_wait3A_385, %dma_wait3A_386] : memref<6x40x128xf32, #tpu.memory_space<vmem>> -> memref<1x40x128xf32, #tpu.memory_space<vmem>>
      %dma_wait3A_388 = tpu.memref_squeeze %dma_wait3A_387 : memref<1x40x128xf32, #tpu.memory_space<vmem>> -> memref<40x128xf32, #tpu.memory_space<vmem>>
      tpu.wait_dma2 semaphore(%dma_wait3A_382 : memref<!tpu.dma_semaphore, #tpu.memory_space<semaphore_mem>>) src(%dma_wait3A_388 : memref<40x128xf32, #tpu.memory_space<vmem>>) dst(%dma_wait3A_384 : memref<40x128xf32, #tpu.memory_space<vmem_shared>>)
    }
    %while3A_53 = arith.constant 1 : i32
    scf.for %while3A_369 = %while3A_51 to %while3A_47 step %while3A_53  : i32 {
      %mul3A_370 = arith.muli %while3A_369, %while3A_43 : i32
      %add3A_371 = arith.addi %arg1, %mul3A_370 : i32
      %mul3A_372 = arith.constant 40 : i32
      %mul3A_373 = arith.muli %add3A_371, %mul3A_372 : i32
      %dma_wait3A_374 = arith.constant 0 : i32
      %dma_wait3A_375 = arith.constant 0 : i32
      %dma_wait3A_376 = arith.constant 0 : i32
      %dma_wait3A_377 = tpu.memref_slice %arg8[%while3A_44, %dma_wait3A_375, %dma_wait3A_376] : memref<6x40x128xf32, #tpu.memory_space<vmem>> -> memref<1x40x128xf32, #tpu.memory_space<vmem>>
      %dma_wait3A_378 = tpu.memref_squeeze %dma_wait3A_377 : memref<1x40x128xf32, #tpu.memory_space<vmem>> -> memref<40x128xf32, #tpu.memory_space<vmem>>
      %dma_wait3A_379 = arith.constant 0 : i32
      %dma_wait3A_380 = tpu.memref_slice %arg9[%mul3A_373, %dma_wait3A_379] : memref<10000x128xf32, #tpu.memory_space<vmem_shared>> -> memref<40x128xf32, #tpu.memory_space<vmem_shared>>
      %dma_wait3A_381 = tpu.memref_slice %arg11[%dma_wait3A_374] : memref<6x!tpu.dma_semaphore, #tpu.memory_space<semaphore_mem>> -> memref<1x!tpu.dma_semaphore, #tpu.memory_space<semaphore_mem>>
      %dma_wait3A_382 = tpu.memref_squeeze %dma_wait3A_381 : memref<1x!tpu.dma_semaphore, #tpu.memory_space<semaphore_mem>> -> memref<!tpu.dma_semaphore, #tpu.memory_space<semaphore_mem>>
      %dma_wait3A_383 = arith.constant 0 : i32
      %dma_wait3A_384 = tpu.memref_slice %arg9[%mul3A_373, %dma_wait3A_383] : memref<10000x128xf32, #tpu.memory_space<vmem_shared>> -> memref<40x128xf32, #tpu.memory_space<vmem_shared>>
      %dma_wait3A_385 = arith.constant 0 : i32
      %dma_wait3A_386 = arith.constant 0 : i32
      %dma_wait3A_387 = tpu.memref_slice %arg8[%while3A_44, %dma_wait3A_385, %dma_wait3A_386] : memref<6x40x128xf32, #tpu.memory_space<vmem>> -> memref<1x40x128xf32, #tpu.memory_space<vmem>>
      %dma_wait3A_388 = tpu.memref_squeeze %dma_wait3A_387 : memref<1x40x128xf32, #tpu.memory_space<vmem>> -> memref<40x128xf32, #tpu.memory_space<vmem>>
      tpu.wait_dma2 semaphore(%dma_wait3A_382 : memref<!tpu.dma_semaphore, #tpu.memory_space<semaphore_mem>>) src(%dma_wait3A_388 : memref<40x128xf32, #tpu.memory_space<vmem>>) dst(%dma_wait3A_384 : memref<40x128xf32, #tpu.memory_space<vmem_shared>>)
    }
    %mul3A_54 = arith.constant 10000 : i32
    %mul3A_55 = arith.muli %add3A, %mul3A_54 : i32
    %dma_wait3A = arith.constant 0 : i32
    %dma_wait3A_56 = tpu.memref_slice %arg3[%mul3A_55] : memref<320000xi32, #tpu.memory_space<hbm>> -> memref<10000xi32, #tpu.memory_space<hbm>>
    %dma_wait3A_57 = tpu.memref_slice %arg10[%dma_wait3A] : memref<6x!tpu.dma_semaphore, #tpu.memory_space<semaphore_mem>> -> memref<1x!tpu.dma_semaphore, #tpu.memory_space<semaphore_mem>>
    %dma_wait3A_58 = tpu.memref_squeeze %dma_wait3A_57 : memref<1x!tpu.dma_semaphore, #tpu.memory_space<semaphore_mem>> -> memref<!tpu.dma_semaphore, #tpu.memory_space<semaphore_mem>>
    %dma_wait3A_59 = tpu.memref_slice %arg3[%mul3A_55] : memref<320000xi32, #tpu.memory_space<hbm>> -> memref<10000xi32, #tpu.memory_space<hbm>>
    tpu.wait_dma2 semaphore(%dma_wait3A_58 : memref<!tpu.dma_semaphore, #tpu.memory_space<semaphore_mem>>) src(%dma_wait3A_59 : memref<10000xi32, #tpu.memory_space<hbm>>) dst(%arg6 : memref<10000xi32, #tpu.memory_space<vmem>>)
    %mul3A_60 = arith.constant 10000 : i32
    %mul3A_61 = arith.muli %add3A, %mul3A_60 : i32
    %dma_wait3A_62 = arith.constant 1 : i32
    %dma_wait3A_63 = tpu.memref_slice %arg4[%mul3A_61] : memref<320000xi32, #tpu.memory_space<hbm>> -> memref<10000xi32, #tpu.memory_space<hbm>>
    %dma_wait3A_64 = tpu.memref_slice %arg10[%dma_wait3A_62] : memref<6x!tpu.dma_semaphore, #tpu.memory_space<semaphore_mem>> -> memref<1x!tpu.dma_semaphore, #tpu.memory_space<semaphore_mem>>
    %dma_wait3A_65 = tpu.memref_squeeze %dma_wait3A_64 : memref<1x!tpu.dma_semaphore, #tpu.memory_space<semaphore_mem>> -> memref<!tpu.dma_semaphore, #tpu.memory_space<semaphore_mem>>
    %dma_wait3A_66 = tpu.memref_slice %arg4[%mul3A_61] : memref<320000xi32, #tpu.memory_space<hbm>> -> memref<10000xi32, #tpu.memory_space<hbm>>
    tpu.wait_dma2 semaphore(%dma_wait3A_65 : memref<!tpu.dma_semaphore, #tpu.memory_space<semaphore_mem>>) src(%dma_wait3A_66 : memref<10000xi32, #tpu.memory_space<hbm>>) dst(%arg7 : memref<10000xi32, #tpu.memory_space<vmem>>)
    %barrier3A = arith.constant 0 : index
    tpu.barrier barrier_id(%barrier3A)
    %dma_start3A_67 = arith.constant 0 : i32
    %dma_start3A_68 = arith.constant 0 : i32
    %dma_start3A_69 = arith.constant 0 : i32
    %dma_start3A_70 = arith.constant 0 : i32
    %dma_start3A_71 = tpu.memref_slice %arg8[%dma_start3A_67, %dma_start3A_69, %dma_start3A_70] : memref<6x40x128xf32, #tpu.memory_space<vmem>> -> memref<1x40x128xf32, #tpu.memory_space<vmem>>
    %dma_start3A_72 = tpu.memref_squeeze %dma_start3A_71 : memref<1x40x128xf32, #tpu.memory_space<vmem>> -> memref<40x128xf32, #tpu.memory_space<vmem>>
    %dma_start3A_73 = arith.constant 0 : i32
    %dma_start3A_74 = tpu.memref_slice %arg6[%dma_start3A_73] : memref<10000xi32, #tpu.memory_space<vmem>> -> memref<40xi32, #tpu.memory_space<vmem>>
    %dma_start3A_75 = arith.constant 0 : i32
    %dma_start3A_76 = arith.constant 0 : i32
    %dma_start3A_77 = tpu.memref_slice %arg2[%dma_start3A_75, %dma_start3A_76] : memref<100000x128xf32, #tpu.memory_space<hbm>> -> memref<100000x128xf32, #tpu.memory_space<hbm>>
    %dma_start3A_78 = tpu.memref_slice %arg10[%dma_start3A_68] : memref<6x!tpu.dma_semaphore, #tpu.memory_space<semaphore_mem>> -> memref<1x!tpu.dma_semaphore, #tpu.memory_space<semaphore_mem>>
    %dma_start3A_79 = tpu.memref_squeeze %dma_start3A_78 : memref<1x!tpu.dma_semaphore, #tpu.memory_space<semaphore_mem>> -> memref<!tpu.dma_semaphore, #tpu.memory_space<semaphore_mem>>
    tpu.enqueue_indirect_dma source(%dma_start3A_77 : memref<100000x128xf32, #tpu.memory_space<hbm>>) target(%dma_start3A_72 : memref<40x128xf32, #tpu.memory_space<vmem>>) offsets(%dma_start3A_74 : memref<40xi32, #tpu.memory_space<vmem>>) semaphore(%dma_start3A_79 : memref<!tpu.dma_semaphore, #tpu.memory_space<semaphore_mem>>)
    %dma_start3A_80 = arith.constant 1 : i32
    %dma_start3A_81 = arith.constant 1 : i32
    %dma_start3A_82 = arith.constant 0 : i32
    %dma_start3A_83 = arith.constant 0 : i32
    %dma_start3A_84 = tpu.memref_slice %arg8[%dma_start3A_80, %dma_start3A_82, %dma_start3A_83] : memref<6x40x128xf32, #tpu.memory_space<vmem>> -> memref<1x40x128xf32, #tpu.memory_space<vmem>>
    %dma_start3A_85 = tpu.memref_squeeze %dma_start3A_84 : memref<1x40x128xf32, #tpu.memory_space<vmem>> -> memref<40x128xf32, #tpu.memory_space<vmem>>
    %dma_start3A_86 = arith.constant 40 : i32
    %dma_start3A_87 = tpu.memref_slice %arg6[%dma_start3A_86] : memref<10000xi32, #tpu.memory_space<vmem>> -> memref<40xi32, #tpu.memory_space<vmem>>
    %dma_start3A_88 = arith.constant 0 : i32
    %dma_start3A_89 = arith.constant 0 : i32
    %dma_start3A_90 = tpu.memref_slice %arg2[%dma_start3A_88, %dma_start3A_89] : memref<100000x128xf32, #tpu.memory_space<hbm>> -> memref<100000x128xf32, #tpu.memory_space<hbm>>
    %dma_start3A_91 = tpu.memref_slice %arg10[%dma_start3A_81] : memref<6x!tpu.dma_semaphore, #tpu.memory_space<semaphore_mem>> -> memref<1x!tpu.dma_semaphore, #tpu.memory_space<semaphore_mem>>
    %dma_start3A_92 = tpu.memref_squeeze %dma_start3A_91 : memref<1x!tpu.dma_semaphore, #tpu.memory_space<semaphore_mem>> -> memref<!tpu.dma_semaphore, #tpu.memory_space<semaphore_mem>>
    tpu.enqueue_indirect_dma source(%dma_start3A_90 : memref<100000x128xf32, #tpu.memory_space<hbm>>) target(%dma_start3A_85 : memref<40x128xf32, #tpu.memory_space<vmem>>) offsets(%dma_start3A_87 : memref<40xi32, #tpu.memory_space<vmem>>) semaphore(%dma_start3A_92 : memref<!tpu.dma_semaphore, #tpu.memory_space<semaphore_mem>>)
    %dma_start3A_93 = arith.constant 2 : i32
    %dma_start3A_94 = arith.constant 2 : i32
    %dma_start3A_95 = arith.constant 0 : i32
    %dma_start3A_96 = arith.constant 0 : i32
    %dma_start3A_97 = tpu.memref_slice %arg8[%dma_start3A_93, %dma_start3A_95, %dma_start3A_96] : memref<6x40x128xf32, #tpu.memory_space<vmem>> -> memref<1x40x128xf32, #tpu.memory_space<vmem>>
    %dma_start3A_98 = tpu.memref_squeeze %dma_start3A_97 : memref<1x40x128xf32, #tpu.memory_space<vmem>> -> memref<40x128xf32, #tpu.memory_space<vmem>>
    %dma_start3A_99 = arith.constant 80 : i32
    %dma_start3A_100 = tpu.memref_slice %arg6[%dma_start3A_99] : memref<10000xi32, #tpu.memory_space<vmem>> -> memref<40xi32, #tpu.memory_space<vmem>>
    %dma_start3A_101 = arith.constant 0 : i32
    %dma_start3A_102 = arith.constant 0 : i32
    %dma_start3A_103 = tpu.memref_slice %arg2[%dma_start3A_101, %dma_start3A_102] : memref<100000x128xf32, #tpu.memory_space<hbm>> -> memref<100000x128xf32, #tpu.memory_space<hbm>>
    %dma_start3A_104 = tpu.memref_slice %arg10[%dma_start3A_94] : memref<6x!tpu.dma_semaphore, #tpu.memory_space<semaphore_mem>> -> memref<1x!tpu.dma_semaphore, #tpu.memory_space<semaphore_mem>>
    %dma_start3A_105 = tpu.memref_squeeze %dma_start3A_104 : memref<1x!tpu.dma_semaphore, #tpu.memory_space<semaphore_mem>> -> memref<!tpu.dma_semaphore, #tpu.memory_space<semaphore_mem>>
    tpu.enqueue_indirect_dma source(%dma_start3A_103 : memref<100000x128xf32, #tpu.memory_space<hbm>>) target(%dma_start3A_98 : memref<40x128xf32, #tpu.memory_space<vmem>>) offsets(%dma_start3A_100 : memref<40xi32, #tpu.memory_space<vmem>>) semaphore(%dma_start3A_105 : memref<!tpu.dma_semaphore, #tpu.memory_space<semaphore_mem>>)
    %dma_start3A_106 = arith.constant 3 : i32
    %dma_start3A_107 = arith.constant 3 : i32
    %dma_start3A_108 = arith.constant 0 : i32
    %dma_start3A_109 = arith.constant 0 : i32
    %dma_start3A_110 = tpu.memref_slice %arg8[%dma_start3A_106, %dma_start3A_108, %dma_start3A_109] : memref<6x40x128xf32, #tpu.memory_space<vmem>> -> memref<1x40x128xf32, #tpu.memory_space<vmem>>
    %dma_start3A_111 = tpu.memref_squeeze %dma_start3A_110 : memref<1x40x128xf32, #tpu.memory_space<vmem>> -> memref<40x128xf32, #tpu.memory_space<vmem>>
    %dma_start3A_112 = arith.constant 120 : i32
    %dma_start3A_113 = tpu.memref_slice %arg6[%dma_start3A_112] : memref<10000xi32, #tpu.memory_space<vmem>> -> memref<40xi32, #tpu.memory_space<vmem>>
    %dma_start3A_114 = arith.constant 0 : i32
    %dma_start3A_115 = arith.constant 0 : i32
    %dma_start3A_116 = tpu.memref_slice %arg2[%dma_start3A_114, %dma_start3A_115] : memref<100000x128xf32, #tpu.memory_space<hbm>> -> memref<100000x128xf32, #tpu.memory_space<hbm>>
    %dma_start3A_117 = tpu.memref_slice %arg10[%dma_start3A_107] : memref<6x!tpu.dma_semaphore, #tpu.memory_space<semaphore_mem>> -> memref<1x!tpu.dma_semaphore, #tpu.memory_space<semaphore_mem>>
    %dma_start3A_118 = tpu.memref_squeeze %dma_start3A_117 : memref<1x!tpu.dma_semaphore, #tpu.memory_space<semaphore_mem>> -> memref<!tpu.dma_semaphore, #tpu.memory_space<semaphore_mem>>
    tpu.enqueue_indirect_dma source(%dma_start3A_116 : memref<100000x128xf32, #tpu.memory_space<hbm>>) target(%dma_start3A_111 : memref<40x128xf32, #tpu.memory_space<vmem>>) offsets(%dma_start3A_113 : memref<40xi32, #tpu.memory_space<vmem>>) semaphore(%dma_start3A_118 : memref<!tpu.dma_semaphore, #tpu.memory_space<semaphore_mem>>)
    %dma_start3A_119 = arith.constant 4 : i32
    %dma_start3A_120 = arith.constant 4 : i32
    %dma_start3A_121 = arith.constant 0 : i32
    %dma_start3A_122 = arith.constant 0 : i32
    %dma_start3A_123 = tpu.memref_slice %arg8[%dma_start3A_119, %dma_start3A_121, %dma_start3A_122] : memref<6x40x128xf32, #tpu.memory_space<vmem>> -> memref<1x40x128xf32, #tpu.memory_space<vmem>>
    %dma_start3A_124 = tpu.memref_squeeze %dma_start3A_123 : memref<1x40x128xf32, #tpu.memory_space<vmem>> -> memref<40x128xf32, #tpu.memory_space<vmem>>
    %dma_start3A_125 = arith.constant 160 : i32
    %dma_start3A_126 = tpu.memref_slice %arg6[%dma_start3A_125] : memref<10000xi32, #tpu.memory_space<vmem>> -> memref<40xi32, #tpu.memory_space<vmem>>
    %dma_start3A_127 = arith.constant 0 : i32
    %dma_start3A_128 = arith.constant 0 : i32
    %dma_start3A_129 = tpu.memref_slice %arg2[%dma_start3A_127, %dma_start3A_128] : memref<100000x128xf32, #tpu.memory_space<hbm>> -> memref<100000x128xf32, #tpu.memory_space<hbm>>
    %dma_start3A_130 = tpu.memref_slice %arg10[%dma_start3A_120] : memref<6x!tpu.dma_semaphore, #tpu.memory_space<semaphore_mem>> -> memref<1x!tpu.dma_semaphore, #tpu.memory_space<semaphore_mem>>
    %dma_start3A_131 = tpu.memref_squeeze %dma_start3A_130 : memref<1x!tpu.dma_semaphore, #tpu.memory_space<semaphore_mem>> -> memref<!tpu.dma_semaphore, #tpu.memory_space<semaphore_mem>>
    tpu.enqueue_indirect_dma source(%dma_start3A_129 : memref<100000x128xf32, #tpu.memory_space<hbm>>) target(%dma_start3A_124 : memref<40x128xf32, #tpu.memory_space<vmem>>) offsets(%dma_start3A_126 : memref<40xi32, #tpu.memory_space<vmem>>) semaphore(%dma_start3A_131 : memref<!tpu.dma_semaphore, #tpu.memory_space<semaphore_mem>>)
    %dma_start3A_132 = arith.constant 5 : i32
    %dma_start3A_133 = arith.constant 5 : i32
    %dma_start3A_134 = arith.constant 0 : i32
    %dma_start3A_135 = arith.constant 0 : i32
    %dma_start3A_136 = tpu.memref_slice %arg8[%dma_start3A_132, %dma_start3A_134, %dma_start3A_135] : memref<6x40x128xf32, #tpu.memory_space<vmem>> -> memref<1x40x128xf32, #tpu.memory_space<vmem>>
    %dma_start3A_137 = tpu.memref_squeeze %dma_start3A_136 : memref<1x40x128xf32, #tpu.memory_space<vmem>> -> memref<40x128xf32, #tpu.memory_space<vmem>>
    %dma_start3A_138 = arith.constant 200 : i32
    %dma_start3A_139 = tpu.memref_slice %arg6[%dma_start3A_138] : memref<10000xi32, #tpu.memory_space<vmem>> -> memref<40xi32, #tpu.memory_space<vmem>>
    %dma_start3A_140 = arith.constant 0 : i32
    %dma_start3A_141 = arith.constant 0 : i32
    %dma_start3A_142 = tpu.memref_slice %arg2[%dma_start3A_140, %dma_start3A_141] : memref<100000x128xf32, #tpu.memory_space<hbm>> -> memref<100000x128xf32, #tpu.memory_space<hbm>>
    %dma_start3A_143 = tpu.memref_slice %arg10[%dma_start3A_133] : memref<6x!tpu.dma_semaphore, #tpu.memory_space<semaphore_mem>> -> memref<1x!tpu.dma_semaphore, #tpu.memory_space<semaphore_mem>>
    %dma_start3A_144 = tpu.memref_squeeze %dma_start3A_143 : memref<1x!tpu.dma_semaphore, #tpu.memory_space<semaphore_mem>> -> memref<!tpu.dma_semaphore, #tpu.memory_space<semaphore_mem>>
    tpu.enqueue_indirect_dma source(%dma_start3A_142 : memref<100000x128xf32, #tpu.memory_space<hbm>>) target(%dma_start3A_137 : memref<40x128xf32, #tpu.memory_space<vmem>>) offsets(%dma_start3A_139 : memref<40xi32, #tpu.memory_space<vmem>>) semaphore(%dma_start3A_144 : memref<!tpu.dma_semaphore, #tpu.memory_space<semaphore_mem>>)
    %scan3A_145 = arith.constant 0 : i32
    %scan3A_146 = arith.constant 41 : i32
    %scan3A_147 = arith.addi %scan3A_145, %scan3A_146 : i32
    %scan3A_148 = arith.constant 1 : i32
    scf.for %scan3A_369 = %scan3A_145 to %scan3A_147 step %scan3A_148  : i32 {
      %mul3A_370 = arith.constant 1 : i32
      %mul3A_371 = arith.muli %scan3A_369, %mul3A_370 : i32
      %add3A_372 = arith.constant 0 : i32
      %add3A_373 = arith.addi %add3A_372, %mul3A_371 : i32
      %mul3A_374 = arith.constant 6 : i32
      %mul3A_375 = arith.muli %add3A_373, %mul3A_374 : i32
      %add3A_376 = arith.constant 0 : i32
      %add3A_377 = arith.addi %mul3A_375, %add3A_376 : i32
      %mul3A_378 = arith.constant 40 : i32
      %mul3A_379 = arith.muli %add3A_377, %mul3A_378 : i32
      %dma_wait3A_380 = arith.constant 0 : i32
      %dma_wait3A_381 = arith.constant 0 : i32
      %dma_wait3A_382 = arith.constant 0 : i32
      %dma_wait3A_383 = arith.constant 0 : i32
      %dma_wait3A_384 = tpu.memref_slice %arg8[%dma_wait3A_380, %dma_wait3A_382, %dma_wait3A_383] : memref<6x40x128xf32, #tpu.memory_space<vmem>> -> memref<1x40x128xf32, #tpu.memory_space<vmem>>
      %dma_wait3A_385 = tpu.memref_squeeze %dma_wait3A_384 : memref<1x40x128xf32, #tpu.memory_space<vmem>> -> memref<40x128xf32, #tpu.memory_space<vmem>>
      %dma_wait3A_386 = tpu.memref_slice %arg6[%mul3A_379] : memref<10000xi32, #tpu.memory_space<vmem>> -> memref<40xi32, #tpu.memory_space<vmem>>
      %dma_wait3A_387 = arith.constant 0 : i32
      %dma_wait3A_388 = arith.constant 0 : i32
      %dma_wait3A_389 = tpu.memref_slice %arg2[%dma_wait3A_387, %dma_wait3A_388] : memref<100000x128xf32, #tpu.memory_space<hbm>> -> memref<100000x128xf32, #tpu.memory_space<hbm>>
      %dma_wait3A_390 = tpu.memref_slice %arg10[%dma_wait3A_381] : memref<6x!tpu.dma_semaphore, #tpu.memory_space<semaphore_mem>> -> memref<1x!tpu.dma_semaphore, #tpu.memory_space<semaphore_mem>>
      %dma_wait3A_391 = tpu.memref_squeeze %dma_wait3A_390 : memref<1x!tpu.dma_semaphore, #tpu.memory_space<semaphore_mem>> -> memref<!tpu.dma_semaphore, #tpu.memory_space<semaphore_mem>>
      tpu.wait_indirect_dma semaphore(%dma_wait3A_391 : memref<!tpu.dma_semaphore, #tpu.memory_space<semaphore_mem>>) src(%dma_wait3A_389 : memref<100000x128xf32, #tpu.memory_space<hbm>>) dst(%dma_wait3A_385 : memref<40x128xf32, #tpu.memory_space<vmem>>)
      %mul3A_392 = arith.constant 40 : i32
      %mul3A_393 = arith.muli %add3A_377, %mul3A_392 : i32
      %dma_start3A_394 = arith.constant 0 : i32
      %dma_start3A_395 = arith.constant 0 : i32
      %dma_start3A_396 = arith.constant 0 : i32
      %dma_start3A_397 = arith.constant 0 : i32
      %dma_start3A_398 = tpu.memref_slice %arg8[%dma_start3A_394, %dma_start3A_396, %dma_start3A_397] : memref<6x40x128xf32, #tpu.memory_space<vmem>> -> memref<1x40x128xf32, #tpu.memory_space<vmem>>
      %dma_start3A_399 = tpu.memref_squeeze %dma_start3A_398 : memref<1x40x128xf32, #tpu.memory_space<vmem>> -> memref<40x128xf32, #tpu.memory_space<vmem>>
      %dma_start3A_400 = tpu.memref_slice %arg7[%mul3A_393] : memref<10000xi32, #tpu.memory_space<vmem>> -> memref<40xi32, #tpu.memory_space<vmem>>
      %dma_start3A_401 = arith.constant 0 : i32
      %dma_start3A_402 = arith.constant 0 : i32
      %dma_start3A_403 = tpu.memref_slice %arg9[%dma_start3A_401, %dma_start3A_402] : memref<10000x128xf32, #tpu.memory_space<vmem_shared>> -> memref<10000x128xf32, #tpu.memory_space<vmem_shared>>
      %dma_start3A_404 = tpu.memref_slice %arg11[%dma_start3A_395] : memref<6x!tpu.dma_semaphore, #tpu.memory_space<semaphore_mem>> -> memref<1x!tpu.dma_semaphore, #tpu.memory_space<semaphore_mem>>
      %dma_start3A_405 = tpu.memref_squeeze %dma_start3A_404 : memref<1x!tpu.dma_semaphore, #tpu.memory_space<semaphore_mem>> -> memref<!tpu.dma_semaphore, #tpu.memory_space<semaphore_mem>>
      tpu.enqueue_indirect_dma source(%dma_start3A_399 : memref<40x128xf32, #tpu.memory_space<vmem>>) target(%dma_start3A_403 : memref<10000x128xf32, #tpu.memory_space<vmem_shared>>) offsets(%dma_start3A_400 : memref<40xi32, #tpu.memory_space<vmem>>) semaphore(%dma_start3A_405 : memref<!tpu.dma_semaphore, #tpu.memory_space<semaphore_mem>>) {add = true}
      %add3A_406 = arith.constant 6 : i32
      %add3A_407 = arith.addi %add3A_377, %add3A_406 : i32
      %lt3A = arith.constant 250 : i32
      %lt3A_408 = arith.cmpi slt, %add3A_407, %lt3A : i32
      %convert_element_type3A = arith.extui %lt3A_408 : i1 to i32
      %cond3A = arith.constant 0 : i32
      %cond3A_409 = arith.cmpi ne, %convert_element_type3A, %cond3A : i32
      scf.if %cond3A_409 {
        %mul3A_605 = arith.constant 40 : i32
        %mul3A_606 = arith.muli %add3A_377, %mul3A_605 : i32
        %dma_wait3A_607 = arith.constant 0 : i32
        %dma_wait3A_608 = arith.constant 0 : i32
        %dma_wait3A_609 = arith.constant 0 : i32
        %dma_wait3A_610 = arith.constant 0 : i32
        %dma_wait3A_611 = tpu.memref_slice %arg8[%dma_wait3A_607, %dma_wait3A_609, %dma_wait3A_610] : memref<6x40x128xf32, #tpu.memory_space<vmem>> -> memref<1x40x128xf32, #tpu.memory_space<vmem>>
        %dma_wait3A_612 = tpu.memref_squeeze %dma_wait3A_611 : memref<1x40x128xf32, #tpu.memory_space<vmem>> -> memref<40x128xf32, #tpu.memory_space<vmem>>
        %dma_wait3A_613 = tpu.memref_slice %arg7[%mul3A_606] : memref<10000xi32, #tpu.memory_space<vmem>> -> memref<40xi32, #tpu.memory_space<vmem>>
        %dma_wait3A_614 = arith.constant 0 : i32
        %dma_wait3A_615 = arith.constant 0 : i32
        %dma_wait3A_616 = tpu.memref_slice %arg9[%dma_wait3A_614, %dma_wait3A_615] : memref<10000x128xf32, #tpu.memory_space<vmem_shared>> -> memref<10000x128xf32, #tpu.memory_space<vmem_shared>>
        %dma_wait3A_617 = tpu.memref_slice %arg11[%dma_wait3A_608] : memref<6x!tpu.dma_semaphore, #tpu.memory_space<semaphore_mem>> -> memref<1x!tpu.dma_semaphore, #tpu.memory_space<semaphore_mem>>
        %dma_wait3A_618 = tpu.memref_squeeze %dma_wait3A_617 : memref<1x!tpu.dma_semaphore, #tpu.memory_space<semaphore_mem>> -> memref<!tpu.dma_semaphore, #tpu.memory_space<semaphore_mem>>
        tpu.wait_indirect_dma semaphore(%dma_wait3A_618 : memref<!tpu.dma_semaphore, #tpu.memory_space<semaphore_mem>>) src(%dma_wait3A_612 : memref<40x128xf32, #tpu.memory_space<vmem>>) dst(%dma_wait3A_616 : memref<10000x128xf32, #tpu.memory_space<vmem_shared>>)
        %add3A_619 = arith.constant 6 : i32
        %add3A_620 = arith.addi %add3A_377, %add3A_619 : i32
        %mul3A_621 = arith.constant 40 : i32
        %mul3A_622 = arith.muli %add3A_620, %mul3A_621 : i32
        %dma_start3A_623 = arith.constant 0 : i32
        %dma_start3A_624 = arith.constant 0 : i32
        %dma_start3A_625 = arith.constant 0 : i32
        %dma_start3A_626 = arith.constant 0 : i32
        %dma_start3A_627 = tpu.memref_slice %arg8[%dma_start3A_623, %dma_start3A_625, %dma_start3A_626] : memref<6x40x128xf32, #tpu.memory_space<vmem>> -> memref<1x40x128xf32, #tpu.memory_space<vmem>>
        %dma_start3A_628 = tpu.memref_squeeze %dma_start3A_627 : memref<1x40x128xf32, #tpu.memory_space<vmem>> -> memref<40x128xf32, #tpu.memory_space<vmem>>
        %dma_start3A_629 = tpu.memref_slice %arg6[%mul3A_622] : memref<10000xi32, #tpu.memory_space<vmem>> -> memref<40xi32, #tpu.memory_space<vmem>>
        %dma_start3A_630 = arith.constant 0 : i32
        %dma_start3A_631 = arith.constant 0 : i32
        %dma_start3A_632 = tpu.memref_slice %arg2[%dma_start3A_630, %dma_start3A_631] : memref<100000x128xf32, #tpu.memory_space<hbm>> -> memref<100000x128xf32, #tpu.memory_space<hbm>>
        %dma_start3A_633 = tpu.memref_slice %arg10[%dma_start3A_624] : memref<6x!tpu.dma_semaphore, #tpu.memory_space<semaphore_mem>> -> memref<1x!tpu.dma_semaphore, #tpu.memory_space<semaphore_mem>>
        %dma_start3A_634 = tpu.memref_squeeze %dma_start3A_633 : memref<1x!tpu.dma_semaphore, #tpu.memory_space<semaphore_mem>> -> memref<!tpu.dma_semaphore, #tpu.memory_space<semaphore_mem>>
        tpu.enqueue_indirect_dma source(%dma_start3A_632 : memref<100000x128xf32, #tpu.memory_space<hbm>>) target(%dma_start3A_628 : memref<40x128xf32, #tpu.memory_space<vmem>>) offsets(%dma_start3A_629 : memref<40xi32, #tpu.memory_space<vmem>>) semaphore(%dma_start3A_634 : memref<!tpu.dma_semaphore, #tpu.memory_space<semaphore_mem>>)
      } else {
      }
      %mul3A_410 = arith.constant 6 : i32
      %mul3A_411 = arith.muli %add3A_373, %mul3A_410 : i32
      %add3A_412 = arith.constant 1 : i32
      %add3A_413 = arith.addi %mul3A_411, %add3A_412 : i32
      %mul3A_414 = arith.constant 40 : i32
      %mul3A_415 = arith.muli %add3A_413, %mul3A_414 : i32
      %dma_wait3A_416 = arith.constant 1 : i32
      %dma_wait3A_417 = arith.constant 1 : i32
      %dma_wait3A_418 = arith.constant 0 : i32
      %dma_wait3A_419 = arith.constant 0 : i32
      %dma_wait3A_420 = tpu.memref_slice %arg8[%dma_wait3A_416, %dma_wait3A_418, %dma_wait3A_419] : memref<6x40x128xf32, #tpu.memory_space<vmem>> -> memref<1x40x128xf32, #tpu.memory_space<vmem>>
      %dma_wait3A_421 = tpu.memref_squeeze %dma_wait3A_420 : memref<1x40x128xf32, #tpu.memory_space<vmem>> -> memref<40x128xf32, #tpu.memory_space<vmem>>
      %dma_wait3A_422 = tpu.memref_slice %arg6[%mul3A_415] : memref<10000xi32, #tpu.memory_space<vmem>> -> memref<40xi32, #tpu.memory_space<vmem>>
      %dma_wait3A_423 = arith.constant 0 : i32
      %dma_wait3A_424 = arith.constant 0 : i32
      %dma_wait3A_425 = tpu.memref_slice %arg2[%dma_wait3A_423, %dma_wait3A_424] : memref<100000x128xf32, #tpu.memory_space<hbm>> -> memref<100000x128xf32, #tpu.memory_space<hbm>>
      %dma_wait3A_426 = tpu.memref_slice %arg10[%dma_wait3A_417] : memref<6x!tpu.dma_semaphore, #tpu.memory_space<semaphore_mem>> -> memref<1x!tpu.dma_semaphore, #tpu.memory_space<semaphore_mem>>
      %dma_wait3A_427 = tpu.memref_squeeze %dma_wait3A_426 : memref<1x!tpu.dma_semaphore, #tpu.memory_space<semaphore_mem>> -> memref<!tpu.dma_semaphore, #tpu.memory_space<semaphore_mem>>
      tpu.wait_indirect_dma semaphore(%dma_wait3A_427 : memref<!tpu.dma_semaphore, #tpu.memory_space<semaphore_mem>>) src(%dma_wait3A_425 : memref<100000x128xf32, #tpu.memory_space<hbm>>) dst(%dma_wait3A_421 : memref<40x128xf32, #tpu.memory_space<vmem>>)
      %mul3A_428 = arith.constant 40 : i32
      %mul3A_429 = arith.muli %add3A_413, %mul3A_428 : i32
      %dma_start3A_430 = arith.constant 1 : i32
      %dma_start3A_431 = arith.constant 1 : i32
      %dma_start3A_432 = arith.constant 0 : i32
      %dma_start3A_433 = arith.constant 0 : i32
      %dma_start3A_434 = tpu.memref_slice %arg8[%dma_start3A_430, %dma_start3A_432, %dma_start3A_433] : memref<6x40x128xf32, #tpu.memory_space<vmem>> -> memref<1x40x128xf32, #tpu.memory_space<vmem>>
      %dma_start3A_435 = tpu.memref_squeeze %dma_start3A_434 : memref<1x40x128xf32, #tpu.memory_space<vmem>> -> memref<40x128xf32, #tpu.memory_space<vmem>>
      %dma_start3A_436 = tpu.memref_slice %arg7[%mul3A_429] : memref<10000xi32, #tpu.memory_space<vmem>> -> memref<40xi32, #tpu.memory_space<vmem>>
      %dma_start3A_437 = arith.constant 0 : i32
      %dma_start3A_438 = arith.constant 0 : i32
      %dma_start3A_439 = tpu.memref_slice %arg9[%dma_start3A_437, %dma_start3A_438] : memref<10000x128xf32, #tpu.memory_space<vmem_shared>> -> memref<10000x128xf32, #tpu.memory_space<vmem_shared>>
      %dma_start3A_440 = tpu.memref_slice %arg11[%dma_start3A_431] : memref<6x!tpu.dma_semaphore, #tpu.memory_space<semaphore_mem>> -> memref<1x!tpu.dma_semaphore, #tpu.memory_space<semaphore_mem>>
      %dma_start3A_441 = tpu.memref_squeeze %dma_start3A_440 : memref<1x!tpu.dma_semaphore, #tpu.memory_space<semaphore_mem>> -> memref<!tpu.dma_semaphore, #tpu.memory_space<semaphore_mem>>
      tpu.enqueue_indirect_dma source(%dma_start3A_435 : memref<40x128xf32, #tpu.memory_space<vmem>>) target(%dma_start3A_439 : memref<10000x128xf32, #tpu.memory_space<vmem_shared>>) offsets(%dma_start3A_436 : memref<40xi32, #tpu.memory_space<vmem>>) semaphore(%dma_start3A_441 : memref<!tpu.dma_semaphore, #tpu.memory_space<semaphore_mem>>) {add = true}
      %add3A_442 = arith.constant 6 : i32
      %add3A_443 = arith.addi %add3A_413, %add3A_442 : i32
      %lt3A_444 = arith.constant 250 : i32
      %lt3A_445 = arith.cmpi slt, %add3A_443, %lt3A_444 : i32
      %convert_element_type3A_446 = arith.extui %lt3A_445 : i1 to i32
      %cond3A_447 = arith.constant 0 : i32
      %cond3A_448 = arith.cmpi ne, %convert_element_type3A_446, %cond3A_447 : i32
      scf.if %cond3A_448 {
        %mul3A_605 = arith.constant 40 : i32
        %mul3A_606 = arith.muli %add3A_413, %mul3A_605 : i32
        %dma_wait3A_607 = arith.constant 1 : i32
        %dma_wait3A_608 = arith.constant 1 : i32
        %dma_wait3A_609 = arith.constant 0 : i32
        %dma_wait3A_610 = arith.constant 0 : i32
        %dma_wait3A_611 = tpu.memref_slice %arg8[%dma_wait3A_607, %dma_wait3A_609, %dma_wait3A_610] : memref<6x40x128xf32, #tpu.memory_space<vmem>> -> memref<1x40x128xf32, #tpu.memory_space<vmem>>
        %dma_wait3A_612 = tpu.memref_squeeze %dma_wait3A_611 : memref<1x40x128xf32, #tpu.memory_space<vmem>> -> memref<40x128xf32, #tpu.memory_space<vmem>>
        %dma_wait3A_613 = tpu.memref_slice %arg7[%mul3A_606] : memref<10000xi32, #tpu.memory_space<vmem>> -> memref<40xi32, #tpu.memory_space<vmem>>
        %dma_wait3A_614 = arith.constant 0 : i32
        %dma_wait3A_615 = arith.constant 0 : i32
        %dma_wait3A_616 = tpu.memref_slice %arg9[%dma_wait3A_614, %dma_wait3A_615] : memref<10000x128xf32, #tpu.memory_space<vmem_shared>> -> memref<10000x128xf32, #tpu.memory_space<vmem_shared>>
        %dma_wait3A_617 = tpu.memref_slice %arg11[%dma_wait3A_608] : memref<6x!tpu.dma_semaphore, #tpu.memory_space<semaphore_mem>> -> memref<1x!tpu.dma_semaphore, #tpu.memory_space<semaphore_mem>>
        %dma_wait3A_618 = tpu.memref_squeeze %dma_wait3A_617 : memref<1x!tpu.dma_semaphore, #tpu.memory_space<semaphore_mem>> -> memref<!tpu.dma_semaphore, #tpu.memory_space<semaphore_mem>>
        tpu.wait_indirect_dma semaphore(%dma_wait3A_618 : memref<!tpu.dma_semaphore, #tpu.memory_space<semaphore_mem>>) src(%dma_wait3A_612 : memref<40x128xf32, #tpu.memory_space<vmem>>) dst(%dma_wait3A_616 : memref<10000x128xf32, #tpu.memory_space<vmem_shared>>)
        %add3A_619 = arith.constant 6 : i32
        %add3A_620 = arith.addi %add3A_413, %add3A_619 : i32
        %mul3A_621 = arith.constant 40 : i32
        %mul3A_622 = arith.muli %add3A_620, %mul3A_621 : i32
        %dma_start3A_623 = arith.constant 1 : i32
        %dma_start3A_624 = arith.constant 1 : i32
        %dma_start3A_625 = arith.constant 0 : i32
        %dma_start3A_626 = arith.constant 0 : i32
        %dma_start3A_627 = tpu.memref_slice %arg8[%dma_start3A_623, %dma_start3A_625, %dma_start3A_626] : memref<6x40x128xf32, #tpu.memory_space<vmem>> -> memref<1x40x128xf32, #tpu.memory_space<vmem>>
        %dma_start3A_628 = tpu.memref_squeeze %dma_start3A_627 : memref<1x40x128xf32, #tpu.memory_space<vmem>> -> memref<40x128xf32, #tpu.memory_space<vmem>>
        %dma_start3A_629 = tpu.memref_slice %arg6[%mul3A_622] : memref<10000xi32, #tpu.memory_space<vmem>> -> memref<40xi32, #tpu.memory_space<vmem>>
        %dma_start3A_630 = arith.constant 0 : i32
        %dma_start3A_631 = arith.constant 0 : i32
        %dma_start3A_632 = tpu.memref_slice %arg2[%dma_start3A_630, %dma_start3A_631] : memref<100000x128xf32, #tpu.memory_space<hbm>> -> memref<100000x128xf32, #tpu.memory_space<hbm>>
        %dma_start3A_633 = tpu.memref_slice %arg10[%dma_start3A_624] : memref<6x!tpu.dma_semaphore, #tpu.memory_space<semaphore_mem>> -> memref<1x!tpu.dma_semaphore, #tpu.memory_space<semaphore_mem>>
        %dma_start3A_634 = tpu.memref_squeeze %dma_start3A_633 : memref<1x!tpu.dma_semaphore, #tpu.memory_space<semaphore_mem>> -> memref<!tpu.dma_semaphore, #tpu.memory_space<semaphore_mem>>
        tpu.enqueue_indirect_dma source(%dma_start3A_632 : memref<100000x128xf32, #tpu.memory_space<hbm>>) target(%dma_start3A_628 : memref<40x128xf32, #tpu.memory_space<vmem>>) offsets(%dma_start3A_629 : memref<40xi32, #tpu.memory_space<vmem>>) semaphore(%dma_start3A_634 : memref<!tpu.dma_semaphore, #tpu.memory_space<semaphore_mem>>)
      } else {
      }
      %mul3A_449 = arith.constant 6 : i32
      %mul3A_450 = arith.muli %add3A_373, %mul3A_449 : i32
      %add3A_451 = arith.constant 2 : i32
      %add3A_452 = arith.addi %mul3A_450, %add3A_451 : i32
      %mul3A_453 = arith.constant 40 : i32
      %mul3A_454 = arith.muli %add3A_452, %mul3A_453 : i32
      %dma_wait3A_455 = arith.constant 2 : i32
      %dma_wait3A_456 = arith.constant 2 : i32
      %dma_wait3A_457 = arith.constant 0 : i32
      %dma_wait3A_458 = arith.constant 0 : i32
      %dma_wait3A_459 = tpu.memref_slice %arg8[%dma_wait3A_455, %dma_wait3A_457, %dma_wait3A_458] : memref<6x40x128xf32, #tpu.memory_space<vmem>> -> memref<1x40x128xf32, #tpu.memory_space<vmem>>
      %dma_wait3A_460 = tpu.memref_squeeze %dma_wait3A_459 : memref<1x40x128xf32, #tpu.memory_space<vmem>> -> memref<40x128xf32, #tpu.memory_space<vmem>>
      %dma_wait3A_461 = tpu.memref_slice %arg6[%mul3A_454] : memref<10000xi32, #tpu.memory_space<vmem>> -> memref<40xi32, #tpu.memory_space<vmem>>
      %dma_wait3A_462 = arith.constant 0 : i32
      %dma_wait3A_463 = arith.constant 0 : i32
      %dma_wait3A_464 = tpu.memref_slice %arg2[%dma_wait3A_462, %dma_wait3A_463] : memref<100000x128xf32, #tpu.memory_space<hbm>> -> memref<100000x128xf32, #tpu.memory_space<hbm>>
      %dma_wait3A_465 = tpu.memref_slice %arg10[%dma_wait3A_456] : memref<6x!tpu.dma_semaphore, #tpu.memory_space<semaphore_mem>> -> memref<1x!tpu.dma_semaphore, #tpu.memory_space<semaphore_mem>>
      %dma_wait3A_466 = tpu.memref_squeeze %dma_wait3A_465 : memref<1x!tpu.dma_semaphore, #tpu.memory_space<semaphore_mem>> -> memref<!tpu.dma_semaphore, #tpu.memory_space<semaphore_mem>>
      tpu.wait_indirect_dma semaphore(%dma_wait3A_466 : memref<!tpu.dma_semaphore, #tpu.memory_space<semaphore_mem>>) src(%dma_wait3A_464 : memref<100000x128xf32, #tpu.memory_space<hbm>>) dst(%dma_wait3A_460 : memref<40x128xf32, #tpu.memory_space<vmem>>)
      %mul3A_467 = arith.constant 40 : i32
      %mul3A_468 = arith.muli %add3A_452, %mul3A_467 : i32
      %dma_start3A_469 = arith.constant 2 : i32
      %dma_start3A_470 = arith.constant 2 : i32
      %dma_start3A_471 = arith.constant 0 : i32
      %dma_start3A_472 = arith.constant 0 : i32
      %dma_start3A_473 = tpu.memref_slice %arg8[%dma_start3A_469, %dma_start3A_471, %dma_start3A_472] : memref<6x40x128xf32, #tpu.memory_space<vmem>> -> memref<1x40x128xf32, #tpu.memory_space<vmem>>
      %dma_start3A_474 = tpu.memref_squeeze %dma_start3A_473 : memref<1x40x128xf32, #tpu.memory_space<vmem>> -> memref<40x128xf32, #tpu.memory_space<vmem>>
      %dma_start3A_475 = tpu.memref_slice %arg7[%mul3A_468] : memref<10000xi32, #tpu.memory_space<vmem>> -> memref<40xi32, #tpu.memory_space<vmem>>
      %dma_start3A_476 = arith.constant 0 : i32
      %dma_start3A_477 = arith.constant 0 : i32
      %dma_start3A_478 = tpu.memref_slice %arg9[%dma_start3A_476, %dma_start3A_477] : memref<10000x128xf32, #tpu.memory_space<vmem_shared>> -> memref<10000x128xf32, #tpu.memory_space<vmem_shared>>
      %dma_start3A_479 = tpu.memref_slice %arg11[%dma_start3A_470] : memref<6x!tpu.dma_semaphore, #tpu.memory_space<semaphore_mem>> -> memref<1x!tpu.dma_semaphore, #tpu.memory_space<semaphore_mem>>
      %dma_start3A_480 = tpu.memref_squeeze %dma_start3A_479 : memref<1x!tpu.dma_semaphore, #tpu.memory_space<semaphore_mem>> -> memref<!tpu.dma_semaphore, #tpu.memory_space<semaphore_mem>>
      tpu.enqueue_indirect_dma source(%dma_start3A_474 : memref<40x128xf32, #tpu.memory_space<vmem>>) target(%dma_start3A_478 : memref<10000x128xf32, #tpu.memory_space<vmem_shared>>) offsets(%dma_start3A_475 : memref<40xi32, #tpu.memory_space<vmem>>) semaphore(%dma_start3A_480 : memref<!tpu.dma_semaphore, #tpu.memory_space<semaphore_mem>>) {add = true}
      %add3A_481 = arith.constant 6 : i32
      %add3A_482 = arith.addi %add3A_452, %add3A_481 : i32
      %lt3A_483 = arith.constant 250 : i32
      %lt3A_484 = arith.cmpi slt, %add3A_482, %lt3A_483 : i32
      %convert_element_type3A_485 = arith.extui %lt3A_484 : i1 to i32
      %cond3A_486 = arith.constant 0 : i32
      %cond3A_487 = arith.cmpi ne, %convert_element_type3A_485, %cond3A_486 : i32
      scf.if %cond3A_487 {
        %mul3A_605 = arith.constant 40 : i32
        %mul3A_606 = arith.muli %add3A_452, %mul3A_605 : i32
        %dma_wait3A_607 = arith.constant 2 : i32
        %dma_wait3A_608 = arith.constant 2 : i32
        %dma_wait3A_609 = arith.constant 0 : i32
        %dma_wait3A_610 = arith.constant 0 : i32
        %dma_wait3A_611 = tpu.memref_slice %arg8[%dma_wait3A_607, %dma_wait3A_609, %dma_wait3A_610] : memref<6x40x128xf32, #tpu.memory_space<vmem>> -> memref<1x40x128xf32, #tpu.memory_space<vmem>>
        %dma_wait3A_612 = tpu.memref_squeeze %dma_wait3A_611 : memref<1x40x128xf32, #tpu.memory_space<vmem>> -> memref<40x128xf32, #tpu.memory_space<vmem>>
        %dma_wait3A_613 = tpu.memref_slice %arg7[%mul3A_606] : memref<10000xi32, #tpu.memory_space<vmem>> -> memref<40xi32, #tpu.memory_space<vmem>>
        %dma_wait3A_614 = arith.constant 0 : i32
        %dma_wait3A_615 = arith.constant 0 : i32
        %dma_wait3A_616 = tpu.memref_slice %arg9[%dma_wait3A_614, %dma_wait3A_615] : memref<10000x128xf32, #tpu.memory_space<vmem_shared>> -> memref<10000x128xf32, #tpu.memory_space<vmem_shared>>
        %dma_wait3A_617 = tpu.memref_slice %arg11[%dma_wait3A_608] : memref<6x!tpu.dma_semaphore, #tpu.memory_space<semaphore_mem>> -> memref<1x!tpu.dma_semaphore, #tpu.memory_space<semaphore_mem>>
        %dma_wait3A_618 = tpu.memref_squeeze %dma_wait3A_617 : memref<1x!tpu.dma_semaphore, #tpu.memory_space<semaphore_mem>> -> memref<!tpu.dma_semaphore, #tpu.memory_space<semaphore_mem>>
        tpu.wait_indirect_dma semaphore(%dma_wait3A_618 : memref<!tpu.dma_semaphore, #tpu.memory_space<semaphore_mem>>) src(%dma_wait3A_612 : memref<40x128xf32, #tpu.memory_space<vmem>>) dst(%dma_wait3A_616 : memref<10000x128xf32, #tpu.memory_space<vmem_shared>>)
        %add3A_619 = arith.constant 6 : i32
        %add3A_620 = arith.addi %add3A_452, %add3A_619 : i32
        %mul3A_621 = arith.constant 40 : i32
        %mul3A_622 = arith.muli %add3A_620, %mul3A_621 : i32
        %dma_start3A_623 = arith.constant 2 : i32
        %dma_start3A_624 = arith.constant 2 : i32
        %dma_start3A_625 = arith.constant 0 : i32
        %dma_start3A_626 = arith.constant 0 : i32
        %dma_start3A_627 = tpu.memref_slice %arg8[%dma_start3A_623, %dma_start3A_625, %dma_start3A_626] : memref<6x40x128xf32, #tpu.memory_space<vmem>> -> memref<1x40x128xf32, #tpu.memory_space<vmem>>
        %dma_start3A_628 = tpu.memref_squeeze %dma_start3A_627 : memref<1x40x128xf32, #tpu.memory_space<vmem>> -> memref<40x128xf32, #tpu.memory_space<vmem>>
        %dma_start3A_629 = tpu.memref_slice %arg6[%mul3A_622] : memref<10000xi32, #tpu.memory_space<vmem>> -> memref<40xi32, #tpu.memory_space<vmem>>
        %dma_start3A_630 = arith.constant 0 : i32
        %dma_start3A_631 = arith.constant 0 : i32
        %dma_start3A_632 = tpu.memref_slice %arg2[%dma_start3A_630, %dma_start3A_631] : memref<100000x128xf32, #tpu.memory_space<hbm>> -> memref<100000x128xf32, #tpu.memory_space<hbm>>
        %dma_start3A_633 = tpu.memref_slice %arg10[%dma_start3A_624] : memref<6x!tpu.dma_semaphore, #tpu.memory_space<semaphore_mem>> -> memref<1x!tpu.dma_semaphore, #tpu.memory_space<semaphore_mem>>
        %dma_start3A_634 = tpu.memref_squeeze %dma_start3A_633 : memref<1x!tpu.dma_semaphore, #tpu.memory_space<semaphore_mem>> -> memref<!tpu.dma_semaphore, #tpu.memory_space<semaphore_mem>>
        tpu.enqueue_indirect_dma source(%dma_start3A_632 : memref<100000x128xf32, #tpu.memory_space<hbm>>) target(%dma_start3A_628 : memref<40x128xf32, #tpu.memory_space<vmem>>) offsets(%dma_start3A_629 : memref<40xi32, #tpu.memory_space<vmem>>) semaphore(%dma_start3A_634 : memref<!tpu.dma_semaphore, #tpu.memory_space<semaphore_mem>>)
      } else {
      }
      %mul3A_488 = arith.constant 6 : i32
      %mul3A_489 = arith.muli %add3A_373, %mul3A_488 : i32
      %add3A_490 = arith.constant 3 : i32
      %add3A_491 = arith.addi %mul3A_489, %add3A_490 : i32
      %mul3A_492 = arith.constant 40 : i32
      %mul3A_493 = arith.muli %add3A_491, %mul3A_492 : i32
      %dma_wait3A_494 = arith.constant 3 : i32
      %dma_wait3A_495 = arith.constant 3 : i32
      %dma_wait3A_496 = arith.constant 0 : i32
      %dma_wait3A_497 = arith.constant 0 : i32
      %dma_wait3A_498 = tpu.memref_slice %arg8[%dma_wait3A_494, %dma_wait3A_496, %dma_wait3A_497] : memref<6x40x128xf32, #tpu.memory_space<vmem>> -> memref<1x40x128xf32, #tpu.memory_space<vmem>>
      %dma_wait3A_499 = tpu.memref_squeeze %dma_wait3A_498 : memref<1x40x128xf32, #tpu.memory_space<vmem>> -> memref<40x128xf32, #tpu.memory_space<vmem>>
      %dma_wait3A_500 = tpu.memref_slice %arg6[%mul3A_493] : memref<10000xi32, #tpu.memory_space<vmem>> -> memref<40xi32, #tpu.memory_space<vmem>>
      %dma_wait3A_501 = arith.constant 0 : i32
      %dma_wait3A_502 = arith.constant 0 : i32
      %dma_wait3A_503 = tpu.memref_slice %arg2[%dma_wait3A_501, %dma_wait3A_502] : memref<100000x128xf32, #tpu.memory_space<hbm>> -> memref<100000x128xf32, #tpu.memory_space<hbm>>
      %dma_wait3A_504 = tpu.memref_slice %arg10[%dma_wait3A_495] : memref<6x!tpu.dma_semaphore, #tpu.memory_space<semaphore_mem>> -> memref<1x!tpu.dma_semaphore, #tpu.memory_space<semaphore_mem>>
      %dma_wait3A_505 = tpu.memref_squeeze %dma_wait3A_504 : memref<1x!tpu.dma_semaphore, #tpu.memory_space<semaphore_mem>> -> memref<!tpu.dma_semaphore, #tpu.memory_space<semaphore_mem>>
      tpu.wait_indirect_dma semaphore(%dma_wait3A_505 : memref<!tpu.dma_semaphore, #tpu.memory_space<semaphore_mem>>) src(%dma_wait3A_503 : memref<100000x128xf32, #tpu.memory_space<hbm>>) dst(%dma_wait3A_499 : memref<40x128xf32, #tpu.memory_space<vmem>>)
      %mul3A_506 = arith.constant 40 : i32
      %mul3A_507 = arith.muli %add3A_491, %mul3A_506 : i32
      %dma_start3A_508 = arith.constant 3 : i32
      %dma_start3A_509 = arith.constant 3 : i32
      %dma_start3A_510 = arith.constant 0 : i32
      %dma_start3A_511 = arith.constant 0 : i32
      %dma_start3A_512 = tpu.memref_slice %arg8[%dma_start3A_508, %dma_start3A_510, %dma_start3A_511] : memref<6x40x128xf32, #tpu.memory_space<vmem>> -> memref<1x40x128xf32, #tpu.memory_space<vmem>>
      %dma_start3A_513 = tpu.memref_squeeze %dma_start3A_512 : memref<1x40x128xf32, #tpu.memory_space<vmem>> -> memref<40x128xf32, #tpu.memory_space<vmem>>
      %dma_start3A_514 = tpu.memref_slice %arg7[%mul3A_507] : memref<10000xi32, #tpu.memory_space<vmem>> -> memref<40xi32, #tpu.memory_space<vmem>>
      %dma_start3A_515 = arith.constant 0 : i32
      %dma_start3A_516 = arith.constant 0 : i32
      %dma_start3A_517 = tpu.memref_slice %arg9[%dma_start3A_515, %dma_start3A_516] : memref<10000x128xf32, #tpu.memory_space<vmem_shared>> -> memref<10000x128xf32, #tpu.memory_space<vmem_shared>>
      %dma_start3A_518 = tpu.memref_slice %arg11[%dma_start3A_509] : memref<6x!tpu.dma_semaphore, #tpu.memory_space<semaphore_mem>> -> memref<1x!tpu.dma_semaphore, #tpu.memory_space<semaphore_mem>>
      %dma_start3A_519 = tpu.memref_squeeze %dma_start3A_518 : memref<1x!tpu.dma_semaphore, #tpu.memory_space<semaphore_mem>> -> memref<!tpu.dma_semaphore, #tpu.memory_space<semaphore_mem>>
      tpu.enqueue_indirect_dma source(%dma_start3A_513 : memref<40x128xf32, #tpu.memory_space<vmem>>) target(%dma_start3A_517 : memref<10000x128xf32, #tpu.memory_space<vmem_shared>>) offsets(%dma_start3A_514 : memref<40xi32, #tpu.memory_space<vmem>>) semaphore(%dma_start3A_519 : memref<!tpu.dma_semaphore, #tpu.memory_space<semaphore_mem>>) {add = true}
      %add3A_520 = arith.constant 6 : i32
      %add3A_521 = arith.addi %add3A_491, %add3A_520 : i32
      %lt3A_522 = arith.constant 250 : i32
      %lt3A_523 = arith.cmpi slt, %add3A_521, %lt3A_522 : i32
      %convert_element_type3A_524 = arith.extui %lt3A_523 : i1 to i32
      %cond3A_525 = arith.constant 0 : i32
      %cond3A_526 = arith.cmpi ne, %convert_element_type3A_524, %cond3A_525 : i32
      scf.if %cond3A_526 {
        %mul3A_605 = arith.constant 40 : i32
        %mul3A_606 = arith.muli %add3A_491, %mul3A_605 : i32
        %dma_wait3A_607 = arith.constant 3 : i32
        %dma_wait3A_608 = arith.constant 3 : i32
        %dma_wait3A_609 = arith.constant 0 : i32
        %dma_wait3A_610 = arith.constant 0 : i32
        %dma_wait3A_611 = tpu.memref_slice %arg8[%dma_wait3A_607, %dma_wait3A_609, %dma_wait3A_610] : memref<6x40x128xf32, #tpu.memory_space<vmem>> -> memref<1x40x128xf32, #tpu.memory_space<vmem>>
        %dma_wait3A_612 = tpu.memref_squeeze %dma_wait3A_611 : memref<1x40x128xf32, #tpu.memory_space<vmem>> -> memref<40x128xf32, #tpu.memory_space<vmem>>
        %dma_wait3A_613 = tpu.memref_slice %arg7[%mul3A_606] : memref<10000xi32, #tpu.memory_space<vmem>> -> memref<40xi32, #tpu.memory_space<vmem>>
        %dma_wait3A_614 = arith.constant 0 : i32
        %dma_wait3A_615 = arith.constant 0 : i32
        %dma_wait3A_616 = tpu.memref_slice %arg9[%dma_wait3A_614, %dma_wait3A_615] : memref<10000x128xf32, #tpu.memory_space<vmem_shared>> -> memref<10000x128xf32, #tpu.memory_space<vmem_shared>>
        %dma_wait3A_617 = tpu.memref_slice %arg11[%dma_wait3A_608] : memref<6x!tpu.dma_semaphore, #tpu.memory_space<semaphore_mem>> -> memref<1x!tpu.dma_semaphore, #tpu.memory_space<semaphore_mem>>
        %dma_wait3A_618 = tpu.memref_squeeze %dma_wait3A_617 : memref<1x!tpu.dma_semaphore, #tpu.memory_space<semaphore_mem>> -> memref<!tpu.dma_semaphore, #tpu.memory_space<semaphore_mem>>
        tpu.wait_indirect_dma semaphore(%dma_wait3A_618 : memref<!tpu.dma_semaphore, #tpu.memory_space<semaphore_mem>>) src(%dma_wait3A_612 : memref<40x128xf32, #tpu.memory_space<vmem>>) dst(%dma_wait3A_616 : memref<10000x128xf32, #tpu.memory_space<vmem_shared>>)
        %add3A_619 = arith.constant 6 : i32
        %add3A_620 = arith.addi %add3A_491, %add3A_619 : i32
        %mul3A_621 = arith.constant 40 : i32
        %mul3A_622 = arith.muli %add3A_620, %mul3A_621 : i32
        %dma_start3A_623 = arith.constant 3 : i32
        %dma_start3A_624 = arith.constant 3 : i32
        %dma_start3A_625 = arith.constant 0 : i32
        %dma_start3A_626 = arith.constant 0 : i32
        %dma_start3A_627 = tpu.memref_slice %arg8[%dma_start3A_623, %dma_start3A_625, %dma_start3A_626] : memref<6x40x128xf32, #tpu.memory_space<vmem>> -> memref<1x40x128xf32, #tpu.memory_space<vmem>>
        %dma_start3A_628 = tpu.memref_squeeze %dma_start3A_627 : memref<1x40x128xf32, #tpu.memory_space<vmem>> -> memref<40x128xf32, #tpu.memory_space<vmem>>
        %dma_start3A_629 = tpu.memref_slice %arg6[%mul3A_622] : memref<10000xi32, #tpu.memory_space<vmem>> -> memref<40xi32, #tpu.memory_space<vmem>>
        %dma_start3A_630 = arith.constant 0 : i32
        %dma_start3A_631 = arith.constant 0 : i32
        %dma_start3A_632 = tpu.memref_slice %arg2[%dma_start3A_630, %dma_start3A_631] : memref<100000x128xf32, #tpu.memory_space<hbm>> -> memref<100000x128xf32, #tpu.memory_space<hbm>>
        %dma_start3A_633 = tpu.memref_slice %arg10[%dma_start3A_624] : memref<6x!tpu.dma_semaphore, #tpu.memory_space<semaphore_mem>> -> memref<1x!tpu.dma_semaphore, #tpu.memory_space<semaphore_mem>>
        %dma_start3A_634 = tpu.memref_squeeze %dma_start3A_633 : memref<1x!tpu.dma_semaphore, #tpu.memory_space<semaphore_mem>> -> memref<!tpu.dma_semaphore, #tpu.memory_space<semaphore_mem>>
        tpu.enqueue_indirect_dma source(%dma_start3A_632 : memref<100000x128xf32, #tpu.memory_space<hbm>>) target(%dma_start3A_628 : memref<40x128xf32, #tpu.memory_space<vmem>>) offsets(%dma_start3A_629 : memref<40xi32, #tpu.memory_space<vmem>>) semaphore(%dma_start3A_634 : memref<!tpu.dma_semaphore, #tpu.memory_space<semaphore_mem>>)
      } else {
      }
      %mul3A_527 = arith.constant 6 : i32
      %mul3A_528 = arith.muli %add3A_373, %mul3A_527 : i32
      %add3A_529 = arith.constant 4 : i32
      %add3A_530 = arith.addi %mul3A_528, %add3A_529 : i32
      %mul3A_531 = arith.constant 40 : i32
      %mul3A_532 = arith.muli %add3A_530, %mul3A_531 : i32
      %dma_wait3A_533 = arith.constant 4 : i32
      %dma_wait3A_534 = arith.constant 4 : i32
      %dma_wait3A_535 = arith.constant 0 : i32
      %dma_wait3A_536 = arith.constant 0 : i32
      %dma_wait3A_537 = tpu.memref_slice %arg8[%dma_wait3A_533, %dma_wait3A_535, %dma_wait3A_536] : memref<6x40x128xf32, #tpu.memory_space<vmem>> -> memref<1x40x128xf32, #tpu.memory_space<vmem>>
      %dma_wait3A_538 = tpu.memref_squeeze %dma_wait3A_537 : memref<1x40x128xf32, #tpu.memory_space<vmem>> -> memref<40x128xf32, #tpu.memory_space<vmem>>
      %dma_wait3A_539 = tpu.memref_slice %arg6[%mul3A_532] : memref<10000xi32, #tpu.memory_space<vmem>> -> memref<40xi32, #tpu.memory_space<vmem>>
      %dma_wait3A_540 = arith.constant 0 : i32
      %dma_wait3A_541 = arith.constant 0 : i32
      %dma_wait3A_542 = tpu.memref_slice %arg2[%dma_wait3A_540, %dma_wait3A_541] : memref<100000x128xf32, #tpu.memory_space<hbm>> -> memref<100000x128xf32, #tpu.memory_space<hbm>>
      %dma_wait3A_543 = tpu.memref_slice %arg10[%dma_wait3A_534] : memref<6x!tpu.dma_semaphore, #tpu.memory_space<semaphore_mem>> -> memref<1x!tpu.dma_semaphore, #tpu.memory_space<semaphore_mem>>
      %dma_wait3A_544 = tpu.memref_squeeze %dma_wait3A_543 : memref<1x!tpu.dma_semaphore, #tpu.memory_space<semaphore_mem>> -> memref<!tpu.dma_semaphore, #tpu.memory_space<semaphore_mem>>
      tpu.wait_indirect_dma semaphore(%dma_wait3A_544 : memref<!tpu.dma_semaphore, #tpu.memory_space<semaphore_mem>>) src(%dma_wait3A_542 : memref<100000x128xf32, #tpu.memory_space<hbm>>) dst(%dma_wait3A_538 : memref<40x128xf32, #tpu.memory_space<vmem>>)
      %mul3A_545 = arith.constant 40 : i32
      %mul3A_546 = arith.muli %add3A_530, %mul3A_545 : i32
      %dma_start3A_547 = arith.constant 4 : i32
      %dma_start3A_548 = arith.constant 4 : i32
      %dma_start3A_549 = arith.constant 0 : i32
      %dma_start3A_550 = arith.constant 0 : i32
      %dma_start3A_551 = tpu.memref_slice %arg8[%dma_start3A_547, %dma_start3A_549, %dma_start3A_550] : memref<6x40x128xf32, #tpu.memory_space<vmem>> -> memref<1x40x128xf32, #tpu.memory_space<vmem>>
      %dma_start3A_552 = tpu.memref_squeeze %dma_start3A_551 : memref<1x40x128xf32, #tpu.memory_space<vmem>> -> memref<40x128xf32, #tpu.memory_space<vmem>>
      %dma_start3A_553 = tpu.memref_slice %arg7[%mul3A_546] : memref<10000xi32, #tpu.memory_space<vmem>> -> memref<40xi32, #tpu.memory_space<vmem>>
      %dma_start3A_554 = arith.constant 0 : i32
      %dma_start3A_555 = arith.constant 0 : i32
      %dma_start3A_556 = tpu.memref_slice %arg9[%dma_start3A_554, %dma_start3A_555] : memref<10000x128xf32, #tpu.memory_space<vmem_shared>> -> memref<10000x128xf32, #tpu.memory_space<vmem_shared>>
      %dma_start3A_557 = tpu.memref_slice %arg11[%dma_start3A_548] : memref<6x!tpu.dma_semaphore, #tpu.memory_space<semaphore_mem>> -> memref<1x!tpu.dma_semaphore, #tpu.memory_space<semaphore_mem>>
      %dma_start3A_558 = tpu.memref_squeeze %dma_start3A_557 : memref<1x!tpu.dma_semaphore, #tpu.memory_space<semaphore_mem>> -> memref<!tpu.dma_semaphore, #tpu.memory_space<semaphore_mem>>
      tpu.enqueue_indirect_dma source(%dma_start3A_552 : memref<40x128xf32, #tpu.memory_space<vmem>>) target(%dma_start3A_556 : memref<10000x128xf32, #tpu.memory_space<vmem_shared>>) offsets(%dma_start3A_553 : memref<40xi32, #tpu.memory_space<vmem>>) semaphore(%dma_start3A_558 : memref<!tpu.dma_semaphore, #tpu.memory_space<semaphore_mem>>) {add = true}
      %add3A_559 = arith.constant 6 : i32
      %add3A_560 = arith.addi %add3A_530, %add3A_559 : i32
      %lt3A_561 = arith.constant 250 : i32
      %lt3A_562 = arith.cmpi slt, %add3A_560, %lt3A_561 : i32
      %convert_element_type3A_563 = arith.extui %lt3A_562 : i1 to i32
      %cond3A_564 = arith.constant 0 : i32
      %cond3A_565 = arith.cmpi ne, %convert_element_type3A_563, %cond3A_564 : i32
      scf.if %cond3A_565 {
        %mul3A_605 = arith.constant 40 : i32
        %mul3A_606 = arith.muli %add3A_530, %mul3A_605 : i32
        %dma_wait3A_607 = arith.constant 4 : i32
        %dma_wait3A_608 = arith.constant 4 : i32
        %dma_wait3A_609 = arith.constant 0 : i32
        %dma_wait3A_610 = arith.constant 0 : i32
        %dma_wait3A_611 = tpu.memref_slice %arg8[%dma_wait3A_607, %dma_wait3A_609, %dma_wait3A_610] : memref<6x40x128xf32, #tpu.memory_space<vmem>> -> memref<1x40x128xf32, #tpu.memory_space<vmem>>
        %dma_wait3A_612 = tpu.memref_squeeze %dma_wait3A_611 : memref<1x40x128xf32, #tpu.memory_space<vmem>> -> memref<40x128xf32, #tpu.memory_space<vmem>>
        %dma_wait3A_613 = tpu.memref_slice %arg7[%mul3A_606] : memref<10000xi32, #tpu.memory_space<vmem>> -> memref<40xi32, #tpu.memory_space<vmem>>
        %dma_wait3A_614 = arith.constant 0 : i32
        %dma_wait3A_615 = arith.constant 0 : i32
        %dma_wait3A_616 = tpu.memref_slice %arg9[%dma_wait3A_614, %dma_wait3A_615] : memref<10000x128xf32, #tpu.memory_space<vmem_shared>> -> memref<10000x128xf32, #tpu.memory_space<vmem_shared>>
        %dma_wait3A_617 = tpu.memref_slice %arg11[%dma_wait3A_608] : memref<6x!tpu.dma_semaphore, #tpu.memory_space<semaphore_mem>> -> memref<1x!tpu.dma_semaphore, #tpu.memory_space<semaphore_mem>>
        %dma_wait3A_618 = tpu.memref_squeeze %dma_wait3A_617 : memref<1x!tpu.dma_semaphore, #tpu.memory_space<semaphore_mem>> -> memref<!tpu.dma_semaphore, #tpu.memory_space<semaphore_mem>>
        tpu.wait_indirect_dma semaphore(%dma_wait3A_618 : memref<!tpu.dma_semaphore, #tpu.memory_space<semaphore_mem>>) src(%dma_wait3A_612 : memref<40x128xf32, #tpu.memory_space<vmem>>) dst(%dma_wait3A_616 : memref<10000x128xf32, #tpu.memory_space<vmem_shared>>)
        %add3A_619 = arith.constant 6 : i32
        %add3A_620 = arith.addi %add3A_530, %add3A_619 : i32
        %mul3A_621 = arith.constant 40 : i32
        %mul3A_622 = arith.muli %add3A_620, %mul3A_621 : i32
        %dma_start3A_623 = arith.constant 4 : i32
        %dma_start3A_624 = arith.constant 4 : i32
        %dma_start3A_625 = arith.constant 0 : i32
        %dma_start3A_626 = arith.constant 0 : i32
        %dma_start3A_627 = tpu.memref_slice %arg8[%dma_start3A_623, %dma_start3A_625, %dma_start3A_626] : memref<6x40x128xf32, #tpu.memory_space<vmem>> -> memref<1x40x128xf32, #tpu.memory_space<vmem>>
        %dma_start3A_628 = tpu.memref_squeeze %dma_start3A_627 : memref<1x40x128xf32, #tpu.memory_space<vmem>> -> memref<40x128xf32, #tpu.memory_space<vmem>>
        %dma_start3A_629 = tpu.memref_slice %arg6[%mul3A_622] : memref<10000xi32, #tpu.memory_space<vmem>> -> memref<40xi32, #tpu.memory_space<vmem>>
        %dma_start3A_630 = arith.constant 0 : i32
        %dma_start3A_631 = arith.constant 0 : i32
        %dma_start3A_632 = tpu.memref_slice %arg2[%dma_start3A_630, %dma_start3A_631] : memref<100000x128xf32, #tpu.memory_space<hbm>> -> memref<100000x128xf32, #tpu.memory_space<hbm>>
        %dma_start3A_633 = tpu.memref_slice %arg10[%dma_start3A_624] : memref<6x!tpu.dma_semaphore, #tpu.memory_space<semaphore_mem>> -> memref<1x!tpu.dma_semaphore, #tpu.memory_space<semaphore_mem>>
        %dma_start3A_634 = tpu.memref_squeeze %dma_start3A_633 : memref<1x!tpu.dma_semaphore, #tpu.memory_space<semaphore_mem>> -> memref<!tpu.dma_semaphore, #tpu.memory_space<semaphore_mem>>
        tpu.enqueue_indirect_dma source(%dma_start3A_632 : memref<100000x128xf32, #tpu.memory_space<hbm>>) target(%dma_start3A_628 : memref<40x128xf32, #tpu.memory_space<vmem>>) offsets(%dma_start3A_629 : memref<40xi32, #tpu.memory_space<vmem>>) semaphore(%dma_start3A_634 : memref<!tpu.dma_semaphore, #tpu.memory_space<semaphore_mem>>)
      } else {
      }
      %mul3A_566 = arith.constant 6 : i32
      %mul3A_567 = arith.muli %add3A_373, %mul3A_566 : i32
      %add3A_568 = arith.constant 5 : i32
      %add3A_569 = arith.addi %mul3A_567, %add3A_568 : i32
      %mul3A_570 = arith.constant 40 : i32
      %mul3A_571 = arith.muli %add3A_569, %mul3A_570 : i32
      %dma_wait3A_572 = arith.constant 5 : i32
      %dma_wait3A_573 = arith.constant 5 : i32
      %dma_wait3A_574 = arith.constant 0 : i32
      %dma_wait3A_575 = arith.constant 0 : i32
      %dma_wait3A_576 = tpu.memref_slice %arg8[%dma_wait3A_572, %dma_wait3A_574, %dma_wait3A_575] : memref<6x40x128xf32, #tpu.memory_space<vmem>> -> memref<1x40x128xf32, #tpu.memory_space<vmem>>
      %dma_wait3A_577 = tpu.memref_squeeze %dma_wait3A_576 : memref<1x40x128xf32, #tpu.memory_space<vmem>> -> memref<40x128xf32, #tpu.memory_space<vmem>>
      %dma_wait3A_578 = tpu.memref_slice %arg6[%mul3A_571] : memref<10000xi32, #tpu.memory_space<vmem>> -> memref<40xi32, #tpu.memory_space<vmem>>
      %dma_wait3A_579 = arith.constant 0 : i32
      %dma_wait3A_580 = arith.constant 0 : i32
      %dma_wait3A_581 = tpu.memref_slice %arg2[%dma_wait3A_579, %dma_wait3A_580] : memref<100000x128xf32, #tpu.memory_space<hbm>> -> memref<100000x128xf32, #tpu.memory_space<hbm>>
      %dma_wait3A_582 = tpu.memref_slice %arg10[%dma_wait3A_573] : memref<6x!tpu.dma_semaphore, #tpu.memory_space<semaphore_mem>> -> memref<1x!tpu.dma_semaphore, #tpu.memory_space<semaphore_mem>>
      %dma_wait3A_583 = tpu.memref_squeeze %dma_wait3A_582 : memref<1x!tpu.dma_semaphore, #tpu.memory_space<semaphore_mem>> -> memref<!tpu.dma_semaphore, #tpu.memory_space<semaphore_mem>>
      tpu.wait_indirect_dma semaphore(%dma_wait3A_583 : memref<!tpu.dma_semaphore, #tpu.memory_space<semaphore_mem>>) src(%dma_wait3A_581 : memref<100000x128xf32, #tpu.memory_space<hbm>>) dst(%dma_wait3A_577 : memref<40x128xf32, #tpu.memory_space<vmem>>)
      %mul3A_584 = arith.constant 40 : i32
      %mul3A_585 = arith.muli %add3A_569, %mul3A_584 : i32
      %dma_start3A_586 = arith.constant 5 : i32
      %dma_start3A_587 = arith.constant 5 : i32
      %dma_start3A_588 = arith.constant 0 : i32
      %dma_start3A_589 = arith.constant 0 : i32
      %dma_start3A_590 = tpu.memref_slice %arg8[%dma_start3A_586, %dma_start3A_588, %dma_start3A_589] : memref<6x40x128xf32, #tpu.memory_space<vmem>> -> memref<1x40x128xf32, #tpu.memory_space<vmem>>
      %dma_start3A_591 = tpu.memref_squeeze %dma_start3A_590 : memref<1x40x128xf32, #tpu.memory_space<vmem>> -> memref<40x128xf32, #tpu.memory_space<vmem>>
      %dma_start3A_592 = tpu.memref_slice %arg7[%mul3A_585] : memref<10000xi32, #tpu.memory_space<vmem>> -> memref<40xi32, #tpu.memory_space<vmem>>
      %dma_start3A_593 = arith.constant 0 : i32
      %dma_start3A_594 = arith.constant 0 : i32
      %dma_start3A_595 = tpu.memref_slice %arg9[%dma_start3A_593, %dma_start3A_594] : memref<10000x128xf32, #tpu.memory_space<vmem_shared>> -> memref<10000x128xf32, #tpu.memory_space<vmem_shared>>
      %dma_start3A_596 = tpu.memref_slice %arg11[%dma_start3A_587] : memref<6x!tpu.dma_semaphore, #tpu.memory_space<semaphore_mem>> -> memref<1x!tpu.dma_semaphore, #tpu.memory_space<semaphore_mem>>
      %dma_start3A_597 = tpu.memref_squeeze %dma_start3A_596 : memref<1x!tpu.dma_semaphore, #tpu.memory_space<semaphore_mem>> -> memref<!tpu.dma_semaphore, #tpu.memory_space<semaphore_mem>>
      tpu.enqueue_indirect_dma source(%dma_start3A_591 : memref<40x128xf32, #tpu.memory_space<vmem>>) target(%dma_start3A_595 : memref<10000x128xf32, #tpu.memory_space<vmem_shared>>) offsets(%dma_start3A_592 : memref<40xi32, #tpu.memory_space<vmem>>) semaphore(%dma_start3A_597 : memref<!tpu.dma_semaphore, #tpu.memory_space<semaphore_mem>>) {add = true}
      %add3A_598 = arith.constant 6 : i32
      %add3A_599 = arith.addi %add3A_569, %add3A_598 : i32
      %lt3A_600 = arith.constant 250 : i32
      %lt3A_601 = arith.cmpi slt, %add3A_599, %lt3A_600 : i32
      %convert_element_type3A_602 = arith.extui %lt3A_601 : i1 to i32
      %cond3A_603 = arith.constant 0 : i32
      %cond3A_604 = arith.cmpi ne, %convert_element_type3A_602, %cond3A_603 : i32
      scf.if %cond3A_604 {
        %mul3A_605 = arith.constant 40 : i32
        %mul3A_606 = arith.muli %add3A_569, %mul3A_605 : i32
        %dma_wait3A_607 = arith.constant 5 : i32
        %dma_wait3A_608 = arith.constant 5 : i32
        %dma_wait3A_609 = arith.constant 0 : i32
        %dma_wait3A_610 = arith.constant 0 : i32
        %dma_wait3A_611 = tpu.memref_slice %arg8[%dma_wait3A_607, %dma_wait3A_609, %dma_wait3A_610] : memref<6x40x128xf32, #tpu.memory_space<vmem>> -> memref<1x40x128xf32, #tpu.memory_space<vmem>>
        %dma_wait3A_612 = tpu.memref_squeeze %dma_wait3A_611 : memref<1x40x128xf32, #tpu.memory_space<vmem>> -> memref<40x128xf32, #tpu.memory_space<vmem>>
        %dma_wait3A_613 = tpu.memref_slice %arg7[%mul3A_606] : memref<10000xi32, #tpu.memory_space<vmem>> -> memref<40xi32, #tpu.memory_space<vmem>>
        %dma_wait3A_614 = arith.constant 0 : i32
        %dma_wait3A_615 = arith.constant 0 : i32
        %dma_wait3A_616 = tpu.memref_slice %arg9[%dma_wait3A_614, %dma_wait3A_615] : memref<10000x128xf32, #tpu.memory_space<vmem_shared>> -> memref<10000x128xf32, #tpu.memory_space<vmem_shared>>
        %dma_wait3A_617 = tpu.memref_slice %arg11[%dma_wait3A_608] : memref<6x!tpu.dma_semaphore, #tpu.memory_space<semaphore_mem>> -> memref<1x!tpu.dma_semaphore, #tpu.memory_space<semaphore_mem>>
        %dma_wait3A_618 = tpu.memref_squeeze %dma_wait3A_617 : memref<1x!tpu.dma_semaphore, #tpu.memory_space<semaphore_mem>> -> memref<!tpu.dma_semaphore, #tpu.memory_space<semaphore_mem>>
        tpu.wait_indirect_dma semaphore(%dma_wait3A_618 : memref<!tpu.dma_semaphore, #tpu.memory_space<semaphore_mem>>) src(%dma_wait3A_612 : memref<40x128xf32, #tpu.memory_space<vmem>>) dst(%dma_wait3A_616 : memref<10000x128xf32, #tpu.memory_space<vmem_shared>>)
        %add3A_619 = arith.constant 6 : i32
        %add3A_620 = arith.addi %add3A_569, %add3A_619 : i32
        %mul3A_621 = arith.constant 40 : i32
        %mul3A_622 = arith.muli %add3A_620, %mul3A_621 : i32
        %dma_start3A_623 = arith.constant 5 : i32
        %dma_start3A_624 = arith.constant 5 : i32
        %dma_start3A_625 = arith.constant 0 : i32
        %dma_start3A_626 = arith.constant 0 : i32
        %dma_start3A_627 = tpu.memref_slice %arg8[%dma_start3A_623, %dma_start3A_625, %dma_start3A_626] : memref<6x40x128xf32, #tpu.memory_space<vmem>> -> memref<1x40x128xf32, #tpu.memory_space<vmem>>
        %dma_start3A_628 = tpu.memref_squeeze %dma_start3A_627 : memref<1x40x128xf32, #tpu.memory_space<vmem>> -> memref<40x128xf32, #tpu.memory_space<vmem>>
        %dma_start3A_629 = tpu.memref_slice %arg6[%mul3A_622] : memref<10000xi32, #tpu.memory_space<vmem>> -> memref<40xi32, #tpu.memory_space<vmem>>
        %dma_start3A_630 = arith.constant 0 : i32
        %dma_start3A_631 = arith.constant 0 : i32
        %dma_start3A_632 = tpu.memref_slice %arg2[%dma_start3A_630, %dma_start3A_631] : memref<100000x128xf32, #tpu.memory_space<hbm>> -> memref<100000x128xf32, #tpu.memory_space<hbm>>
        %dma_start3A_633 = tpu.memref_slice %arg10[%dma_start3A_624] : memref<6x!tpu.dma_semaphore, #tpu.memory_space<semaphore_mem>> -> memref<1x!tpu.dma_semaphore, #tpu.memory_space<semaphore_mem>>
        %dma_start3A_634 = tpu.memref_squeeze %dma_start3A_633 : memref<1x!tpu.dma_semaphore, #tpu.memory_space<semaphore_mem>> -> memref<!tpu.dma_semaphore, #tpu.memory_space<semaphore_mem>>
        tpu.enqueue_indirect_dma source(%dma_start3A_632 : memref<100000x128xf32, #tpu.memory_space<hbm>>) target(%dma_start3A_628 : memref<40x128xf32, #tpu.memory_space<vmem>>) offsets(%dma_start3A_629 : memref<40xi32, #tpu.memory_space<vmem>>) semaphore(%dma_start3A_634 : memref<!tpu.dma_semaphore, #tpu.memory_space<semaphore_mem>>)
      } else {
      }
    }
    %scan3A_149 = arith.constant 41 : i32
    %dma_wait3A_150 = arith.constant 0 : i32
    %dma_wait3A_151 = arith.constant 0 : i32
    %dma_wait3A_152 = arith.constant 0 : i32
    %dma_wait3A_153 = arith.constant 0 : i32
    %dma_wait3A_154 = tpu.memref_slice %arg8[%dma_wait3A_150, %dma_wait3A_152, %dma_wait3A_153] : memref<6x40x128xf32, #tpu.memory_space<vmem>> -> memref<1x40x128xf32, #tpu.memory_space<vmem>>
    %dma_wait3A_155 = tpu.memref_squeeze %dma_wait3A_154 : memref<1x40x128xf32, #tpu.memory_space<vmem>> -> memref<40x128xf32, #tpu.memory_space<vmem>>
    %dma_wait3A_156 = arith.constant 9840 : i32
    %dma_wait3A_157 = tpu.memref_slice %arg6[%dma_wait3A_156] : memref<10000xi32, #tpu.memory_space<vmem>> -> memref<40xi32, #tpu.memory_space<vmem>>
    %dma_wait3A_158 = arith.constant 0 : i32
    %dma_wait3A_159 = arith.constant 0 : i32
    %dma_wait3A_160 = tpu.memref_slice %arg2[%dma_wait3A_158, %dma_wait3A_159] : memref<100000x128xf32, #tpu.memory_space<hbm>> -> memref<100000x128xf32, #tpu.memory_space<hbm>>
    %dma_wait3A_161 = tpu.memref_slice %arg10[%dma_wait3A_151] : memref<6x!tpu.dma_semaphore, #tpu.memory_space<semaphore_mem>> -> memref<1x!tpu.dma_semaphore, #tpu.memory_space<semaphore_mem>>
    %dma_wait3A_162 = tpu.memref_squeeze %dma_wait3A_161 : memref<1x!tpu.dma_semaphore, #tpu.memory_space<semaphore_mem>> -> memref<!tpu.dma_semaphore, #tpu.memory_space<semaphore_mem>>
    tpu.wait_indirect_dma semaphore(%dma_wait3A_162 : memref<!tpu.dma_semaphore, #tpu.memory_space<semaphore_mem>>) src(%dma_wait3A_160 : memref<100000x128xf32, #tpu.memory_space<hbm>>) dst(%dma_wait3A_155 : memref<40x128xf32, #tpu.memory_space<vmem>>)
    %dma_start3A_163 = arith.constant 0 : i32
    %dma_start3A_164 = arith.constant 0 : i32
    %dma_start3A_165 = arith.constant 0 : i32
    %dma_start3A_166 = arith.constant 0 : i32
    %dma_start3A_167 = tpu.memref_slice %arg8[%dma_start3A_163, %dma_start3A_165, %dma_start3A_166] : memref<6x40x128xf32, #tpu.memory_space<vmem>> -> memref<1x40x128xf32, #tpu.memory_space<vmem>>
    %dma_start3A_168 = tpu.memref_squeeze %dma_start3A_167 : memref<1x40x128xf32, #tpu.memory_space<vmem>> -> memref<40x128xf32, #tpu.memory_space<vmem>>
    %dma_start3A_169 = arith.constant 9840 : i32
    %dma_start3A_170 = tpu.memref_slice %arg7[%dma_start3A_169] : memref<10000xi32, #tpu.memory_space<vmem>> -> memref<40xi32, #tpu.memory_space<vmem>>
    %dma_start3A_171 = arith.constant 0 : i32
    %dma_start3A_172 = arith.constant 0 : i32
    %dma_start3A_173 = tpu.memref_slice %arg9[%dma_start3A_171, %dma_start3A_172] : memref<10000x128xf32, #tpu.memory_space<vmem_shared>> -> memref<10000x128xf32, #tpu.memory_space<vmem_shared>>
    %dma_start3A_174 = tpu.memref_slice %arg11[%dma_start3A_164] : memref<6x!tpu.dma_semaphore, #tpu.memory_space<semaphore_mem>> -> memref<1x!tpu.dma_semaphore, #tpu.memory_space<semaphore_mem>>
    %dma_start3A_175 = tpu.memref_squeeze %dma_start3A_174 : memref<1x!tpu.dma_semaphore, #tpu.memory_space<semaphore_mem>> -> memref<!tpu.dma_semaphore, #tpu.memory_space<semaphore_mem>>
    tpu.enqueue_indirect_dma source(%dma_start3A_168 : memref<40x128xf32, #tpu.memory_space<vmem>>) target(%dma_start3A_173 : memref<10000x128xf32, #tpu.memory_space<vmem_shared>>) offsets(%dma_start3A_170 : memref<40xi32, #tpu.memory_space<vmem>>) semaphore(%dma_start3A_175 : memref<!tpu.dma_semaphore, #tpu.memory_space<semaphore_mem>>) {add = true}
    %dma_wait3A_176 = arith.constant 1 : i32
    %dma_wait3A_177 = arith.constant 1 : i32
    %dma_wait3A_178 = arith.constant 0 : i32
    %dma_wait3A_179 = arith.constant 0 : i32
    %dma_wait3A_180 = tpu.memref_slice %arg8[%dma_wait3A_176, %dma_wait3A_178, %dma_wait3A_179] : memref<6x40x128xf32, #tpu.memory_space<vmem>> -> memref<1x40x128xf32, #tpu.memory_space<vmem>>
    %dma_wait3A_181 = tpu.memref_squeeze %dma_wait3A_180 : memref<1x40x128xf32, #tpu.memory_space<vmem>> -> memref<40x128xf32, #tpu.memory_space<vmem>>
    %dma_wait3A_182 = arith.constant 9880 : i32
    %dma_wait3A_183 = tpu.memref_slice %arg6[%dma_wait3A_182] : memref<10000xi32, #tpu.memory_space<vmem>> -> memref<40xi32, #tpu.memory_space<vmem>>
    %dma_wait3A_184 = arith.constant 0 : i32
    %dma_wait3A_185 = arith.constant 0 : i32
    %dma_wait3A_186 = tpu.memref_slice %arg2[%dma_wait3A_184, %dma_wait3A_185] : memref<100000x128xf32, #tpu.memory_space<hbm>> -> memref<100000x128xf32, #tpu.memory_space<hbm>>
    %dma_wait3A_187 = tpu.memref_slice %arg10[%dma_wait3A_177] : memref<6x!tpu.dma_semaphore, #tpu.memory_space<semaphore_mem>> -> memref<1x!tpu.dma_semaphore, #tpu.memory_space<semaphore_mem>>
    %dma_wait3A_188 = tpu.memref_squeeze %dma_wait3A_187 : memref<1x!tpu.dma_semaphore, #tpu.memory_space<semaphore_mem>> -> memref<!tpu.dma_semaphore, #tpu.memory_space<semaphore_mem>>
    tpu.wait_indirect_dma semaphore(%dma_wait3A_188 : memref<!tpu.dma_semaphore, #tpu.memory_space<semaphore_mem>>) src(%dma_wait3A_186 : memref<100000x128xf32, #tpu.memory_space<hbm>>) dst(%dma_wait3A_181 : memref<40x128xf32, #tpu.memory_space<vmem>>)
    %dma_start3A_189 = arith.constant 1 : i32
    %dma_start3A_190 = arith.constant 1 : i32
    %dma_start3A_191 = arith.constant 0 : i32
    %dma_start3A_192 = arith.constant 0 : i32
    %dma_start3A_193 = tpu.memref_slice %arg8[%dma_start3A_189, %dma_start3A_191, %dma_start3A_192] : memref<6x40x128xf32, #tpu.memory_space<vmem>> -> memref<1x40x128xf32, #tpu.memory_space<vmem>>
    %dma_start3A_194 = tpu.memref_squeeze %dma_start3A_193 : memref<1x40x128xf32, #tpu.memory_space<vmem>> -> memref<40x128xf32, #tpu.memory_space<vmem>>
    %dma_start3A_195 = arith.constant 9880 : i32
    %dma_start3A_196 = tpu.memref_slice %arg7[%dma_start3A_195] : memref<10000xi32, #tpu.memory_space<vmem>> -> memref<40xi32, #tpu.memory_space<vmem>>
    %dma_start3A_197 = arith.constant 0 : i32
    %dma_start3A_198 = arith.constant 0 : i32
    %dma_start3A_199 = tpu.memref_slice %arg9[%dma_start3A_197, %dma_start3A_198] : memref<10000x128xf32, #tpu.memory_space<vmem_shared>> -> memref<10000x128xf32, #tpu.memory_space<vmem_shared>>
    %dma_start3A_200 = tpu.memref_slice %arg11[%dma_start3A_190] : memref<6x!tpu.dma_semaphore, #tpu.memory_space<semaphore_mem>> -> memref<1x!tpu.dma_semaphore, #tpu.memory_space<semaphore_mem>>
    %dma_start3A_201 = tpu.memref_squeeze %dma_start3A_200 : memref<1x!tpu.dma_semaphore, #tpu.memory_space<semaphore_mem>> -> memref<!tpu.dma_semaphore, #tpu.memory_space<semaphore_mem>>
    tpu.enqueue_indirect_dma source(%dma_start3A_194 : memref<40x128xf32, #tpu.memory_space<vmem>>) target(%dma_start3A_199 : memref<10000x128xf32, #tpu.memory_space<vmem_shared>>) offsets(%dma_start3A_196 : memref<40xi32, #tpu.memory_space<vmem>>) semaphore(%dma_start3A_201 : memref<!tpu.dma_semaphore, #tpu.memory_space<semaphore_mem>>) {add = true}
    %dma_wait3A_202 = arith.constant 2 : i32
    %dma_wait3A_203 = arith.constant 2 : i32
    %dma_wait3A_204 = arith.constant 0 : i32
    %dma_wait3A_205 = arith.constant 0 : i32
    %dma_wait3A_206 = tpu.memref_slice %arg8[%dma_wait3A_202, %dma_wait3A_204, %dma_wait3A_205] : memref<6x40x128xf32, #tpu.memory_space<vmem>> -> memref<1x40x128xf32, #tpu.memory_space<vmem>>
    %dma_wait3A_207 = tpu.memref_squeeze %dma_wait3A_206 : memref<1x40x128xf32, #tpu.memory_space<vmem>> -> memref<40x128xf32, #tpu.memory_space<vmem>>
    %dma_wait3A_208 = arith.constant 9920 : i32
    %dma_wait3A_209 = tpu.memref_slice %arg6[%dma_wait3A_208] : memref<10000xi32, #tpu.memory_space<vmem>> -> memref<40xi32, #tpu.memory_space<vmem>>
    %dma_wait3A_210 = arith.constant 0 : i32
    %dma_wait3A_211 = arith.constant 0 : i32
    %dma_wait3A_212 = tpu.memref_slice %arg2[%dma_wait3A_210, %dma_wait3A_211] : memref<100000x128xf32, #tpu.memory_space<hbm>> -> memref<100000x128xf32, #tpu.memory_space<hbm>>
    %dma_wait3A_213 = tpu.memref_slice %arg10[%dma_wait3A_203] : memref<6x!tpu.dma_semaphore, #tpu.memory_space<semaphore_mem>> -> memref<1x!tpu.dma_semaphore, #tpu.memory_space<semaphore_mem>>
    %dma_wait3A_214 = tpu.memref_squeeze %dma_wait3A_213 : memref<1x!tpu.dma_semaphore, #tpu.memory_space<semaphore_mem>> -> memref<!tpu.dma_semaphore, #tpu.memory_space<semaphore_mem>>
    tpu.wait_indirect_dma semaphore(%dma_wait3A_214 : memref<!tpu.dma_semaphore, #tpu.memory_space<semaphore_mem>>) src(%dma_wait3A_212 : memref<100000x128xf32, #tpu.memory_space<hbm>>) dst(%dma_wait3A_207 : memref<40x128xf32, #tpu.memory_space<vmem>>)
    %dma_start3A_215 = arith.constant 2 : i32
    %dma_start3A_216 = arith.constant 2 : i32
    %dma_start3A_217 = arith.constant 0 : i32
    %dma_start3A_218 = arith.constant 0 : i32
    %dma_start3A_219 = tpu.memref_slice %arg8[%dma_start3A_215, %dma_start3A_217, %dma_start3A_218] : memref<6x40x128xf32, #tpu.memory_space<vmem>> -> memref<1x40x128xf32, #tpu.memory_space<vmem>>
    %dma_start3A_220 = tpu.memref_squeeze %dma_start3A_219 : memref<1x40x128xf32, #tpu.memory_space<vmem>> -> memref<40x128xf32, #tpu.memory_space<vmem>>
    %dma_start3A_221 = arith.constant 9920 : i32
    %dma_start3A_222 = tpu.memref_slice %arg7[%dma_start3A_221] : memref<10000xi32, #tpu.memory_space<vmem>> -> memref<40xi32, #tpu.memory_space<vmem>>
    %dma_start3A_223 = arith.constant 0 : i32
    %dma_start3A_224 = arith.constant 0 : i32
    %dma_start3A_225 = tpu.memref_slice %arg9[%dma_start3A_223, %dma_start3A_224] : memref<10000x128xf32, #tpu.memory_space<vmem_shared>> -> memref<10000x128xf32, #tpu.memory_space<vmem_shared>>
    %dma_start3A_226 = tpu.memref_slice %arg11[%dma_start3A_216] : memref<6x!tpu.dma_semaphore, #tpu.memory_space<semaphore_mem>> -> memref<1x!tpu.dma_semaphore, #tpu.memory_space<semaphore_mem>>
    %dma_start3A_227 = tpu.memref_squeeze %dma_start3A_226 : memref<1x!tpu.dma_semaphore, #tpu.memory_space<semaphore_mem>> -> memref<!tpu.dma_semaphore, #tpu.memory_space<semaphore_mem>>
    tpu.enqueue_indirect_dma source(%dma_start3A_220 : memref<40x128xf32, #tpu.memory_space<vmem>>) target(%dma_start3A_225 : memref<10000x128xf32, #tpu.memory_space<vmem_shared>>) offsets(%dma_start3A_222 : memref<40xi32, #tpu.memory_space<vmem>>) semaphore(%dma_start3A_227 : memref<!tpu.dma_semaphore, #tpu.memory_space<semaphore_mem>>) {add = true}
    %dma_wait3A_228 = arith.constant 3 : i32
    %dma_wait3A_229 = arith.constant 3 : i32
    %dma_wait3A_230 = arith.constant 0 : i32
    %dma_wait3A_231 = arith.constant 0 : i32
    %dma_wait3A_232 = tpu.memref_slice %arg8[%dma_wait3A_228, %dma_wait3A_230, %dma_wait3A_231] : memref<6x40x128xf32, #tpu.memory_space<vmem>> -> memref<1x40x128xf32, #tpu.memory_space<vmem>>
    %dma_wait3A_233 = tpu.memref_squeeze %dma_wait3A_232 : memref<1x40x128xf32, #tpu.memory_space<vmem>> -> memref<40x128xf32, #tpu.memory_space<vmem>>
    %dma_wait3A_234 = arith.constant 9960 : i32
    %dma_wait3A_235 = tpu.memref_slice %arg6[%dma_wait3A_234] : memref<10000xi32, #tpu.memory_space<vmem>> -> memref<40xi32, #tpu.memory_space<vmem>>
    %dma_wait3A_236 = arith.constant 0 : i32
    %dma_wait3A_237 = arith.constant 0 : i32
    %dma_wait3A_238 = tpu.memref_slice %arg2[%dma_wait3A_236, %dma_wait3A_237] : memref<100000x128xf32, #tpu.memory_space<hbm>> -> memref<100000x128xf32, #tpu.memory_space<hbm>>
    %dma_wait3A_239 = tpu.memref_slice %arg10[%dma_wait3A_229] : memref<6x!tpu.dma_semaphore, #tpu.memory_space<semaphore_mem>> -> memref<1x!tpu.dma_semaphore, #tpu.memory_space<semaphore_mem>>
    %dma_wait3A_240 = tpu.memref_squeeze %dma_wait3A_239 : memref<1x!tpu.dma_semaphore, #tpu.memory_space<semaphore_mem>> -> memref<!tpu.dma_semaphore, #tpu.memory_space<semaphore_mem>>
    tpu.wait_indirect_dma semaphore(%dma_wait3A_240 : memref<!tpu.dma_semaphore, #tpu.memory_space<semaphore_mem>>) src(%dma_wait3A_238 : memref<100000x128xf32, #tpu.memory_space<hbm>>) dst(%dma_wait3A_233 : memref<40x128xf32, #tpu.memory_space<vmem>>)
    %dma_start3A_241 = arith.constant 3 : i32
    %dma_start3A_242 = arith.constant 3 : i32
    %dma_start3A_243 = arith.constant 0 : i32
    %dma_start3A_244 = arith.constant 0 : i32
    %dma_start3A_245 = tpu.memref_slice %arg8[%dma_start3A_241, %dma_start3A_243, %dma_start3A_244] : memref<6x40x128xf32, #tpu.memory_space<vmem>> -> memref<1x40x128xf32, #tpu.memory_space<vmem>>
    %dma_start3A_246 = tpu.memref_squeeze %dma_start3A_245 : memref<1x40x128xf32, #tpu.memory_space<vmem>> -> memref<40x128xf32, #tpu.memory_space<vmem>>
    %dma_start3A_247 = arith.constant 9960 : i32
    %dma_start3A_248 = tpu.memref_slice %arg7[%dma_start3A_247] : memref<10000xi32, #tpu.memory_space<vmem>> -> memref<40xi32, #tpu.memory_space<vmem>>
    %dma_start3A_249 = arith.constant 0 : i32
    %dma_start3A_250 = arith.constant 0 : i32
    %dma_start3A_251 = tpu.memref_slice %arg9[%dma_start3A_249, %dma_start3A_250] : memref<10000x128xf32, #tpu.memory_space<vmem_shared>> -> memref<10000x128xf32, #tpu.memory_space<vmem_shared>>
    %dma_start3A_252 = tpu.memref_slice %arg11[%dma_start3A_242] : memref<6x!tpu.dma_semaphore, #tpu.memory_space<semaphore_mem>> -> memref<1x!tpu.dma_semaphore, #tpu.memory_space<semaphore_mem>>
    %dma_start3A_253 = tpu.memref_squeeze %dma_start3A_252 : memref<1x!tpu.dma_semaphore, #tpu.memory_space<semaphore_mem>> -> memref<!tpu.dma_semaphore, #tpu.memory_space<semaphore_mem>>
    tpu.enqueue_indirect_dma source(%dma_start3A_246 : memref<40x128xf32, #tpu.memory_space<vmem>>) target(%dma_start3A_251 : memref<10000x128xf32, #tpu.memory_space<vmem_shared>>) offsets(%dma_start3A_248 : memref<40xi32, #tpu.memory_space<vmem>>) semaphore(%dma_start3A_253 : memref<!tpu.dma_semaphore, #tpu.memory_space<semaphore_mem>>) {add = true}
    %dma_wait3A_254 = arith.constant 0 : i32
    %dma_wait3A_255 = arith.constant 0 : i32
    %dma_wait3A_256 = arith.constant 0 : i32
    %dma_wait3A_257 = arith.constant 0 : i32
    %dma_wait3A_258 = tpu.memref_slice %arg8[%dma_wait3A_254, %dma_wait3A_256, %dma_wait3A_257] : memref<6x40x128xf32, #tpu.memory_space<vmem>> -> memref<1x40x128xf32, #tpu.memory_space<vmem>>
    %dma_wait3A_259 = tpu.memref_squeeze %dma_wait3A_258 : memref<1x40x128xf32, #tpu.memory_space<vmem>> -> memref<40x128xf32, #tpu.memory_space<vmem>>
    %dma_wait3A_260 = arith.constant 9840 : i32
    %dma_wait3A_261 = tpu.memref_slice %arg7[%dma_wait3A_260] : memref<10000xi32, #tpu.memory_space<vmem>> -> memref<40xi32, #tpu.memory_space<vmem>>
    %dma_wait3A_262 = arith.constant 0 : i32
    %dma_wait3A_263 = arith.constant 0 : i32
    %dma_wait3A_264 = tpu.memref_slice %arg9[%dma_wait3A_262, %dma_wait3A_263] : memref<10000x128xf32, #tpu.memory_space<vmem_shared>> -> memref<10000x128xf32, #tpu.memory_space<vmem_shared>>
    %dma_wait3A_265 = tpu.memref_slice %arg11[%dma_wait3A_255] : memref<6x!tpu.dma_semaphore, #tpu.memory_space<semaphore_mem>> -> memref<1x!tpu.dma_semaphore, #tpu.memory_space<semaphore_mem>>
    %dma_wait3A_266 = tpu.memref_squeeze %dma_wait3A_265 : memref<1x!tpu.dma_semaphore, #tpu.memory_space<semaphore_mem>> -> memref<!tpu.dma_semaphore, #tpu.memory_space<semaphore_mem>>
    tpu.wait_indirect_dma semaphore(%dma_wait3A_266 : memref<!tpu.dma_semaphore, #tpu.memory_space<semaphore_mem>>) src(%dma_wait3A_259 : memref<40x128xf32, #tpu.memory_space<vmem>>) dst(%dma_wait3A_264 : memref<10000x128xf32, #tpu.memory_space<vmem_shared>>)
    %dma_wait3A_267 = arith.constant 1 : i32
    %dma_wait3A_268 = arith.constant 1 : i32
    %dma_wait3A_269 = arith.constant 0 : i32
    %dma_wait3A_270 = arith.constant 0 : i32
    %dma_wait3A_271 = tpu.memref_slice %arg8[%dma_wait3A_267, %dma_wait3A_269, %dma_wait3A_270] : memref<6x40x128xf32, #tpu.memory_space<vmem>> -> memref<1x40x128xf32, #tpu.memory_space<vmem>>
    %dma_wait3A_272 = tpu.memref_squeeze %dma_wait3A_271 : memref<1x40x128xf32, #tpu.memory_space<vmem>> -> memref<40x128xf32, #tpu.memory_space<vmem>>
    %dma_wait3A_273 = arith.constant 9880 : i32
    %dma_wait3A_274 = tpu.memref_slice %arg7[%dma_wait3A_273] : memref<10000xi32, #tpu.memory_space<vmem>> -> memref<40xi32, #tpu.memory_space<vmem>>
    %dma_wait3A_275 = arith.constant 0 : i32
    %dma_wait3A_276 = arith.constant 0 : i32
    %dma_wait3A_277 = tpu.memref_slice %arg9[%dma_wait3A_275, %dma_wait3A_276] : memref<10000x128xf32, #tpu.memory_space<vmem_shared>> -> memref<10000x128xf32, #tpu.memory_space<vmem_shared>>
    %dma_wait3A_278 = tpu.memref_slice %arg11[%dma_wait3A_268] : memref<6x!tpu.dma_semaphore, #tpu.memory_space<semaphore_mem>> -> memref<1x!tpu.dma_semaphore, #tpu.memory_space<semaphore_mem>>
    %dma_wait3A_279 = tpu.memref_squeeze %dma_wait3A_278 : memref<1x!tpu.dma_semaphore, #tpu.memory_space<semaphore_mem>> -> memref<!tpu.dma_semaphore, #tpu.memory_space<semaphore_mem>>
    tpu.wait_indirect_dma semaphore(%dma_wait3A_279 : memref<!tpu.dma_semaphore, #tpu.memory_space<semaphore_mem>>) src(%dma_wait3A_272 : memref<40x128xf32, #tpu.memory_space<vmem>>) dst(%dma_wait3A_277 : memref<10000x128xf32, #tpu.memory_space<vmem_shared>>)
    %dma_wait3A_280 = arith.constant 2 : i32
    %dma_wait3A_281 = arith.constant 2 : i32
    %dma_wait3A_282 = arith.constant 0 : i32
    %dma_wait3A_283 = arith.constant 0 : i32
    %dma_wait3A_284 = tpu.memref_slice %arg8[%dma_wait3A_280, %dma_wait3A_282, %dma_wait3A_283] : memref<6x40x128xf32, #tpu.memory_space<vmem>> -> memref<1x40x128xf32, #tpu.memory_space<vmem>>
    %dma_wait3A_285 = tpu.memref_squeeze %dma_wait3A_284 : memref<1x40x128xf32, #tpu.memory_space<vmem>> -> memref<40x128xf32, #tpu.memory_space<vmem>>
    %dma_wait3A_286 = arith.constant 9920 : i32
    %dma_wait3A_287 = tpu.memref_slice %arg7[%dma_wait3A_286] : memref<10000xi32, #tpu.memory_space<vmem>> -> memref<40xi32, #tpu.memory_space<vmem>>
    %dma_wait3A_288 = arith.constant 0 : i32
    %dma_wait3A_289 = arith.constant 0 : i32
    %dma_wait3A_290 = tpu.memref_slice %arg9[%dma_wait3A_288, %dma_wait3A_289] : memref<10000x128xf32, #tpu.memory_space<vmem_shared>> -> memref<10000x128xf32, #tpu.memory_space<vmem_shared>>
    %dma_wait3A_291 = tpu.memref_slice %arg11[%dma_wait3A_281] : memref<6x!tpu.dma_semaphore, #tpu.memory_space<semaphore_mem>> -> memref<1x!tpu.dma_semaphore, #tpu.memory_space<semaphore_mem>>
    %dma_wait3A_292 = tpu.memref_squeeze %dma_wait3A_291 : memref<1x!tpu.dma_semaphore, #tpu.memory_space<semaphore_mem>> -> memref<!tpu.dma_semaphore, #tpu.memory_space<semaphore_mem>>
    tpu.wait_indirect_dma semaphore(%dma_wait3A_292 : memref<!tpu.dma_semaphore, #tpu.memory_space<semaphore_mem>>) src(%dma_wait3A_285 : memref<40x128xf32, #tpu.memory_space<vmem>>) dst(%dma_wait3A_290 : memref<10000x128xf32, #tpu.memory_space<vmem_shared>>)
    %dma_wait3A_293 = arith.constant 3 : i32
    %dma_wait3A_294 = arith.constant 3 : i32
    %dma_wait3A_295 = arith.constant 0 : i32
    %dma_wait3A_296 = arith.constant 0 : i32
    %dma_wait3A_297 = tpu.memref_slice %arg8[%dma_wait3A_293, %dma_wait3A_295, %dma_wait3A_296] : memref<6x40x128xf32, #tpu.memory_space<vmem>> -> memref<1x40x128xf32, #tpu.memory_space<vmem>>
    %dma_wait3A_298 = tpu.memref_squeeze %dma_wait3A_297 : memref<1x40x128xf32, #tpu.memory_space<vmem>> -> memref<40x128xf32, #tpu.memory_space<vmem>>
    %dma_wait3A_299 = arith.constant 9960 : i32
    %dma_wait3A_300 = tpu.memref_slice %arg7[%dma_wait3A_299] : memref<10000xi32, #tpu.memory_space<vmem>> -> memref<40xi32, #tpu.memory_space<vmem>>
    %dma_wait3A_301 = arith.constant 0 : i32
    %dma_wait3A_302 = arith.constant 0 : i32
    %dma_wait3A_303 = tpu.memref_slice %arg9[%dma_wait3A_301, %dma_wait3A_302] : memref<10000x128xf32, #tpu.memory_space<vmem_shared>> -> memref<10000x128xf32, #tpu.memory_space<vmem_shared>>
    %dma_wait3A_304 = tpu.memref_slice %arg11[%dma_wait3A_294] : memref<6x!tpu.dma_semaphore, #tpu.memory_space<semaphore_mem>> -> memref<1x!tpu.dma_semaphore, #tpu.memory_space<semaphore_mem>>
    %dma_wait3A_305 = tpu.memref_squeeze %dma_wait3A_304 : memref<1x!tpu.dma_semaphore, #tpu.memory_space<semaphore_mem>> -> memref<!tpu.dma_semaphore, #tpu.memory_space<semaphore_mem>>
    tpu.wait_indirect_dma semaphore(%dma_wait3A_305 : memref<!tpu.dma_semaphore, #tpu.memory_space<semaphore_mem>>) src(%dma_wait3A_298 : memref<40x128xf32, #tpu.memory_space<vmem>>) dst(%dma_wait3A_303 : memref<10000x128xf32, #tpu.memory_space<vmem_shared>>)
    %dma_wait3A_306 = arith.constant 4 : i32
    %dma_wait3A_307 = arith.constant 4 : i32
    %dma_wait3A_308 = arith.constant 0 : i32
    %dma_wait3A_309 = arith.constant 0 : i32
    %dma_wait3A_310 = tpu.memref_slice %arg8[%dma_wait3A_306, %dma_wait3A_308, %dma_wait3A_309] : memref<6x40x128xf32, #tpu.memory_space<vmem>> -> memref<1x40x128xf32, #tpu.memory_space<vmem>>
    %dma_wait3A_311 = tpu.memref_squeeze %dma_wait3A_310 : memref<1x40x128xf32, #tpu.memory_space<vmem>> -> memref<40x128xf32, #tpu.memory_space<vmem>>
    %dma_wait3A_312 = arith.constant 9760 : i32
    %dma_wait3A_313 = tpu.memref_slice %arg7[%dma_wait3A_312] : memref<10000xi32, #tpu.memory_space<vmem>> -> memref<40xi32, #tpu.memory_space<vmem>>
    %dma_wait3A_314 = arith.constant 0 : i32
    %dma_wait3A_315 = arith.constant 0 : i32
    %dma_wait3A_316 = tpu.memref_slice %arg9[%dma_wait3A_314, %dma_wait3A_315] : memref<10000x128xf32, #tpu.memory_space<vmem_shared>> -> memref<10000x128xf32, #tpu.memory_space<vmem_shared>>
    %dma_wait3A_317 = tpu.memref_slice %arg11[%dma_wait3A_307] : memref<6x!tpu.dma_semaphore, #tpu.memory_space<semaphore_mem>> -> memref<1x!tpu.dma_semaphore, #tpu.memory_space<semaphore_mem>>
    %dma_wait3A_318 = tpu.memref_squeeze %dma_wait3A_317 : memref<1x!tpu.dma_semaphore, #tpu.memory_space<semaphore_mem>> -> memref<!tpu.dma_semaphore, #tpu.memory_space<semaphore_mem>>
    tpu.wait_indirect_dma semaphore(%dma_wait3A_318 : memref<!tpu.dma_semaphore, #tpu.memory_space<semaphore_mem>>) src(%dma_wait3A_311 : memref<40x128xf32, #tpu.memory_space<vmem>>) dst(%dma_wait3A_316 : memref<10000x128xf32, #tpu.memory_space<vmem_shared>>)
    %dma_wait3A_319 = arith.constant 5 : i32
    %dma_wait3A_320 = arith.constant 5 : i32
    %dma_wait3A_321 = arith.constant 0 : i32
    %dma_wait3A_322 = arith.constant 0 : i32
    %dma_wait3A_323 = tpu.memref_slice %arg8[%dma_wait3A_319, %dma_wait3A_321, %dma_wait3A_322] : memref<6x40x128xf32, #tpu.memory_space<vmem>> -> memref<1x40x128xf32, #tpu.memory_space<vmem>>
    %dma_wait3A_324 = tpu.memref_squeeze %dma_wait3A_323 : memref<1x40x128xf32, #tpu.memory_space<vmem>> -> memref<40x128xf32, #tpu.memory_space<vmem>>
    %dma_wait3A_325 = arith.constant 9800 : i32
    %dma_wait3A_326 = tpu.memref_slice %arg7[%dma_wait3A_325] : memref<10000xi32, #tpu.memory_space<vmem>> -> memref<40xi32, #tpu.memory_space<vmem>>
    %dma_wait3A_327 = arith.constant 0 : i32
    %dma_wait3A_328 = arith.constant 0 : i32
    %dma_wait3A_329 = tpu.memref_slice %arg9[%dma_wait3A_327, %dma_wait3A_328] : memref<10000x128xf32, #tpu.memory_space<vmem_shared>> -> memref<10000x128xf32, #tpu.memory_space<vmem_shared>>
    %dma_wait3A_330 = tpu.memref_slice %arg11[%dma_wait3A_320] : memref<6x!tpu.dma_semaphore, #tpu.memory_space<semaphore_mem>> -> memref<1x!tpu.dma_semaphore, #tpu.memory_space<semaphore_mem>>
    %dma_wait3A_331 = tpu.memref_squeeze %dma_wait3A_330 : memref<1x!tpu.dma_semaphore, #tpu.memory_space<semaphore_mem>> -> memref<!tpu.dma_semaphore, #tpu.memory_space<semaphore_mem>>
    tpu.wait_indirect_dma semaphore(%dma_wait3A_331 : memref<!tpu.dma_semaphore, #tpu.memory_space<semaphore_mem>>) src(%dma_wait3A_324 : memref<40x128xf32, #tpu.memory_space<vmem>>) dst(%dma_wait3A_329 : memref<10000x128xf32, #tpu.memory_space<vmem_shared>>)
    %barrier3A_332 = arith.constant 0 : index
    tpu.barrier barrier_id(%barrier3A_332)
    %sub3A_333 = arith.constant 250 : i32
    %sub3A_334 = arith.subi %sub3A_333, %arg1 : i32
    %sub3A_335 = arith.constant 16 : i32
    %sub3A_336 = arith.constant 1 : i32
    %sub3A_337 = arith.subi %sub3A_335, %sub3A_336 : i32
    %add3A_338 = arith.addi %sub3A_334, %sub3A_337 : i32
    %div3A_339 = arith.constant 16 : i32
    %div3A_340 = arith.divsi %add3A_338, %div3A_339 : i32
    %while3A_341 = arith.constant 16 : i32
    %while3A_342 = arith.constant 0 : i32
    %while3A_343 = arith.subi %div3A_340, %while3A_342 : i32
    %while3A_344 = arith.addi %while3A_342, %while3A_343 : i32
    %while3A_345 = arith.constant 1 : i32
    %while3A_346 = arith.divsi %while3A_343, %while3A_345 : i32
    %while3A_347 = arith.muli %while3A_346, %while3A_345 : i32
    %while3A_348 = arith.addi %while3A_342, %while3A_347 : i32
    %while3A_349 = arith.constant 1 : i32
    scf.for %while3A_369 = %while3A_342 to %while3A_348 step %while3A_349  : i32 {
      %mul3A_370 = arith.muli %while3A_369, %while3A_341 : i32
      %add3A_371 = arith.addi %arg1, %mul3A_370 : i32
      %mul3A_372 = arith.constant 40 : i32
      %mul3A_373 = arith.muli %add3A_371, %mul3A_372 : i32
      %mul3A_374 = arith.constant 10000 : i32
      %mul3A_375 = arith.muli %arg0, %mul3A_374 : i32
      %mul3A_376 = arith.constant 40 : i32
      %mul3A_377 = arith.muli %add3A_371, %mul3A_376 : i32
      %add3A_378 = arith.addi %mul3A_375, %mul3A_377 : i32
      %dma_start3A_379 = arith.constant 0 : i32
      %dma_start3A_380 = tpu.memref_slice %arg11[%dma_start3A_379] : memref<6x!tpu.dma_semaphore, #tpu.memory_space<semaphore_mem>> -> memref<1x!tpu.dma_semaphore, #tpu.memory_space<semaphore_mem>>
      %dma_start3A_381 = tpu.memref_squeeze %dma_start3A_380 : memref<1x!tpu.dma_semaphore, #tpu.memory_space<semaphore_mem>> -> memref<!tpu.dma_semaphore, #tpu.memory_space<semaphore_mem>>
      %dma_start3A_382 = arith.constant 0 : i32
      %dma_start3A_383 = tpu.memref_slice %arg5[%add3A_378, %dma_start3A_382] : memref<20000x128xf32, #tpu.memory_space<hbm>> -> memref<40x128xf32, #tpu.memory_space<hbm>>
      %dma_start3A_384 = arith.constant 0 : i32
      %dma_start3A_385 = tpu.memref_slice %arg9[%mul3A_373, %dma_start3A_384] : memref<10000x128xf32, #tpu.memory_space<vmem_shared>> -> memref<40x128xf32, #tpu.memory_space<vmem_shared>>
      tpu.enqueue_dma source(%dma_start3A_385 : memref<40x128xf32, #tpu.memory_space<vmem_shared>>) target(%dma_start3A_383 : memref<40x128xf32, #tpu.memory_space<hbm>>) target_semaphore(%dma_start3A_381 : memref<!tpu.dma_semaphore, #tpu.memory_space<semaphore_mem>>)
    }
    %while3A_350 = arith.constant 1 : i32
    scf.for %while3A_369 = %while3A_348 to %while3A_344 step %while3A_350  : i32 {
      %mul3A_370 = arith.muli %while3A_369, %while3A_341 : i32
      %add3A_371 = arith.addi %arg1, %mul3A_370 : i32
      %mul3A_372 = arith.constant 40 : i32
      %mul3A_373 = arith.muli %add3A_371, %mul3A_372 : i32
      %mul3A_374 = arith.constant 10000 : i32
      %mul3A_375 = arith.muli %arg0, %mul3A_374 : i32
      %mul3A_376 = arith.constant 40 : i32
      %mul3A_377 = arith.muli %add3A_371, %mul3A_376 : i32
      %add3A_378 = arith.addi %mul3A_375, %mul3A_377 : i32
      %dma_start3A_379 = arith.constant 0 : i32
      %dma_start3A_380 = tpu.memref_slice %arg11[%dma_start3A_379] : memref<6x!tpu.dma_semaphore, #tpu.memory_space<semaphore_mem>> -> memref<1x!tpu.dma_semaphore, #tpu.memory_space<semaphore_mem>>
      %dma_start3A_381 = tpu.memref_squeeze %dma_start3A_380 : memref<1x!tpu.dma_semaphore, #tpu.memory_space<semaphore_mem>> -> memref<!tpu.dma_semaphore, #tpu.memory_space<semaphore_mem>>
      %dma_start3A_382 = arith.constant 0 : i32
      %dma_start3A_383 = tpu.memref_slice %arg5[%add3A_378, %dma_start3A_382] : memref<20000x128xf32, #tpu.memory_space<hbm>> -> memref<40x128xf32, #tpu.memory_space<hbm>>
      %dma_start3A_384 = arith.constant 0 : i32
      %dma_start3A_385 = tpu.memref_slice %arg9[%mul3A_373, %dma_start3A_384] : memref<10000x128xf32, #tpu.memory_space<vmem_shared>> -> memref<40x128xf32, #tpu.memory_space<vmem_shared>>
      tpu.enqueue_dma source(%dma_start3A_385 : memref<40x128xf32, #tpu.memory_space<vmem_shared>>) target(%dma_start3A_383 : memref<40x128xf32, #tpu.memory_space<hbm>>) target_semaphore(%dma_start3A_381 : memref<!tpu.dma_semaphore, #tpu.memory_space<semaphore_mem>>)
    }
    %sub3A_351 = arith.constant 250 : i32
    %sub3A_352 = arith.subi %sub3A_351, %arg1 : i32
    %sub3A_353 = arith.constant 16 : i32
    %sub3A_354 = arith.constant 1 : i32
    %sub3A_355 = arith.subi %sub3A_353, %sub3A_354 : i32
    %add3A_356 = arith.addi %sub3A_352, %sub3A_355 : i32
    %div3A_357 = arith.constant 16 : i32
    %div3A_358 = arith.divsi %add3A_356, %div3A_357 : i32
    %while3A_359 = arith.constant 16 : i32
    %while3A_360 = arith.constant 0 : i32
    %while3A_361 = arith.subi %div3A_358, %while3A_360 : i32
    %while3A_362 = arith.addi %while3A_360, %while3A_361 : i32
    %while3A_363 = arith.constant 1 : i32
    %while3A_364 = arith.divsi %while3A_361, %while3A_363 : i32
    %while3A_365 = arith.muli %while3A_364, %while3A_363 : i32
    %while3A_366 = arith.addi %while3A_360, %while3A_365 : i32
    %while3A_367 = arith.constant 1 : i32
    scf.for %while3A_369 = %while3A_360 to %while3A_366 step %while3A_367  : i32 {
      %mul3A_370 = arith.muli %while3A_369, %while3A_359 : i32
      %add3A_371 = arith.addi %arg1, %mul3A_370 : i32
      %mul3A_372 = arith.constant 40 : i32
      %mul3A_373 = arith.muli %add3A_371, %mul3A_372 : i32
      %mul3A_374 = arith.constant 10000 : i32
      %mul3A_375 = arith.muli %arg0, %mul3A_374 : i32
      %mul3A_376 = arith.constant 40 : i32
      %mul3A_377 = arith.muli %add3A_371, %mul3A_376 : i32
      %add3A_378 = arith.addi %mul3A_375, %mul3A_377 : i32
      %dma_wait3A_379 = arith.constant 0 : i32
      %dma_wait3A_380 = tpu.memref_slice %arg11[%dma_wait3A_379] : memref<6x!tpu.dma_semaphore, #tpu.memory_space<semaphore_mem>> -> memref<1x!tpu.dma_semaphore, #tpu.memory_space<semaphore_mem>>
      %dma_wait3A_381 = tpu.memref_squeeze %dma_wait3A_380 : memref<1x!tpu.dma_semaphore, #tpu.memory_space<semaphore_mem>> -> memref<!tpu.dma_semaphore, #tpu.memory_space<semaphore_mem>>
      %dma_wait3A_382 = arith.constant 0 : i32
      %dma_wait3A_383 = tpu.memref_slice %arg5[%add3A_378, %dma_wait3A_382] : memref<20000x128xf32, #tpu.memory_space<hbm>> -> memref<40x128xf32, #tpu.memory_space<hbm>>
      %dma_wait3A_384 = arith.constant 0 : i32
      %dma_wait3A_385 = tpu.memref_slice %arg9[%mul3A_373, %dma_wait3A_384] : memref<10000x128xf32, #tpu.memory_space<vmem_shared>> -> memref<40x128xf32, #tpu.memory_space<vmem_shared>>
      tpu.wait_dma2 semaphore(%dma_wait3A_381 : memref<!tpu.dma_semaphore, #tpu.memory_space<semaphore_mem>>) src(%dma_wait3A_385 : memref<40x128xf32, #tpu.memory_space<vmem_shared>>) dst(%dma_wait3A_383 : memref<40x128xf32, #tpu.memory_space<hbm>>)
    }
    %while3A_368 = arith.constant 1 : i32
    scf.for %while3A_369 = %while3A_366 to %while3A_362 step %while3A_368  : i32 {
      %mul3A_370 = arith.muli %while3A_369, %while3A_359 : i32
      %add3A_371 = arith.addi %arg1, %mul3A_370 : i32
      %mul3A_372 = arith.constant 40 : i32
      %mul3A_373 = arith.muli %add3A_371, %mul3A_372 : i32
      %mul3A_374 = arith.constant 10000 : i32
      %mul3A_375 = arith.muli %arg0, %mul3A_374 : i32
      %mul3A_376 = arith.constant 40 : i32
      %mul3A_377 = arith.muli %add3A_371, %mul3A_376 : i32
      %add3A_378 = arith.addi %mul3A_375, %mul3A_377 : i32
      %dma_wait3A_379 = arith.constant 0 : i32
      %dma_wait3A_380 = tpu.memref_slice %arg11[%dma_wait3A_379] : memref<6x!tpu.dma_semaphore, #tpu.memory_space<semaphore_mem>> -> memref<1x!tpu.dma_semaphore, #tpu.memory_space<semaphore_mem>>
      %dma_wait3A_381 = tpu.memref_squeeze %dma_wait3A_380 : memref<1x!tpu.dma_semaphore, #tpu.memory_space<semaphore_mem>> -> memref<!tpu.dma_semaphore, #tpu.memory_space<semaphore_mem>>
      %dma_wait3A_382 = arith.constant 0 : i32
      %dma_wait3A_383 = tpu.memref_slice %arg5[%add3A_378, %dma_wait3A_382] : memref<20000x128xf32, #tpu.memory_space<hbm>> -> memref<40x128xf32, #tpu.memory_space<hbm>>
      %dma_wait3A_384 = arith.constant 0 : i32
      %dma_wait3A_385 = tpu.memref_slice %arg9[%mul3A_373, %dma_wait3A_384] : memref<10000x128xf32, #tpu.memory_space<vmem_shared>> -> memref<40x128xf32, #tpu.memory_space<vmem_shared>>
      tpu.wait_dma2 semaphore(%dma_wait3A_381 : memref<!tpu.dma_semaphore, #tpu.memory_space<semaphore_mem>>) src(%dma_wait3A_385 : memref<40x128xf32, #tpu.memory_space<vmem_shared>>) dst(%dma_wait3A_383 : memref<40x128xf32, #tpu.memory_space<hbm>>)
    }
    return
  }
}

module attributes {stable_mosaic.version = 14 : i64} {
  func.func @_idx_prep_body(%arg0: memref<2x320000xi32, #tpu.memory_space<vmem>>, %arg1: memref<320000xi32, #tpu.memory_space<vmem>>, %arg2: memref<320000xi32, #tpu.memory_space<vmem>>, %arg3: memref<320000xi32, #tpu.memory_space<vmem>>) attributes {dimension_semantics = [], scalar_prefetch = 0 : i64, scratch_operands = 0 : i64, tpu.core_type = #tpu.core_type<tc>} {
    %get3A = arith.constant 0 : index
    %get3A_0 = vector.load %arg1[%get3A] : memref<320000xi32, #tpu.memory_space<vmem>>, vector<320000xi32>
    %sub3A = arith.constant 1 : i32
    %sub3A_1 = vector.broadcast %sub3A : i32 to vector<320000xi32>
    %sub3A_2 = arith.subi %get3A_0, %sub3A_1 : vector<320000xi32>
    %mul3A = arith.constant 10000 : i32
    %mul3A_3 = vector.broadcast %mul3A : i32 to vector<320000xi32>
    %mul3A_4 = arith.muli %sub3A_2, %mul3A_3 : vector<320000xi32>
    %get3A_5 = arith.constant 1 : index
    %get3A_6 = arith.constant 0 : index
    %get3A_7 = vector.load %arg0[%get3A_5, %get3A_6] : memref<2x320000xi32, #tpu.memory_space<vmem>>, vector<1x320000xi32>
    %get3A_8 = vector.shape_cast %get3A_7 : vector<1x320000xi32> to vector<320000xi32>
    %add3A = arith.addi %mul3A_4, %get3A_8 : vector<320000xi32>
    %swap3A = arith.constant 0 : index
    %swap3A_9 = vector.load %arg2[%swap3A] : memref<320000xi32, #tpu.memory_space<vmem>>, vector<320000xi32>
    tpu.vector_store %arg2[%swap3A], %add3A {strides = array<i32>} : memref<320000xi32, #tpu.memory_space<vmem>>, vector<320000xi32>,
    %get3A_10 = arith.constant 0 : index
    %get3A_11 = arith.constant 0 : index
    %get3A_12 = vector.load %arg0[%get3A_10, %get3A_11] : memref<2x320000xi32, #tpu.memory_space<vmem>>, vector<1x320000xi32>
    %get3A_13 = vector.shape_cast %get3A_12 : vector<1x320000xi32> to vector<320000xi32>
    %swap3A_14 = arith.constant 0 : index
    %swap3A_15 = vector.load %arg3[%swap3A_14] : memref<320000xi32, #tpu.memory_space<vmem>>, vector<320000xi32>
    tpu.vector_store %arg3[%swap3A_14], %get3A_13 {strides = array<i32>} : memref<320000xi32, #tpu.memory_space<vmem>>, vector<320000xi32>,
    return
  }
}

module attributes {stable_mosaic.version = 14 : i64} {
  func.func @_premult_body(%arg0: i32, %arg1: memref<1000x128xf32, #tpu.memory_space<vmem>>, %arg2: memref<10x128xf32, #tpu.memory_space<vmem>>, %arg3: memref<10x1000x128xf32, #tpu.memory_space<vmem>>) attributes {dimension_semantics = [#tpu.dimension_semantics<arbitrary>], iteration_bounds = array<i64: 10>, scalar_prefetch = 0 : i64, scratch_operands = 0 : i64, tpu.core_type = #tpu.core_type<tc>, window_params = [{transform_indices = @transform_0, window_bounds = array<i64: 1000, 128>}, {pipeline_mode = #tpu.pipeline_mode<synchronous>, transform_indices = @transform_1, window_bounds = array<i64: 10, 128>}, {transform_indices = @transform_2, window_bounds = array<i64: 10, 1000, 128>}]} {
    %get3A = arith.constant 0 : index
    %get3A_0 = arith.constant 0 : index
    %get3A_1 = vector.load %arg1[%get3A, %get3A_0] : memref<1000x128xf32, #tpu.memory_space<vmem>>, vector<1000x128xf32>
    %get3A_2 = arith.constant 0 : index
    %get3A_3 = arith.constant 0 : index
    %get3A_4 = vector.load %arg2[%get3A_2, %get3A_3] : memref<10x128xf32, #tpu.memory_space<vmem>>, vector<1x128xf32>
    %mul3A = vector.broadcast %get3A_4 : vector<1x128xf32> to vector<1000x128xf32>
    %mul3A_5 = arith.mulf %get3A_1, %mul3A : vector<1000x128xf32>
    %swap3A = arith.constant 0 : index
    %swap3A_6 = arith.constant 0 : index
    %swap3A_7 = arith.constant 0 : index
    %swap3A_8 = vector.load %arg3[%swap3A, %swap3A_6, %swap3A_7] : memref<10x1000x128xf32, #tpu.memory_space<vmem>>, vector<1x1000x128xf32>
    %swap3A_9 = vector.shape_cast %swap3A_8 : vector<1x1000x128xf32> to vector<1000x128xf32>
    %swap3A_10 = vector.shape_cast %mul3A_5 : vector<1000x128xf32> to vector<1x1000x128xf32>
    tpu.vector_store %arg3[%swap3A, %swap3A_6, %swap3A_7], %swap3A_10 {strides = array<i32>} : memref<10x1000x128xf32, #tpu.memory_space<vmem>>, vector<1x1000x128xf32>,
    %get3A_11 = arith.constant 0 : index
    %get3A_12 = arith.constant 0 : index
    %get3A_13 = vector.load %arg1[%get3A_11, %get3A_12] : memref<1000x128xf32, #tpu.memory_space<vmem>>, vector<1000x128xf32>
    %get3A_14 = arith.constant 1 : index
    %get3A_15 = arith.constant 0 : index
    %get3A_16 = vector.load %arg2[%get3A_14, %get3A_15] : memref<10x128xf32, #tpu.memory_space<vmem>>, vector<1x128xf32>
    %mul3A_17 = vector.broadcast %get3A_16 : vector<1x128xf32> to vector<1000x128xf32>
    %mul3A_18 = arith.mulf %get3A_13, %mul3A_17 : vector<1000x128xf32>
    %swap3A_19 = arith.constant 1 : index
    %swap3A_20 = arith.constant 0 : index
    %swap3A_21 = arith.constant 0 : index
    %swap3A_22 = vector.load %arg3[%swap3A_19, %swap3A_20, %swap3A_21] : memref<10x1000x128xf32, #tpu.memory_space<vmem>>, vector<1x1000x128xf32>
    %swap3A_23 = vector.shape_cast %swap3A_22 : vector<1x1000x128xf32> to vector<1000x128xf32>
    %swap3A_24 = vector.shape_cast %mul3A_18 : vector<1000x128xf32> to vector<1x1000x128xf32>
    tpu.vector_store %arg3[%swap3A_19, %swap3A_20, %swap3A_21], %swap3A_24 {strides = array<i32>} : memref<10x1000x128xf32, #tpu.memory_space<vmem>>, vector<1x1000x128xf32>,
    %get3A_25 = arith.constant 0 : index
    %get3A_26 = arith.constant 0 : index
    %get3A_27 = vector.load %arg1[%get3A_25, %get3A_26] : memref<1000x128xf32, #tpu.memory_space<vmem>>, vector<1000x128xf32>
    %get3A_28 = arith.constant 2 : index
    %get3A_29 = arith.constant 0 : index
    %get3A_30 = vector.load %arg2[%get3A_28, %get3A_29] : memref<10x128xf32, #tpu.memory_space<vmem>>, vector<1x128xf32>
    %mul3A_31 = vector.broadcast %get3A_30 : vector<1x128xf32> to vector<1000x128xf32>
    %mul3A_32 = arith.mulf %get3A_27, %mul3A_31 : vector<1000x128xf32>
    %swap3A_33 = arith.constant 2 : index
    %swap3A_34 = arith.constant 0 : index
    %swap3A_35 = arith.constant 0 : index
    %swap3A_36 = vector.load %arg3[%swap3A_33, %swap3A_34, %swap3A_35] : memref<10x1000x128xf32, #tpu.memory_space<vmem>>, vector<1x1000x128xf32>
    %swap3A_37 = vector.shape_cast %swap3A_36 : vector<1x1000x128xf32> to vector<1000x128xf32>
    %swap3A_38 = vector.shape_cast %mul3A_32 : vector<1000x128xf32> to vector<1x1000x128xf32>
    tpu.vector_store %arg3[%swap3A_33, %swap3A_34, %swap3A_35], %swap3A_38 {strides = array<i32>} : memref<10x1000x128xf32, #tpu.memory_space<vmem>>, vector<1x1000x128xf32>,
    %get3A_39 = arith.constant 0 : index
    %get3A_40 = arith.constant 0 : index
    %get3A_41 = vector.load %arg1[%get3A_39, %get3A_40] : memref<1000x128xf32, #tpu.memory_space<vmem>>, vector<1000x128xf32>
    %get3A_42 = arith.constant 3 : index
    %get3A_43 = arith.constant 0 : index
    %get3A_44 = vector.load %arg2[%get3A_42, %get3A_43] : memref<10x128xf32, #tpu.memory_space<vmem>>, vector<1x128xf32>
    %mul3A_45 = vector.broadcast %get3A_44 : vector<1x128xf32> to vector<1000x128xf32>
    %mul3A_46 = arith.mulf %get3A_41, %mul3A_45 : vector<1000x128xf32>
    %swap3A_47 = arith.constant 3 : index
    %swap3A_48 = arith.constant 0 : index
    %swap3A_49 = arith.constant 0 : index
    %swap3A_50 = vector.load %arg3[%swap3A_47, %swap3A_48, %swap3A_49] : memref<10x1000x128xf32, #tpu.memory_space<vmem>>, vector<1x1000x128xf32>
    %swap3A_51 = vector.shape_cast %swap3A_50 : vector<1x1000x128xf32> to vector<1000x128xf32>
    %swap3A_52 = vector.shape_cast %mul3A_46 : vector<1000x128xf32> to vector<1x1000x128xf32>
    tpu.vector_store %arg3[%swap3A_47, %swap3A_48, %swap3A_49], %swap3A_52 {strides = array<i32>} : memref<10x1000x128xf32, #tpu.memory_space<vmem>>, vector<1x1000x128xf32>,
    %get3A_53 = arith.constant 0 : index
    %get3A_54 = arith.constant 0 : index
    %get3A_55 = vector.load %arg1[%get3A_53, %get3A_54] : memref<1000x128xf32, #tpu.memory_space<vmem>>, vector<1000x128xf32>
    %get3A_56 = arith.constant 4 : index
    %get3A_57 = arith.constant 0 : index
    %get3A_58 = vector.load %arg2[%get3A_56, %get3A_57] : memref<10x128xf32, #tpu.memory_space<vmem>>, vector<1x128xf32>
    %mul3A_59 = vector.broadcast %get3A_58 : vector<1x128xf32> to vector<1000x128xf32>
    %mul3A_60 = arith.mulf %get3A_55, %mul3A_59 : vector<1000x128xf32>
    %swap3A_61 = arith.constant 4 : index
    %swap3A_62 = arith.constant 0 : index
    %swap3A_63 = arith.constant 0 : index
    %swap3A_64 = vector.load %arg3[%swap3A_61, %swap3A_62, %swap3A_63] : memref<10x1000x128xf32, #tpu.memory_space<vmem>>, vector<1x1000x128xf32>
    %swap3A_65 = vector.shape_cast %swap3A_64 : vector<1x1000x128xf32> to vector<1000x128xf32>
    %swap3A_66 = vector.shape_cast %mul3A_60 : vector<1000x128xf32> to vector<1x1000x128xf32>
    tpu.vector_store %arg3[%swap3A_61, %swap3A_62, %swap3A_63], %swap3A_66 {strides = array<i32>} : memref<10x1000x128xf32, #tpu.memory_space<vmem>>, vector<1x1000x128xf32>,
    %get3A_67 = arith.constant 0 : index
    %get3A_68 = arith.constant 0 : index
    %get3A_69 = vector.load %arg1[%get3A_67, %get3A_68] : memref<1000x128xf32, #tpu.memory_space<vmem>>, vector<1000x128xf32>
    %get3A_70 = arith.constant 5 : index
    %get3A_71 = arith.constant 0 : index
    %get3A_72 = vector.load %arg2[%get3A_70, %get3A_71] : memref<10x128xf32, #tpu.memory_space<vmem>>, vector<1x128xf32>
    %mul3A_73 = vector.broadcast %get3A_72 : vector<1x128xf32> to vector<1000x128xf32>
    %mul3A_74 = arith.mulf %get3A_69, %mul3A_73 : vector<1000x128xf32>
    %swap3A_75 = arith.constant 5 : index
    %swap3A_76 = arith.constant 0 : index
    %swap3A_77 = arith.constant 0 : index
    %swap3A_78 = vector.load %arg3[%swap3A_75, %swap3A_76, %swap3A_77] : memref<10x1000x128xf32, #tpu.memory_space<vmem>>, vector<1x1000x128xf32>
    %swap3A_79 = vector.shape_cast %swap3A_78 : vector<1x1000x128xf32> to vector<1000x128xf32>
    %swap3A_80 = vector.shape_cast %mul3A_74 : vector<1000x128xf32> to vector<1x1000x128xf32>
    tpu.vector_store %arg3[%swap3A_75, %swap3A_76, %swap3A_77], %swap3A_80 {strides = array<i32>} : memref<10x1000x128xf32, #tpu.memory_space<vmem>>, vector<1x1000x128xf32>,
    %get3A_81 = arith.constant 0 : index
    %get3A_82 = arith.constant 0 : index
    %get3A_83 = vector.load %arg1[%get3A_81, %get3A_82] : memref<1000x128xf32, #tpu.memory_space<vmem>>, vector<1000x128xf32>
    %get3A_84 = arith.constant 6 : index
    %get3A_85 = arith.constant 0 : index
    %get3A_86 = vector.load %arg2[%get3A_84, %get3A_85] : memref<10x128xf32, #tpu.memory_space<vmem>>, vector<1x128xf32>
    %mul3A_87 = vector.broadcast %get3A_86 : vector<1x128xf32> to vector<1000x128xf32>
    %mul3A_88 = arith.mulf %get3A_83, %mul3A_87 : vector<1000x128xf32>
    %swap3A_89 = arith.constant 6 : index
    %swap3A_90 = arith.constant 0 : index
    %swap3A_91 = arith.constant 0 : index
    %swap3A_92 = vector.load %arg3[%swap3A_89, %swap3A_90, %swap3A_91] : memref<10x1000x128xf32, #tpu.memory_space<vmem>>, vector<1x1000x128xf32>
    %swap3A_93 = vector.shape_cast %swap3A_92 : vector<1x1000x128xf32> to vector<1000x128xf32>
    %swap3A_94 = vector.shape_cast %mul3A_88 : vector<1000x128xf32> to vector<1x1000x128xf32>
    tpu.vector_store %arg3[%swap3A_89, %swap3A_90, %swap3A_91], %swap3A_94 {strides = array<i32>} : memref<10x1000x128xf32, #tpu.memory_space<vmem>>, vector<1x1000x128xf32>,
    %get3A_95 = arith.constant 0 : index
    %get3A_96 = arith.constant 0 : index
    %get3A_97 = vector.load %arg1[%get3A_95, %get3A_96] : memref<1000x128xf32, #tpu.memory_space<vmem>>, vector<1000x128xf32>
    %get3A_98 = arith.constant 7 : index
    %get3A_99 = arith.constant 0 : index
    %get3A_100 = vector.load %arg2[%get3A_98, %get3A_99] : memref<10x128xf32, #tpu.memory_space<vmem>>, vector<1x128xf32>
    %mul3A_101 = vector.broadcast %get3A_100 : vector<1x128xf32> to vector<1000x128xf32>
    %mul3A_102 = arith.mulf %get3A_97, %mul3A_101 : vector<1000x128xf32>
    %swap3A_103 = arith.constant 7 : index
    %swap3A_104 = arith.constant 0 : index
    %swap3A_105 = arith.constant 0 : index
    %swap3A_106 = vector.load %arg3[%swap3A_103, %swap3A_104, %swap3A_105] : memref<10x1000x128xf32, #tpu.memory_space<vmem>>, vector<1x1000x128xf32>
    %swap3A_107 = vector.shape_cast %swap3A_106 : vector<1x1000x128xf32> to vector<1000x128xf32>
    %swap3A_108 = vector.shape_cast %mul3A_102 : vector<1000x128xf32> to vector<1x1000x128xf32>
    tpu.vector_store %arg3[%swap3A_103, %swap3A_104, %swap3A_105], %swap3A_108 {strides = array<i32>} : memref<10x1000x128xf32, #tpu.memory_space<vmem>>, vector<1x1000x128xf32>,
    %get3A_109 = arith.constant 0 : index
    %get3A_110 = arith.constant 0 : index
    %get3A_111 = vector.load %arg1[%get3A_109, %get3A_110] : memref<1000x128xf32, #tpu.memory_space<vmem>>, vector<1000x128xf32>
    %get3A_112 = arith.constant 8 : index
    %get3A_113 = arith.constant 0 : index
    %get3A_114 = vector.load %arg2[%get3A_112, %get3A_113] : memref<10x128xf32, #tpu.memory_space<vmem>>, vector<1x128xf32>
    %mul3A_115 = vector.broadcast %get3A_114 : vector<1x128xf32> to vector<1000x128xf32>
    %mul3A_116 = arith.mulf %get3A_111, %mul3A_115 : vector<1000x128xf32>
    %swap3A_117 = arith.constant 8 : index
    %swap3A_118 = arith.constant 0 : index
    %swap3A_119 = arith.constant 0 : index
    %swap3A_120 = vector.load %arg3[%swap3A_117, %swap3A_118, %swap3A_119] : memref<10x1000x128xf32, #tpu.memory_space<vmem>>, vector<1x1000x128xf32>
    %swap3A_121 = vector.shape_cast %swap3A_120 : vector<1x1000x128xf32> to vector<1000x128xf32>
    %swap3A_122 = vector.shape_cast %mul3A_116 : vector<1000x128xf32> to vector<1x1000x128xf32>
    tpu.vector_store %arg3[%swap3A_117, %swap3A_118, %swap3A_119], %swap3A_122 {strides = array<i32>} : memref<10x1000x128xf32, #tpu.memory_space<vmem>>, vector<1x1000x128xf32>,
    %get3A_123 = arith.constant 0 : index
    %get3A_124 = arith.constant 0 : index
    %get3A_125 = vector.load %arg1[%get3A_123, %get3A_124] : memref<1000x128xf32, #tpu.memory_space<vmem>>, vector<1000x128xf32>
    %get3A_126 = arith.constant 9 : index
    %get3A_127 = arith.constant 0 : index
    %get3A_128 = vector.load %arg2[%get3A_126, %get3A_127] : memref<10x128xf32, #tpu.memory_space<vmem>>, vector<1x128xf32>
    %mul3A_129 = vector.broadcast %get3A_128 : vector<1x128xf32> to vector<1000x128xf32>
    %mul3A_130 = arith.mulf %get3A_125, %mul3A_129 : vector<1000x128xf32>
    %swap3A_131 = arith.constant 9 : index
    %swap3A_132 = arith.constant 0 : index
    %swap3A_133 = arith.constant 0 : index
    %swap3A_134 = vector.load %arg3[%swap3A_131, %swap3A_132, %swap3A_133] : memref<10x1000x128xf32, #tpu.memory_space<vmem>>, vector<1x1000x128xf32>
    %swap3A_135 = vector.shape_cast %swap3A_134 : vector<1x1000x128xf32> to vector<1000x128xf32>
    %swap3A_136 = vector.shape_cast %mul3A_130 : vector<1000x128xf32> to vector<1x1000x128xf32>
    tpu.vector_store %arg3[%swap3A_131, %swap3A_132, %swap3A_133], %swap3A_136 {strides = array<i32>} : memref<10x1000x128xf32, #tpu.memory_space<vmem>>, vector<1x1000x128xf32>,
    return
  }
  func.func @transform_0(%arg0: i32) -> (i32, i32) {
    %c0_i32 = arith.constant 0 : i32
    %c0_i32_0 = arith.constant 0 : i32
    return %arg0, %c0_i32 : i32, i32
  }
  func.func @transform_1(%arg0: i32) -> (i32, i32) {
    %c0_i32 = arith.constant 0 : i32
    %c0_i32_0 = arith.constant 0 : i32
    %c0_i32_1 = arith.constant 0 : i32
    return %c0_i32, %c0_i32_0 : i32, i32
  }
  func.func @transform_2(%arg0: i32) -> (i32, i32, i32) {
    %c0_i32 = arith.constant 0 : i32
    %c0_i32_0 = arith.constant 0 : i32
    %c0_i32_1 = arith.constant 0 : i32
    return %c0_i32, %arg0, %c0_i32_0 : i32, i32, i32
  }
}

module attributes {stable_mosaic.version = 14 : i64} {
  func.func @_norm_premult_body(%arg0: i32, %arg1: memref<2x1000x128xf32, #tpu.memory_space<vmem>>, %arg2: memref<10x128xf32, #tpu.memory_space<vmem>>, %arg3: memref<1000x128xf32, #tpu.memory_space<vmem>>, %arg4: memref<10x1000x128xf32, #tpu.memory_space<vmem>>) attributes {dimension_semantics = [#tpu.dimension_semantics<arbitrary>], iteration_bounds = array<i64: 10>, scalar_prefetch = 0 : i64, scratch_operands = 0 : i64, tpu.core_type = #tpu.core_type<tc>, window_params = [{transform_indices = @transform_0, window_bounds = array<i64: 2, 1000, 128>}, {pipeline_mode = #tpu.pipeline_mode<synchronous>, transform_indices = @transform_1, window_bounds = array<i64: 10, 128>}, {transform_indices = @transform_2, window_bounds = array<i64: 1000, 128>}, {transform_indices = @transform_3, window_bounds = array<i64: 10, 1000, 128>}]} {
    %get3A = arith.constant 0 : index
    %get3A_0 = arith.constant 0 : index
    %get3A_1 = arith.constant 0 : index
    %get3A_2 = vector.load %arg1[%get3A, %get3A_0, %get3A_1] : memref<2x1000x128xf32, #tpu.memory_space<vmem>>, vector<1x1000x128xf32>
    %get3A_3 = vector.shape_cast %get3A_2 : vector<1x1000x128xf32> to vector<1000x128xf32>
    %get3A_4 = arith.constant 1 : index
    %get3A_5 = arith.constant 0 : index
    %get3A_6 = arith.constant 0 : index
    %get3A_7 = vector.load %arg1[%get3A_4, %get3A_5, %get3A_6] : memref<2x1000x128xf32, #tpu.memory_space<vmem>>, vector<1x1000x128xf32>
    %get3A_8 = vector.shape_cast %get3A_7 : vector<1x1000x128xf32> to vector<1000x128xf32>
    %add3A = arith.addf %get3A_3, %get3A_8 : vector<1000x128xf32>
    %mul3A = arith.mulf %add3A, %add3A : vector<1000x128xf32>
    %reduce_sum3A = arith.constant dense<0.000000e+00> : vector<1000xf32>
    %reduce_sum3A_9 = vector.multi_reduction <add>, %mul3A, %reduce_sum3A [1] : vector<1000x128xf32> to vector<1000xf32>
    %broadcast_in_dim3A = vector.shape_cast %reduce_sum3A_9 : vector<1000xf32> to vector<1000x1xf32>
    %sqrt3A = math.sqrt %broadcast_in_dim3A : vector<1000x1xf32>
    %max3A = arith.constant 9.99999996E-13 : f32
    %max3A_10 = vector.broadcast %max3A : f32 to vector<1000x1xf32>
    %max3A_11 = arith.maximumf %sqrt3A, %max3A_10 : vector<1000x1xf32>
    %div3A = vector.broadcast %max3A_11 : vector<1000x1xf32> to vector<1000x128xf32>
    %div3A_12 = arith.divf %add3A, %div3A : vector<1000x128xf32>
    %swap3A = arith.constant 0 : index
    %swap3A_13 = arith.constant 0 : index
    %swap3A_14 = vector.load %arg3[%swap3A, %swap3A_13] : memref<1000x128xf32, #tpu.memory_space<vmem>>, vector<1000x128xf32>
    tpu.vector_store %arg3[%swap3A, %swap3A_13], %div3A_12 {strides = array<i32>} : memref<1000x128xf32, #tpu.memory_space<vmem>>, vector<1000x128xf32>,
    %get3A_15 = arith.constant 0 : index
    %get3A_16 = arith.constant 0 : index
    %get3A_17 = vector.load %arg2[%get3A_15, %get3A_16] : memref<10x128xf32, #tpu.memory_space<vmem>>, vector<1x128xf32>
    %mul3A_18 = vector.broadcast %get3A_17 : vector<1x128xf32> to vector<1000x128xf32>
    %mul3A_19 = arith.mulf %div3A_12, %mul3A_18 : vector<1000x128xf32>
    %swap3A_20 = arith.constant 0 : index
    %swap3A_21 = arith.constant 0 : index
    %swap3A_22 = arith.constant 0 : index
    %swap3A_23 = vector.load %arg4[%swap3A_20, %swap3A_21, %swap3A_22] : memref<10x1000x128xf32, #tpu.memory_space<vmem>>, vector<1x1000x128xf32>
    %swap3A_24 = vector.shape_cast %swap3A_23 : vector<1x1000x128xf32> to vector<1000x128xf32>
    %swap3A_25 = vector.shape_cast %mul3A_19 : vector<1000x128xf32> to vector<1x1000x128xf32>
    tpu.vector_store %arg4[%swap3A_20, %swap3A_21, %swap3A_22], %swap3A_25 {strides = array<i32>} : memref<10x1000x128xf32, #tpu.memory_space<vmem>>, vector<1x1000x128xf32>,
    %get3A_26 = arith.constant 1 : index
    %get3A_27 = arith.constant 0 : index
    %get3A_28 = vector.load %arg2[%get3A_26, %get3A_27] : memref<10x128xf32, #tpu.memory_space<vmem>>, vector<1x128xf32>
    %mul3A_29 = vector.broadcast %get3A_28 : vector<1x128xf32> to vector<1000x128xf32>
    %mul3A_30 = arith.mulf %div3A_12, %mul3A_29 : vector<1000x128xf32>
    %swap3A_31 = arith.constant 1 : index
    %swap3A_32 = arith.constant 0 : index
    %swap3A_33 = arith.constant 0 : index
    %swap3A_34 = vector.load %arg4[%swap3A_31, %swap3A_32, %swap3A_33] : memref<10x1000x128xf32, #tpu.memory_space<vmem>>, vector<1x1000x128xf32>
    %swap3A_35 = vector.shape_cast %swap3A_34 : vector<1x1000x128xf32> to vector<1000x128xf32>
    %swap3A_36 = vector.shape_cast %mul3A_30 : vector<1000x128xf32> to vector<1x1000x128xf32>
    tpu.vector_store %arg4[%swap3A_31, %swap3A_32, %swap3A_33], %swap3A_36 {strides = array<i32>} : memref<10x1000x128xf32, #tpu.memory_space<vmem>>, vector<1x1000x128xf32>,
    %get3A_37 = arith.constant 2 : index
    %get3A_38 = arith.constant 0 : index
    %get3A_39 = vector.load %arg2[%get3A_37, %get3A_38] : memref<10x128xf32, #tpu.memory_space<vmem>>, vector<1x128xf32>
    %mul3A_40 = vector.broadcast %get3A_39 : vector<1x128xf32> to vector<1000x128xf32>
    %mul3A_41 = arith.mulf %div3A_12, %mul3A_40 : vector<1000x128xf32>
    %swap3A_42 = arith.constant 2 : index
    %swap3A_43 = arith.constant 0 : index
    %swap3A_44 = arith.constant 0 : index
    %swap3A_45 = vector.load %arg4[%swap3A_42, %swap3A_43, %swap3A_44] : memref<10x1000x128xf32, #tpu.memory_space<vmem>>, vector<1x1000x128xf32>
    %swap3A_46 = vector.shape_cast %swap3A_45 : vector<1x1000x128xf32> to vector<1000x128xf32>
    %swap3A_47 = vector.shape_cast %mul3A_41 : vector<1000x128xf32> to vector<1x1000x128xf32>
    tpu.vector_store %arg4[%swap3A_42, %swap3A_43, %swap3A_44], %swap3A_47 {strides = array<i32>} : memref<10x1000x128xf32, #tpu.memory_space<vmem>>, vector<1x1000x128xf32>,
    %get3A_48 = arith.constant 3 : index
    %get3A_49 = arith.constant 0 : index
    %get3A_50 = vector.load %arg2[%get3A_48, %get3A_49] : memref<10x128xf32, #tpu.memory_space<vmem>>, vector<1x128xf32>
    %mul3A_51 = vector.broadcast %get3A_50 : vector<1x128xf32> to vector<1000x128xf32>
    %mul3A_52 = arith.mulf %div3A_12, %mul3A_51 : vector<1000x128xf32>
    %swap3A_53 = arith.constant 3 : index
    %swap3A_54 = arith.constant 0 : index
    %swap3A_55 = arith.constant 0 : index
    %swap3A_56 = vector.load %arg4[%swap3A_53, %swap3A_54, %swap3A_55] : memref<10x1000x128xf32, #tpu.memory_space<vmem>>, vector<1x1000x128xf32>
    %swap3A_57 = vector.shape_cast %swap3A_56 : vector<1x1000x128xf32> to vector<1000x128xf32>
    %swap3A_58 = vector.shape_cast %mul3A_52 : vector<1000x128xf32> to vector<1x1000x128xf32>
    tpu.vector_store %arg4[%swap3A_53, %swap3A_54, %swap3A_55], %swap3A_58 {strides = array<i32>} : memref<10x1000x128xf32, #tpu.memory_space<vmem>>, vector<1x1000x128xf32>,
    %get3A_59 = arith.constant 4 : index
    %get3A_60 = arith.constant 0 : index
    %get3A_61 = vector.load %arg2[%get3A_59, %get3A_60] : memref<10x128xf32, #tpu.memory_space<vmem>>, vector<1x128xf32>
    %mul3A_62 = vector.broadcast %get3A_61 : vector<1x128xf32> to vector<1000x128xf32>
    %mul3A_63 = arith.mulf %div3A_12, %mul3A_62 : vector<1000x128xf32>
    %swap3A_64 = arith.constant 4 : index
    %swap3A_65 = arith.constant 0 : index
    %swap3A_66 = arith.constant 0 : index
    %swap3A_67 = vector.load %arg4[%swap3A_64, %swap3A_65, %swap3A_66] : memref<10x1000x128xf32, #tpu.memory_space<vmem>>, vector<1x1000x128xf32>
    %swap3A_68 = vector.shape_cast %swap3A_67 : vector<1x1000x128xf32> to vector<1000x128xf32>
    %swap3A_69 = vector.shape_cast %mul3A_63 : vector<1000x128xf32> to vector<1x1000x128xf32>
    tpu.vector_store %arg4[%swap3A_64, %swap3A_65, %swap3A_66], %swap3A_69 {strides = array<i32>} : memref<10x1000x128xf32, #tpu.memory_space<vmem>>, vector<1x1000x128xf32>,
    %get3A_70 = arith.constant 5 : index
    %get3A_71 = arith.constant 0 : index
    %get3A_72 = vector.load %arg2[%get3A_70, %get3A_71] : memref<10x128xf32, #tpu.memory_space<vmem>>, vector<1x128xf32>
    %mul3A_73 = vector.broadcast %get3A_72 : vector<1x128xf32> to vector<1000x128xf32>
    %mul3A_74 = arith.mulf %div3A_12, %mul3A_73 : vector<1000x128xf32>
    %swap3A_75 = arith.constant 5 : index
    %swap3A_76 = arith.constant 0 : index
    %swap3A_77 = arith.constant 0 : index
    %swap3A_78 = vector.load %arg4[%swap3A_75, %swap3A_76, %swap3A_77] : memref<10x1000x128xf32, #tpu.memory_space<vmem>>, vector<1x1000x128xf32>
    %swap3A_79 = vector.shape_cast %swap3A_78 : vector<1x1000x128xf32> to vector<1000x128xf32>
    %swap3A_80 = vector.shape_cast %mul3A_74 : vector<1000x128xf32> to vector<1x1000x128xf32>
    tpu.vector_store %arg4[%swap3A_75, %swap3A_76, %swap3A_77], %swap3A_80 {strides = array<i32>} : memref<10x1000x128xf32, #tpu.memory_space<vmem>>, vector<1x1000x128xf32>,
    %get3A_81 = arith.constant 6 : index
    %get3A_82 = arith.constant 0 : index
    %get3A_83 = vector.load %arg2[%get3A_81, %get3A_82] : memref<10x128xf32, #tpu.memory_space<vmem>>, vector<1x128xf32>
    %mul3A_84 = vector.broadcast %get3A_83 : vector<1x128xf32> to vector<1000x128xf32>
    %mul3A_85 = arith.mulf %div3A_12, %mul3A_84 : vector<1000x128xf32>
    %swap3A_86 = arith.constant 6 : index
    %swap3A_87 = arith.constant 0 : index
    %swap3A_88 = arith.constant 0 : index
    %swap3A_89 = vector.load %arg4[%swap3A_86, %swap3A_87, %swap3A_88] : memref<10x1000x128xf32, #tpu.memory_space<vmem>>, vector<1x1000x128xf32>
    %swap3A_90 = vector.shape_cast %swap3A_89 : vector<1x1000x128xf32> to vector<1000x128xf32>
    %swap3A_91 = vector.shape_cast %mul3A_85 : vector<1000x128xf32> to vector<1x1000x128xf32>
    tpu.vector_store %arg4[%swap3A_86, %swap3A_87, %swap3A_88], %swap3A_91 {strides = array<i32>} : memref<10x1000x128xf32, #tpu.memory_space<vmem>>, vector<1x1000x128xf32>,
    %get3A_92 = arith.constant 7 : index
    %get3A_93 = arith.constant 0 : index
    %get3A_94 = vector.load %arg2[%get3A_92, %get3A_93] : memref<10x128xf32, #tpu.memory_space<vmem>>, vector<1x128xf32>
    %mul3A_95 = vector.broadcast %get3A_94 : vector<1x128xf32> to vector<1000x128xf32>
    %mul3A_96 = arith.mulf %div3A_12, %mul3A_95 : vector<1000x128xf32>
    %swap3A_97 = arith.constant 7 : index
    %swap3A_98 = arith.constant 0 : index
    %swap3A_99 = arith.constant 0 : index
    %swap3A_100 = vector.load %arg4[%swap3A_97, %swap3A_98, %swap3A_99] : memref<10x1000x128xf32, #tpu.memory_space<vmem>>, vector<1x1000x128xf32>
    %swap3A_101 = vector.shape_cast %swap3A_100 : vector<1x1000x128xf32> to vector<1000x128xf32>
    %swap3A_102 = vector.shape_cast %mul3A_96 : vector<1000x128xf32> to vector<1x1000x128xf32>
    tpu.vector_store %arg4[%swap3A_97, %swap3A_98, %swap3A_99], %swap3A_102 {strides = array<i32>} : memref<10x1000x128xf32, #tpu.memory_space<vmem>>, vector<1x1000x128xf32>,
    %get3A_103 = arith.constant 8 : index
    %get3A_104 = arith.constant 0 : index
    %get3A_105 = vector.load %arg2[%get3A_103, %get3A_104] : memref<10x128xf32, #tpu.memory_space<vmem>>, vector<1x128xf32>
    %mul3A_106 = vector.broadcast %get3A_105 : vector<1x128xf32> to vector<1000x128xf32>
    %mul3A_107 = arith.mulf %div3A_12, %mul3A_106 : vector<1000x128xf32>
    %swap3A_108 = arith.constant 8 : index
    %swap3A_109 = arith.constant 0 : index
    %swap3A_110 = arith.constant 0 : index
    %swap3A_111 = vector.load %arg4[%swap3A_108, %swap3A_109, %swap3A_110] : memref<10x1000x128xf32, #tpu.memory_space<vmem>>, vector<1x1000x128xf32>
    %swap3A_112 = vector.shape_cast %swap3A_111 : vector<1x1000x128xf32> to vector<1000x128xf32>
    %swap3A_113 = vector.shape_cast %mul3A_107 : vector<1000x128xf32> to vector<1x1000x128xf32>
    tpu.vector_store %arg4[%swap3A_108, %swap3A_109, %swap3A_110], %swap3A_113 {strides = array<i32>} : memref<10x1000x128xf32, #tpu.memory_space<vmem>>, vector<1x1000x128xf32>,
    %get3A_114 = arith.constant 9 : index
    %get3A_115 = arith.constant 0 : index
    %get3A_116 = vector.load %arg2[%get3A_114, %get3A_115] : memref<10x128xf32, #tpu.memory_space<vmem>>, vector<1x128xf32>
    %mul3A_117 = vector.broadcast %get3A_116 : vector<1x128xf32> to vector<1000x128xf32>
    %mul3A_118 = arith.mulf %div3A_12, %mul3A_117 : vector<1000x128xf32>
    %swap3A_119 = arith.constant 9 : index
    %swap3A_120 = arith.constant 0 : index
    %swap3A_121 = arith.constant 0 : index
    %swap3A_122 = vector.load %arg4[%swap3A_119, %swap3A_120, %swap3A_121] : memref<10x1000x128xf32, #tpu.memory_space<vmem>>, vector<1x1000x128xf32>
    %swap3A_123 = vector.shape_cast %swap3A_122 : vector<1x1000x128xf32> to vector<1000x128xf32>
    %swap3A_124 = vector.shape_cast %mul3A_118 : vector<1000x128xf32> to vector<1x1000x128xf32>
    tpu.vector_store %arg4[%swap3A_119, %swap3A_120, %swap3A_121], %swap3A_124 {strides = array<i32>} : memref<10x1000x128xf32, #tpu.memory_space<vmem>>, vector<1x1000x128xf32>,
    return
  }
  func.func @transform_0(%arg0: i32) -> (i32, i32, i32) {
    %c0_i32 = arith.constant 0 : i32
    %c0_i32_0 = arith.constant 0 : i32
    %c0_i32_1 = arith.constant 0 : i32
    return %c0_i32, %arg0, %c0_i32_0 : i32, i32, i32
  }
  func.func @transform_1(%arg0: i32) -> (i32, i32) {
    %c0_i32 = arith.constant 0 : i32
    %c0_i32_0 = arith.constant 0 : i32
    %c0_i32_1 = arith.constant 0 : i32
    return %c0_i32, %c0_i32_0 : i32, i32
  }
  func.func @transform_2(%arg0: i32) -> (i32, i32) {
    %c0_i32 = arith.constant 0 : i32
    %c0_i32_0 = arith.constant 0 : i32
    return %arg0, %c0_i32 : i32, i32
  }
  func.func @transform_3(%arg0: i32) -> (i32, i32, i32) {
    %c0_i32 = arith.constant 0 : i32
    %c0_i32_0 = arith.constant 0 : i32
    %c0_i32_1 = arith.constant 0 : i32
    return %c0_i32, %arg0, %c0_i32_0 : i32, i32, i32
  }
}

module attributes {stable_mosaic.version = 14 : i64} {
  func.func @_attn_body(%arg0: i32, %arg1: memref<1000x2048xf32, #tpu.memory_space<vmem>>, %arg2: memref<1000x768xf32, #tpu.memory_space<vmem>>, %arg3: memref<128x2048xf32, #tpu.memory_space<vmem>>, %arg4: memref<1x128xf32, #tpu.memory_space<vmem>>, %arg5: memref<128x768xf32, #tpu.memory_space<vmem>>, %arg6: memref<1x128xf32, #tpu.memory_space<vmem>>, %arg7: memref<1x128xf32, #tpu.memory_space<vmem>>, %arg8: memref<1000x128xf32, #tpu.memory_space<vmem>>) attributes {dimension_semantics = [#tpu.dimension_semantics<arbitrary>], iteration_bounds = array<i64: 5>, scalar_prefetch = 0 : i64, scratch_operands = 0 : i64, tpu.core_type = #tpu.core_type<tc>, window_params = [{transform_indices = @transform_0, window_bounds = array<i64: 1000, 2048>}, {transform_indices = @transform_1, window_bounds = array<i64: 1000, 768>}, {pipeline_mode = #tpu.pipeline_mode<synchronous>, transform_indices = @transform_2, window_bounds = array<i64: 128, 2048>}, {pipeline_mode = #tpu.pipeline_mode<synchronous>, transform_indices = @transform_3, window_bounds = array<i64: 1, 128>}, {pipeline_mode = #tpu.pipeline_mode<synchronous>, transform_indices = @transform_4, window_bounds = array<i64: 128, 768>}, {pipeline_mode = #tpu.pipeline_mode<synchronous>, transform_indices = @transform_5, window_bounds = array<i64: 1, 128>}, {pipeline_mode = #tpu.pipeline_mode<synchronous>, transform_indices = @transform_6, window_bounds = array<i64: 1, 128>}, {transform_indices = @transform_7, window_bounds = array<i64: 1000, 128>}]} {
    %get3A = arith.constant 0 : index
    %get3A_0 = arith.constant 0 : index
    %get3A_1 = vector.load %arg1[%get3A, %get3A_0] : memref<1000x2048xf32, #tpu.memory_space<vmem>>, vector<1000x2048xf32>
    %get3A_2 = arith.constant 0 : index
    %get3A_3 = arith.constant 0 : index
    %get3A_4 = vector.load %arg3[%get3A_2, %get3A_3] : memref<128x2048xf32, #tpu.memory_space<vmem>>, vector<128x2048xf32>
    %dot_general3A = arith.constant dense<0.000000e+00> : vector<1000x128xf32>
    %dot_general3A_5 = tpu.matmul %get3A_1, %get3A_4, %dot_general3A {dimension_numbers = #tpu.dot_dimension_numbers<[1], [1], [0], [0], [0, 0, 1, 0], [], []>, precision = #tpu.contract_precision<fp32>, transpose_lhs_hint = false} : vector<1000x2048xf32>, vector<128x2048xf32>, vector<1000x128xf32> -> vector<1000x128xf32>
    %get3A_6 = arith.constant 0 : index
    %get3A_7 = arith.constant 0 : index
    %get3A_8 = vector.load %arg4[%get3A_6, %get3A_7] : memref<1x128xf32, #tpu.memory_space<vmem>>, vector<1x128xf32>
    %add3A = vector.broadcast %get3A_8 : vector<1x128xf32> to vector<1000x128xf32>
    %add3A_9 = arith.addf %dot_general3A_5, %add3A : vector<1000x128xf32>
    %get3A_10 = arith.constant 0 : index
    %get3A_11 = arith.constant 0 : index
    %get3A_12 = vector.load %arg2[%get3A_10, %get3A_11] : memref<1000x768xf32, #tpu.memory_space<vmem>>, vector<1000x768xf32>
    %get3A_13 = arith.constant 0 : index
    %get3A_14 = arith.constant 0 : index
    %get3A_15 = vector.load %arg5[%get3A_13, %get3A_14] : memref<128x768xf32, #tpu.memory_space<vmem>>, vector<128x768xf32>
    %dot_general3A_16 = arith.constant dense<0.000000e+00> : vector<1000x128xf32>
    %dot_general3A_17 = tpu.matmul %get3A_12, %get3A_15, %dot_general3A_16 {dimension_numbers = #tpu.dot_dimension_numbers<[1], [1], [0], [0], [0, 0, 1, 0], [], []>, precision = #tpu.contract_precision<fp32>, transpose_lhs_hint = false} : vector<1000x768xf32>, vector<128x768xf32>, vector<1000x128xf32> -> vector<1000x128xf32>
    %get3A_18 = arith.constant 0 : index
    %get3A_19 = arith.constant 0 : index
    %get3A_20 = vector.load %arg6[%get3A_18, %get3A_19] : memref<1x128xf32, #tpu.memory_space<vmem>>, vector<1x128xf32>
    %add3A_21 = vector.broadcast %get3A_20 : vector<1x128xf32> to vector<1000x128xf32>
    %add3A_22 = arith.addf %dot_general3A_17, %add3A_21 : vector<1000x128xf32>
    %get3A_23 = arith.constant 0 : index
    %get3A_24 = arith.constant 0 : index
    %get3A_25 = vector.load %arg7[%get3A_23, %get3A_24] : memref<1x128xf32, #tpu.memory_space<vmem>>, vector<1x128xf32>
    %mul3A = vector.broadcast %get3A_25 : vector<1x128xf32> to vector<1000x128xf32>
    %mul3A_26 = arith.mulf %add3A_9, %mul3A : vector<1000x128xf32>
    %reduce_sum3A = arith.constant dense<0.000000e+00> : vector<1000xf32>
    %reduce_sum3A_27 = vector.multi_reduction <add>, %mul3A_26, %reduce_sum3A [1] : vector<1000x128xf32> to vector<1000xf32>
    %broadcast_in_dim3A = vector.shape_cast %reduce_sum3A_27 : vector<1000xf32> to vector<1000x1xf32>
    %max3A = arith.constant 0.000000e+00 : f32
    %max3A_28 = vector.broadcast %max3A : f32 to vector<1000x1xf32>
    %max3A_29 = arith.maximumf %broadcast_in_dim3A, %max3A_28 : vector<1000x1xf32>
    %get3A_30 = arith.constant 0 : index
    %get3A_31 = arith.constant 0 : index
    %get3A_32 = vector.load %arg7[%get3A_30, %get3A_31] : memref<1x128xf32, #tpu.memory_space<vmem>>, vector<1x128xf32>
    %mul3A_33 = vector.broadcast %get3A_32 : vector<1x128xf32> to vector<1000x128xf32>
    %mul3A_34 = arith.mulf %add3A_22, %mul3A_33 : vector<1000x128xf32>
    %reduce_sum3A_35 = arith.constant dense<0.000000e+00> : vector<1000xf32>
    %reduce_sum3A_36 = vector.multi_reduction <add>, %mul3A_34, %reduce_sum3A_35 [1] : vector<1000x128xf32> to vector<1000xf32>
    %broadcast_in_dim3A_37 = vector.shape_cast %reduce_sum3A_36 : vector<1000xf32> to vector<1000x1xf32>
    %max3A_38 = arith.constant 0.000000e+00 : f32
    %max3A_39 = vector.broadcast %max3A_38 : f32 to vector<1000x1xf32>
    %max3A_40 = arith.maximumf %broadcast_in_dim3A_37, %max3A_39 : vector<1000x1xf32>
    %exp3A = math.exp %max3A_29 : vector<1000x1xf32>
    %exp3A_41 = math.exp %max3A_40 : vector<1000x1xf32>
    %mul3A_42 = vector.broadcast %exp3A : vector<1000x1xf32> to vector<1000x128xf32>
    %mul3A_43 = arith.mulf %mul3A_42, %add3A_9 : vector<1000x128xf32>
    %mul3A_44 = vector.broadcast %exp3A_41 : vector<1000x1xf32> to vector<1000x128xf32>
    %mul3A_45 = arith.mulf %mul3A_44, %add3A_22 : vector<1000x128xf32>
    %add3A_46 = arith.addf %mul3A_43, %mul3A_45 : vector<1000x128xf32>
    %add3A_47 = arith.addf %exp3A, %exp3A_41 : vector<1000x1xf32>
    %div3A = vector.broadcast %add3A_47 : vector<1000x1xf32> to vector<1000x128xf32>
    %div3A_48 = arith.divf %add3A_46, %div3A : vector<1000x128xf32>
    %swap3A = arith.constant 0 : index
    %swap3A_49 = arith.constant 0 : index
    %swap3A_50 = vector.load %arg8[%swap3A, %swap3A_49] : memref<1000x128xf32, #tpu.memory_space<vmem>>, vector<1000x128xf32>
    tpu.vector_store %arg8[%swap3A, %swap3A_49], %div3A_48 {strides = array<i32>} : memref<1000x128xf32, #tpu.memory_space<vmem>>, vector<1000x128xf32>,
    return
  }
  func.func @transform_0(%arg0: i32) -> (i32, i32) {
    %c0_i32 = arith.constant 0 : i32
    %c0_i32_0 = arith.constant 0 : i32
    return %arg0, %c0_i32 : i32, i32
  }
  func.func @transform_1(%arg0: i32) -> (i32, i32) {
    %c0_i32 = arith.constant 0 : i32
    %c0_i32_0 = arith.constant 0 : i32
    return %arg0, %c0_i32 : i32, i32
  }
  func.func @transform_2(%arg0: i32) -> (i32, i32) {
    %c0_i32 = arith.constant 0 : i32
    %c0_i32_0 = arith.constant 0 : i32
    %c0_i32_1 = arith.constant 0 : i32
    return %c0_i32, %c0_i32_0 : i32, i32
  }
  func.func @transform_3(%arg0: i32) -> (i32, i32) {
    %c0_i32 = arith.constant 0 : i32
    %c0_i32_0 = arith.constant 0 : i32
    %c0_i32_1 = arith.constant 0 : i32
    return %c0_i32, %c0_i32_0 : i32, i32
  }
  func.func @transform_4(%arg0: i32) -> (i32, i32) {
    %c0_i32 = arith.constant 0 : i32
    %c0_i32_0 = arith.constant 0 : i32
    %c0_i32_1 = arith.constant 0 : i32
    return %c0_i32, %c0_i32_0 : i32, i32
  }
  func.func @transform_5(%arg0: i32) -> (i32, i32) {
    %c0_i32 = arith.constant 0 : i32
    %c0_i32_0 = arith.constant 0 : i32
    %c0_i32_1 = arith.constant 0 : i32
    return %c0_i32, %c0_i32_0 : i32, i32
  }
  func.func @transform_6(%arg0: i32) -> (i32, i32) {
    %c0_i32 = arith.constant 0 : i32
    %c0_i32_0 = arith.constant 0 : i32
    %c0_i32_1 = arith.constant 0 : i32
    return %c0_i32, %c0_i32_0 : i32, i32
  }
  func.func @transform_7(%arg0: i32) -> (i32, i32) {
    %c0_i32 = arith.constant 0 : i32
    %c0_i32_0 = arith.constant 0 : i32
    return %arg0, %c0_i32 : i32, i32
  }
}

module attributes {stable_mosaic.version = 14 : i64} {
  func.func @_loss_body(%arg0: memref<6144x128xf32, #tpu.memory_space<vmem>>, %arg1: memref<1x128xf32, #tpu.memory_space<vmem>>) attributes {dimension_semantics = [], scalar_prefetch = 0 : i64, scratch_operands = 0 : i64, tpu.core_type = #tpu.core_type<tc>} {
    %get3A = arith.constant 0 : index
    %get3A_0 = arith.constant 0 : index
    %get3A_1 = vector.load %arg0[%get3A, %get3A_0] : memref<6144x128xf32, #tpu.memory_space<vmem>>, vector<6144x128xf32>
    %slice3A = vector.extract_strided_slice %get3A_1 {offsets = [2048, 0], sizes = [1024, 128], strides = [1, 1]} : vector<6144x128xf32> to vector<1024x128xf32>
    %slice3A_2 = vector.extract_strided_slice %get3A_1 {offsets = [3072, 0], sizes = [1024, 128], strides = [1, 1]} : vector<6144x128xf32> to vector<1024x128xf32>
    %add3A = arith.addf %slice3A, %slice3A_2 : vector<1024x128xf32>
    %mul3A = arith.mulf %add3A, %add3A : vector<1024x128xf32>
    %reduce_sum3A = arith.constant dense<0.000000e+00> : vector<1024xf32>
    %reduce_sum3A_3 = vector.multi_reduction <add>, %mul3A, %reduce_sum3A [1] : vector<1024x128xf32> to vector<1024xf32>
    %broadcast_in_dim3A = vector.shape_cast %reduce_sum3A_3 : vector<1024xf32> to vector<1024x1xf32>
    %sqrt3A = math.sqrt %broadcast_in_dim3A : vector<1024x1xf32>
    %slice3A_4 = vector.extract_strided_slice %get3A_1 {offsets = [0, 0], sizes = [1024, 128], strides = [1, 1]} : vector<6144x128xf32> to vector<1024x128xf32>
    %slice3A_5 = vector.extract_strided_slice %get3A_1 {offsets = [1024, 0], sizes = [1024, 128], strides = [1, 1]} : vector<6144x128xf32> to vector<1024x128xf32>
    %add3A_6 = arith.addf %slice3A_4, %slice3A_5 : vector<1024x128xf32>
    %max3A = arith.constant 9.99999996E-13 : f32
    %max3A_7 = vector.broadcast %max3A : f32 to vector<1024x1xf32>
    %max3A_8 = arith.maximumf %sqrt3A, %max3A_7 : vector<1024x1xf32>
    %div3A = vector.broadcast %max3A_8 : vector<1024x1xf32> to vector<1024x128xf32>
    %div3A_9 = arith.divf %add3A, %div3A : vector<1024x128xf32>
    %add3A_10 = arith.addf %add3A_6, %div3A_9 : vector<1024x128xf32>
    %slice3A_11 = vector.extract_strided_slice %get3A_1 {offsets = [4096, 0], sizes = [1024, 128], strides = [1, 1]} : vector<6144x128xf32> to vector<1024x128xf32>
    %slice3A_12 = vector.extract_strided_slice %get3A_1 {offsets = [5120, 0], sizes = [1024, 128], strides = [1, 1]} : vector<6144x128xf32> to vector<1024x128xf32>
    %mul3A_13 = arith.mulf %add3A_10, %slice3A_11 : vector<1024x128xf32>
    %reduce_sum3A_14 = arith.constant dense<0.000000e+00> : vector<1024xf32>
    %reduce_sum3A_15 = vector.multi_reduction <add>, %mul3A_13, %reduce_sum3A_14 [1] : vector<1024x128xf32> to vector<1024xf32>
    %broadcast_in_dim3A_16 = vector.shape_cast %reduce_sum3A_15 : vector<1024xf32> to vector<1024x1xf32>
    %mul3A_17 = arith.mulf %add3A_10, %slice3A_12 : vector<1024x128xf32>
    %reduce_sum3A_18 = arith.constant dense<0.000000e+00> : vector<1024xf32>
    %reduce_sum3A_19 = vector.multi_reduction <add>, %mul3A_17, %reduce_sum3A_18 [1] : vector<1024x128xf32> to vector<1024xf32>
    %broadcast_in_dim3A_20 = vector.shape_cast %reduce_sum3A_19 : vector<1024xf32> to vector<1024x1xf32>
    %sub3A = arith.subf %broadcast_in_dim3A_16, %broadcast_in_dim3A_20 : vector<1024x1xf32>
    %min3A = arith.constant 0.000000e+00 : f32
    %min3A_21 = vector.broadcast %min3A : f32 to vector<1024x1xf32>
    %min3A_22 = arith.minimumf %sub3A, %min3A_21 : vector<1024x1xf32>
    %abs3A = math.absf %sub3A : vector<1024x1xf32>
    %neg3A = arith.constant 0.000000e+00 : f32
    %neg3A_23 = vector.broadcast %neg3A : f32 to vector<1024x1xf32>
    %neg3A_24 = arith.subf %neg3A_23, %abs3A : vector<1024x1xf32>
    %exp3A = math.exp %neg3A_24 : vector<1024x1xf32>
    %log1p3A = math.log1p %exp3A : vector<1024x1xf32>
    %sub3A_25 = arith.subf %min3A_22, %log1p3A : vector<1024x1xf32>
    %reduce_sum3A_26 = vector.shape_cast %sub3A_25 : vector<1024x1xf32> to vector<1x1024x1xf32>
    %reduce_sum3A_27 = arith.constant dense<0.000000e+00> : vector<1xf32>
    %reduce_sum3A_28 = vector.multi_reduction <add>, %reduce_sum3A_26, %reduce_sum3A_27 [1, 2] : vector<1x1024x1xf32> to vector<1xf32>
    %reduce_sum3A_29 = vector.shape_cast %reduce_sum3A_28 : vector<1xf32> to vector<1x1x1xf32>
    %reduce_sum3A_30 = vector.extract %reduce_sum3A_29[0, 0, 0] : f32 from vector<1x1x1xf32>
    %div3A_31 = arith.constant 1.024000e+03 : f32
    %div3A_32 = arith.divf %reduce_sum3A_30, %div3A_31 : f32
    %neg3A_33 = arith.constant 0.000000e+00 : f32
    %neg3A_34 = arith.subf %neg3A_33, %div3A_32 : f32
    %mul3A_35 = arith.mulf %add3A_10, %add3A_10 : vector<1024x128xf32>
    %reduce_sum3A_36 = vector.shape_cast %mul3A_35 : vector<1024x128xf32> to vector<1x1024x128xf32>
    %reduce_sum3A_37 = arith.constant dense<0.000000e+00> : vector<1xf32>
    %reduce_sum3A_38 = vector.multi_reduction <add>, %reduce_sum3A_36, %reduce_sum3A_37 [1, 2] : vector<1x1024x128xf32> to vector<1xf32>
    %reduce_sum3A_39 = vector.shape_cast %reduce_sum3A_38 : vector<1xf32> to vector<1x1x1xf32>
    %reduce_sum3A_40 = vector.extract %reduce_sum3A_39[0, 0, 0] : f32 from vector<1x1x1xf32>
    %mul3A_41 = arith.mulf %slice3A_11, %slice3A_11 : vector<1024x128xf32>
    %reduce_sum3A_42 = vector.shape_cast %mul3A_41 : vector<1024x128xf32> to vector<1x1024x128xf32>
    %reduce_sum3A_43 = arith.constant dense<0.000000e+00> : vector<1xf32>
    %reduce_sum3A_44 = vector.multi_reduction <add>, %reduce_sum3A_42, %reduce_sum3A_43 [1, 2] : vector<1x1024x128xf32> to vector<1xf32>
    %reduce_sum3A_45 = vector.shape_cast %reduce_sum3A_44 : vector<1xf32> to vector<1x1x1xf32>
    %reduce_sum3A_46 = vector.extract %reduce_sum3A_45[0, 0, 0] : f32 from vector<1x1x1xf32>
    %add3A_47 = arith.addf %reduce_sum3A_40, %reduce_sum3A_46 : f32
    %mul3A_48 = arith.mulf %slice3A_12, %slice3A_12 : vector<1024x128xf32>
    %reduce_sum3A_49 = vector.shape_cast %mul3A_48 : vector<1024x128xf32> to vector<1x1024x128xf32>
    %reduce_sum3A_50 = arith.constant dense<0.000000e+00> : vector<1xf32>
    %reduce_sum3A_51 = vector.multi_reduction <add>, %reduce_sum3A_49, %reduce_sum3A_50 [1, 2] : vector<1x1024x128xf32> to vector<1xf32>
    %reduce_sum3A_52 = vector.shape_cast %reduce_sum3A_51 : vector<1xf32> to vector<1x1x1xf32>
    %reduce_sum3A_53 = vector.extract %reduce_sum3A_52[0, 0, 0] : f32 from vector<1x1x1xf32>
    %add3A_54 = arith.addf %add3A_47, %reduce_sum3A_53 : f32
    %mul3A_55 = arith.constant 5.000000e-01 : f32
    %mul3A_56 = arith.mulf %mul3A_55, %add3A_54 : f32
    %mul3A_57 = arith.constant 9.76562475E-9 : f32
    %mul3A_58 = arith.mulf %mul3A_57, %mul3A_56 : f32
    %iota3A = tpu.iota {dimensions = array<i32: 1>} : vector<1x128xi32>
    %eq3A = arith.constant 0 : i32
    %eq3A_59 = vector.broadcast %eq3A : i32 to vector<1x128xi32>
    %eq3A_60 = arith.cmpi eq, %iota3A, %eq3A_59 : vector<1x128xi32>
    %eq3A_61 = arith.constant 1 : i32
    %eq3A_62 = vector.broadcast %eq3A_61 : i32 to vector<1x128xi32>
    %eq3A_63 = arith.cmpi eq, %iota3A, %eq3A_62 : vector<1x128xi32>
    %jit3A = arith.constant 0.000000e+00 : f32
    %broadcast_in_dim3A_64 = vector.broadcast %mul3A_58 : f32 to vector<1x128xf32>
    %broadcast_in_dim3A_65 = vector.broadcast %jit3A : f32 to vector<1x128xf32>
    %select_n3A = arith.select %eq3A_63, %broadcast_in_dim3A_64, %broadcast_in_dim3A_65 : vector<1x128xi1>, vector<1x128xf32>
    %broadcast_in_dim3A_66 = vector.broadcast %neg3A_34 : f32 to vector<1x128xf32>
    %select_n3A_67 = arith.select %eq3A_60, %broadcast_in_dim3A_66, %select_n3A : vector<1x128xi1>, vector<1x128xf32>
    %swap3A = arith.constant 0 : index
    %swap3A_68 = arith.constant 0 : index
    %swap3A_69 = vector.load %arg1[%swap3A, %swap3A_68] : memref<1x128xf32, #tpu.memory_space<vmem>>, vector<1x128xf32>
    tpu.vector_store %arg1[%swap3A, %swap3A_68], %select_n3A_67 {strides = array<i32>} : memref<1x128xf32, #tpu.memory_space<vmem>>, vector<1x128xf32>,
    return
  }
}

</mosaic_0001>

<sc_bundles>
// kernel: kernel.10.cloned.1.call-start
scs
__scs_entry_jumppad:
0x0: {  	(pc) =	sbr.rel $0x88, $3  }
0x1: {  	(tag) =	ssettag $0x0;
	lr =	simm.s32 $0x1  }
0x2: {  	[smem:$0x3F93] =	sst lr;
	_ =	strace $0xD0000000  }
0x3: {  	_ = 	snop  }
0x4: {  	_ = 	snop  }
0x5: {  	_ = 	snop  }
0x6: {  	_ = 	snop  }
0x7: {  	_ = 	snop  }
__scs_overlays_trampoline_lowered:
0x8: {  	[smem:$0x3FA2] =	sst s0  }
0x9: {  	[smem:$0x3FA3] =	sst s1  }
0xa: {  	[smem:$0x3FA4] =	sst s2  }
0xb: {  	[smem:$0x3FA5] =	sst s3  }
0xc: {  	[smem:$0x3FA6] =	sst s4  }
0xd: {  	[smem:$0x3FA7] =	sst s5  }
0xe: {  	[smem:$0x3FA8] =	sst s6  }
0xf: {  	[smem:$0x3FA9] =	sst s7  }
0x10: {  	[smem:$0x3FAA] =	sst s8  }
0x11: {  	[smem:$0x3FAB] =	sst s9;
	s0 =	simm.s32 @!p0 $0x0  }
0x12: {  	s1 =	sld [smem:$0x3F91];
	s0 =	simm.s32 @p0 $0x1  }
0x13: {  	[smem:$0x3FAC] =	sst s0;
	s0 =	simm.s32 @!p1 $0x0  }
0x14: {  	s2 =	sld [smem:$0x3F90];
	s0 =	simm.s32 @p1 $0x1  }
0x15: {  	[smem:$0x3FAD] =	sst s0;
	s0 =	simm.s32 @!p2 $0x0  }
0x16: {  	s3 =	sld [smem:$0x3FDB];
	s0 =	simm.s32 @p2 $0x1  }
0x17: {  	s4 =	simm.s32 $0x1BF5;
	[smem:$0x3FAF] =	sst s0  }
0x18: {  	s0 =	sld [smem:$0x3F92];
	_ =	swait.ge [sflag:s4], $0x0  }
0x19: {  	s7 =	sld [smem:$0x3F93]  }
0x1a: {  	s8 =	sadd.s32 $0xFFFFE003, lr  }
0x1b: {  	s9 =	sadd.s32 $0xFFFFFEF7, lr;
	s5 =	simm.s32 $0xFFFFFFFF;
	p2 =	slt.u32 s8, $0xFFFFF086  }
0x1c: {  	p1 =	slt.u32 s9, $0xF7A;
	s5 =	simm.s32 @!p2 $0x0  }
0x1d: {  	s5 =	simm.s32 @p1 $0x1;
	p0 =	seq.s32 s7, s2  }
0x1e: {  	s7 =	smul.u32 @!p0 $0xF7A, s2;
	p2 =	seq.s32 @!p0 s5, $0x0  }
0x1f: {  	s9 =	smul.u32 $0xF7A, s1;
	s8 =	simm.s32 @!p0 $0x1BF5;
	p2 =	por !p2, p0  }
0x20: {  	[sflag:s8] =	ssyncset.s32 @!p0 $0xFFFFF086;
	s6 =	sadd.s32 @!p0 s3, s7;
	s7 =	simm.s32 @!p0 $0x108  }
0x21: {  	s3 =	sadd.s32 s3, s9;
	s6 =	sadd.s32 @!p0 $0x88, s6;
	s7 =	simm.s32 @p2 $0x1082  }
0x22: {  	[simem:s7], [sflag:s8] =	dma.local @!p0 [hbm:s6], $0xF7A  }
0x23: {  	s9 =	sor.u32 $0xD0000000, s2;
	s6 =	simm.s32 $0x108;
	_ =	swait.ge @!p0 [sflag:s8], $0x0  }
0x24: {  	s3 =	sadd.s32 $0x88, s3;
	s6 =	simm.s32 @!p1 $0x1082;
	[sflag:s4] =	ssyncset.s32 $0xFFFFF086  }
0x25: {  	[simem:s6], [sflag:s4] =	dma.local [hbm:s3], $0xF7A  }
0x26: {  	[smem:$0x3F93] =	sst s1;
	(tag) =	ssettag s2;
	_ =	strace s9  }
0x27: {  	s1 =	sld [smem:$0x3FA3]  }
0x28: {  	s2 =	sld [smem:$0x3FA4]  }
0x29: {  	s4 =	sld [smem:$0x3FA6]  }
0x2a: {  	p0 =	seq.s32 s5, $0x0;
	s5 =	sld [smem:$0x3FA7]  }
0x2b: {  	s6 =	sld [smem:$0x3FA8]  }
0x2c: {  	s7 =	sld [smem:$0x3FA9]  }
0x2d: {  	s3 =	simm.s32 $0x108;
	s8 =	sld [smem:$0x3FAA]  }
0x2e: {  	s3 =	simm.s32 @!p0 $0x1082;
	s9 =	sld [smem:$0x3FAB]  }
0x2f: {  	lr =	sadd.s32 s0, s3;
	s0 =	sld [smem:$0x3FA2]  }
0x30: {  	s3 =	sld [smem:$0x3FA5]  }
0x31: {  	[smem:$0x3FAE] =	sst s10  }
0x32: {  	s10 =	sld [smem:$0x3FAC];
	_ =	sdelay $0x3  }
0x33: {  	p0 =	seq.s32 s10, $0x1;
	s10 =	sld [smem:$0x3FAE];
	_ =	sdelay $0x3  }
0x34: {  	[smem:$0x3FAE] =	sst s10  }
0x35: {  	s10 =	sld [smem:$0x3FAD];
	_ =	sdelay $0x3  }
0x36: {  	p1 =	seq.s32 s10, $0x1;
	s10 =	sld [smem:$0x3FAE];
	_ =	sdelay $0x3  }
0x37: {  	[smem:$0x3FAE] =	sst s10  }
0x38: {  	s10 =	sld [smem:$0x3FAF]  }
0x39: {  	_ = 	snop;
	(pc) =	sbr.ind lr, $3  }
0x3a: {  	_ = 	snop  }
0x3b: {  	_ = 	snop  }
0x3c: {  	p2 =	seq.s32 s10, $0x1;
	s10 =	sld [smem:$0x3FAE]  }
0x3d: {  	_ =	shalt  }
0x3e: {  	_ =	shalt  }
0x3f: {  	_ =	shalt  }
0x40: {  	_ =	shalt  }
0x41: {  	_ =	shalt  }
0x42: {  	_ =	shalt  }
0x43: {  	_ =	shalt  }
0x44: {  	_ =	shalt  }
0x45: {  	_ =	shalt  }
0x46: {  	_ =	shalt  }
0x47: {  	_ =	shalt  }
0x48: {  	_ =	shalt  }
0x49: {  	_ =	shalt  }
0x4a: {  	_ =	shalt  }
0x4b: {  	_ =	shalt  }
0x4c: {  	_ =	shalt  }
0x4d: {  	_ =	shalt  }
0x4e: {  	_ =	shalt  }
0x4f: {  	_ =	shalt  }
0x50: {  	_ =	shalt  }
0x51: {  	_ =	shalt  }
0x52: {  	_ =	shalt  }
0x53: {  	_ =	shalt  }
0x54: {  	_ =	shalt  }
0x55: {  	_ =	shalt  }
0x56: {  	_ =	shalt  }
0x57: {  	_ =	shalt  }
0x58: {  	_ =	shalt  }
0x59: {  	_ =	shalt  }
0x5a: {  	_ =	shalt  }
0x5b: {  	_ =	shalt  }
0x5c: {  	_ =	shalt  }
0x5d: {  	_ =	shalt  }
0x5e: {  	_ =	shalt  }
0x5f: {  	_ =	shalt  }
0x60: {  	_ =	shalt  }
0x61: {  	_ =	shalt  }
0x62: {  	_ =	shalt  }
0x63: {  	_ =	shalt  }
0x64: {  	_ =	shalt  }
0x65: {  	_ =	shalt  }
0x66: {  	_ =	shalt  }
0x67: {  	_ =	shalt  }
0x68: {  	_ =	shalt  }
0x69: {  	_ =	shalt  }
0x6a: {  	_ =	shalt  }
0x6b: {  	_ =	shalt  }
0x6c: {  	_ =	shalt  }
0x6d: {  	_ =	shalt  }
0x6e: {  	_ =	shalt  }
0x6f: {  	_ =	shalt  }
0x70: {  	_ =	shalt  }
0x71: {  	_ =	shalt  }
0x72: {  	_ =	shalt  }
0x73: {  	_ =	shalt  }
0x74: {  	_ =	shalt  }
0x75: {  	_ =	shalt  }
0x76: {  	_ =	shalt  }
0x77: {  	_ =	shalt  }
0x78: {  	_ =	shalt  }
0x79: {  	_ =	shalt  }
0x7a: {  	_ =	shalt  }
0x7b: {  	_ =	shalt  }
0x7c: {  	_ =	shalt  }
0x7d: {  	_ =	shalt  }
0x7e: {  	_ =	shalt  }
0x7f: {  	_ =	shalt  }
0x80: {  	_ =	shalt  }
0x81: {  	_ =	shalt  }
0x82: {  	_ =	shalt  }
0x83: {  	_ =	shalt  }
0x84: {  	_ =	shalt  }
0x85: {  	_ =	shalt  }
0x86: {  	_ =	shalt  }
0x87: {  	_ =	shalt  }
.Lfunc_end0:
.L_simem_size_0:
called_computation_lowered:
.L_overlay_start_0:
0x88: {  	s2 =	sld [smem:$0x3FD9]  }
0x89: {  	s3 =	sld [smem:$0x3FFE];
	_ =	sdelay $0x1  }
0x8a: {  	s1 =	srdreg.scid  }
0x8b: {  	s0 =	sand.u32 $0x1, s1  }
0x8c: {  	s16 =	sshll.u32 s0, $0xA;
	s2 =	sadd.s32 s3, s2  }
0x8d: {  	s2 =	sadd.s32 s2, s16  }
0x8e: {  	[smem:$0x3FBA] =	sst s2  }
0x8f: {  	_ = 	snop  }
0x90: {  	(tm) =	ssettm $0x1  }
0x91: {  	s17 =	sld [smem:$0x3FFB];
	_ =	sdelay $0x3  }
0x92: {  	_ =	strace s17  }
0x93: {  	s2 =	sld [smem:$0x3FFC];
	_ =	sdelay $0x3  }
0x94: {  	_ =	strace s2  }
0x95: {  	s2 =	sld [smem:$0x3FFD];
	_ =	sdelay $0x3  }
0x96: {  	_ =	strace s2  }
0x97: {  	_ =	strace $0x8FFFFFFF  }
0x98: {  	s18 =	sld [smem:$0x3FDB];
	_ =	sdelay $0x1  }
0x99: {  	s19 =	simm.s32 $_scs_section_size  }
0x9a: {  	s4 =	simm.s32 $_size__tile_overlayer_lowered;
	s5 =	simm.s32 $_tile_overlayer_lowered  }
0x9b: {  	s22 =	simm.s32 $0x1BFF;
	s21 =	sshll.u32 s5, $0x1;
	s2 =	sadd.s32 s19, s18  }
0x9c: {  	s6 =	simm.s32 $0x0;
	s20 =	sshll.u32 s4, $0x1;
	s4 =	sadd.s32 s21, s2  }
0x9d: {  	[timem:s6], [sflag:s22] =	dma.local [hbm:s4], s20  }
0x9e: {  	_ =	swait.ge [sflag:s22], s20  }
0x9f: {  	s3 =	ssub.s32 $0x0, s20;
	[sflag:s22] =	ssyncset.done $0x0  }
0xa0: {  	[sflag:s22] =	ssyncadd.s32 s3;
	_ =	sdelay $0x1  }
0xa1: {  	s23 =	simm.s32 $0x1B8B  }
0xa2: {  	_ =	swait.ge [sflag:s23], $0x1  }
0xa3: {  	[sflag:s23] =	ssyncset.done $0x0  }
0xa4: {  	s25 =	simm.s32 $0x1B8E;
	s24 =	sld [smem:$0x3FFE];
	[sflag:s23] =	ssyncadd.s32 $0xFFFFFFFF  }
0xa5: {  	s26 =	simm.s32 $execute0_lowered;
	[smem:$0x3FD2] =	sst s25  }
0xa6: {  	s4 =	sshll.u32 s26, $0x1;
	_ =	strace $0x80000046;
	[dreg:$0x1] =	wrdreg $0xFFFFFFFF  }
0xa7: {  	s28 =	simm.s32 $_size_execute0_lowered;
	s2 =	sadd.s32 s2, s4;
	[dreg:$0x0] =	wrdreg $0x0  }
0xa8: {  	s4 =	sshll.u32 s28, $0x1;
	[dreg:$0x2] =	wrdreg s2  }
0xa9: {  	[dreg:$0x3] =	wrdreg s4  }
0xaa: {  	[dreg:$0x4] =	wrdreg $0xC0  }
0xab: {  	_ =	task [dreg:s6], $0x5FFFF  }
0xac: {  	[dreg:$0x1] =	wrdreg $0xFFFFFFFF  }
0xad: {  	[dreg:$0x0] =	wrdreg $0x60  }
0xae: {  	[dreg:$0x2] =	wrdreg s24  }
0xaf: {  	[dreg:$0x3] =	wrdreg $0xC7000  }
0xb0: {  	[dreg:$0x4] =	wrdreg $0x9  }
0xb1: {  	_ =	task.clear_ibuf [dreg:s6], $0x5FFFF;
	_ =	strace $0x90000046  }
0xb2: {  	s29 =	simm.s32 $0x9;
	_ =	strace $0x80000048  }
0xb3: {  	_ =	swait.ge [sflag:s29], $0x1  }
0xb4: {  	[sflag:s29] =	ssyncadd.s32 $0xFFFFFFFF  }
0xb5: {  	_ =	strace $0x90000048  }
0xb6: {  	_ =	sfence  }
0xb7: {  	s30 =	sld [smem:$0x0];
	_ =	sdelay $0x2  }
0xb8: {  	s31 =	sshll.u32 s1, $0xD;
	s1 =	sshrl.u32 s1, $0x2  }
0xb9: {  	s3 =	sand.u32 $0x4000, s31;
	s1 =	sadd.s32 s1, s30  }
0xba: {  	s0 =	sor.u32 s3, s0;
	s1 =	sshll.u32 s1, $0x11  }
0xbb: {  	s0 =	sor.u32 s1, s0  }
0xbc: {  	s0 =	sadd.s32 $0x8F2B, s0  }
0xbd: {  	[sflag:s0] =	ssyncadd.remote.s32 $0x1  }
0xbe: {  	_ =	sfence.sel $0xFFFF  }
0xbf: {  	[dreg:$0x0] =	wrdreg $0xFFFFFFFF;
	(pc) =	sbr.abs _section_cstart, $3  }
0xc0: {  	[dreg:$0x1] =	wrdreg $0xFFFFFFFF  }
0xc1: {  	_ =	task.clear_ibuf [dreg:s6], $0x2FFFF;
	_ =	strace $0x9FFFFFFF  }
0xc2: {  	(tm) =	ssettm $0x7FFFFFFF  }
0xc3: {  	_ =	shalt  }
tec
execute0_lowered:
.L_overlay_start_1:
0x0: {  	(tag) =	ssettag $0x1  }
0x1: {  	s0 =	srdreg.scid  }
0x2: {  	s1 =	rddreg [dreg:$0x0];
	s7 =	stileid.u32  }
0x3: {  	s2 =	rddreg [dreg:$0x1];
	s4 =	simm.s32 $0x0;
	s12 =	simm.s32 $0x4F00  }
0x4: {  	s13 =	simm.s32 $0x7;
	s14 =	simm.s32 $0x1;
	s15 =	simm.s32 $0x2  }
0x5: {  	s16 =	simm.s32 $0x28;
	s17 =	simm.s32 $0x6300;
	s19 =	simm.s32 $0x7700  }
0x6: {  	s21 =	simm.s32 $0x8B00;
	s28 =	simm.s32 $0x3;
	s29 =	simm.s32 $0x9  }
0x7: {  	s30 =	simm.s32 $0x4;
	s31 =	simm.s32 $0xA;
	s11 =	simm.s32 $0xB  }
0x8: {  	s18 =	simm.s32 $0x6;
	s20 =	simm.s32 $0xC;
	s0 =	sand.u32 $0x1, s0  }
0x9: {  	[smem:$0x7FF] =	sst s4;
	s4 =	sadd.s32 $0x3400, s1;
	s23 =	smul.u32 $0x5000, s7  }
0xa: {  	s24 =	smul.u32 $0x280, s7;
	s25 =	ssub.s32 $0x109, s7;
	s3 =	sshll.u32 s0, $0x4  }
0xb: {  	s5 =	smul.u32 $0x27100, s0;
	s0 =	ssub.s32 $0x2, s0;
	s3 =	sor.u32 s7, s3  }
0xc: {  	_ =	strace $0x80000047;
	s6 =	sshrl.u32 s0, $0x1;
	s3 =	smul.u32 $0x4E2, s3  }
0xd: {  	s7 =	sshrl.u32 s25, $0x4;
	s26 =	sshrl.u32 s23, $0x2;
	s23 =	simm.s32 $0x9F00  }
0xe: {  	s25 =	simm.s32 $0xB300;
	s0 =	ssub.s32 s0, s6;
	s3 =	sadd.s32 s3, s1  }
0xf: {  	s9 =	sadd.s32 s26, s2;
	s26 =	simm.s32 $0x8;
	s8 =	sadd.s32 $0x189E00, s3  }
0x10: {  	s1 =	sadd.s32 s5, s1;
	s3 =	sadd.s32 $0x193C00, s3;
	[dreg:$0x3] =	wrdreg s8  }
0x11: {  	s1 =	sadd.s32 s24, s1;
	[dreg:$0x4] =	wrdreg s3;
	s8 =	smax.u32 s0, $0x1  }
0x12: {  	v0 =	vimm.f32 $0.0e+00;
	s5 =	sadd.s32 $0x19DA00, s1;
	s1 =	simm.s32 $0x5;
	s0 =	simm.s32 $0x0  }
.LBB2_1:
0x13: {  	s22 =	simm.s32 $0x70;
	s24 =	simm.s32 $0x3C0  }
.LBB2_2:
0x14: {  	p0 =	sne.s32 s24, $0x4FC0;
	[tilespmem:s22+$0x4F00] =	vst v0  }
0x15: {  	[tilespmem:s22+$0x4E90] =	vst v0  }
0x16: {  	[tilespmem:s22+$0x4EA0] =	vst v0  }
.Ltmp0:
0x17: {  	[tilespmem:s22+$0x4EB0] =	vst v0;
	(pc) =	sbr.rel @p0 .LBB2_2-.Ltmp0, $4  }
0x18: {  	[tilespmem:s22+$0x4EC0] =	vst v0  }
0x19: {  	[tilespmem:s22+$0x4ED0] =	vst v0  }
0x1a: {  	[tilespmem:s22+$0x4EE0] =	vst v0  }
0x1b: {  	[tilespmem:s22+$0x4EF0] =	vst v0;
	s22 =	sshra.s32 s24, $0x2;
	s24 =	sadd.s32 $0x200, s24  }
0x1c: {  	[tilespmem:s22+$0x4F00] =	vst v0  }
0x1d: {  	[tilespmem:s22+$0x4E90] =	vst v0  }
0x1e: {  	[tilespmem:s22+$0x4EA0] =	vst v0  }
0x1f: {  	[tilespmem:s22+$0x4EB0] =	vst v0  }
0x20: {  	[tilespmem:s22+$0x4EC0] =	vst v0  }
0x21: {  	[tilespmem:s22+$0x4ED0] =	vst v0  }
0x22: {  	[tilespmem:s22+$0x4EE0] =	vst v0  }
0x23: {  	[tilespmem:s22+$0x4EF0] =	vst v0;
	s3 =	simm.s32 $0x0;
	s6 =	rddreg [dreg:$0x3];
	p0 =	sne.s32 s7, $0x1  }
0x24: {  	[tilespmem:s3], [sflag:$0x1] =	stream.linear.gather [hbm4b:s6+s3], $0x2710, $0x38;
	[tilespmem:$0x1FF80] =	vst v63  }
.Ltmp1:
0x25: {  	_ = 	snop;
	(pc) =	sbr.rel @!p0 .LBB2_5-.Ltmp1, $4  }
0x26: {  	s24 =	rddreg [dreg:$0x4];
	s10 =	simm.s32 $0x2780  }
0x27: {  	[tilespmem:s10], [sflag:$0x2] =	stream.linear.gather [hbm4b:s24+s3], $0x2710, $0x38;
	[tilespmem:$0x1FF80] =	vst v63  }
0x28: {  	s3 =	sadd.s32 $0xFFFFFFFF, s7;
	s10 =	smov.u32 s9  }
0x29: {  	[spmem:s9] =	stream.linear.scatter [tilespmem:s12], [sflag:$0x7], $0x1400, $0x38;
	[tilespmem:$0x1FF80] =	vst v63  }
.LBB2_4:
0x2a: {  	p1 =	sne.s32 s3, $0x1  }
.Ltmp2:
0x2b: {  	_ = 	snop;
	(pc) =	sbr.rel @p1 .LBB2_4-.Ltmp2, $3  }
0x2c: {  	_ = 	snop  }
0x2d: {  	s3 =	sadd.s32 $0xFFFFFFFF, s3;
	s10 =	sadd.s32 $0x14000, s10;
	_ =	sdelay $0x1  }
0x2e: {  	[spmem:s10] =	stream.linear.scatter [tilespmem:s12], [sflag:$0x7], $0x1400, $0x38;
	[tilespmem:$0x1FF80] =	vst v63  }
.LBB2_5:
.Ltmp3:
0x2f: {  	(pc) =	sbr.rel @!p0 .LBB2_7-.Ltmp3, $3  }
0x30: {  	_ =	sdelay $0x1  }
0x31: {  	_ =	swait.ge [sflag:s13], $0x1400  }
0x32: {  	s3 =	sadd.s32 $0xFFFFFFFF, s7;
	[sflag:s13] =	ssyncset.done $0x0  }
.LBB2_6:
0x33: {  	p1 =	sne.s32 s3, $0x1;
	s3 =	sadd.s32 $0xFFFFFFFF, s3;
	[sflag:s13] =	ssyncadd.s32 $0xFFFFEC00  }
.Ltmp4:
0x34: {  	(pc) =	sbr.rel @p1 .LBB2_6-.Ltmp4, $3  }
0x35: {  	_ =	sdelay $0x1  }
0x36: {  	_ =	swait.ge [sflag:s13], $0x1400  }
0x37: {  	[sflag:s13] =	ssyncset.done $0x0  }
.LBB2_7:
0x38: {  	[sflag:s13] =	ssyncadd.s32 $0xFFFFEC00  }
0x39: {  	_ =	swait.ge [sflag:s14], $0x2710  }
0x3a: {  	[sflag:s14] =	ssyncset.done $0x0  }
0x3b: {  	[sflag:s14] =	ssyncadd.s32 $0xFFFFD8F0  }
0x3c: {  	_ =	swait.ge [sflag:s15], $0x2710  }
0x3d: {  	[sflag:s15] =	ssyncset.done $0x0  }
0x3e: {  	[sflag:s15] =	ssyncadd.s32 $0xFFFFD8F0  }
0x3f: {  	s3 =	simm.s32 $0x0;
	[bflag:$0x0] =	sbarrier.arrive $0xFFFF  }
0x40: {  	[tilespmem:s12], [sflag:$0x1] =	stream.indirect.gather [hbm4b:s4+s16], $0x80, s3, s16, $0xb8;
	[tilespmem:$0x1FF80] =	vst v63  }
0x41: {  	_ = 	snop  }
0x42: {  	[tilespmem:s17], [sflag:$0x2] =	stream.indirect.gather [hbm4b:s4+s16], $0x80, s16, s16, $0xb8;
	[tilespmem:$0x1FF80] =	vst v63  }
0x43: {  	s10 =	simm.s32 $0x50  }
0x44: {  	[tilespmem:s19], [sflag:$0x3] =	stream.indirect.gather [hbm4b:s4+s16], $0x80, s10, s16, $0xb8;
	[tilespmem:$0x1FF80] =	vst v63  }
0x45: {  	s22 =	simm.s32 $0x78  }
0x46: {  	[tilespmem:s21], [sflag:$0x4] =	stream.indirect.gather [hbm4b:s4+s16], $0x80, s22, s16, $0xb8;
	[tilespmem:$0x1FF80] =	vst v63  }
0x47: {  	s24 =	simm.s32 $0xA0  }
0x48: {  	[tilespmem:s23], [sflag:$0x5] =	stream.indirect.gather [hbm4b:s4+s16], $0x80, s24, s16, $0xb8;
	[tilespmem:$0x1FF80] =	vst v63  }
0x49: {  	s6 =	simm.s32 $0xC8  }
0x4a: {  	[tilespmem:s25], [sflag:$0x6] =	stream.indirect.gather [hbm4b:s4+s16], $0x80, s6, s16, $0xb8;
	[tilespmem:$0x1FF80] =	vst v63  }
0x4b: {  	_ =	swait.ge [sflag:s14], $0x1400  }
0x4c: {  	[sflag:s14] =	ssyncset.done $0x0  }
0x4d: {  	s10 =	simm.s32 $0x2780;
	[sflag:s14] =	ssyncadd.s32 $0xFFFFEC00  }
0x4e: {  	[spmem:s2] =	stream.indirect.scatter.add.f32 [tilespmem:s12], [sflag:$0x7], $0x80, s10, s16, $0xb8;
	[tilespmem:$0x1FF80] =	vst v63  }
0x4f: {  	_ =	swait.ge [sflag:s13], $0x1400  }
0x50: {  	[sflag:s13] =	ssyncset.done $0x0  }
0x51: {  	s22 =	simm.s32 $0xF0;
	[sflag:s13] =	ssyncadd.s32 $0xFFFFEC00  }
0x52: {  	[tilespmem:s12], [sflag:$0x1] =	stream.indirect.gather [hbm4b:s4+s16], $0x80, s22, s16, $0xb8;
	[tilespmem:$0x1FF80] =	vst v63  }
0x53: {  	_ =	swait.ge [sflag:s15], $0x1400  }
0x54: {  	[sflag:s15] =	ssyncset.done $0x0  }
0x55: {  	s24 =	simm.s32 $0x27A8;
	[sflag:s15] =	ssyncadd.s32 $0xFFFFEC00  }
0x56: {  	[spmem:s2] =	stream.indirect.scatter.add.f32 [tilespmem:s17], [sflag:$0x8], $0x80, s24, s16, $0xb8;
	[tilespmem:$0x1FF80] =	vst v63  }
0x57: {  	_ =	swait.ge [sflag:s26], $0x1400  }
0x58: {  	[sflag:s26] =	ssyncset.done $0x0  }
0x59: {  	s6 =	simm.s32 $0x118;
	[sflag:s26] =	ssyncadd.s32 $0xFFFFEC00  }
0x5a: {  	[tilespmem:s17], [sflag:$0x2] =	stream.indirect.gather [hbm4b:s4+s16], $0x80, s6, s16, $0xb8;
	[tilespmem:$0x1FF80] =	vst v63  }
0x5b: {  	_ =	swait.ge [sflag:s28], $0x1400  }
0x5c: {  	[sflag:s28] =	ssyncset.done $0x0  }
0x5d: {  	s10 =	simm.s32 $0x27D0;
	[sflag:s28] =	ssyncadd.s32 $0xFFFFEC00  }
0x5e: {  	[spmem:s2] =	stream.indirect.scatter.add.f32 [tilespmem:s19], [sflag:$0x9], $0x80, s10, s16, $0xb8;
	[tilespmem:$0x1FF80] =	vst v63  }
0x5f: {  	_ =	swait.ge [sflag:s29], $0x1400  }
0x60: {  	[sflag:s29] =	ssyncset.done $0x0  }
0x61: {  	s22 =	simm.s32 $0x140;
	[sflag:s29] =	ssyncadd.s32 $0xFFFFEC00  }
0x62: {  	[tilespmem:s19], [sflag:$0x3] =	stream.indirect.gather [hbm4b:s4+s16], $0x80, s22, s16, $0xb8;
	[tilespmem:$0x1FF80] =	vst v63  }
0x63: {  	_ =	swait.ge [sflag:s30], $0x1400  }
0x64: {  	[sflag:s30] =	ssyncset.done $0x0  }
0x65: {  	s24 =	simm.s32 $0x27F8;
	[sflag:s30] =	ssyncadd.s32 $0xFFFFEC00  }
0x66: {  	[spmem:s2] =	stream.indirect.scatter.add.f32 [tilespmem:s21], [sflag:$0xA], $0x80, s24, s16, $0xb8;
	[tilespmem:$0x1FF80] =	vst v63  }
0x67: {  	_ =	swait.ge [sflag:s31], $0x1400  }
0x68: {  	[sflag:s31] =	ssyncset.done $0x0  }
0x69: {  	s6 =	simm.s32 $0x168;
	[sflag:s31] =	ssyncadd.s32 $0xFFFFEC00  }
0x6a: {  	[tilespmem:s21], [sflag:$0x4] =	stream.indirect.gather [hbm4b:s4+s16], $0x80, s6, s16, $0xb8;
	[tilespmem:$0x1FF80] =	vst v63  }
0x6b: {  	_ =	swait.ge [sflag:s1], $0x1400  }
0x6c: {  	[sflag:s1] =	ssyncset.done $0x0  }
0x6d: {  	s10 =	simm.s32 $0x2820;
	[sflag:s1] =	ssyncadd.s32 $0xFFFFEC00  }
0x6e: {  	[spmem:s2] =	stream.indirect.scatter.add.f32 [tilespmem:s23], [sflag:$0xB], $0x80, s10, s16, $0xb8;
	[tilespmem:$0x1FF80] =	vst v63  }
0x6f: {  	_ =	swait.ge [sflag:s11], $0x1400  }
0x70: {  	[sflag:s11] =	ssyncset.done $0x0  }
0x71: {  	s22 =	simm.s32 $0x190;
	[sflag:s11] =	ssyncadd.s32 $0xFFFFEC00  }
0x72: {  	[tilespmem:s23], [sflag:$0x5] =	stream.indirect.gather [hbm4b:s4+s16], $0x80, s22, s16, $0xb8;
	[tilespmem:$0x1FF80] =	vst v63  }
0x73: {  	_ =	swait.ge [sflag:s18], $0x1400  }
0x74: {  	[sflag:s18] =	ssyncset.done $0x0  }
0x75: {  	s24 =	simm.s32 $0x2848;
	[sflag:s18] =	ssyncadd.s32 $0xFFFFEC00  }
0x76: {  	[spmem:s2] =	stream.indirect.scatter.add.f32 [tilespmem:s25], [sflag:$0xC], $0x80, s24, s16, $0xb8;
	[tilespmem:$0x1FF80] =	vst v63  }
0x77: {  	_ =	swait.ge [sflag:s20], $0x1400  }
0x78: {  	[sflag:s20] =	ssyncset.done $0x0  }
0x79: {  	s3 =	simm.s32 $0x1B8;
	s24 =	simm.s32 $0x3C0;
	[sflag:s20] =	ssyncadd.s32 $0xFFFFEC00  }
.LBB2_8:
0x7a: {  	[tilespmem:s25], [sflag:$0x6] =	stream.indirect.gather [hbm4b:s4+s16], $0x80, s3, s16, $0xb8;
	[tilespmem:$0x1FF80] =	vst v63  }
0x7b: {  	s3 =	smov.u32 s24  }
0x7c: {  	p1 =	sne.s32 s24, $0x9240;
	s24 =	sadd.s32 $0x3C0, s24;
	_ =	swait.ge [sflag:s14], $0x1400  }
0x7d: {  	s22 =	sshra.s32 s3, $0x2;
	[sflag:s14] =	ssyncset.done $0x0  }
0x7e: {  	s3 =	sadd.s32 $0x2780, s22;
	[sflag:s14] =	ssyncadd.s32 $0xFFFFEC00  }
0x7f: {  	[spmem:s2] =	stream.indirect.scatter.add.f32 [tilespmem:s12], [sflag:$0x7], $0x80, s3, s16, $0xb8;
	[tilespmem:$0x1FF80] =	vst v63  }
0x80: {  	_ =	swait.ge [sflag:s13], $0x1400  }
0x81: {  	[sflag:s13] =	ssyncset.done $0x0  }
0x82: {  	s3 =	sadd.s32 $0xF0, s22;
	[sflag:s13] =	ssyncadd.s32 $0xFFFFEC00  }
0x83: {  	[tilespmem:s12], [sflag:$0x1] =	stream.indirect.gather [hbm4b:s4+s16], $0x80, s3, s16, $0xb8;
	[tilespmem:$0x1FF80] =	vst v63  }
0x84: {  	_ =	swait.ge [sflag:s15], $0x1400  }
0x85: {  	[sflag:s15] =	ssyncset.done $0x0  }
0x86: {  	s3 =	sadd.s32 $0x27A8, s22;
	[sflag:s15] =	ssyncadd.s32 $0xFFFFEC00  }
0x87: {  	[spmem:s2] =	stream.indirect.scatter.add.f32 [tilespmem:s17], [sflag:$0x8], $0x80, s3, s16, $0xb8;
	[tilespmem:$0x1FF80] =	vst v63  }
0x88: {  	_ =	swait.ge [sflag:s26], $0x1400  }
0x89: {  	[sflag:s26] =	ssyncset.done $0x0  }
0x8a: {  	s3 =	sadd.s32 $0x118, s22;
	[sflag:s26] =	ssyncadd.s32 $0xFFFFEC00  }
0x8b: {  	[tilespmem:s17], [sflag:$0x2] =	stream.indirect.gather [hbm4b:s4+s16], $0x80, s3, s16, $0xb8;
	[tilespmem:$0x1FF80] =	vst v63  }
0x8c: {  	_ =	swait.ge [sflag:s28], $0x1400  }
0x8d: {  	[sflag:s28] =	ssyncset.done $0x0  }
0x8e: {  	s3 =	sadd.s32 $0x27D0, s22;
	[sflag:s28] =	ssyncadd.s32 $0xFFFFEC00  }
0x8f: {  	[spmem:s2] =	stream.indirect.scatter.add.f32 [tilespmem:s19], [sflag:$0x9], $0x80, s3, s16, $0xb8;
	[tilespmem:$0x1FF80] =	vst v63  }
0x90: {  	_ =	swait.ge [sflag:s29], $0x1400  }
0x91: {  	[sflag:s29] =	ssyncset.done $0x0  }
0x92: {  	s3 =	sadd.s32 $0x140, s22;
	[sflag:s29] =	ssyncadd.s32 $0xFFFFEC00  }
0x93: {  	[tilespmem:s19], [sflag:$0x3] =	stream.indirect.gather [hbm4b:s4+s16], $0x80, s3, s16, $0xb8;
	[tilespmem:$0x1FF80] =	vst v63  }
0x94: {  	_ =	swait.ge [sflag:s30], $0x1400  }
0x95: {  	[sflag:s30] =	ssyncset.done $0x0  }
0x96: {  	s3 =	sadd.s32 $0x27F8, s22;
	[sflag:s30] =	ssyncadd.s32 $0xFFFFEC00  }
0x97: {  	[spmem:s2] =	stream.indirect.scatter.add.f32 [tilespmem:s21], [sflag:$0xA], $0x80, s3, s16, $0xb8;
	[tilespmem:$0x1FF80] =	vst v63  }
0x98: {  	_ =	swait.ge [sflag:s31], $0x1400  }
0x99: {  	[sflag:s31] =	ssyncset.done $0x0  }
0x9a: {  	s3 =	sadd.s32 $0x168, s22;
	[sflag:s31] =	ssyncadd.s32 $0xFFFFEC00  }
0x9b: {  	[tilespmem:s21], [sflag:$0x4] =	stream.indirect.gather [hbm4b:s4+s16], $0x80, s3, s16, $0xb8;
	[tilespmem:$0x1FF80] =	vst v63  }
0x9c: {  	_ =	swait.ge [sflag:s1], $0x1400  }
0x9d: {  	[sflag:s1] =	ssyncset.done $0x0  }
0x9e: {  	s3 =	sadd.s32 $0x2820, s22;
	[sflag:s1] =	ssyncadd.s32 $0xFFFFEC00  }
0x9f: {  	[spmem:s2] =	stream.indirect.scatter.add.f32 [tilespmem:s23], [sflag:$0xB], $0x80, s3, s16, $0xb8;
	[tilespmem:$0x1FF80] =	vst v63  }
0xa0: {  	_ =	swait.ge [sflag:s11], $0x1400  }
0xa1: {  	[sflag:s11] =	ssyncset.done $0x0  }
0xa2: {  	s3 =	sadd.s32 $0x190, s22;
	[sflag:s11] =	ssyncadd.s32 $0xFFFFEC00  }
0xa3: {  	[tilespmem:s23], [sflag:$0x5] =	stream.indirect.gather [hbm4b:s4+s16], $0x80, s3, s16, $0xb8;
	[tilespmem:$0x1FF80] =	vst v63  }
0xa4: {  	_ =	swait.ge [sflag:s18], $0x1400  }
0xa5: {  	[sflag:s18] =	ssyncset.done $0x0  }
.Ltmp5:
0xa6: {  	s3 =	sadd.s32 $0x2848, s22;
	[sflag:s18] =	ssyncadd.s32 $0xFFFFEC00;
	(pc) =	sbr.rel @p1 .LBB2_8-.Ltmp5, $4  }
0xa7: {  	[spmem:s2] =	stream.indirect.scatter.add.f32 [tilespmem:s25], [sflag:$0xC], $0x80, s3, s16, $0xb8;
	[tilespmem:$0x1FF80] =	vst v63  }
0xa8: {  	_ =	swait.ge [sflag:s20], $0x1400  }
0xa9: {  	[sflag:s20] =	ssyncset.done $0x0  }
0xaa: {  	s3 =	sadd.s32 $0x1B8, s22;
	[sflag:s20] =	ssyncadd.s32 $0xFFFFEC00  }
0xab: {  	[tilespmem:s25], [sflag:$0x6] =	stream.indirect.gather [hbm4b:s4+s16], $0x80, s3, s16, $0xb8;
	[tilespmem:$0x1FF80] =	vst v63  }
0xac: {  	_ =	swait.ge [sflag:s14], $0x1400  }
0xad: {  	[sflag:s14] =	ssyncset.done $0x0  }
0xae: {  	s6 =	simm.s32 $0x4D00;
	[sflag:s14] =	ssyncadd.s32 $0xFFFFEC00  }
0xaf: {  	[spmem:s2] =	stream.indirect.scatter.add.f32 [tilespmem:s12], [sflag:$0x7], $0x80, s6, s16, $0xb8;
	[tilespmem:$0x1FF80] =	vst v63  }
0xb0: {  	_ =	swait.ge [sflag:s13], $0x1400  }
0xb1: {  	[sflag:s13] =	ssyncset.done $0x0  }
0xb2: {  	s10 =	simm.s32 $0x2670;
	[sflag:s13] =	ssyncadd.s32 $0xFFFFEC00  }
0xb3: {  	[tilespmem:s12], [sflag:$0x1] =	stream.indirect.gather [hbm4b:s4+s16], $0x80, s10, s16, $0xb8;
	[tilespmem:$0x1FF80] =	vst v63  }
0xb4: {  	_ =	swait.ge [sflag:s15], $0x1400  }
0xb5: {  	[sflag:s15] =	ssyncset.done $0x0  }
0xb6: {  	s22 =	simm.s32 $0x4D28;
	[sflag:s15] =	ssyncadd.s32 $0xFFFFEC00  }
0xb7: {  	[spmem:s2] =	stream.indirect.scatter.add.f32 [tilespmem:s17], [sflag:$0x8], $0x80, s22, s16, $0xb8;
	[tilespmem:$0x1FF80] =	vst v63  }
0xb8: {  	_ =	swait.ge [sflag:s26], $0x1400  }
0xb9: {  	[sflag:s26] =	ssyncset.done $0x0  }
0xba: {  	s24 =	simm.s32 $0x2698;
	[sflag:s26] =	ssyncadd.s32 $0xFFFFEC00  }
0xbb: {  	[tilespmem:s17], [sflag:$0x2] =	stream.indirect.gather [hbm4b:s4+s16], $0x80, s24, s16, $0xb8;
	[tilespmem:$0x1FF80] =	vst v63  }
0xbc: {  	_ =	swait.ge [sflag:s28], $0x1400  }
0xbd: {  	[sflag:s28] =	ssyncset.done $0x0  }
0xbe: {  	s6 =	simm.s32 $0x4D50;
	[sflag:s28] =	ssyncadd.s32 $0xFFFFEC00  }
0xbf: {  	[spmem:s2] =	stream.indirect.scatter.add.f32 [tilespmem:s19], [sflag:$0x9], $0x80, s6, s16, $0xb8;
	[tilespmem:$0x1FF80] =	vst v63  }
0xc0: {  	_ =	swait.ge [sflag:s29], $0x1400  }
0xc1: {  	[sflag:s29] =	ssyncset.done $0x0  }
0xc2: {  	s10 =	simm.s32 $0x26C0;
	[sflag:s29] =	ssyncadd.s32 $0xFFFFEC00  }
0xc3: {  	[tilespmem:s19], [sflag:$0x3] =	stream.indirect.gather [hbm4b:s4+s16], $0x80, s10, s16, $0xb8;
	[tilespmem:$0x1FF80] =	vst v63  }
0xc4: {  	_ =	swait.ge [sflag:s30], $0x1400  }
0xc5: {  	[sflag:s30] =	ssyncset.done $0x0  }
0xc6: {  	s22 =	simm.s32 $0x4D78;
	[sflag:s30] =	ssyncadd.s32 $0xFFFFEC00  }
0xc7: {  	[spmem:s2] =	stream.indirect.scatter.add.f32 [tilespmem:s21], [sflag:$0xA], $0x80, s22, s16, $0xb8;
	[tilespmem:$0x1FF80] =	vst v63  }
0xc8: {  	_ =	swait.ge [sflag:s31], $0x1400  }
0xc9: {  	[sflag:s31] =	ssyncset.done $0x0  }
0xca: {  	s24 =	simm.s32 $0x26E8;
	[sflag:s31] =	ssyncadd.s32 $0xFFFFEC00  }
0xcb: {  	[tilespmem:s21], [sflag:$0x4] =	stream.indirect.gather [hbm4b:s4+s16], $0x80, s24, s16, $0xb8;
	[tilespmem:$0x1FF80] =	vst v63  }
0xcc: {  	_ =	swait.ge [sflag:s1], $0x1400  }
0xcd: {  	[sflag:s1] =	ssyncset.done $0x0  }
0xce: {  	s6 =	simm.s32 $0x4DA0;
	[sflag:s1] =	ssyncadd.s32 $0xFFFFEC00  }
0xcf: {  	[spmem:s2] =	stream.indirect.scatter.add.f32 [tilespmem:s23], [sflag:$0xB], $0x80, s6, s16, $0xb8;
	[tilespmem:$0x1FF80] =	vst v63  }
0xd0: {  	_ =	swait.ge [sflag:s18], $0x1400  }
0xd1: {  	[sflag:s18] =	ssyncset.done $0x0  }
0xd2: {  	s10 =	simm.s32 $0x4DC8;
	[sflag:s18] =	ssyncadd.s32 $0xFFFFEC00  }
0xd3: {  	[spmem:s2] =	stream.indirect.scatter.add.f32 [tilespmem:s25], [sflag:$0xC], $0x80, s10, s16, $0xb8;
	[tilespmem:$0x1FF80] =	vst v63  }
0xd4: {  	_ =	swait.ge [sflag:s14], $0x1400  }
0xd5: {  	[sflag:s14] =	ssyncset.done $0x0  }
0xd6: {  	s22 =	simm.s32 $0x4DF0;
	[sflag:s14] =	ssyncadd.s32 $0xFFFFEC00  }
0xd7: {  	[spmem:s2] =	stream.indirect.scatter.add.f32 [tilespmem:s12], [sflag:$0x7], $0x80, s22, s16, $0xb8;
	[tilespmem:$0x1FF80] =	vst v63  }
0xd8: {  	_ =	swait.ge [sflag:s15], $0x1400  }
0xd9: {  	[sflag:s15] =	ssyncset.done $0x0  }
0xda: {  	s24 =	simm.s32 $0x4E18;
	[sflag:s15] =	ssyncadd.s32 $0xFFFFEC00  }
0xdb: {  	[spmem:s2] =	stream.indirect.scatter.add.f32 [tilespmem:s17], [sflag:$0x8], $0x80, s24, s16, $0xb8;
	[tilespmem:$0x1FF80] =	vst v63  }
0xdc: {  	_ =	swait.ge [sflag:s28], $0x1400  }
0xdd: {  	[sflag:s28] =	ssyncset.done $0x0  }
0xde: {  	s6 =	simm.s32 $0x4E40;
	[sflag:s28] =	ssyncadd.s32 $0xFFFFEC00  }
0xdf: {  	[spmem:s2] =	stream.indirect.scatter.add.f32 [tilespmem:s19], [sflag:$0x9], $0x80, s6, s16, $0xb8;
	[tilespmem:$0x1FF80] =	vst v63  }
0xe0: {  	_ =	swait.ge [sflag:s30], $0x1400  }
0xe1: {  	[sflag:s30] =	ssyncset.done $0x0  }
0xe2: {  	s10 =	simm.s32 $0x4E68;
	[sflag:s30] =	ssyncadd.s32 $0xFFFFEC00  }
0xe3: {  	[spmem:s2] =	stream.indirect.scatter.add.f32 [tilespmem:s21], [sflag:$0xA], $0x80, s10, s16, $0xb8;
	[tilespmem:$0x1FF80] =	vst v63  }
0xe4: {  	_ =	swait.ge [sflag:s13], $0x1400  }
0xe5: {  	[sflag:s13] =	ssyncset.done $0x0  }
0xe6: {  	[sflag:s13] =	ssyncadd.s32 $0xFFFFEC00  }
0xe7: {  	_ =	swait.ge [sflag:s26], $0x1400  }
0xe8: {  	[sflag:s26] =	ssyncset.done $0x0  }
0xe9: {  	[sflag:s26] =	ssyncadd.s32 $0xFFFFEC00  }
0xea: {  	_ =	swait.ge [sflag:s29], $0x1400  }
0xeb: {  	[sflag:s29] =	ssyncset.done $0x0  }
0xec: {  	[sflag:s29] =	ssyncadd.s32 $0xFFFFEC00  }
0xed: {  	_ =	swait.ge [sflag:s31], $0x1400  }
0xee: {  	[sflag:s31] =	ssyncset.done $0x0  }
0xef: {  	[sflag:s31] =	ssyncadd.s32 $0xFFFFEC00  }
0xf0: {  	_ =	swait.ge [sflag:s11], $0x1400  }
0xf1: {  	[sflag:s11] =	ssyncset.done $0x0  }
0xf2: {  	[sflag:s11] =	ssyncadd.s32 $0xFFFFEC00  }
0xf3: {  	_ =	swait.ge [sflag:s20], $0x1400  }
.Ltmp6:
0xf4: {  	s22 =	stileid.u32;
	[sflag:s20] =	ssyncset.done $0x0;
	(pc) =	sbr.rel @!p0 .LBB2_11-.Ltmp6, $4  }
0xf5: {  	s3 =	sshll.u32 s22, $0x6;
	[sflag:s20] =	ssyncadd.s32 $0xFFFFEC00  }
0xf6: {  	s22 =	sor.u32 $0x1C07, s3;
	s24 =	sshrl.u32 s9, $0x3;
	[bflag:$0x0] =	sbarrier.arrive $0xFFFF  }
0xf7: {  	[hbm:s5], [sflag:s22] =	dma.local [spmem:s24], $0x280  }
0xf8: {  	s3 =	sadd.s32 $0x14000, s9;
	s10 =	smov.u32 s5;
	s24 =	sadd.s32 $0xFFFFFFFF, s7  }
.LBB2_10:
0xf9: {  	p1 =	sne.s32 s24, $0x1;
	s24 =	sadd.s32 $0xFFFFFFFF, s24  }
.Ltmp7:
0xfa: {  	s6 =	sshrl.u32 s3, $0x3;
	s10 =	sadd.s32 $0x2800, s10;
	(pc) =	sbr.rel @p1 .LBB2_10-.Ltmp7, $3  }
0xfb: {  	[hbm:s10], [sflag:s22] =	dma.local [spmem:s6], $0x280  }
0xfc: {  	_ =	sdelay $0x1  }
0xfd: {  	s3 =	sadd.s32 $0x14000, s3  }
.LBB2_11:
.Ltmp8:
0xfe: {  	(pc) =	sbr.rel @!p0 .LBB2_13-.Ltmp8, $3  }
0xff: {  	_ =	sdelay $0x1  }
0x100: {  	_ =	swait.ge [sflag:s13], $0x280  }
0x101: {  	s3 =	sadd.s32 $0xFFFFFFFF, s7;
	[sflag:s13] =	ssyncset.done $0x0  }
.LBB2_12:
0x102: {  	p0 =	sne.s32 s3, $0x1;
	s3 =	sadd.s32 $0xFFFFFFFF, s3;
	[sflag:s13] =	ssyncadd.s32 $0xFFFFFD80  }
.Ltmp9:
0x103: {  	(pc) =	sbr.rel @p0 .LBB2_12-.Ltmp9, $3  }
0x104: {  	_ =	sdelay $0x1  }
0x105: {  	_ =	swait.ge [sflag:s13], $0x280  }
0x106: {  	[sflag:s13] =	ssyncset.done $0x0  }
.LBB2_13:
0x107: {  	s0 =	sadd.s32 $0x1, s0  }
0x108: {  	p0 =	sne.s32 s0, s8  }
.Ltmp10:
0x109: {  	_ = 	snop;
	(pc) =	sbr.rel @p0 .LBB2_1-.Ltmp10, $2  }
0x10a: {  	_ =	sdelay $0x2  }
0x10b: {  	[sflag:s13] =	ssyncadd.s32 $0xFFFFFD80  }
0x10c: {  	_ =	sfence.sel $0x180000  }
0x10d: {  	[bflag:$0x0] =	sbarrier.arrive $0xFFFF  }
0x10e: {  	_ =	strace $0x90000047  }
0x10f: {  	s0 =	stileid.u32;
	[bflag:$0x2] =	sbarrier.arrive $0xFFFF  }
0x110: {  	p0 =	sne.s32 s0, $0x0;
	s0 =	rddreg [dreg:$0x2]  }
0x111: {  	s0 =	sadd.s32 @!p0 $0x100000, s0  }
0x112: {  	[sflag:s0] =	ssyncadd.tile.s32 @!p0 $0x1;
	_ =	shalt  }
.Lfunc_end2:
_tile_overlayer_lowered:
.L_overlay_start_2:
0x113: {  	(tag) =	ssettag $0x2  }
0x114: {  	s0 =	rddreg [dreg:$0x0];
	s2 =	stileid.u32  }
0x115: {  	s1 =	rddreg [dreg:$0x1];
	p0 =	sne.s32 s2, $0x0  }
0x116: {  	s3 =	rddreg [dreg:$0x2];
	[bflag:$0x3] =	sbarrier.arrive $0xFFFF;
	s2 =	simm.s32 @!p0 $0x1C0D  }
0x117: {  	[timem:s3], [sflag:s2] =	dma.local @!p0 [hbm:s0], s1  }
0x118: {  	s0 =	simm.s32 @!p0 $0xD  }
0x119: {  	_ =	swait.ge @!p0 [sflag:s0], s1  }
0x11a: {  	s1 =	ssub.s32 @!p0 $0x0, s1;
	[sflag:s0] =	ssyncset.done @!p0 $0x0  }
0x11b: {  	[sflag:s0] =	ssyncadd.s32 @!p0 s1  }
0x11c: {  	[bflag:$0x3] =	sbarrier.arrive $0xFFFF  }
0x11d: {  	_ =	shalt  }

// kernel: kernel.13.cloned.1.call-start
scs
__scs_entry_jumppad:
0x0: {  	(pc) =	sbr.rel $0x88, $3  }
0x1: {  	(tag) =	ssettag $0x0;
	lr =	simm.s32 $0x1  }
0x2: {  	[smem:$0x3F93] =	sst lr;
	_ =	strace $0xD0000000  }
0x3: {  	_ = 	snop  }
0x4: {  	_ = 	snop  }
0x5: {  	_ = 	snop  }
0x6: {  	_ = 	snop  }
0x7: {  	_ = 	snop  }
__scs_overlays_trampoline_lowered:
0x8: {  	[smem:$0x3FA2] =	sst s0  }
0x9: {  	[smem:$0x3FA3] =	sst s1  }
0xa: {  	[smem:$0x3FA4] =	sst s2  }
0xb: {  	[smem:$0x3FA5] =	sst s3  }
0xc: {  	[smem:$0x3FA6] =	sst s4  }
0xd: {  	[smem:$0x3FA7] =	sst s5  }
0xe: {  	[smem:$0x3FA8] =	sst s6  }
0xf: {  	[smem:$0x3FA9] =	sst s7  }
0x10: {  	[smem:$0x3FAA] =	sst s8  }
0x11: {  	[smem:$0x3FAB] =	sst s9;
	s0 =	simm.s32 @!p0 $0x0  }
0x12: {  	s1 =	sld [smem:$0x3F91];
	s0 =	simm.s32 @p0 $0x1  }
0x13: {  	[smem:$0x3FAC] =	sst s0;
	s0 =	simm.s32 @!p1 $0x0  }
0x14: {  	s2 =	sld [smem:$0x3F90];
	s0 =	simm.s32 @p1 $0x1  }
0x15: {  	[smem:$0x3FAD] =	sst s0;
	s0 =	simm.s32 @!p2 $0x0  }
0x16: {  	s3 =	sld [smem:$0x3FDB];
	s0 =	simm.s32 @p2 $0x1  }
0x17: {  	s4 =	simm.s32 $0x1BF5;
	[smem:$0x3FAF] =	sst s0  }
0x18: {  	s0 =	sld [smem:$0x3F92];
	_ =	swait.ge [sflag:s4], $0x0  }
0x19: {  	s7 =	sld [smem:$0x3F93]  }
0x1a: {  	s8 =	sadd.s32 $0xFFFFE003, lr  }
0x1b: {  	s9 =	sadd.s32 $0xFFFFFEF7, lr;
	s5 =	simm.s32 $0xFFFFFFFF;
	p2 =	slt.u32 s8, $0xFFFFF086  }
0x1c: {  	p1 =	slt.u32 s9, $0xF7A;
	s5 =	simm.s32 @!p2 $0x0  }
0x1d: {  	s5 =	simm.s32 @p1 $0x1;
	p0 =	seq.s32 s7, s2  }
0x1e: {  	s7 =	smul.u32 @!p0 $0xF7A, s2;
	p2 =	seq.s32 @!p0 s5, $0x0  }
0x1f: {  	s9 =	smul.u32 $0xF7A, s1;
	s8 =	simm.s32 @!p0 $0x1BF5;
	p2 =	por !p2, p0  }
0x20: {  	[sflag:s8] =	ssyncset.s32 @!p0 $0xFFFFF086;
	s6 =	sadd.s32 @!p0 s3, s7;
	s7 =	simm.s32 @!p0 $0x108  }
0x21: {  	s3 =	sadd.s32 s3, s9;
	s6 =	sadd.s32 @!p0 $0x88, s6;
	s7 =	simm.s32 @p2 $0x1082  }
0x22: {  	[simem:s7], [sflag:s8] =	dma.local @!p0 [hbm:s6], $0xF7A  }
0x23: {  	s9 =	sor.u32 $0xD0000000, s2;
	s6 =	simm.s32 $0x108;
	_ =	swait.ge @!p0 [sflag:s8], $0x0  }
0x24: {  	s3 =	sadd.s32 $0x88, s3;
	s6 =	simm.s32 @!p1 $0x1082;
	[sflag:s4] =	ssyncset.s32 $0xFFFFF086  }
0x25: {  	[simem:s6], [sflag:s4] =	dma.local [hbm:s3], $0xF7A  }
0x26: {  	[smem:$0x3F93] =	sst s1;
	(tag) =	ssettag s2;
	_ =	strace s9  }
0x27: {  	s1 =	sld [smem:$0x3FA3]  }
0x28: {  	s2 =	sld [smem:$0x3FA4]  }
0x29: {  	s4 =	sld [smem:$0x3FA6]  }
0x2a: {  	p0 =	seq.s32 s5, $0x0;
	s5 =	sld [smem:$0x3FA7]  }
0x2b: {  	s6 =	sld [smem:$0x3FA8]  }
0x2c: {  	s7 =	sld [smem:$0x3FA9]  }
0x2d: {  	s3 =	simm.s32 $0x108;
	s8 =	sld [smem:$0x3FAA]  }
0x2e: {  	s3 =	simm.s32 @!p0 $0x1082;
	s9 =	sld [smem:$0x3FAB]  }
0x2f: {  	lr =	sadd.s32 s0, s3;
	s0 =	sld [smem:$0x3FA2]  }
0x30: {  	s3 =	sld [smem:$0x3FA5]  }
0x31: {  	[smem:$0x3FAE] =	sst s10  }
0x32: {  	s10 =	sld [smem:$0x3FAC];
	_ =	sdelay $0x3  }
0x33: {  	p0 =	seq.s32 s10, $0x1;
	s10 =	sld [smem:$0x3FAE];
	_ =	sdelay $0x3  }
0x34: {  	[smem:$0x3FAE] =	sst s10  }
0x35: {  	s10 =	sld [smem:$0x3FAD];
	_ =	sdelay $0x3  }
0x36: {  	p1 =	seq.s32 s10, $0x1;
	s10 =	sld [smem:$0x3FAE];
	_ =	sdelay $0x3  }
0x37: {  	[smem:$0x3FAE] =	sst s10  }
0x38: {  	s10 =	sld [smem:$0x3FAF]  }
0x39: {  	_ = 	snop;
	(pc) =	sbr.ind lr, $3  }
0x3a: {  	_ = 	snop  }
0x3b: {  	_ = 	snop  }
0x3c: {  	p2 =	seq.s32 s10, $0x1;
	s10 =	sld [smem:$0x3FAE]  }
0x3d: {  	_ =	shalt  }
0x3e: {  	_ =	shalt  }
0x3f: {  	_ =	shalt  }
0x40: {  	_ =	shalt  }
0x41: {  	_ =	shalt  }
0x42: {  	_ =	shalt  }
0x43: {  	_ =	shalt  }
0x44: {  	_ =	shalt  }
0x45: {  	_ =	shalt  }
0x46: {  	_ =	shalt  }
0x47: {  	_ =	shalt  }
0x48: {  	_ =	shalt  }
0x49: {  	_ =	shalt  }
0x4a: {  	_ =	shalt  }
0x4b: {  	_ =	shalt  }
0x4c: {  	_ =	shalt  }
0x4d: {  	_ =	shalt  }
0x4e: {  	_ =	shalt  }
0x4f: {  	_ =	shalt  }
0x50: {  	_ =	shalt  }
0x51: {  	_ =	shalt  }
0x52: {  	_ =	shalt  }
0x53: {  	_ =	shalt  }
0x54: {  	_ =	shalt  }
0x55: {  	_ =	shalt  }
0x56: {  	_ =	shalt  }
0x57: {  	_ =	shalt  }
0x58: {  	_ =	shalt  }
0x59: {  	_ =	shalt  }
0x5a: {  	_ =	shalt  }
0x5b: {  	_ =	shalt  }
0x5c: {  	_ =	shalt  }
0x5d: {  	_ =	shalt  }
0x5e: {  	_ =	shalt  }
0x5f: {  	_ =	shalt  }
0x60: {  	_ =	shalt  }
0x61: {  	_ =	shalt  }
0x62: {  	_ =	shalt  }
0x63: {  	_ =	shalt  }
0x64: {  	_ =	shalt  }
0x65: {  	_ =	shalt  }
0x66: {  	_ =	shalt  }
0x67: {  	_ =	shalt  }
0x68: {  	_ =	shalt  }
0x69: {  	_ =	shalt  }
0x6a: {  	_ =	shalt  }
0x6b: {  	_ =	shalt  }
0x6c: {  	_ =	shalt  }
0x6d: {  	_ =	shalt  }
0x6e: {  	_ =	shalt  }
0x6f: {  	_ =	shalt  }
0x70: {  	_ =	shalt  }
0x71: {  	_ =	shalt  }
0x72: {  	_ =	shalt  }
0x73: {  	_ =	shalt  }
0x74: {  	_ =	shalt  }
0x75: {  	_ =	shalt  }
0x76: {  	_ =	shalt  }
0x77: {  	_ =	shalt  }
0x78: {  	_ =	shalt  }
0x79: {  	_ =	shalt  }
0x7a: {  	_ =	shalt  }
0x7b: {  	_ =	shalt  }
0x7c: {  	_ =	shalt  }
0x7d: {  	_ =	shalt  }
0x7e: {  	_ =	shalt  }
0x7f: {  	_ =	shalt  }
0x80: {  	_ =	shalt  }
0x81: {  	_ =	shalt  }
0x82: {  	_ =	shalt  }
0x83: {  	_ =	shalt  }
0x84: {  	_ =	shalt  }
0x85: {  	_ =	shalt  }
0x86: {  	_ =	shalt  }
0x87: {  	_ =	shalt  }
.Lfunc_end0:
.L_simem_size_0:
called_computation.1_lowered:
.L_overlay_start_0:
0x88: {  	s2 =	sld [smem:$0x3FD9]  }
0x89: {  	s3 =	sld [smem:$0x3FFE];
	_ =	sdelay $0x1  }
0x8a: {  	s1 =	srdreg.scid  }
0x8b: {  	s0 =	sand.u32 $0x1, s1  }
0x8c: {  	s16 =	sshll.u32 s0, $0xA;
	s2 =	sadd.s32 s3, s2  }
0x8d: {  	s2 =	sadd.s32 s2, s16  }
0x8e: {  	[smem:$0x3FBA] =	sst s2  }
0x8f: {  	_ = 	snop  }
0x90: {  	(tm) =	ssettm $0x1  }
0x91: {  	s17 =	sld [smem:$0x3FFB];
	_ =	sdelay $0x3  }
0x92: {  	_ =	strace s17  }
0x93: {  	s2 =	sld [smem:$0x3FFC];
	_ =	sdelay $0x3  }
0x94: {  	_ =	strace s2  }
0x95: {  	s2 =	sld [smem:$0x3FFD];
	_ =	sdelay $0x3  }
0x96: {  	_ =	strace s2  }
0x97: {  	_ =	strace $0x8FFFFFFF  }
0x98: {  	s18 =	sld [smem:$0x3FDB];
	_ =	sdelay $0x1  }
0x99: {  	s19 =	simm.s32 $_scs_section_size  }
0x9a: {  	s4 =	simm.s32 $_size__tile_overlayer_lowered;
	s5 =	simm.s32 $_tile_overlayer_lowered  }
0x9b: {  	s22 =	simm.s32 $0x1BFF;
	s21 =	sshll.u32 s5, $0x1;
	s2 =	sadd.s32 s19, s18  }
0x9c: {  	s6 =	simm.s32 $0x0;
	s20 =	sshll.u32 s4, $0x1;
	s4 =	sadd.s32 s21, s2  }
0x9d: {  	[timem:s6], [sflag:s22] =	dma.local [hbm:s4], s20  }
0x9e: {  	_ =	swait.ge [sflag:s22], s20  }
0x9f: {  	s3 =	ssub.s32 $0x0, s20;
	[sflag:s22] =	ssyncset.done $0x0  }
0xa0: {  	[sflag:s22] =	ssyncadd.s32 s3;
	_ =	sdelay $0x1  }
0xa1: {  	s23 =	simm.s32 $0x1B8B  }
0xa2: {  	_ =	swait.ge [sflag:s23], $0x1  }
0xa3: {  	[sflag:s23] =	ssyncset.done $0x0  }
0xa4: {  	s25 =	simm.s32 $0x1B8E;
	s24 =	sld [smem:$0x3FFE];
	[sflag:s23] =	ssyncadd.s32 $0xFFFFFFFF  }
0xa5: {  	s26 =	simm.s32 $execute0_lowered;
	[smem:$0x3FD2] =	sst s25  }
0xa6: {  	s4 =	sshll.u32 s26, $0x1;
	_ =	strace $0x80000049;
	[dreg:$0x1] =	wrdreg $0xFFFFFFFF  }
0xa7: {  	s28 =	simm.s32 $_size_execute0_lowered;
	s2 =	sadd.s32 s2, s4;
	[dreg:$0x0] =	wrdreg $0x0  }
0xa8: {  	s4 =	sshll.u32 s28, $0x1;
	[dreg:$0x2] =	wrdreg s2  }
0xa9: {  	[dreg:$0x3] =	wrdreg s4  }
0xaa: {  	[dreg:$0x4] =	wrdreg $0xC0  }
0xab: {  	_ =	task [dreg:s6], $0x5FFFF  }
0xac: {  	[dreg:$0x1] =	wrdreg $0xFFFFFFFF  }
0xad: {  	[dreg:$0x0] =	wrdreg $0x60  }
0xae: {  	[dreg:$0x2] =	wrdreg s24  }
0xaf: {  	[dreg:$0x3] =	wrdreg $0xC7000  }
0xb0: {  	[dreg:$0x4] =	wrdreg $0x9  }
0xb1: {  	_ =	task.clear_ibuf [dreg:s6], $0x5FFFF;
	_ =	strace $0x90000049  }
0xb2: {  	s29 =	simm.s32 $0x9;
	_ =	strace $0x8000004B  }
0xb3: {  	_ =	swait.ge [sflag:s29], $0x1  }
0xb4: {  	[sflag:s29] =	ssyncadd.s32 $0xFFFFFFFF  }
0xb5: {  	_ =	strace $0x9000004B  }
0xb6: {  	_ =	sfence  }
0xb7: {  	s30 =	sld [smem:$0x0];
	_ =	sdelay $0x2  }
0xb8: {  	s31 =	sshll.u32 s1, $0xD;
	s1 =	sshrl.u32 s1, $0x2  }
0xb9: {  	s3 =	sand.u32 $0x4000, s31;
	s1 =	sadd.s32 s1, s30  }
0xba: {  	s0 =	sor.u32 s3, s0;
	s1 =	sshll.u32 s1, $0x11  }
0xbb: {  	s0 =	sor.u32 s1, s0  }
0xbc: {  	s0 =	sadd.s32 $0x8F2B, s0  }
0xbd: {  	[sflag:s0] =	ssyncadd.remote.s32 $0x1  }
0xbe: {  	_ =	sfence.sel $0xFFFF  }
0xbf: {  	[dreg:$0x0] =	wrdreg $0xFFFFFFFF;
	(pc) =	sbr.abs _section_cstart, $3  }
0xc0: {  	[dreg:$0x1] =	wrdreg $0xFFFFFFFF  }
0xc1: {  	_ =	task.clear_ibuf [dreg:s6], $0x2FFFF;
	_ =	strace $0x9FFFFFFF  }
0xc2: {  	(tm) =	ssettm $0x7FFFFFFF  }
0xc3: {  	_ =	shalt  }
tec
execute0_lowered:
.L_overlay_start_1:
0x0: {  	(tag) =	ssettag $0x1  }
0x1: {  	s0 =	srdreg.scid  }
0x2: {  	s1 =	rddreg [dreg:$0x0];
	s7 =	stileid.u32  }
0x3: {  	s2 =	rddreg [dreg:$0x1];
	s4 =	simm.s32 $0x0;
	s12 =	simm.s32 $0x4F00  }
0x4: {  	s13 =	simm.s32 $0x7;
	s14 =	simm.s32 $0x1;
	s15 =	simm.s32 $0x2  }
0x5: {  	s16 =	simm.s32 $0x28;
	s17 =	simm.s32 $0x6300;
	s19 =	simm.s32 $0x7700  }
0x6: {  	s21 =	simm.s32 $0x8B00;
	s28 =	simm.s32 $0x3;
	s29 =	simm.s32 $0x9  }
0x7: {  	s30 =	simm.s32 $0x4;
	s31 =	simm.s32 $0xA;
	s11 =	simm.s32 $0xB  }
0x8: {  	s18 =	simm.s32 $0x6;
	s20 =	simm.s32 $0xC;
	s0 =	sand.u32 $0x1, s0  }
0x9: {  	[smem:$0x7FF] =	sst s4;
	s4 =	sadd.s32 $0x3400, s1;
	s23 =	smul.u32 $0x5000, s7  }
0xa: {  	s24 =	smul.u32 $0x280, s7;
	s25 =	ssub.s32 $0x109, s7;
	s3 =	sshll.u32 s0, $0x4  }
0xb: {  	s5 =	smul.u32 $0x27100, s0;
	s0 =	ssub.s32 $0x2, s0;
	s3 =	sor.u32 s7, s3  }
0xc: {  	_ =	strace $0x8000004A;
	s6 =	sshrl.u32 s0, $0x1;
	s3 =	smul.u32 $0x4E2, s3  }
0xd: {  	s7 =	sshrl.u32 s25, $0x4;
	s26 =	sshrl.u32 s23, $0x2;
	s23 =	simm.s32 $0x9F00  }
0xe: {  	s25 =	simm.s32 $0xB300;
	s0 =	ssub.s32 s0, s6;
	s3 =	sadd.s32 s3, s1  }
0xf: {  	s9 =	sadd.s32 s26, s2;
	s26 =	simm.s32 $0x8;
	s8 =	sadd.s32 $0x189E00, s3  }
0x10: {  	s1 =	sadd.s32 s5, s1;
	s3 =	sadd.s32 $0x193C00, s3;
	[dreg:$0x3] =	wrdreg s8  }
0x11: {  	s1 =	sadd.s32 s24, s1;
	[dreg:$0x4] =	wrdreg s3;
	s8 =	smax.u32 s0, $0x1  }
0x12: {  	v0 =	vimm.f32 $0.0e+00;
	s5 =	sadd.s32 $0x1C4C00, s1;
	s1 =	simm.s32 $0x5;
	s0 =	simm.s32 $0x0  }
.LBB2_1:
0x13: {  	s22 =	simm.s32 $0x70;
	s24 =	simm.s32 $0x3C0  }
.LBB2_2:
0x14: {  	p0 =	sne.s32 s24, $0x4FC0;
	[tilespmem:s22+$0x4F00] =	vst v0  }
0x15: {  	[tilespmem:s22+$0x4E90] =	vst v0  }
0x16: {  	[tilespmem:s22+$0x4EA0] =	vst v0  }
.Ltmp0:
0x17: {  	[tilespmem:s22+$0x4EB0] =	vst v0;
	(pc) =	sbr.rel @p0 .LBB2_2-.Ltmp0, $4  }
0x18: {  	[tilespmem:s22+$0x4EC0] =	vst v0  }
0x19: {  	[tilespmem:s22+$0x4ED0] =	vst v0  }
0x1a: {  	[tilespmem:s22+$0x4EE0] =	vst v0  }
0x1b: {  	[tilespmem:s22+$0x4EF0] =	vst v0;
	s22 =	sshra.s32 s24, $0x2;
	s24 =	sadd.s32 $0x200, s24  }
0x1c: {  	[tilespmem:s22+$0x4F00] =	vst v0  }
0x1d: {  	[tilespmem:s22+$0x4E90] =	vst v0  }
0x1e: {  	[tilespmem:s22+$0x4EA0] =	vst v0  }
0x1f: {  	[tilespmem:s22+$0x4EB0] =	vst v0  }
0x20: {  	[tilespmem:s22+$0x4EC0] =	vst v0  }
0x21: {  	[tilespmem:s22+$0x4ED0] =	vst v0  }
0x22: {  	[tilespmem:s22+$0x4EE0] =	vst v0  }
0x23: {  	[tilespmem:s22+$0x4EF0] =	vst v0;
	s3 =	simm.s32 $0x0;
	s6 =	rddreg [dreg:$0x3];
	p0 =	sne.s32 s7, $0x1  }
0x24: {  	[tilespmem:s3], [sflag:$0x1] =	stream.linear.gather [hbm4b:s6+s3], $0x2710, $0x38;
	[tilespmem:$0x1FF80] =	vst v63  }
.Ltmp1:
0x25: {  	_ = 	snop;
	(pc) =	sbr.rel @!p0 .LBB2_5-.Ltmp1, $4  }
0x26: {  	s24 =	rddreg [dreg:$0x4];
	s10 =	simm.s32 $0x2780  }
0x27: {  	[tilespmem:s10], [sflag:$0x2] =	stream.linear.gather [hbm4b:s24+s3], $0x2710, $0x38;
	[tilespmem:$0x1FF80] =	vst v63  }
0x28: {  	s3 =	sadd.s32 $0xFFFFFFFF, s7;
	s10 =	smov.u32 s9  }
0x29: {  	[spmem:s9] =	stream.linear.scatter [tilespmem:s12], [sflag:$0x7], $0x1400, $0x38;
	[tilespmem:$0x1FF80] =	vst v63  }
.LBB2_4:
0x2a: {  	p1 =	sne.s32 s3, $0x1  }
.Ltmp2:
0x2b: {  	_ = 	snop;
	(pc) =	sbr.rel @p1 .LBB2_4-.Ltmp2, $3  }
0x2c: {  	_ = 	snop  }
0x2d: {  	s3 =	sadd.s32 $0xFFFFFFFF, s3;
	s10 =	sadd.s32 $0x14000, s10;
	_ =	sdelay $0x1  }
0x2e: {  	[spmem:s10] =	stream.linear.scatter [tilespmem:s12], [sflag:$0x7], $0x1400, $0x38;
	[tilespmem:$0x1FF80] =	vst v63  }
.LBB2_5:
.Ltmp3:
0x2f: {  	(pc) =	sbr.rel @!p0 .LBB2_7-.Ltmp3, $3  }
0x30: {  	_ =	sdelay $0x1  }
0x31: {  	_ =	swait.ge [sflag:s13], $0x1400  }
0x32: {  	s3 =	sadd.s32 $0xFFFFFFFF, s7;
	[sflag:s13] =	ssyncset.done $0x0  }
.LBB2_6:
0x33: {  	p1 =	sne.s32 s3, $0x1;
	s3 =	sadd.s32 $0xFFFFFFFF, s3;
	[sflag:s13] =	ssyncadd.s32 $0xFFFFEC00  }
.Ltmp4:
0x34: {  	(pc) =	sbr.rel @p1 .LBB2_6-.Ltmp4, $3  }
0x35: {  	_ =	sdelay $0x1  }
0x36: {  	_ =	swait.ge [sflag:s13], $0x1400  }
0x37: {  	[sflag:s13] =	ssyncset.done $0x0  }
.LBB2_7:
0x38: {  	[sflag:s13] =	ssyncadd.s32 $0xFFFFEC00  }
0x39: {  	_ =	swait.ge [sflag:s14], $0x2710  }
0x3a: {  	[sflag:s14] =	ssyncset.done $0x0  }
0x3b: {  	[sflag:s14] =	ssyncadd.s32 $0xFFFFD8F0  }
0x3c: {  	_ =	swait.ge [sflag:s15], $0x2710  }
0x3d: {  	[sflag:s15] =	ssyncset.done $0x0  }
0x3e: {  	[sflag:s15] =	ssyncadd.s32 $0xFFFFD8F0  }
0x3f: {  	s3 =	simm.s32 $0x0;
	[bflag:$0x0] =	sbarrier.arrive $0xFFFF  }
0x40: {  	[tilespmem:s12], [sflag:$0x1] =	stream.indirect.gather [hbm4b:s4+s16], $0x80, s3, s16, $0xb8;
	[tilespmem:$0x1FF80] =	vst v63  }
0x41: {  	_ = 	snop  }
0x42: {  	[tilespmem:s17], [sflag:$0x2] =	stream.indirect.gather [hbm4b:s4+s16], $0x80, s16, s16, $0xb8;
	[tilespmem:$0x1FF80] =	vst v63  }
0x43: {  	s10 =	simm.s32 $0x50  }
0x44: {  	[tilespmem:s19], [sflag:$0x3] =	stream.indirect.gather [hbm4b:s4+s16], $0x80, s10, s16, $0xb8;
	[tilespmem:$0x1FF80] =	vst v63  }
0x45: {  	s22 =	simm.s32 $0x78  }
0x46: {  	[tilespmem:s21], [sflag:$0x4] =	stream.indirect.gather [hbm4b:s4+s16], $0x80, s22, s16, $0xb8;
	[tilespmem:$0x1FF80] =	vst v63  }
0x47: {  	s24 =	simm.s32 $0xA0  }
0x48: {  	[tilespmem:s23], [sflag:$0x5] =	stream.indirect.gather [hbm4b:s4+s16], $0x80, s24, s16, $0xb8;
	[tilespmem:$0x1FF80] =	vst v63  }
0x49: {  	s6 =	simm.s32 $0xC8  }
0x4a: {  	[tilespmem:s25], [sflag:$0x6] =	stream.indirect.gather [hbm4b:s4+s16], $0x80, s6, s16, $0xb8;
	[tilespmem:$0x1FF80] =	vst v63  }
0x4b: {  	_ =	swait.ge [sflag:s14], $0x1400  }
0x4c: {  	[sflag:s14] =	ssyncset.done $0x0  }
0x4d: {  	s10 =	simm.s32 $0x2780;
	[sflag:s14] =	ssyncadd.s32 $0xFFFFEC00  }
0x4e: {  	[spmem:s2] =	stream.indirect.scatter.add.f32 [tilespmem:s12], [sflag:$0x7], $0x80, s10, s16, $0xb8;
	[tilespmem:$0x1FF80] =	vst v63  }
0x4f: {  	_ =	swait.ge [sflag:s13], $0x1400  }
0x50: {  	[sflag:s13] =	ssyncset.done $0x0  }
0x51: {  	s22 =	simm.s32 $0xF0;
	[sflag:s13] =	ssyncadd.s32 $0xFFFFEC00  }
0x52: {  	[tilespmem:s12], [sflag:$0x1] =	stream.indirect.gather [hbm4b:s4+s16], $0x80, s22, s16, $0xb8;
	[tilespmem:$0x1FF80] =	vst v63  }
0x53: {  	_ =	swait.ge [sflag:s15], $0x1400  }
0x54: {  	[sflag:s15] =	ssyncset.done $0x0  }
0x55: {  	s24 =	simm.s32 $0x27A8;
	[sflag:s15] =	ssyncadd.s32 $0xFFFFEC00  }
0x56: {  	[spmem:s2] =	stream.indirect.scatter.add.f32 [tilespmem:s17], [sflag:$0x8], $0x80, s24, s16, $0xb8;
	[tilespmem:$0x1FF80] =	vst v63  }
0x57: {  	_ =	swait.ge [sflag:s26], $0x1400  }
0x58: {  	[sflag:s26] =	ssyncset.done $0x0  }
0x59: {  	s6 =	simm.s32 $0x118;
	[sflag:s26] =	ssyncadd.s32 $0xFFFFEC00  }
0x5a: {  	[tilespmem:s17], [sflag:$0x2] =	stream.indirect.gather [hbm4b:s4+s16], $0x80, s6, s16, $0xb8;
	[tilespmem:$0x1FF80] =	vst v63  }
0x5b: {  	_ =	swait.ge [sflag:s28], $0x1400  }
0x5c: {  	[sflag:s28] =	ssyncset.done $0x0  }
0x5d: {  	s10 =	simm.s32 $0x27D0;
	[sflag:s28] =	ssyncadd.s32 $0xFFFFEC00  }
0x5e: {  	[spmem:s2] =	stream.indirect.scatter.add.f32 [tilespmem:s19], [sflag:$0x9], $0x80, s10, s16, $0xb8;
	[tilespmem:$0x1FF80] =	vst v63  }
0x5f: {  	_ =	swait.ge [sflag:s29], $0x1400  }
0x60: {  	[sflag:s29] =	ssyncset.done $0x0  }
0x61: {  	s22 =	simm.s32 $0x140;
	[sflag:s29] =	ssyncadd.s32 $0xFFFFEC00  }
0x62: {  	[tilespmem:s19], [sflag:$0x3] =	stream.indirect.gather [hbm4b:s4+s16], $0x80, s22, s16, $0xb8;
	[tilespmem:$0x1FF80] =	vst v63  }
0x63: {  	_ =	swait.ge [sflag:s30], $0x1400  }
0x64: {  	[sflag:s30] =	ssyncset.done $0x0  }
0x65: {  	s24 =	simm.s32 $0x27F8;
	[sflag:s30] =	ssyncadd.s32 $0xFFFFEC00  }
0x66: {  	[spmem:s2] =	stream.indirect.scatter.add.f32 [tilespmem:s21], [sflag:$0xA], $0x80, s24, s16, $0xb8;
	[tilespmem:$0x1FF80] =	vst v63  }
0x67: {  	_ =	swait.ge [sflag:s31], $0x1400  }
0x68: {  	[sflag:s31] =	ssyncset.done $0x0  }
0x69: {  	s6 =	simm.s32 $0x168;
	[sflag:s31] =	ssyncadd.s32 $0xFFFFEC00  }
0x6a: {  	[tilespmem:s21], [sflag:$0x4] =	stream.indirect.gather [hbm4b:s4+s16], $0x80, s6, s16, $0xb8;
	[tilespmem:$0x1FF80] =	vst v63  }
0x6b: {  	_ =	swait.ge [sflag:s1], $0x1400  }
0x6c: {  	[sflag:s1] =	ssyncset.done $0x0  }
0x6d: {  	s10 =	simm.s32 $0x2820;
	[sflag:s1] =	ssyncadd.s32 $0xFFFFEC00  }
0x6e: {  	[spmem:s2] =	stream.indirect.scatter.add.f32 [tilespmem:s23], [sflag:$0xB], $0x80, s10, s16, $0xb8;
	[tilespmem:$0x1FF80] =	vst v63  }
0x6f: {  	_ =	swait.ge [sflag:s11], $0x1400  }
0x70: {  	[sflag:s11] =	ssyncset.done $0x0  }
0x71: {  	s22 =	simm.s32 $0x190;
	[sflag:s11] =	ssyncadd.s32 $0xFFFFEC00  }
0x72: {  	[tilespmem:s23], [sflag:$0x5] =	stream.indirect.gather [hbm4b:s4+s16], $0x80, s22, s16, $0xb8;
	[tilespmem:$0x1FF80] =	vst v63  }
0x73: {  	_ =	swait.ge [sflag:s18], $0x1400  }
0x74: {  	[sflag:s18] =	ssyncset.done $0x0  }
0x75: {  	s24 =	simm.s32 $0x2848;
	[sflag:s18] =	ssyncadd.s32 $0xFFFFEC00  }
0x76: {  	[spmem:s2] =	stream.indirect.scatter.add.f32 [tilespmem:s25], [sflag:$0xC], $0x80, s24, s16, $0xb8;
	[tilespmem:$0x1FF80] =	vst v63  }
0x77: {  	_ =	swait.ge [sflag:s20], $0x1400  }
0x78: {  	[sflag:s20] =	ssyncset.done $0x0  }
0x79: {  	s3 =	simm.s32 $0x1B8;
	s24 =	simm.s32 $0x3C0;
	[sflag:s20] =	ssyncadd.s32 $0xFFFFEC00  }
.LBB2_8:
0x7a: {  	[tilespmem:s25], [sflag:$0x6] =	stream.indirect.gather [hbm4b:s4+s16], $0x80, s3, s16, $0xb8;
	[tilespmem:$0x1FF80] =	vst v63  }
0x7b: {  	s3 =	smov.u32 s24  }
0x7c: {  	p1 =	sne.s32 s24, $0x9240;
	s24 =	sadd.s32 $0x3C0, s24;
	_ =	swait.ge [sflag:s14], $0x1400  }
0x7d: {  	s22 =	sshra.s32 s3, $0x2;
	[sflag:s14] =	ssyncset.done $0x0  }
0x7e: {  	s3 =	sadd.s32 $0x2780, s22;
	[sflag:s14] =	ssyncadd.s32 $0xFFFFEC00  }
0x7f: {  	[spmem:s2] =	stream.indirect.scatter.add.f32 [tilespmem:s12], [sflag:$0x7], $0x80, s3, s16, $0xb8;
	[tilespmem:$0x1FF80] =	vst v63  }
0x80: {  	_ =	swait.ge [sflag:s13], $0x1400  }
0x81: {  	[sflag:s13] =	ssyncset.done $0x0  }
0x82: {  	s3 =	sadd.s32 $0xF0, s22;
	[sflag:s13] =	ssyncadd.s32 $0xFFFFEC00  }
0x83: {  	[tilespmem:s12], [sflag:$0x1] =	stream.indirect.gather [hbm4b:s4+s16], $0x80, s3, s16, $0xb8;
	[tilespmem:$0x1FF80] =	vst v63  }
0x84: {  	_ =	swait.ge [sflag:s15], $0x1400  }
0x85: {  	[sflag:s15] =	ssyncset.done $0x0  }
0x86: {  	s3 =	sadd.s32 $0x27A8, s22;
	[sflag:s15] =	ssyncadd.s32 $0xFFFFEC00  }
0x87: {  	[spmem:s2] =	stream.indirect.scatter.add.f32 [tilespmem:s17], [sflag:$0x8], $0x80, s3, s16, $0xb8;
	[tilespmem:$0x1FF80] =	vst v63  }
0x88: {  	_ =	swait.ge [sflag:s26], $0x1400  }
0x89: {  	[sflag:s26] =	ssyncset.done $0x0  }
0x8a: {  	s3 =	sadd.s32 $0x118, s22;
	[sflag:s26] =	ssyncadd.s32 $0xFFFFEC00  }
0x8b: {  	[tilespmem:s17], [sflag:$0x2] =	stream.indirect.gather [hbm4b:s4+s16], $0x80, s3, s16, $0xb8;
	[tilespmem:$0x1FF80] =	vst v63  }
0x8c: {  	_ =	swait.ge [sflag:s28], $0x1400  }
0x8d: {  	[sflag:s28] =	ssyncset.done $0x0  }
0x8e: {  	s3 =	sadd.s32 $0x27D0, s22;
	[sflag:s28] =	ssyncadd.s32 $0xFFFFEC00  }
0x8f: {  	[spmem:s2] =	stream.indirect.scatter.add.f32 [tilespmem:s19], [sflag:$0x9], $0x80, s3, s16, $0xb8;
	[tilespmem:$0x1FF80] =	vst v63  }
0x90: {  	_ =	swait.ge [sflag:s29], $0x1400  }
0x91: {  	[sflag:s29] =	ssyncset.done $0x0  }
0x92: {  	s3 =	sadd.s32 $0x140, s22;
	[sflag:s29] =	ssyncadd.s32 $0xFFFFEC00  }
0x93: {  	[tilespmem:s19], [sflag:$0x3] =	stream.indirect.gather [hbm4b:s4+s16], $0x80, s3, s16, $0xb8;
	[tilespmem:$0x1FF80] =	vst v63  }
0x94: {  	_ =	swait.ge [sflag:s30], $0x1400  }
0x95: {  	[sflag:s30] =	ssyncset.done $0x0  }
0x96: {  	s3 =	sadd.s32 $0x27F8, s22;
	[sflag:s30] =	ssyncadd.s32 $0xFFFFEC00  }
0x97: {  	[spmem:s2] =	stream.indirect.scatter.add.f32 [tilespmem:s21], [sflag:$0xA], $0x80, s3, s16, $0xb8;
	[tilespmem:$0x1FF80] =	vst v63  }
0x98: {  	_ =	swait.ge [sflag:s31], $0x1400  }
0x99: {  	[sflag:s31] =	ssyncset.done $0x0  }
0x9a: {  	s3 =	sadd.s32 $0x168, s22;
	[sflag:s31] =	ssyncadd.s32 $0xFFFFEC00  }
0x9b: {  	[tilespmem:s21], [sflag:$0x4] =	stream.indirect.gather [hbm4b:s4+s16], $0x80, s3, s16, $0xb8;
	[tilespmem:$0x1FF80] =	vst v63  }
0x9c: {  	_ =	swait.ge [sflag:s1], $0x1400  }
0x9d: {  	[sflag:s1] =	ssyncset.done $0x0  }
0x9e: {  	s3 =	sadd.s32 $0x2820, s22;
	[sflag:s1] =	ssyncadd.s32 $0xFFFFEC00  }
0x9f: {  	[spmem:s2] =	stream.indirect.scatter.add.f32 [tilespmem:s23], [sflag:$0xB], $0x80, s3, s16, $0xb8;
	[tilespmem:$0x1FF80] =	vst v63  }
0xa0: {  	_ =	swait.ge [sflag:s11], $0x1400  }
0xa1: {  	[sflag:s11] =	ssyncset.done $0x0  }
0xa2: {  	s3 =	sadd.s32 $0x190, s22;
	[sflag:s11] =	ssyncadd.s32 $0xFFFFEC00  }
0xa3: {  	[tilespmem:s23], [sflag:$0x5] =	stream.indirect.gather [hbm4b:s4+s16], $0x80, s3, s16, $0xb8;
	[tilespmem:$0x1FF80] =	vst v63  }
0xa4: {  	_ =	swait.ge [sflag:s18], $0x1400  }
0xa5: {  	[sflag:s18] =	ssyncset.done $0x0  }
.Ltmp5:
0xa6: {  	s3 =	sadd.s32 $0x2848, s22;
	[sflag:s18] =	ssyncadd.s32 $0xFFFFEC00;
	(pc) =	sbr.rel @p1 .LBB2_8-.Ltmp5, $4  }
0xa7: {  	[spmem:s2] =	stream.indirect.scatter.add.f32 [tilespmem:s25], [sflag:$0xC], $0x80, s3, s16, $0xb8;
	[tilespmem:$0x1FF80] =	vst v63  }
0xa8: {  	_ =	swait.ge [sflag:s20], $0x1400  }
0xa9: {  	[sflag:s20] =	ssyncset.done $0x0  }
0xaa: {  	s3 =	sadd.s32 $0x1B8, s22;
	[sflag:s20] =	ssyncadd.s32 $0xFFFFEC00  }
0xab: {  	[tilespmem:s25], [sflag:$0x6] =	stream.indirect.gather [hbm4b:s4+s16], $0x80, s3, s16, $0xb8;
	[tilespmem:$0x1FF80] =	vst v63  }
0xac: {  	_ =	swait.ge [sflag:s14], $0x1400  }
0xad: {  	[sflag:s14] =	ssyncset.done $0x0  }
0xae: {  	s6 =	simm.s32 $0x4D00;
	[sflag:s14] =	ssyncadd.s32 $0xFFFFEC00  }
0xaf: {  	[spmem:s2] =	stream.indirect.scatter.add.f32 [tilespmem:s12], [sflag:$0x7], $0x80, s6, s16, $0xb8;
	[tilespmem:$0x1FF80] =	vst v63  }
0xb0: {  	_ =	swait.ge [sflag:s13], $0x1400  }
0xb1: {  	[sflag:s13] =	ssyncset.done $0x0  }
0xb2: {  	s10 =	simm.s32 $0x2670;
	[sflag:s13] =	ssyncadd.s32 $0xFFFFEC00  }
0xb3: {  	[tilespmem:s12], [sflag:$0x1] =	stream.indirect.gather [hbm4b:s4+s16], $0x80, s10, s16, $0xb8;
	[tilespmem:$0x1FF80] =	vst v63  }
0xb4: {  	_ =	swait.ge [sflag:s15], $0x1400  }
0xb5: {  	[sflag:s15] =	ssyncset.done $0x0  }
0xb6: {  	s22 =	simm.s32 $0x4D28;
	[sflag:s15] =	ssyncadd.s32 $0xFFFFEC00  }
0xb7: {  	[spmem:s2] =	stream.indirect.scatter.add.f32 [tilespmem:s17], [sflag:$0x8], $0x80, s22, s16, $0xb8;
	[tilespmem:$0x1FF80] =	vst v63  }
0xb8: {  	_ =	swait.ge [sflag:s26], $0x1400  }
0xb9: {  	[sflag:s26] =	ssyncset.done $0x0  }
0xba: {  	s24 =	simm.s32 $0x2698;
	[sflag:s26] =	ssyncadd.s32 $0xFFFFEC00  }
0xbb: {  	[tilespmem:s17], [sflag:$0x2] =	stream.indirect.gather [hbm4b:s4+s16], $0x80, s24, s16, $0xb8;
	[tilespmem:$0x1FF80] =	vst v63  }
0xbc: {  	_ =	swait.ge [sflag:s28], $0x1400  }
0xbd: {  	[sflag:s28] =	ssyncset.done $0x0  }
0xbe: {  	s6 =	simm.s32 $0x4D50;
	[sflag:s28] =	ssyncadd.s32 $0xFFFFEC00  }
0xbf: {  	[spmem:s2] =	stream.indirect.scatter.add.f32 [tilespmem:s19], [sflag:$0x9], $0x80, s6, s16, $0xb8;
	[tilespmem:$0x1FF80] =	vst v63  }
0xc0: {  	_ =	swait.ge [sflag:s29], $0x1400  }
0xc1: {  	[sflag:s29] =	ssyncset.done $0x0  }
0xc2: {  	s10 =	simm.s32 $0x26C0;
	[sflag:s29] =	ssyncadd.s32 $0xFFFFEC00  }
0xc3: {  	[tilespmem:s19], [sflag:$0x3] =	stream.indirect.gather [hbm4b:s4+s16], $0x80, s10, s16, $0xb8;
	[tilespmem:$0x1FF80] =	vst v63  }
0xc4: {  	_ =	swait.ge [sflag:s30], $0x1400  }
0xc5: {  	[sflag:s30] =	ssyncset.done $0x0  }
0xc6: {  	s22 =	simm.s32 $0x4D78;
	[sflag:s30] =	ssyncadd.s32 $0xFFFFEC00  }
0xc7: {  	[spmem:s2] =	stream.indirect.scatter.add.f32 [tilespmem:s21], [sflag:$0xA], $0x80, s22, s16, $0xb8;
	[tilespmem:$0x1FF80] =	vst v63  }
0xc8: {  	_ =	swait.ge [sflag:s31], $0x1400  }
0xc9: {  	[sflag:s31] =	ssyncset.done $0x0  }
0xca: {  	s24 =	simm.s32 $0x26E8;
	[sflag:s31] =	ssyncadd.s32 $0xFFFFEC00  }
0xcb: {  	[tilespmem:s21], [sflag:$0x4] =	stream.indirect.gather [hbm4b:s4+s16], $0x80, s24, s16, $0xb8;
	[tilespmem:$0x1FF80] =	vst v63  }
0xcc: {  	_ =	swait.ge [sflag:s1], $0x1400  }
0xcd: {  	[sflag:s1] =	ssyncset.done $0x0  }
0xce: {  	s6 =	simm.s32 $0x4DA0;
	[sflag:s1] =	ssyncadd.s32 $0xFFFFEC00  }
0xcf: {  	[spmem:s2] =	stream.indirect.scatter.add.f32 [tilespmem:s23], [sflag:$0xB], $0x80, s6, s16, $0xb8;
	[tilespmem:$0x1FF80] =	vst v63  }
0xd0: {  	_ =	swait.ge [sflag:s18], $0x1400  }
0xd1: {  	[sflag:s18] =	ssyncset.done $0x0  }
0xd2: {  	s10 =	simm.s32 $0x4DC8;
	[sflag:s18] =	ssyncadd.s32 $0xFFFFEC00  }
0xd3: {  	[spmem:s2] =	stream.indirect.scatter.add.f32 [tilespmem:s25], [sflag:$0xC], $0x80, s10, s16, $0xb8;
	[tilespmem:$0x1FF80] =	vst v63  }
0xd4: {  	_ =	swait.ge [sflag:s14], $0x1400  }
0xd5: {  	[sflag:s14] =	ssyncset.done $0x0  }
0xd6: {  	s22 =	simm.s32 $0x4DF0;
	[sflag:s14] =	ssyncadd.s32 $0xFFFFEC00  }
0xd7: {  	[spmem:s2] =	stream.indirect.scatter.add.f32 [tilespmem:s12], [sflag:$0x7], $0x80, s22, s16, $0xb8;
	[tilespmem:$0x1FF80] =	vst v63  }
0xd8: {  	_ =	swait.ge [sflag:s15], $0x1400  }
0xd9: {  	[sflag:s15] =	ssyncset.done $0x0  }
0xda: {  	s24 =	simm.s32 $0x4E18;
	[sflag:s15] =	ssyncadd.s32 $0xFFFFEC00  }
0xdb: {  	[spmem:s2] =	stream.indirect.scatter.add.f32 [tilespmem:s17], [sflag:$0x8], $0x80, s24, s16, $0xb8;
	[tilespmem:$0x1FF80] =	vst v63  }
0xdc: {  	_ =	swait.ge [sflag:s28], $0x1400  }
0xdd: {  	[sflag:s28] =	ssyncset.done $0x0  }
0xde: {  	s6 =	simm.s32 $0x4E40;
	[sflag:s28] =	ssyncadd.s32 $0xFFFFEC00  }
0xdf: {  	[spmem:s2] =	stream.indirect.scatter.add.f32 [tilespmem:s19], [sflag:$0x9], $0x80, s6, s16, $0xb8;
	[tilespmem:$0x1FF80] =	vst v63  }
0xe0: {  	_ =	swait.ge [sflag:s30], $0x1400  }
0xe1: {  	[sflag:s30] =	ssyncset.done $0x0  }
0xe2: {  	s10 =	simm.s32 $0x4E68;
	[sflag:s30] =	ssyncadd.s32 $0xFFFFEC00  }
0xe3: {  	[spmem:s2] =	stream.indirect.scatter.add.f32 [tilespmem:s21], [sflag:$0xA], $0x80, s10, s16, $0xb8;
	[tilespmem:$0x1FF80] =	vst v63  }
0xe4: {  	_ =	swait.ge [sflag:s13], $0x1400  }
0xe5: {  	[sflag:s13] =	ssyncset.done $0x0  }
0xe6: {  	[sflag:s13] =	ssyncadd.s32 $0xFFFFEC00  }
0xe7: {  	_ =	swait.ge [sflag:s26], $0x1400  }
0xe8: {  	[sflag:s26] =	ssyncset.done $0x0  }
0xe9: {  	[sflag:s26] =	ssyncadd.s32 $0xFFFFEC00  }
0xea: {  	_ =	swait.ge [sflag:s29], $0x1400  }
0xeb: {  	[sflag:s29] =	ssyncset.done $0x0  }
0xec: {  	[sflag:s29] =	ssyncadd.s32 $0xFFFFEC00  }
0xed: {  	_ =	swait.ge [sflag:s31], $0x1400  }
0xee: {  	[sflag:s31] =	ssyncset.done $0x0  }
0xef: {  	[sflag:s31] =	ssyncadd.s32 $0xFFFFEC00  }
0xf0: {  	_ =	swait.ge [sflag:s11], $0x1400  }
0xf1: {  	[sflag:s11] =	ssyncset.done $0x0  }
0xf2: {  	[sflag:s11] =	ssyncadd.s32 $0xFFFFEC00  }
0xf3: {  	_ =	swait.ge [sflag:s20], $0x1400  }
.Ltmp6:
0xf4: {  	s22 =	stileid.u32;
	[sflag:s20] =	ssyncset.done $0x0;
	(pc) =	sbr.rel @!p0 .LBB2_11-.Ltmp6, $4  }
0xf5: {  	s3 =	sshll.u32 s22, $0x6;
	[sflag:s20] =	ssyncadd.s32 $0xFFFFEC00  }
0xf6: {  	s22 =	sor.u32 $0x1C07, s3;
	s24 =	sshrl.u32 s9, $0x3;
	[bflag:$0x0] =	sbarrier.arrive $0xFFFF  }
0xf7: {  	[hbm:s5], [sflag:s22] =	dma.local [spmem:s24], $0x280  }
0xf8: {  	s3 =	sadd.s32 $0x14000, s9;
	s10 =	smov.u32 s5;
	s24 =	sadd.s32 $0xFFFFFFFF, s7  }
.LBB2_10:
0xf9: {  	p1 =	sne.s32 s24, $0x1;
	s24 =	sadd.s32 $0xFFFFFFFF, s24  }
.Ltmp7:
0xfa: {  	s6 =	sshrl.u32 s3, $0x3;
	s10 =	sadd.s32 $0x2800, s10;
	(pc) =	sbr.rel @p1 .LBB2_10-.Ltmp7, $3  }
0xfb: {  	[hbm:s10], [sflag:s22] =	dma.local [spmem:s6], $0x280  }
0xfc: {  	_ =	sdelay $0x1  }
0xfd: {  	s3 =	sadd.s32 $0x14000, s3  }
.LBB2_11:
.Ltmp8:
0xfe: {  	(pc) =	sbr.rel @!p0 .LBB2_13-.Ltmp8, $3  }
0xff: {  	_ =	sdelay $0x1  }
0x100: {  	_ =	swait.ge [sflag:s13], $0x280  }
0x101: {  	s3 =	sadd.s32 $0xFFFFFFFF, s7;
	[sflag:s13] =	ssyncset.done $0x0  }
.LBB2_12:
0x102: {  	p0 =	sne.s32 s3, $0x1;
	s3 =	sadd.s32 $0xFFFFFFFF, s3;
	[sflag:s13] =	ssyncadd.s32 $0xFFFFFD80  }
.Ltmp9:
0x103: {  	(pc) =	sbr.rel @p0 .LBB2_12-.Ltmp9, $3  }
0x104: {  	_ =	sdelay $0x1  }
0x105: {  	_ =	swait.ge [sflag:s13], $0x280  }
0x106: {  	[sflag:s13] =	ssyncset.done $0x0  }
.LBB2_13:
0x107: {  	s0 =	sadd.s32 $0x1, s0  }
0x108: {  	p0 =	sne.s32 s0, s8  }
.Ltmp10:
0x109: {  	_ = 	snop;
	(pc) =	sbr.rel @p0 .LBB2_1-.Ltmp10, $2  }
0x10a: {  	_ =	sdelay $0x2  }
0x10b: {  	[sflag:s13] =	ssyncadd.s32 $0xFFFFFD80  }
0x10c: {  	_ =	sfence.sel $0x180000  }
0x10d: {  	[bflag:$0x0] =	sbarrier.arrive $0xFFFF  }
0x10e: {  	_ =	strace $0x9000004A  }
0x10f: {  	s0 =	stileid.u32;
	[bflag:$0x2] =	sbarrier.arrive $0xFFFF  }
0x110: {  	p0 =	sne.s32 s0, $0x0;
	s0 =	rddreg [dreg:$0x2]  }
0x111: {  	s0 =	sadd.s32 @!p0 $0x100000, s0  }
0x112: {  	[sflag:s0] =	ssyncadd.tile.s32 @!p0 $0x1;
	_ =	shalt  }
.Lfunc_end2:
_tile_overlayer_lowered:
.L_overlay_start_2:
0x113: {  	(tag) =	ssettag $0x2  }
0x114: {  	s0 =	rddreg [dreg:$0x0];
	s2 =	stileid.u32  }
0x115: {  	s1 =	rddreg [dreg:$0x1];
	p0 =	sne.s32 s2, $0x0  }
0x116: {  	s3 =	rddreg [dreg:$0x2];
	[bflag:$0x3] =	sbarrier.arrive $0xFFFF;
	s2 =	simm.s32 @!p0 $0x1C0D  }
0x117: {  	[timem:s3], [sflag:s2] =	dma.local @!p0 [hbm:s0], s1  }
0x118: {  	s0 =	simm.s32 @!p0 $0xD  }
0x119: {  	_ =	swait.ge @!p0 [sflag:s0], s1  }
0x11a: {  	s1 =	ssub.s32 @!p0 $0x0, s1;
	[sflag:s0] =	ssyncset.done @!p0 $0x0  }
0x11b: {  	[sflag:s0] =	ssyncadd.s32 @!p0 s1  }
0x11c: {  	[bflag:$0x3] =	sbarrier.arrive $0xFFFF  }
0x11d: {  	_ =	shalt  }

// kernel: kernel.16.cloned.1.call-start
scs
__scs_entry_jumppad:
0x0: {  	(pc) =	sbr.rel $0x88, $3  }
0x1: {  	(tag) =	ssettag $0x0;
	lr =	simm.s32 $0x1  }
0x2: {  	[smem:$0x3F93] =	sst lr;
	_ =	strace $0xD0000000  }
0x3: {  	_ = 	snop  }
0x4: {  	_ = 	snop  }
0x5: {  	_ = 	snop  }
0x6: {  	_ = 	snop  }
0x7: {  	_ = 	snop  }
__scs_overlays_trampoline_lowered:
0x8: {  	[smem:$0x3FA2] =	sst s0  }
0x9: {  	[smem:$0x3FA3] =	sst s1  }
0xa: {  	[smem:$0x3FA4] =	sst s2  }
0xb: {  	[smem:$0x3FA5] =	sst s3  }
0xc: {  	[smem:$0x3FA6] =	sst s4  }
0xd: {  	[smem:$0x3FA7] =	sst s5  }
0xe: {  	[smem:$0x3FA8] =	sst s6  }
0xf: {  	[smem:$0x3FA9] =	sst s7  }
0x10: {  	[smem:$0x3FAA] =	sst s8  }
0x11: {  	[smem:$0x3FAB] =	sst s9;
	s0 =	simm.s32 @!p0 $0x0  }
0x12: {  	s1 =	sld [smem:$0x3F91];
	s0 =	simm.s32 @p0 $0x1  }
0x13: {  	[smem:$0x3FAC] =	sst s0;
	s0 =	simm.s32 @!p1 $0x0  }
0x14: {  	s2 =	sld [smem:$0x3F90];
	s0 =	simm.s32 @p1 $0x1  }
0x15: {  	[smem:$0x3FAD] =	sst s0;
	s0 =	simm.s32 @!p2 $0x0  }
0x16: {  	s3 =	sld [smem:$0x3FDB];
	s0 =	simm.s32 @p2 $0x1  }
0x17: {  	s4 =	simm.s32 $0x1BF5;
	[smem:$0x3FAF] =	sst s0  }
0x18: {  	s0 =	sld [smem:$0x3F92];
	_ =	swait.ge [sflag:s4], $0x0  }
0x19: {  	s7 =	sld [smem:$0x3F93]  }
0x1a: {  	s8 =	sadd.s32 $0xFFFFE003, lr  }
0x1b: {  	s9 =	sadd.s32 $0xFFFFFEF7, lr;
	s5 =	simm.s32 $0xFFFFFFFF;
	p2 =	slt.u32 s8, $0xFFFFF086  }
0x1c: {  	p1 =	slt.u32 s9, $0xF7A;
	s5 =	simm.s32 @!p2 $0x0  }
0x1d: {  	s5 =	simm.s32 @p1 $0x1;
	p0 =	seq.s32 s7, s2  }
0x1e: {  	s7 =	smul.u32 @!p0 $0xF7A, s2;
	p2 =	seq.s32 @!p0 s5, $0x0  }
0x1f: {  	s9 =	smul.u32 $0xF7A, s1;
	s8 =	simm.s32 @!p0 $0x1BF5;
	p2 =	por !p2, p0  }
0x20: {  	[sflag:s8] =	ssyncset.s32 @!p0 $0xFFFFF086;
	s6 =	sadd.s32 @!p0 s3, s7;
	s7 =	simm.s32 @!p0 $0x108  }
0x21: {  	s3 =	sadd.s32 s3, s9;
	s6 =	sadd.s32 @!p0 $0x88, s6;
	s7 =	simm.s32 @p2 $0x1082  }
0x22: {  	[simem:s7], [sflag:s8] =	dma.local @!p0 [hbm:s6], $0xF7A  }
0x23: {  	s9 =	sor.u32 $0xD0000000, s2;
	s6 =	simm.s32 $0x108;
	_ =	swait.ge @!p0 [sflag:s8], $0x0  }
0x24: {  	s3 =	sadd.s32 $0x88, s3;
	s6 =	simm.s32 @!p1 $0x1082;
	[sflag:s4] =	ssyncset.s32 $0xFFFFF086  }
0x25: {  	[simem:s6], [sflag:s4] =	dma.local [hbm:s3], $0xF7A  }
0x26: {  	[smem:$0x3F93] =	sst s1;
	(tag) =	ssettag s2;
	_ =	strace s9  }
0x27: {  	s1 =	sld [smem:$0x3FA3]  }
0x28: {  	s2 =	sld [smem:$0x3FA4]  }
0x29: {  	s4 =	sld [smem:$0x3FA6]  }
0x2a: {  	p0 =	seq.s32 s5, $0x0;
	s5 =	sld [smem:$0x3FA7]  }
0x2b: {  	s6 =	sld [smem:$0x3FA8]  }
0x2c: {  	s7 =	sld [smem:$0x3FA9]  }
0x2d: {  	s3 =	simm.s32 $0x108;
	s8 =	sld [smem:$0x3FAA]  }
0x2e: {  	s3 =	simm.s32 @!p0 $0x1082;
	s9 =	sld [smem:$0x3FAB]  }
0x2f: {  	lr =	sadd.s32 s0, s3;
	s0 =	sld [smem:$0x3FA2]  }
0x30: {  	s3 =	sld [smem:$0x3FA5]  }
0x31: {  	[smem:$0x3FAE] =	sst s10  }
0x32: {  	s10 =	sld [smem:$0x3FAC];
	_ =	sdelay $0x3  }
0x33: {  	p0 =	seq.s32 s10, $0x1;
	s10 =	sld [smem:$0x3FAE];
	_ =	sdelay $0x3  }
0x34: {  	[smem:$0x3FAE] =	sst s10  }
0x35: {  	s10 =	sld [smem:$0x3FAD];
	_ =	sdelay $0x3  }
0x36: {  	p1 =	seq.s32 s10, $0x1;
	s10 =	sld [smem:$0x3FAE];
	_ =	sdelay $0x3  }
0x37: {  	[smem:$0x3FAE] =	sst s10  }
0x38: {  	s10 =	sld [smem:$0x3FAF]  }
0x39: {  	_ = 	snop;
	(pc) =	sbr.ind lr, $3  }
0x3a: {  	_ = 	snop  }
0x3b: {  	_ = 	snop  }
0x3c: {  	p2 =	seq.s32 s10, $0x1;
	s10 =	sld [smem:$0x3FAE]  }
0x3d: {  	_ =	shalt  }
0x3e: {  	_ =	shalt  }
0x3f: {  	_ =	shalt  }
0x40: {  	_ =	shalt  }
0x41: {  	_ =	shalt  }
0x42: {  	_ =	shalt  }
0x43: {  	_ =	shalt  }
0x44: {  	_ =	shalt  }
0x45: {  	_ =	shalt  }
0x46: {  	_ =	shalt  }
0x47: {  	_ =	shalt  }
0x48: {  	_ =	shalt  }
0x49: {  	_ =	shalt  }
0x4a: {  	_ =	shalt  }
0x4b: {  	_ =	shalt  }
0x4c: {  	_ =	shalt  }
0x4d: {  	_ =	shalt  }
0x4e: {  	_ =	shalt  }
0x4f: {  	_ =	shalt  }
0x50: {  	_ =	shalt  }
0x51: {  	_ =	shalt  }
0x52: {  	_ =	shalt  }
0x53: {  	_ =	shalt  }
0x54: {  	_ =	shalt  }
0x55: {  	_ =	shalt  }
0x56: {  	_ =	shalt  }
0x57: {  	_ =	shalt  }
0x58: {  	_ =	shalt  }
0x59: {  	_ =	shalt  }
0x5a: {  	_ =	shalt  }
0x5b: {  	_ =	shalt  }
0x5c: {  	_ =	shalt  }
0x5d: {  	_ =	shalt  }
0x5e: {  	_ =	shalt  }
0x5f: {  	_ =	shalt  }
0x60: {  	_ =	shalt  }
0x61: {  	_ =	shalt  }
0x62: {  	_ =	shalt  }
0x63: {  	_ =	shalt  }
0x64: {  	_ =	shalt  }
0x65: {  	_ =	shalt  }
0x66: {  	_ =	shalt  }
0x67: {  	_ =	shalt  }
0x68: {  	_ =	shalt  }
0x69: {  	_ =	shalt  }
0x6a: {  	_ =	shalt  }
0x6b: {  	_ =	shalt  }
0x6c: {  	_ =	shalt  }
0x6d: {  	_ =	shalt  }
0x6e: {  	_ =	shalt  }
0x6f: {  	_ =	shalt  }
0x70: {  	_ =	shalt  }
0x71: {  	_ =	shalt  }
0x72: {  	_ =	shalt  }
0x73: {  	_ =	shalt  }
0x74: {  	_ =	shalt  }
0x75: {  	_ =	shalt  }
0x76: {  	_ =	shalt  }
0x77: {  	_ =	shalt  }
0x78: {  	_ =	shalt  }
0x79: {  	_ =	shalt  }
0x7a: {  	_ =	shalt  }
0x7b: {  	_ =	shalt  }
0x7c: {  	_ =	shalt  }
0x7d: {  	_ =	shalt  }
0x7e: {  	_ =	shalt  }
0x7f: {  	_ =	shalt  }
0x80: {  	_ =	shalt  }
0x81: {  	_ =	shalt  }
0x82: {  	_ =	shalt  }
0x83: {  	_ =	shalt  }
0x84: {  	_ =	shalt  }
0x85: {  	_ =	shalt  }
0x86: {  	_ =	shalt  }
0x87: {  	_ =	shalt  }
.Lfunc_end0:
.L_simem_size_0:
called_computation.2_lowered:
.L_overlay_start_0:
0x88: {  	s2 =	sld [smem:$0x3FD9]  }
0x89: {  	s3 =	sld [smem:$0x3FFE];
	_ =	sdelay $0x1  }
0x8a: {  	s1 =	srdreg.scid  }
0x8b: {  	s0 =	sand.u32 $0x1, s1  }
0x8c: {  	s17 =	sshll.u32 s0, $0xA;
	s2 =	sadd.s32 s3, s2  }
0x8d: {  	s2 =	sadd.s32 s2, s17  }
0x8e: {  	[smem:$0x3FBA] =	sst s2  }
0x8f: {  	_ = 	snop  }
0x90: {  	s2 =	sld [smem:$0x3FC7]  }
0x91: {  	s18 =	sld [smem:$0x3FBE]  }
0x92: {  	s4 =	sld [smem:$0x3FBD]  }
0x93: {  	s5 =	sld [smem:$0x3FBC];
	(tm) =	ssettm $0x1  }
0x94: {  	s6 =	sld [smem:$0x3FFB];
	_ =	sdelay $0x3  }
0x95: {  	_ =	strace s6  }
0x96: {  	s6 =	sld [smem:$0x3FFC];
	_ =	sdelay $0x3  }
0x97: {  	_ =	strace s6  }
0x98: {  	s6 =	sld [smem:$0x3FFD];
	_ =	sdelay $0x3  }
0x99: {  	_ =	strace s6  }
0x9a: {  	_ =	strace $0x8FFFFFFF  }
0x9b: {  	s19 =	sld [smem:$0x3FDB];
	_ =	sdelay $0x1  }
0x9c: {  	s7 =	simm.s32 $_scs_section_size  }
0x9d: {  	s8 =	simm.s32 $_size__tile_overlayer_lowered;
	s9 =	simm.s32 $_tile_overlayer_lowered  }
0x9e: {  	s22 =	simm.s32 $0x1BFF;
	s21 =	sshll.u32 s9, $0x1;
	s6 =	sadd.s32 s7, s19  }
0x9f: {  	s10 =	simm.s32 $0x0;
	s20 =	sshll.u32 s8, $0x1;
	s8 =	sadd.s32 s21, s6  }
0xa0: {  	[timem:s10], [sflag:s22] =	dma.local [hbm:s8], s20  }
0xa1: {  	_ =	swait.ge [sflag:s22], s20  }
0xa2: {  	s7 =	ssub.s32 $0x0, s20;
	[sflag:s22] =	ssyncset.done $0x0  }
0xa3: {  	[sflag:s22] =	ssyncadd.s32 s7;
	_ =	sdelay $0x1  }
0xa4: {  	s23 =	simm.s32 $0x1B8B  }
0xa5: {  	_ =	swait.ge [sflag:s23], $0x1  }
0xa6: {  	[sflag:s23] =	ssyncset.done $0x0  }
0xa7: {  	s25 =	simm.s32 $0x1B8E;
	s24 =	sld [smem:$0x3FFE];
	[sflag:s23] =	ssyncadd.s32 $0xFFFFFFFF  }
0xa8: {  	s26 =	simm.s32 $execute0_lowered;
	[smem:$0x3FD2] =	sst s25  }
0xa9: {  	s8 =	sshll.u32 s26, $0x1;
	_ =	strace $0x8000004C;
	[dreg:$0x1] =	wrdreg $0xFFFFFFFF  }
0xaa: {  	s28 =	simm.s32 $_size_execute0_lowered;
	s6 =	sadd.s32 s6, s8;
	[dreg:$0x0] =	wrdreg $0x0  }
0xab: {  	s8 =	sshll.u32 s28, $0x1;
	[dreg:$0x2] =	wrdreg s6  }
0xac: {  	[dreg:$0x3] =	wrdreg s8  }
0xad: {  	[dreg:$0x4] =	wrdreg $0xC0  }
0xae: {  	_ =	task [dreg:s10], $0x5FFFF  }
0xaf: {  	[dreg:$0x1] =	wrdreg $0xFFFFFFFF  }
0xb0: {  	[dreg:$0x0] =	wrdreg $0x60  }
0xb1: {  	[dreg:$0x2] =	wrdreg s2  }
0xb2: {  	[dreg:$0x3] =	wrdreg s24  }
0xb3: {  	[dreg:$0x4] =	wrdreg s18  }
0xb4: {  	[dreg:$0x5] =	wrdreg s4  }
0xb5: {  	[dreg:$0x6] =	wrdreg s5  }
0xb6: {  	[dreg:$0x7] =	wrdreg $0x9  }
0xb7: {  	_ =	task.clear_ibuf [dreg:s10], $0x8FFFF;
	_ =	strace $0x9000004C  }
0xb8: {  	s29 =	simm.s32 $0x9;
	_ =	strace $0x8000004E  }
0xb9: {  	_ =	swait.ge [sflag:s29], $0x1  }
0xba: {  	[sflag:s29] =	ssyncadd.s32 $0xFFFFFFFF  }
0xbb: {  	_ =	strace $0x9000004E  }
0xbc: {  	_ =	sfence  }
0xbd: {  	s30 =	sld [smem:$0x0];
	_ =	sdelay $0x2  }
0xbe: {  	s31 =	sshll.u32 s1, $0xD;
	s1 =	sshrl.u32 s1, $0x2  }
0xbf: {  	s3 =	sand.u32 $0x4000, s31;
	s1 =	sadd.s32 s1, s30  }
0xc0: {  	s0 =	sor.u32 s3, s0;
	s1 =	sshll.u32 s1, $0x11  }
0xc1: {  	s0 =	sor.u32 s1, s0  }
0xc2: {  	s0 =	sadd.s32 $0x8F2B, s0  }
0xc3: {  	[sflag:s0] =	ssyncadd.remote.s32 $0x1  }
0xc4: {  	_ =	sfence.sel $0xFFFF  }
0xc5: {  	[dreg:$0x0] =	wrdreg $0xFFFFFFFF;
	(pc) =	sbr.abs _section_cstart, $3  }
0xc6: {  	[dreg:$0x1] =	wrdreg $0xFFFFFFFF  }
0xc7: {  	_ =	task.clear_ibuf [dreg:s10], $0x2FFFF;
	_ =	strace $0x9FFFFFFF  }
0xc8: {  	(tm) =	ssettm $0x7FFFFFFF  }
0xc9: {  	_ =	shalt  }
tec
execute0_lowered:
.L_overlay_start_1:
0x0: {  	(tag) =	ssettag $0x1  }
0x1: {  	s0 =	rddreg [dreg:$0x0]  }
0x2: {  	s17 =	rddreg [dreg:$0x1]  }
0x3: {  	s3 =	rddreg [dreg:$0x2]  }
0x4: {  	s4 =	rddreg [dreg:$0x3]  }
0x5: {  	s5 =	rddreg [dreg:$0x4];
	s2 =	srdreg.scid  }
0x6: {  	s30 =	rddreg [dreg:$0x5];
	s1 =	stileid.u32  }
0x7: {  	s31 =	simm.s32 $0xD;
	s14 =	simm.s32 $0x3200;
	s11 =	simm.s32 $0x4200  }
0x8: {  	s29 =	simm.s32 $0x1;
	s28 =	simm.s32 $0x2;
	s15 =	simm.s32 $0x6  }
0x9: {  	p0 =	por $0x0, $0x0;
	s16 =	simm.s32 $0x7;
	s13 =	simm.s32 $0x8  }
0xa: {  	s12 =	simm.s32 $0x9;
	[dreg:$0x6] =	wrdreg s0;
	s6 =	sand.u32 $0x1, s2  }
0xb: {  	s2 =	simm.s32 $0x0;
	s8 =	sshll.u32 s1, $0x5;
	s18 =	sadd.s32 $0x19DA00, s17  }
0xc: {  	s10 =	sadd.s32 $0x1C4C00, s17;
	s7 =	sshll.u32 s6, $0x9;
	[smem:$0x7FF] =	sst s2  }
0xd: {  	s22 =	ssub.s32 $0x2, s6;
	s6 =	simm.s32 $0xC;
	s7 =	sor.u32 s8, s7  }
0xe: {  	_ =	strace $0x8000004D;
	[dreg:$0x7] =	wrdreg s18;
	s24 =	sshrl.u32 s22, $0x1  }
0xf: {  	s18 =	sadd.s32 $0x212E00, s17;
	s8 =	simm.s32 $0x5200;
	s9 =	sshrl.u32 s7, $0x3  }
0x10: {  	s7 =	sshll.u32 s7, $0x4;
	s26 =	ssub.s32 s22, s24;
	s24 =	simm.s32 $0x100  }
0x11: {  	s22 =	simm.s32 $0x200;
	s3 =	sadd.s32 s3, s9;
	s19 =	sadd.s32 s4, s9  }
0x12: {  	s7 =	sadd.s32 s7, s17;
	s20 =	sadd.s32 s5, s9;
	[dreg:$0x8] =	wrdreg s3  }
0x13: {  	s0 =	smax.u32 s26, $0x1;
	s26 =	simm.s32 $0x20;
	[dreg:$0x9] =	wrdreg s19  }
0x14: {  	s17 =	simm.s32 $0x2200;
	s9 =	simm.s32 $0xA;
	[dreg:$0xa] =	wrdreg s20  }
0x15: {  	s21 =	sadd.s32 $0x3400, s7;
	s23 =	sadd.s32 $0x7400, s7;
	p1 =	sne.s32 s0, $0x1  }
.Ltmp0:
0x16: {  	s25 =	sadd.s32 $0xB400, s7;
	s5 =	sadd.s32 $0xF400, s7;
	(pc) =	sbr.rel @!p1 .LBB2_5-.Ltmp0, $4  }
0x17: {  	s4 =	sadd.s32 $0x13400, s7;
	s3 =	sadd.s32 $0x17400, s7;
	[dreg:$0xb] =	wrdreg s21  }
0x18: {  	s20 =	simm.s32 $0x1200;
	s19 =	simm.s32 $0x5;
	[dreg:$0xc] =	wrdreg s23  }
0x19: {  	s0 =	sadd.s32 $0xFFFFFFFF, s0;
	s7 =	simm.s32 $0xB;
	[dreg:$0xd] =	wrdreg s25  }
0x1a: {  	s25 =	simm.s32 $0x180;
	s23 =	simm.s32 $0x3;
	s21 =	simm.s32 $0x4  }
0x1b: {  	s1 =	rddreg [dreg:$0x8]  }
0x1c: {  	[tilespmem:s2], [sflag:$0xD] =	stream.linear.gather [hbm4b:s1+s2], $0x20, $0x38;
	[tilespmem:$0x6200] =	vst v63  }
0x1d: {  	_ =	swait.ge [sflag:s31], $0x20  }
0x1e: {  	[sflag:s31] =	ssyncset.done $0x0  }
0x1f: {  	s30 =	rddreg [dreg:$0x9];
	[sflag:s31] =	ssyncadd.s32 $0xFFFFFFE0  }
0x20: {  	[tilespmem:s24], [sflag:$0xD] =	stream.linear.gather [hbm4b:s30+s2], $0x20, $0x38;
	[tilespmem:$0x6200] =	vst v63  }
0x21: {  	_ =	swait.ge [sflag:s31], $0x20  }
0x22: {  	[sflag:s31] =	ssyncset.done $0x0  }
0x23: {  	s30 =	rddreg [dreg:$0xa];
	[sflag:s31] =	ssyncadd.s32 $0xFFFFFFE0  }
0x24: {  	[tilespmem:s25], [sflag:$0xD] =	stream.linear.gather [hbm4b:s30+s2], $0x20, $0x38;
	[tilespmem:$0x6200] =	vst v63  }
0x25: {  	_ =	swait.ge [sflag:s31], $0x20  }
0x26: {  	[sflag:s31] =	ssyncset.done $0x0  }
0x27: {  	[sflag:s31] =	ssyncadd.s32 $0xFFFFFFE0  }
0x28: {  	v0 =	vld [tilespmem:$0x0]  }
0x29: {  	v1 =	vld [tilespmem:$0x10];
	_ =	sdelay $0x3  }
0x2a: {  	v0 =	vadd.s32 $0x2710, v0  }
0x2b: {  	v63 =	vadd.s32 $0x2710, v1;
	[tilespmem:$0x80] =	vst v0  }
0x2c: {  	s1 =	rddreg [dreg:$0x6];
	[tilespmem:$0x90] =	vst v63  }
0x2d: {  	[tilespmem:s22], [sflag:$0x1] =	stream.indirect.gather [hbm4b:s1+s26], $0x80, s2, s26, $0xb8;
	[tilespmem:$0x6200] =	vst v63  }
0x2e: {  	s30 =	smov.u32 s0;
	s0 =	rddreg [dreg:$0x7]  }
0x2f: {  	[tilespmem:s20], [sflag:$0x2] =	stream.indirect.gather [hbm4b:s0+s26], $0x80, s2, s26, $0xb8;
	[tilespmem:$0x6200] =	vst v63  }
0x30: {  	_ = 	snop  }
0x31: {  	[tilespmem:s17], [sflag:$0x3] =	stream.indirect.gather [hbm4b:s10+s26], $0x80, s2, s26, $0xb8;
	[tilespmem:$0x6200] =	vst v63  }
0x32: {  	s1 =	simm.s32 $0x80  }
0x33: {  	[tilespmem:s14], [sflag:$0x4] =	stream.indirect.gather [hbm4b:s10+s26], $0x80, s1, s26, $0xb8;
	[tilespmem:$0x6200] =	vst v63  }
0x34: {  	_ = 	snop  }
0x35: {  	[tilespmem:s11], [sflag:$0x5] =	stream.indirect.gather [hbm4b:s18+s26], $0x80, s24, s26, $0xb8;
	[tilespmem:$0x6200] =	vst v63  }
0x36: {  	_ = 	snop  }
0x37: {  	[tilespmem:s8], [sflag:$0x6] =	stream.indirect.gather [hbm4b:s18+s26], $0x80, s25, s26, $0xb8;
	[tilespmem:$0x6200] =	vst v63  }
0x38: {  	_ =	swait.ge [sflag:s29], $0x1000  }
0x39: {  	[sflag:s29] =	ssyncset.done $0x0  }
0x3a: {  	s1 =	rddreg [dreg:$0xb];
	[sflag:s29] =	ssyncadd.s32 $0xFFFFF000  }
0x3b: {  	[hbm4b:s1+s2] =	stream.linear.scatter [tilespmem:s22], [sflag:$0x7], $0x1000, $0x38;
	[tilespmem:$0x6200] =	vst v63  }
0x3c: {  	_ =	swait.ge [sflag:s28], $0x1000  }
0x3d: {  	[sflag:s28] =	ssyncset.done $0x0  }
0x3e: {  	s1 =	rddreg [dreg:$0xc];
	[sflag:s28] =	ssyncadd.s32 $0xFFFFF000  }
0x3f: {  	[hbm4b:s1+s2] =	stream.linear.scatter [tilespmem:s20], [sflag:$0x8], $0x1000, $0x38;
	[tilespmem:$0x6200] =	vst v63  }
0x40: {  	_ =	swait.ge [sflag:s23], $0x1000  }
0x41: {  	[sflag:s23] =	ssyncset.done $0x0  }
0x42: {  	s1 =	rddreg [dreg:$0xd];
	[sflag:s23] =	ssyncadd.s32 $0xFFFFF000  }
0x43: {  	[hbm4b:s1+s2] =	stream.linear.scatter [tilespmem:s17], [sflag:$0x9], $0x1000, $0x38;
	[tilespmem:$0x6200] =	vst v63  }
0x44: {  	_ =	swait.ge [sflag:s21], $0x1000  }
0x45: {  	[sflag:s21] =	ssyncset.done $0x0  }
0x46: {  	[sflag:s21] =	ssyncadd.s32 $0xFFFFF000  }
0x47: {  	[hbm4b:s5+s2] =	stream.linear.scatter [tilespmem:s14], [sflag:$0xA], $0x1000, $0x38;
	[tilespmem:$0x6200] =	vst v63  }
0x48: {  	_ =	swait.ge [sflag:s19], $0x1000  }
0x49: {  	[sflag:s19] =	ssyncset.done $0x0  }
0x4a: {  	[sflag:s19] =	ssyncadd.s32 $0xFFFFF000  }
0x4b: {  	[hbm4b:s4+s2] =	stream.linear.scatter [tilespmem:s11], [sflag:$0xB], $0x1000, $0x38;
	[tilespmem:$0x6200] =	vst v63  }
0x4c: {  	_ =	swait.ge [sflag:s15], $0x1000  }
0x4d: {  	[sflag:s15] =	ssyncset.done $0x0  }
0x4e: {  	[sflag:s15] =	ssyncadd.s32 $0xFFFFF000  }
0x4f: {  	[hbm4b:s3+s2] =	stream.linear.scatter [tilespmem:s8], [sflag:$0xC], $0x1000, $0x38;
	[tilespmem:$0x6200] =	vst v63  }
0x50: {  	_ =	swait.ge [sflag:s16], $0x1000  }
0x51: {  	[sflag:s16] =	ssyncset.done $0x0  }
0x52: {  	[sflag:s16] =	ssyncadd.s32 $0xFFFFF000  }
0x53: {  	_ =	swait.ge [sflag:s13], $0x1000  }
0x54: {  	[sflag:s13] =	ssyncset.done $0x0  }
0x55: {  	[sflag:s13] =	ssyncadd.s32 $0xFFFFF000  }
0x56: {  	_ =	swait.ge [sflag:s12], $0x1000  }
0x57: {  	[sflag:s12] =	ssyncset.done $0x0  }
0x58: {  	[sflag:s12] =	ssyncadd.s32 $0xFFFFF000  }
0x59: {  	_ =	swait.ge [sflag:s9], $0x1000  }
0x5a: {  	p1 =	sne.s32 s30, $0x1;
	[sflag:s9] =	ssyncset.done $0x0  }
.Ltmp1:
0x5b: {  	[sflag:s9] =	ssyncadd.s32 $0xFFFFF000;
	(pc) =	sbr.rel @!p1 .LBB2_2-.Ltmp1, $4  }
0x5c: {  	_ =	swait.ge [sflag:s7], $0x1000  }
0x5d: {  	[sflag:s7] =	ssyncset.done $0x0  }
0x5e: {  	[sflag:s7] =	ssyncadd.s32 $0xFFFFF000  }
0x5f: {  	p0 =	por $0x1, $0x1;
	s0 =	sadd.s32 $0xFFFFFFFF, s30;
	_ =	swait.ge [sflag:s6], $0x1000  }
.LBB2_3:
0x60: {  	[sflag:s6] =	ssyncset.done $0x0  }
0x61: {  	s1 =	rddreg [dreg:$0x8];
	[sflag:s6] =	ssyncadd.s32 $0xFFFFF000  }
0x62: {  	[tilespmem:s2], [sflag:$0xD] =	stream.linear.gather [hbm4b:s1+s2], $0x20, $0x38;
	[tilespmem:$0x6200] =	vst v63  }
0x63: {  	_ =	swait.ge [sflag:s31], $0x20  }
0x64: {  	[sflag:s31] =	ssyncset.done $0x0  }
0x65: {  	s30 =	rddreg [dreg:$0x9];
	[sflag:s31] =	ssyncadd.s32 $0xFFFFFFE0  }
0x66: {  	[tilespmem:s24], [sflag:$0xD] =	stream.linear.gather [hbm4b:s30+s2], $0x20, $0x38;
	[tilespmem:$0x6200] =	vst v63  }
0x67: {  	_ =	swait.ge [sflag:s31], $0x20  }
0x68: {  	[sflag:s31] =	ssyncset.done $0x0  }
0x69: {  	s30 =	rddreg [dreg:$0xa];
	[sflag:s31] =	ssyncadd.s32 $0xFFFFFFE0  }
0x6a: {  	[tilespmem:s25], [sflag:$0xD] =	stream.linear.gather [hbm4b:s30+s2], $0x20, $0x38;
	[tilespmem:$0x6200] =	vst v63  }
0x6b: {  	_ =	swait.ge [sflag:s31], $0x20  }
0x6c: {  	[sflag:s31] =	ssyncset.done $0x0  }
0x6d: {  	[sflag:s31] =	ssyncadd.s32 $0xFFFFFFE0  }
0x6e: {  	v0 =	vld [tilespmem:$0x0]  }
0x6f: {  	v1 =	vld [tilespmem:$0x10];
	_ =	sdelay $0x3  }
0x70: {  	v0 =	vadd.s32 $0x2710, v0  }
0x71: {  	v63 =	vadd.s32 $0x2710, v1;
	[tilespmem:$0x80] =	vst v0  }
0x72: {  	s1 =	rddreg [dreg:$0x6];
	[tilespmem:$0x90] =	vst v63  }
0x73: {  	[tilespmem:s22], [sflag:$0x1] =	stream.indirect.gather [hbm4b:s1+s26], $0x80, s2, s26, $0xb8;
	[tilespmem:$0x6200] =	vst v63  }
0x74: {  	s30 =	rddreg [dreg:$0x7]  }
0x75: {  	[tilespmem:s20], [sflag:$0x2] =	stream.indirect.gather [hbm4b:s30+s26], $0x80, s2, s26, $0xb8;
	[tilespmem:$0x6200] =	vst v63  }
0x76: {  	_ = 	snop  }
0x77: {  	[tilespmem:s17], [sflag:$0x3] =	stream.indirect.gather [hbm4b:s10+s26], $0x80, s2, s26, $0xb8;
	[tilespmem:$0x6200] =	vst v63  }
0x78: {  	s30 =	simm.s32 $0x80  }
0x79: {  	[tilespmem:s14], [sflag:$0x4] =	stream.indirect.gather [hbm4b:s10+s26], $0x80, s30, s26, $0xb8;
	[tilespmem:$0x6200] =	vst v63  }
0x7a: {  	_ = 	snop  }
0x7b: {  	[tilespmem:s11], [sflag:$0x5] =	stream.indirect.gather [hbm4b:s18+s26], $0x80, s24, s26, $0xb8;
	[tilespmem:$0x6200] =	vst v63  }
0x7c: {  	_ = 	snop  }
0x7d: {  	[tilespmem:s8], [sflag:$0x6] =	stream.indirect.gather [hbm4b:s18+s26], $0x80, s25, s26, $0xb8;
	[tilespmem:$0x6200] =	vst v63  }
0x7e: {  	_ =	swait.ge [sflag:s29], $0x1000  }
0x7f: {  	[sflag:s29] =	ssyncset.done $0x0  }
0x80: {  	s30 =	rddreg [dreg:$0xb];
	[sflag:s29] =	ssyncadd.s32 $0xFFFFF000  }
0x81: {  	[hbm4b:s30+s2] =	stream.linear.scatter [tilespmem:s22], [sflag:$0x7], $0x1000, $0x38;
	[tilespmem:$0x6200] =	vst v63  }
0x82: {  	_ =	swait.ge [sflag:s28], $0x1000  }
0x83: {  	[sflag:s28] =	ssyncset.done $0x0  }
0x84: {  	s30 =	rddreg [dreg:$0xc];
	[sflag:s28] =	ssyncadd.s32 $0xFFFFF000  }
0x85: {  	[hbm4b:s30+s2] =	stream.linear.scatter [tilespmem:s20], [sflag:$0x8], $0x1000, $0x38;
	[tilespmem:$0x6200] =	vst v63  }
0x86: {  	_ =	swait.ge [sflag:s23], $0x1000  }
0x87: {  	[sflag:s23] =	ssyncset.done $0x0  }
0x88: {  	s30 =	rddreg [dreg:$0xd];
	[sflag:s23] =	ssyncadd.s32 $0xFFFFF000  }
0x89: {  	[hbm4b:s30+s2] =	stream.linear.scatter [tilespmem:s17], [sflag:$0x9], $0x1000, $0x38;
	[tilespmem:$0x6200] =	vst v63  }
0x8a: {  	_ =	swait.ge [sflag:s21], $0x1000  }
0x8b: {  	[sflag:s21] =	ssyncset.done $0x0  }
0x8c: {  	[sflag:s21] =	ssyncadd.s32 $0xFFFFF000  }
0x8d: {  	[hbm4b:s5+s2] =	stream.linear.scatter [tilespmem:s14], [sflag:$0xA], $0x1000, $0x38;
	[tilespmem:$0x6200] =	vst v63  }
0x8e: {  	_ =	swait.ge [sflag:s19], $0x1000  }
0x8f: {  	[sflag:s19] =	ssyncset.done $0x0  }
0x90: {  	[sflag:s19] =	ssyncadd.s32 $0xFFFFF000  }
0x91: {  	[hbm4b:s4+s2] =	stream.linear.scatter [tilespmem:s11], [sflag:$0xB], $0x1000, $0x38;
	[tilespmem:$0x6200] =	vst v63  }
0x92: {  	_ =	swait.ge [sflag:s15], $0x1000  }
0x93: {  	[sflag:s15] =	ssyncset.done $0x0  }
0x94: {  	[sflag:s15] =	ssyncadd.s32 $0xFFFFF000  }
0x95: {  	[hbm4b:s3+s2] =	stream.linear.scatter [tilespmem:s8], [sflag:$0xC], $0x1000, $0x38;
	[tilespmem:$0x6200] =	vst v63  }
0x96: {  	_ =	swait.ge [sflag:s16], $0x1000  }
0x97: {  	[sflag:s16] =	ssyncset.done $0x0  }
0x98: {  	[sflag:s16] =	ssyncadd.s32 $0xFFFFF000  }
0x99: {  	_ =	swait.ge [sflag:s13], $0x1000  }
0x9a: {  	[sflag:s13] =	ssyncset.done $0x0  }
0x9b: {  	[sflag:s13] =	ssyncadd.s32 $0xFFFFF000  }
0x9c: {  	_ =	swait.ge [sflag:s12], $0x1000  }
0x9d: {  	[sflag:s12] =	ssyncset.done $0x0  }
0x9e: {  	[sflag:s12] =	ssyncadd.s32 $0xFFFFF000  }
0x9f: {  	_ =	swait.ge [sflag:s9], $0x1000  }
0xa0: {  	p1 =	sne.s32 s0, $0x1;
	[sflag:s9] =	ssyncset.done $0x0  }
.Ltmp2:
0xa1: {  	[sflag:s9] =	ssyncadd.s32 $0xFFFFF000;
	(pc) =	sbr.rel @p1 .LBB2_3-.Ltmp2, $4  }
0xa2: {  	_ =	swait.ge [sflag:s7], $0x1000  }
0xa3: {  	[sflag:s7] =	ssyncset.done $0x0  }
0xa4: {  	[sflag:s7] =	ssyncadd.s32 $0xFFFFF000  }
0xa5: {  	s0 =	sadd.s32 $0xFFFFFFFF, s0;
	_ =	swait.ge [sflag:s6], $0x1000  }
0xa6: {  	s30 =	rddreg [dreg:$0x5]  }
.LBB2_5:
0xa7: {  	[sflag:s6] =	ssyncset.done @p0 $0x0  }
0xa8: {  	s0 =	rddreg [dreg:$0x8];
	[sflag:s6] =	ssyncadd.s32 @p0 $0xFFFFF000  }
0xa9: {  	[tilespmem:s2], [sflag:$0xD] =	stream.linear.gather [hbm4b:s0+s2], $0x20, $0x38;
	[tilespmem:$0x6200] =	vst v63  }
0xaa: {  	_ =	swait.ge [sflag:s31], $0x20  }
0xab: {  	[sflag:s31] =	ssyncset.done $0x0  }
0xac: {  	s1 =	rddreg [dreg:$0x9];
	[sflag:s31] =	ssyncadd.s32 $0xFFFFFFE0  }
0xad: {  	[tilespmem:s24], [sflag:$0xD] =	stream.linear.gather [hbm4b:s1+s2], $0x20, $0x38;
	[tilespmem:$0x6200] =	vst v63  }
0xae: {  	_ =	swait.ge [sflag:s31], $0x20  }
0xaf: {  	[sflag:s31] =	ssyncset.done $0x0  }
0xb0: {  	s1 =	rddreg [dreg:$0xa];
	[sflag:s31] =	ssyncadd.s32 $0xFFFFFFE0  }
0xb1: {  	[tilespmem:s25], [sflag:$0xD] =	stream.linear.gather [hbm4b:s1+s2], $0x20, $0x38;
	[tilespmem:$0x6200] =	vst v63  }
0xb2: {  	_ =	swait.ge [sflag:s31], $0x20  }
0xb3: {  	[sflag:s31] =	ssyncset.done $0x0  }
0xb4: {  	[sflag:s31] =	ssyncadd.s32 $0xFFFFFFE0  }
0xb5: {  	v0 =	vld [tilespmem:$0x0]  }
0xb6: {  	v1 =	vld [tilespmem:$0x10];
	_ =	sdelay $0x3  }
0xb7: {  	v0 =	vadd.s32 $0x2710, v0  }
0xb8: {  	v63 =	vadd.s32 $0x2710, v1;
	[tilespmem:$0x80] =	vst v0  }
0xb9: {  	s31 =	rddreg [dreg:$0x6];
	[tilespmem:$0x90] =	vst v63  }
0xba: {  	[tilespmem:s22], [sflag:$0x1] =	stream.indirect.gather [hbm4b:s31+s26], $0x80, s2, s26, $0xb8;
	[tilespmem:$0x6200] =	vst v63  }
0xbb: {  	s1 =	rddreg [dreg:$0x7]  }
0xbc: {  	[tilespmem:s20], [sflag:$0x2] =	stream.indirect.gather [hbm4b:s1+s26], $0x80, s2, s26, $0xb8;
	[tilespmem:$0x6200] =	vst v63  }
0xbd: {  	_ = 	snop  }
0xbe: {  	[tilespmem:s17], [sflag:$0x3] =	stream.indirect.gather [hbm4b:s10+s26], $0x80, s2, s26, $0xb8;
	[tilespmem:$0x6200] =	vst v63  }
0xbf: {  	s1 =	simm.s32 $0x80  }
0xc0: {  	[tilespmem:s14], [sflag:$0x4] =	stream.indirect.gather [hbm4b:s10+s26], $0x80, s1, s26, $0xb8;
	[tilespmem:$0x6200] =	vst v63  }
0xc1: {  	_ = 	snop  }
0xc2: {  	[tilespmem:s11], [sflag:$0x5] =	stream.indirect.gather [hbm4b:s18+s26], $0x80, s24, s26, $0xb8;
	[tilespmem:$0x6200] =	vst v63  }
0xc3: {  	_ = 	snop  }
0xc4: {  	[tilespmem:s8], [sflag:$0x6] =	stream.indirect.gather [hbm4b:s18+s26], $0x80, s25, s26, $0xb8;
	[tilespmem:$0x6200] =	vst v63  }
0xc5: {  	_ =	swait.ge [sflag:s29], $0x1000  }
0xc6: {  	[sflag:s29] =	ssyncset.done $0x0  }
0xc7: {  	s25 =	rddreg [dreg:$0xb];
	[sflag:s29] =	ssyncadd.s32 $0xFFFFF000  }
0xc8: {  	[hbm4b:s25+s2] =	stream.linear.scatter [tilespmem:s22], [sflag:$0x7], $0x1000, $0x38;
	[tilespmem:$0x6200] =	vst v63  }
0xc9: {  	_ =	swait.ge [sflag:s28], $0x1000  }
0xca: {  	[sflag:s28] =	ssyncset.done $0x0  }
0xcb: {  	s26 =	rddreg [dreg:$0xc];
	[sflag:s28] =	ssyncadd.s32 $0xFFFFF000  }
0xcc: {  	[hbm4b:s26+s2] =	stream.linear.scatter [tilespmem:s20], [sflag:$0x8], $0x1000, $0x38;
	[tilespmem:$0x6200] =	vst v63  }
0xcd: {  	_ =	swait.ge [sflag:s23], $0x1000  }
0xce: {  	[sflag:s23] =	ssyncset.done $0x0  }
0xcf: {  	s29 =	rddreg [dreg:$0xd];
	[sflag:s23] =	ssyncadd.s32 $0xFFFFF000  }
0xd0: {  	[hbm4b:s29+s2] =	stream.linear.scatter [tilespmem:s17], [sflag:$0x9], $0x1000, $0x38;
	[tilespmem:$0x6200] =	vst v63  }
0xd1: {  	_ =	swait.ge [sflag:s21], $0x1000  }
0xd2: {  	[sflag:s21] =	ssyncset.done $0x0  }
0xd3: {  	[sflag:s21] =	ssyncadd.s32 $0xFFFFF000  }
0xd4: {  	[hbm4b:s5+s2] =	stream.linear.scatter [tilespmem:s14], [sflag:$0xA], $0x1000, $0x38;
	[tilespmem:$0x6200] =	vst v63  }
0xd5: {  	_ =	swait.ge [sflag:s19], $0x1000  }
0xd6: {  	[sflag:s19] =	ssyncset.done $0x0  }
0xd7: {  	[sflag:s19] =	ssyncadd.s32 $0xFFFFF000  }
0xd8: {  	[hbm4b:s4+s2] =	stream.linear.scatter [tilespmem:s11], [sflag:$0xB], $0x1000, $0x38;
	[tilespmem:$0x6200] =	vst v63  }
0xd9: {  	_ =	swait.ge [sflag:s15], $0x1000  }
0xda: {  	[sflag:s15] =	ssyncset.done $0x0  }
0xdb: {  	[sflag:s15] =	ssyncadd.s32 $0xFFFFF000  }
0xdc: {  	[hbm4b:s3+s2] =	stream.linear.scatter [tilespmem:s8], [sflag:$0xC], $0x1000, $0x38;
	[tilespmem:$0x6200] =	vst v63  }
0xdd: {  	_ =	swait.ge [sflag:s16], $0x1000  }
0xde: {  	[sflag:s16] =	ssyncset.done $0x0  }
0xdf: {  	[sflag:s16] =	ssyncadd.s32 $0xFFFFF000  }
0xe0: {  	_ =	swait.ge [sflag:s13], $0x1000  }
0xe1: {  	[sflag:s13] =	ssyncset.done $0x0  }
0xe2: {  	[sflag:s13] =	ssyncadd.s32 $0xFFFFF000  }
0xe3: {  	_ =	swait.ge [sflag:s12], $0x1000  }
0xe4: {  	[sflag:s12] =	ssyncset.done $0x0  }
0xe5: {  	[sflag:s12] =	ssyncadd.s32 $0xFFFFF000  }
0xe6: {  	_ =	swait.ge [sflag:s9], $0x1000  }
0xe7: {  	[sflag:s9] =	ssyncset.done $0x0  }
0xe8: {  	[sflag:s9] =	ssyncadd.s32 $0xFFFFF000  }
0xe9: {  	_ =	swait.ge [sflag:s7], $0x1000  }
0xea: {  	[sflag:s7] =	ssyncset.done $0x0  }
0xeb: {  	[sflag:s7] =	ssyncadd.s32 $0xFFFFF000  }
0xec: {  	_ =	swait.ge [sflag:s6], $0x1000  }
0xed: {  	[sflag:s6] =	ssyncset.done $0x0  }
0xee: {  	[sflag:s6] =	ssyncadd.s32 $0xFFFFF000  }
0xef: {  	_ =	sfence.sel $0x180000  }
0xf0: {  	s31 =	stileid.u32;
	[bflag:$0x0] =	sbarrier.arrive $0xFFFF  }
0xf1: {  	p0 =	sne.s32 s31, $0x0;
	_ =	strace $0x9000004D  }
0xf2: {  	s0 =	sadd.s32 @!p0 $0x100000, s30;
	[bflag:$0x2] =	sbarrier.arrive $0xFFFF  }
0xf3: {  	[sflag:s0] =	ssyncadd.tile.s32 @!p0 $0x1;
	_ =	shalt  }
.LBB2_2:
.Ltmp3:
0xf4: {  	(pc) =	sbr.rel .LBB2_5-.Ltmp3, $2  }
0xf5: {  	_ =	sdelay $0x2  }
0xf6: {  	s30 =	rddreg [dreg:$0x5]  }
.Lfunc_end2:
_tile_overlayer_lowered:
.L_overlay_start_2:
0xf7: {  	(tag) =	ssettag $0x2  }
0xf8: {  	s0 =	rddreg [dreg:$0x0];
	s2 =	stileid.u32  }
0xf9: {  	s1 =	rddreg [dreg:$0x1];
	p0 =	sne.s32 s2, $0x0  }
0xfa: {  	s3 =	rddreg [dreg:$0x2];
	[bflag:$0x3] =	sbarrier.arrive $0xFFFF;
	s2 =	simm.s32 @!p0 $0x1C0D  }
0xfb: {  	[timem:s3], [sflag:s2] =	dma.local @!p0 [hbm:s0], s1  }
0xfc: {  	s0 =	simm.s32 @!p0 $0xD  }
0xfd: {  	_ =	swait.ge @!p0 [sflag:s0], s1  }
0xfe: {  	s1 =	ssub.s32 @!p0 $0x0, s1;
	[sflag:s0] =	ssyncset.done @!p0 $0x0  }
0xff: {  	[sflag:s0] =	ssyncadd.s32 @!p0 s1  }
0x100: {  	[bflag:$0x3] =	sbarrier.arrive $0xFFFF  }
0x101: {  	_ =	shalt  }

</sc_bundles>
